<compile_context>
chip_gen: v7x
topology: tpu7x:2x2x1
jax: 0.10.2.dev20260603
libtpu: 0.0.44.dev20260713+nightly
codegen_flags: <defaults>
</compile_context>

<pallas_src>
import functools

import jax
import jax.numpy as jnp
from jax import lax
from jax.experimental import pallas as pl
from jax.experimental.pallas import tpu as pltpu
from jax.experimental.pallas import tpu_sc as plsc

_N = 10000
_E = 320000
_B = 64
_NS = 16
_NC = 2
_CH = 128
_NP = 10240
_ZR = _NP // _NS
_W = 128
_NBLK = 20

_BN = 1000
_NG = _N // _BN

_mesh = plsc.VectorSubcoreMesh(core_axis_name="c", subcore_axis_name="s")


def _sc_agg_common(h_view, src_blocks, dst_blocks, zero_hbm, out_view,
                   idx_v, rows_v, acc_sh, gsems, s):
  pltpu.sync_copy(zero_hbm, acc_sh.at[pl.ds(s * _ZR, _ZR)])
  plsc.subcore_barrier()

  for src_t, dst_t in zip(src_blocks, dst_blocks):
    pltpu.sync_copy(src_t, idx_v.at[0])
    pltpu.sync_copy(dst_t, idx_v.at[1])
    pltpu.async_copy(h_view.at[idx_v.at[0, 0]], rows_v.at[0], gsems.at[0])

    def body(j, carry):
      b = lax.rem(j, 2)
      pltpu.make_async_copy(
          h_view.at[idx_v.at[0, j]], rows_v.at[b], gsems.at[b]).wait()

      @pl.when(j + 1 < _NBLK)
      def _next():
        pltpu.async_copy(
            h_view.at[idx_v.at[0, j + 1]], rows_v.at[1 - b], gsems.at[1 - b])

      pltpu.sync_copy(rows_v.at[b], acc_sh.at[idx_v.at[1, j]], add=True)
      return carry

    lax.fori_loop(0, _NBLK, body, 0, unroll=False)

  plsc.subcore_barrier()
  pltpu.sync_copy(acc_sh.at[pl.ds(s * _ZR, _ZR)],
                  out_view.at[pl.ds(s * _ZR, _ZR)])


def _make_sc_agg_edge():
  @functools.partial(
      pl.kernel,
      out_type=jax.ShapeDtypeStruct((_NC, _NP, _W), jnp.float32),
      mesh=_mesh,
      scratch_types=[
          pltpu.VMEM((2, _NBLK, _CH), jnp.int32),
          pltpu.VMEM((2, _CH, _W), jnp.float32),
          pltpu.VMEM_SHARED((_NP, _W), jnp.float32),
          pltpu.SemaphoreType.DMA((2,)),
      ],
  )
  def sc_agg(h_hbm, src_hbm, dst_hbm, zero_hbm, out_hbm, idx_v, rows_v,
             acc_sh, gsems):
    c = lax.axis_index("c")
    s = lax.axis_index("s")
    _sc_agg_common(h_hbm, [src_hbm.at[c, s, b] for b in range(4)],
                   [dst_hbm.at[c, s, b] for b in range(4)], zero_hbm,
                   out_hbm.at[c], idx_v, rows_v, acc_sh, gsems, s)

  return sc_agg


def _make_sc_agg_col():

  @functools.partial(
      pl.kernel,
      out_type=jax.ShapeDtypeStruct((_NC, _NP, _W), jnp.float32),
      mesh=_mesh,
      scratch_types=[
          pltpu.VMEM((2, _NBLK, _CH), jnp.int32),
          pltpu.VMEM((2, _CH, _W), jnp.float32),
          pltpu.VMEM_SHARED((_NP, _W), jnp.float32),
          pltpu.SemaphoreType.DMA((2,)),
      ],
  )
  def sc_agg(h_hbm, src_hbm, dst_hbm, zero_hbm, out_hbm, idx_v, rows_v,
             acc_sh, gsems):
    c = lax.axis_index("c")
    s = lax.axis_index("s")
    _sc_agg_common(h_hbm.at[c], [src_hbm.at[s, b] for b in range(8)],
                   [dst_hbm.at[s, b] for b in range(8)], zero_hbm,
                   out_hbm.at[c], idx_v, rows_v, acc_sh, gsems, s)

  return sc_agg


_sc_agg_edge = _make_sc_agg_edge()
_sc_agg_col = _make_sc_agg_col()


def _dot(a, b):
  return jnp.dot(a, b, preferred_element_type=jnp.float32)


def _tc_layer0_body(x_ref, a_ref, wrel_ref, wroot_ref, out_ref):
  agg = a_ref[0] + a_ref[1]
  res = jnp.maximum(_dot(agg, wrel_ref[...]) + _dot(x_ref[...], wroot_ref[...]),
                    0.0)
  out_ref[0] = res[:, :128]
  out_ref[1] = res[:, 128:]


def _tc_layer0(x, agg0, w_rel, w_root):
  return pl.pallas_call(
      _tc_layer0_body,
      grid=(_NG,),
      in_specs=[
          pl.BlockSpec((_BN, 128), lambda i: (i, 0)),
          pl.BlockSpec((2, _BN, 128), lambda i: (0, i, 0)),
          pl.BlockSpec((128, 256), lambda i: (0, 0)),
          pl.BlockSpec((128, 256), lambda i: (0, 0)),
      ],
      out_specs=pl.BlockSpec((2, _BN, 128), lambda i: (0, i, 0)),
      out_shape=jax.ShapeDtypeStruct((2, _N, 128), jnp.float32),
  )(x, agg0, w_rel, w_root)


def _tc_layer1_body(h_ref, a_ref, wrel_ref, wroot_ref, wrel2_ref,
                    out_ref, p_ref):
  res = (_dot(a_ref[0], wrel_ref[0]) + _dot(a_ref[1], wrel_ref[1])
         + _dot(h_ref[0], wroot_ref[0]) + _dot(h_ref[1], wroot_ref[1]))
  res = jnp.maximum(res, 0.0)
  out_ref[0] = res[:, :128]
  out_ref[1] = res[:, 128:]
  p = _dot(res, wrel2_ref[...])
  p_ref[...] = jnp.pad(p, ((0, 0), (0, 96)))


def _tc_layer1(h1, agg1, w_rel, w_root, w_rel2):
  return pl.pallas_call(
      _tc_layer1_body,
      grid=(_NG,),
      in_specs=[
          pl.BlockSpec((2, _BN, 128), lambda i: (0, i, 0)),
          pl.BlockSpec((2, _BN, 128), lambda i: (0, i, 0)),
          pl.BlockSpec((2, 128, 256), lambda i: (0, 0, 0)),
          pl.BlockSpec((2, 128, 256), lambda i: (0, 0, 0)),
          pl.BlockSpec((256, 32), lambda i: (0, 0)),
      ],
      out_specs=[
          pl.BlockSpec((2, _BN, 128), lambda i: (0, i, 0)),
          pl.BlockSpec((_BN, 128), lambda i: (i, 0)),
      ],
      out_shape=[
          jax.ShapeDtypeStruct((2, _N, 128), jnp.float32),
          jax.ShapeDtypeStruct((_N, 128), jnp.float32),
      ],
  )(h1, agg1, w_rel, w_root, w_rel2)


def _tc_final_body(h_ref, a_ref, wroot_ref, batch_ref, wfc1_ref, bfc1_ref,
                   wfc2_ref, bfc2_ref, out_ref, acc):
  i = pl.program_id(0)

  @pl.when(i == 0)
  def _zero():
    acc[...] = jnp.zeros_like(acc)

  a = a_ref[0] + a_ref[1]
  h3 = jnp.maximum(
      a + _dot(h_ref[0], wroot_ref[0]) + _dot(h_ref[1], wroot_ref[1]), 0.0)
  b = batch_ref[0]
  oh = (lax.broadcasted_iota(jnp.int32, (_B, _BN), 0) == b
        ).astype(jnp.float32)
  acc[...] += _dot(oh, h3)

  @pl.when(i == _NG - 1)
  def _head():
    hfc = jnp.maximum(_dot(acc[...], wfc1_ref[...]) + bfc1_ref[...], 0.0)
    out_ref[...] = _dot(hfc, wfc2_ref[...]) + bfc2_ref[...]


def _tc_final(h2, agg2, w_root2, batch3, wfc1, bfc1, wfc2, bfc2):
  return pl.pallas_call(
      _tc_final_body,
      grid=(_NG,),
      in_specs=[
          pl.BlockSpec((2, _BN, 128), lambda i: (0, i, 0)),
          pl.BlockSpec((2, _BN, 32), lambda i: (0, i, 0)),
          pl.BlockSpec((2, 128, 32), lambda i: (0, 0, 0)),
          pl.BlockSpec((1, 1, _BN), lambda i: (i, 0, 0)),
          pl.BlockSpec((32, 16), lambda i: (0, 0)),
          pl.BlockSpec((1, 16), lambda i: (0, 0)),
          pl.BlockSpec((16, 1), lambda i: (0, 0)),
          pl.BlockSpec((1, 1), lambda i: (0, 0)),
      ],
      out_specs=pl.BlockSpec((_B, 1), lambda i: (0, 0)),
      out_shape=jax.ShapeDtypeStruct((_B, 1), jnp.float32),
      scratch_shapes=[pltpu.VMEM((_B, 32), jnp.float32)],
  )(h2, agg2, w_root2, batch3, wfc1, bfc1, wfc2, bfc2)


def kernel(x, edge_index, batch, W_rel0, W_root0, W_rel1, W_root1, W_rel2,
           W_root2, W_fc11, b_fc11, W_fc12, b_fc12):
  def _pad_edges(arr, rows, fill_mod, fill_base):
    per = arr.shape[-1]
    pad = -per % (_NBLK * _CH)
    fill = (fill_base
            + (jnp.arange(rows * pad, dtype=jnp.int32) % fill_mod)
            ).reshape(rows, pad)
    return jnp.concatenate([arr, fill], axis=1)

  ept_e = _E // (_NC * _NS)
  ept_c = _E // _NS
  src_e = _pad_edges(edge_index[0].reshape(_NC * _NS, ept_e), _NC * _NS,
                     _N, 0).reshape(_NC, _NS, -1, _NBLK, _CH)
  dst_e = _pad_edges(edge_index[1].reshape(_NC * _NS, ept_e), _NC * _NS,
                     _NP - _N, _N).reshape(_NC, _NS, -1, _NBLK, _CH)
  src_c = _pad_edges(edge_index[0].reshape(_NS, ept_c), _NS,
                     _N, 0).reshape(_NS, -1, _NBLK, _CH)
  dst_c = _pad_edges(edge_index[1].reshape(_NS, ept_c), _NS,
                     _NP - _N, _N).reshape(_NS, -1, _NBLK, _CH)
  z128 = jnp.zeros((_ZR, _W), jnp.float32)

  agg0 = _sc_agg_edge(x, src_e, dst_e, z128)
  h1 = _tc_layer0(x, agg0, W_rel0, W_root0)
  agg1 = _sc_agg_col(h1, src_c, dst_c, z128)
  h2, p = _tc_layer1(h1, agg1, W_rel1.reshape(2, 128, 256),
                     W_root1.reshape(2, 128, 256), W_rel2)
  agg2 = _sc_agg_edge(p, src_e, dst_e, z128)
  batch3 = batch.reshape(_NG, 1, _BN)
  out = _tc_final(h2, agg2[:, :, :32], W_root2.reshape(2, 128, 32), batch3,
                  W_fc11, b_fc11.reshape(1, 16), W_fc12, b_fc12.reshape(1, 1))
  return out

# --- scband reference (transcript-rebuilt; emitter-appended) ---
"""Pipeline reference for scband-net-1924145349132 (READ-ONLY COPY).

The authoritative reference and input builder live on the scoring server;
editing this copy changes nothing except your own understanding.
"""

import jax, jax.numpy as jnp
import numpy as np

N = 10000
E = 320000
B = 64
C_IN = 128
C_HID = 256
C_OUT = 32


def _glorot(k, shape):
    lim = float(np.sqrt(6.0 / (shape[0] + shape[1])))
    return jax.random.uniform(k, shape, minval=-lim, maxval=lim, dtype=jnp.float32)


def setup_inputs(seed: int = 0):
    key = jax.random.key(seed)
    ks = jax.random.split(key, 16)
    x = jax.random.normal(ks[0], (N, C_IN), dtype=jnp.float32)
    edge_index = jax.random.randint(ks[1], (2, E), 0, N, dtype=jnp.int32)
    batch = jnp.sort(jax.random.randint(ks[2], (N,), 0, B, dtype=jnp.int32))
    W_rel0 = _glorot(ks[3], (C_IN, C_HID))
    W_root0 = _glorot(ks[4], (C_IN, C_HID))
    W_rel1 = _glorot(ks[5], (C_HID, C_HID))
    W_root1 = _glorot(ks[6], (C_HID, C_HID))
    W_rel2 = _glorot(ks[7], (C_HID, C_OUT))
    W_root2 = _glorot(ks[8], (C_HID, C_OUT))
    W_fc11 = _glorot(ks[9], (32, 16))
    b_fc11 = jnp.zeros((16,), dtype=jnp.float32)
    W_fc12 = _glorot(ks[10], (16, 1))
    b_fc12 = jnp.zeros((1,), dtype=jnp.float32)
    return {
        "x": x, "edge_index": edge_index, "batch": batch,
        "W_rel0": W_rel0, "W_root0": W_root0,
        "W_rel1": W_rel1, "W_root1": W_root1,
        "W_rel2": W_rel2, "W_root2": W_root2,
        "W_fc11": W_fc11, "b_fc11": b_fc11,
        "W_fc12": W_fc12, "b_fc12": b_fc12,
    }


def _graph_conv(h, src, dst, W_rel, W_root):
    # PyG GraphConv (bias=False, aggr='add'):
    #   out_i = W_root @ h_i + W_rel @ sum_{j in N(i)} h_j
    agg = jax.ops.segment_sum(h[src], dst, num_segments=N)
    return agg @ W_rel + h @ W_root


def reference(x, edge_index, batch,
              W_rel0, W_root0, W_rel1, W_root1, W_rel2, W_root2,
              W_fc11, b_fc11, W_fc12, b_fc12):
    src = edge_index[0]
    dst = edge_index[1]
    h = jax.nn.relu(_graph_conv(x, src, dst, W_rel0, W_root0))
    h = jax.nn.relu(_graph_conv(h, src, dst, W_rel1, W_root1))
    h = jax.nn.relu(_graph_conv(h, src, dst, W_rel2, W_root2))
    pooled = jax.ops.segment_sum(h, batch, num_segments=B)  # scatter_add over data.batch
    h1 = jax.nn.relu(pooled @ W_fc11 + b_fc11)
    out = h1 @ W_fc12 + b_fc12
    return out

if __name__ == "__main__":
    import jax
    _d = setup_inputs()
    print(jax.jit(kernel)(*tuple(_d.values())))

</pallas_src>

<mosaic_0001>
#map = affine_map<(d0, d1) -> (0, 0)>
#map1 = affine_map<(d0, d1) -> (0, 0, 0, 0, 0)>
#map2 = affine_map<(d0, d1) -> (0, 0, 0)>
module attributes {stable_mosaic.version = 14 : i64} {
  func.func @sc_agg(%arg0: i32, %arg1: i32, %arg2: memref<10000x128xf32, #tpu.memory_space<hbm>>, %arg3: memref<2x16x4x20x128xi32, #tpu.memory_space<hbm>>, %arg4: memref<2x16x4x20x128xi32, #tpu.memory_space<hbm>>, %arg5: memref<640x128xf32, #tpu.memory_space<hbm>>, %arg6: memref<2x10240x128xf32, #tpu.memory_space<hbm>>, %arg7: memref<2x20x128xi32, #tpu.memory_space<vmem>>, %arg8: memref<2x128x128xf32, #tpu.memory_space<vmem>>, %arg9: memref<10240x128xf32, #tpu.memory_space<vmem_shared>>, %arg10: memref<2x!tpu.dma_semaphore, #tpu.memory_space<semaphore_mem>>) attributes {dimension_semantics = [#tpu.dimension_semantics<core_parallel>, #tpu.dimension_semantics<subcore_parallel>], iteration_bounds = array<i64: 2, 16>, scalar_prefetch = 0 : i64, scratch_operands = 4 : i64, tpu.core_type = #tpu.core_type<sc_vector_subcore>, window_params = [{transform_indices = #map}, {transform_indices = #map1}, {transform_indices = #map1}, {transform_indices = #map}, {transform_indices = #map2}]} {
    %mul3A = arith.constant 640 : i32
    %mul3A_0 = arith.muli %arg1, %mul3A : i32
    "tpu.region"() ({
      %run_scoped3A_107 = tpu.sem_alloc : memref<!tpu.dma_semaphore, #tpu.memory_space<semaphore_mem>>
      %dma_start3A_108 = arith.constant 0 : i32
      %dma_start3A_109 = tpu.memref_slice %arg9[%mul3A_0, %dma_start3A_108] : memref<10240x128xf32, #tpu.memory_space<vmem_shared>> -> memref<640x128xf32, #tpu.memory_space<vmem_shared>>
      tpu.enqueue_dma source(%arg5 : memref<640x128xf32, #tpu.memory_space<hbm>>) target(%dma_start3A_109 : memref<640x128xf32, #tpu.memory_space<vmem_shared>>) target_semaphore(%run_scoped3A_107 : memref<!tpu.dma_semaphore, #tpu.memory_space<semaphore_mem>>)
      %dma_wait3A = arith.constant 0 : i32
      %dma_wait3A_110 = tpu.memref_slice %arg9[%mul3A_0, %dma_wait3A] : memref<10240x128xf32, #tpu.memory_space<vmem_shared>> -> memref<640x128xf32, #tpu.memory_space<vmem_shared>>
      tpu.wait_dma2 semaphore(%run_scoped3A_107 : memref<!tpu.dma_semaphore, #tpu.memory_space<semaphore_mem>>) src(%arg5 : memref<640x128xf32, #tpu.memory_space<hbm>>) dst(%dma_wait3A_110 : memref<640x128xf32, #tpu.memory_space<vmem_shared>>)
      tpu.yield
    }) : () -> ()
    %barrier3A = arith.constant 0 : index
    tpu.barrier barrier_id(%barrier3A)
    %run_scoped3A = arith.constant 0 : i32
    %run_scoped3A_1 = arith.constant 0 : i32
    "tpu.region"() ({
      %run_scoped3A_107 = tpu.sem_alloc : memref<!tpu.dma_semaphore, #tpu.memory_space<semaphore_mem>>
      %dma_start3A_108 = arith.constant 0 : i32
      %dma_start3A_109 = arith.constant 0 : i32
      %dma_start3A_110 = tpu.memref_slice %arg7[%run_scoped3A_1, %dma_start3A_108, %dma_start3A_109] : memref<2x20x128xi32, #tpu.memory_space<vmem>> -> memref<1x20x128xi32, #tpu.memory_space<vmem>>
      %dma_start3A_111 = tpu.memref_squeeze %dma_start3A_110 : memref<1x20x128xi32, #tpu.memory_space<vmem>> -> memref<20x128xi32, #tpu.memory_space<vmem>>
      %dma_start3A_112 = arith.constant 0 : i32
      %dma_start3A_113 = arith.constant 0 : i32
      %dma_start3A_114 = tpu.memref_slice %arg3[%arg0, %arg1, %run_scoped3A, %dma_start3A_112, %dma_start3A_113] : memref<2x16x4x20x128xi32, #tpu.memory_space<hbm>> -> memref<1x1x1x20x128xi32, #tpu.memory_space<hbm>>
      %dma_start3A_115 = tpu.memref_squeeze %dma_start3A_114 : memref<1x1x1x20x128xi32, #tpu.memory_space<hbm>> -> memref<20x128xi32, #tpu.memory_space<hbm>>
      %dma_start3A_116 = arith.constant 0 : i32
      %dma_start3A_117 = arith.constant 0 : i32
      %dma_start3A_118 = tpu.memref_slice %arg7[%run_scoped3A_1, %dma_start3A_116, %dma_start3A_117] : memref<2x20x128xi32, #tpu.memory_space<vmem>> -> memref<1x20x128xi32, #tpu.memory_space<vmem>>
      %dma_start3A_119 = tpu.memref_squeeze %dma_start3A_118 : memref<1x20x128xi32, #tpu.memory_space<vmem>> -> memref<20x128xi32, #tpu.memory_space<vmem>>
      %dma_start3A_120 = arith.constant 0 : i32
      %dma_start3A_121 = arith.constant 0 : i32
      %dma_start3A_122 = tpu.memref_slice %arg3[%arg0, %arg1, %run_scoped3A, %dma_start3A_120, %dma_start3A_121] : memref<2x16x4x20x128xi32, #tpu.memory_space<hbm>> -> memref<1x1x1x20x128xi32, #tpu.memory_space<hbm>>
      %dma_start3A_123 = tpu.memref_squeeze %dma_start3A_122 : memref<1x1x1x20x128xi32, #tpu.memory_space<hbm>> -> memref<20x128xi32, #tpu.memory_space<hbm>>
      tpu.enqueue_dma source(%dma_start3A_123 : memref<20x128xi32, #tpu.memory_space<hbm>>) target(%dma_start3A_119 : memref<20x128xi32, #tpu.memory_space<vmem>>) target_semaphore(%run_scoped3A_107 : memref<!tpu.dma_semaphore, #tpu.memory_space<semaphore_mem>>)
      %dma_wait3A = arith.constant 0 : i32
      %dma_wait3A_124 = arith.constant 0 : i32
      %dma_wait3A_125 = tpu.memref_slice %arg7[%run_scoped3A_1, %dma_wait3A, %dma_wait3A_124] : memref<2x20x128xi32, #tpu.memory_space<vmem>> -> memref<1x20x128xi32, #tpu.memory_space<vmem>>
      %dma_wait3A_126 = tpu.memref_squeeze %dma_wait3A_125 : memref<1x20x128xi32, #tpu.memory_space<vmem>> -> memref<20x128xi32, #tpu.memory_space<vmem>>
      %dma_wait3A_127 = arith.constant 0 : i32
      %dma_wait3A_128 = arith.constant 0 : i32
      %dma_wait3A_129 = tpu.memref_slice %arg3[%arg0, %arg1, %run_scoped3A, %dma_wait3A_127, %dma_wait3A_128] : memref<2x16x4x20x128xi32, #tpu.memory_space<hbm>> -> memref<1x1x1x20x128xi32, #tpu.memory_space<hbm>>
      %dma_wait3A_130 = tpu.memref_squeeze %dma_wait3A_129 : memref<1x1x1x20x128xi32, #tpu.memory_space<hbm>> -> memref<20x128xi32, #tpu.memory_space<hbm>>
      %dma_wait3A_131 = arith.constant 0 : i32
      %dma_wait3A_132 = arith.constant 0 : i32
      %dma_wait3A_133 = tpu.memref_slice %arg7[%run_scoped3A_1, %dma_wait3A_131, %dma_wait3A_132] : memref<2x20x128xi32, #tpu.memory_space<vmem>> -> memref<1x20x128xi32, #tpu.memory_space<vmem>>
      %dma_wait3A_134 = tpu.memref_squeeze %dma_wait3A_133 : memref<1x20x128xi32, #tpu.memory_space<vmem>> -> memref<20x128xi32, #tpu.memory_space<vmem>>
      %dma_wait3A_135 = arith.constant 0 : i32
      %dma_wait3A_136 = arith.constant 0 : i32
      %dma_wait3A_137 = tpu.memref_slice %arg3[%arg0, %arg1, %run_scoped3A, %dma_wait3A_135, %dma_wait3A_136] : memref<2x16x4x20x128xi32, #tpu.memory_space<hbm>> -> memref<1x1x1x20x128xi32, #tpu.memory_space<hbm>>
      %dma_wait3A_138 = tpu.memref_squeeze %dma_wait3A_137 : memref<1x1x1x20x128xi32, #tpu.memory_space<hbm>> -> memref<20x128xi32, #tpu.memory_space<hbm>>
      tpu.wait_dma2 semaphore(%run_scoped3A_107 : memref<!tpu.dma_semaphore, #tpu.memory_space<semaphore_mem>>) src(%dma_wait3A_138 : memref<20x128xi32, #tpu.memory_space<hbm>>) dst(%dma_wait3A_134 : memref<20x128xi32, #tpu.memory_space<vmem>>)
      tpu.yield
    }) : () -> ()
    %run_scoped3A_2 = arith.constant 0 : i32
    %run_scoped3A_3 = arith.constant 1 : i32
    "tpu.region"() ({
      %run_scoped3A_107 = tpu.sem_alloc : memref<!tpu.dma_semaphore, #tpu.memory_space<semaphore_mem>>
      %dma_start3A_108 = arith.constant 0 : i32
      %dma_start3A_109 = arith.constant 0 : i32
      %dma_start3A_110 = tpu.memref_slice %arg7[%run_scoped3A_3, %dma_start3A_108, %dma_start3A_109] : memref<2x20x128xi32, #tpu.memory_space<vmem>> -> memref<1x20x128xi32, #tpu.memory_space<vmem>>
      %dma_start3A_111 = tpu.memref_squeeze %dma_start3A_110 : memref<1x20x128xi32, #tpu.memory_space<vmem>> -> memref<20x128xi32, #tpu.memory_space<vmem>>
      %dma_start3A_112 = arith.constant 0 : i32
      %dma_start3A_113 = arith.constant 0 : i32
      %dma_start3A_114 = tpu.memref_slice %arg4[%arg0, %arg1, %run_scoped3A_2, %dma_start3A_112, %dma_start3A_113] : memref<2x16x4x20x128xi32, #tpu.memory_space<hbm>> -> memref<1x1x1x20x128xi32, #tpu.memory_space<hbm>>
      %dma_start3A_115 = tpu.memref_squeeze %dma_start3A_114 : memref<1x1x1x20x128xi32, #tpu.memory_space<hbm>> -> memref<20x128xi32, #tpu.memory_space<hbm>>
      %dma_start3A_116 = arith.constant 0 : i32
      %dma_start3A_117 = arith.constant 0 : i32
      %dma_start3A_118 = tpu.memref_slice %arg7[%run_scoped3A_3, %dma_start3A_116, %dma_start3A_117] : memref<2x20x128xi32, #tpu.memory_space<vmem>> -> memref<1x20x128xi32, #tpu.memory_space<vmem>>
      %dma_start3A_119 = tpu.memref_squeeze %dma_start3A_118 : memref<1x20x128xi32, #tpu.memory_space<vmem>> -> memref<20x128xi32, #tpu.memory_space<vmem>>
      %dma_start3A_120 = arith.constant 0 : i32
      %dma_start3A_121 = arith.constant 0 : i32
      %dma_start3A_122 = tpu.memref_slice %arg4[%arg0, %arg1, %run_scoped3A_2, %dma_start3A_120, %dma_start3A_121] : memref<2x16x4x20x128xi32, #tpu.memory_space<hbm>> -> memref<1x1x1x20x128xi32, #tpu.memory_space<hbm>>
      %dma_start3A_123 = tpu.memref_squeeze %dma_start3A_122 : memref<1x1x1x20x128xi32, #tpu.memory_space<hbm>> -> memref<20x128xi32, #tpu.memory_space<hbm>>
      tpu.enqueue_dma source(%dma_start3A_123 : memref<20x128xi32, #tpu.memory_space<hbm>>) target(%dma_start3A_119 : memref<20x128xi32, #tpu.memory_space<vmem>>) target_semaphore(%run_scoped3A_107 : memref<!tpu.dma_semaphore, #tpu.memory_space<semaphore_mem>>)
      %dma_wait3A = arith.constant 0 : i32
      %dma_wait3A_124 = arith.constant 0 : i32
      %dma_wait3A_125 = tpu.memref_slice %arg7[%run_scoped3A_3, %dma_wait3A, %dma_wait3A_124] : memref<2x20x128xi32, #tpu.memory_space<vmem>> -> memref<1x20x128xi32, #tpu.memory_space<vmem>>
      %dma_wait3A_126 = tpu.memref_squeeze %dma_wait3A_125 : memref<1x20x128xi32, #tpu.memory_space<vmem>> -> memref<20x128xi32, #tpu.memory_space<vmem>>
      %dma_wait3A_127 = arith.constant 0 : i32
      %dma_wait3A_128 = arith.constant 0 : i32
      %dma_wait3A_129 = tpu.memref_slice %arg4[%arg0, %arg1, %run_scoped3A_2, %dma_wait3A_127, %dma_wait3A_128] : memref<2x16x4x20x128xi32, #tpu.memory_space<hbm>> -> memref<1x1x1x20x128xi32, #tpu.memory_space<hbm>>
      %dma_wait3A_130 = tpu.memref_squeeze %dma_wait3A_129 : memref<1x1x1x20x128xi32, #tpu.memory_space<hbm>> -> memref<20x128xi32, #tpu.memory_space<hbm>>
      %dma_wait3A_131 = arith.constant 0 : i32
      %dma_wait3A_132 = arith.constant 0 : i32
      %dma_wait3A_133 = tpu.memref_slice %arg7[%run_scoped3A_3, %dma_wait3A_131, %dma_wait3A_132] : memref<2x20x128xi32, #tpu.memory_space<vmem>> -> memref<1x20x128xi32, #tpu.memory_space<vmem>>
      %dma_wait3A_134 = tpu.memref_squeeze %dma_wait3A_133 : memref<1x20x128xi32, #tpu.memory_space<vmem>> -> memref<20x128xi32, #tpu.memory_space<vmem>>
      %dma_wait3A_135 = arith.constant 0 : i32
      %dma_wait3A_136 = arith.constant 0 : i32
      %dma_wait3A_137 = tpu.memref_slice %arg4[%arg0, %arg1, %run_scoped3A_2, %dma_wait3A_135, %dma_wait3A_136] : memref<2x16x4x20x128xi32, #tpu.memory_space<hbm>> -> memref<1x1x1x20x128xi32, #tpu.memory_space<hbm>>
      %dma_wait3A_138 = tpu.memref_squeeze %dma_wait3A_137 : memref<1x1x1x20x128xi32, #tpu.memory_space<hbm>> -> memref<20x128xi32, #tpu.memory_space<hbm>>
      tpu.wait_dma2 semaphore(%run_scoped3A_107 : memref<!tpu.dma_semaphore, #tpu.memory_space<semaphore_mem>>) src(%dma_wait3A_138 : memref<20x128xi32, #tpu.memory_space<hbm>>) dst(%dma_wait3A_134 : memref<20x128xi32, #tpu.memory_space<vmem>>)
      tpu.yield
    }) : () -> ()
    %dma_start3A = arith.constant 0 : i32
    %dma_start3A_4 = arith.constant 0 : i32
    %dma_start3A_5 = arith.constant 0 : i32
    %dma_start3A_6 = arith.constant 0 : i32
    %dma_start3A_7 = arith.constant 0 : i32
    %dma_start3A_8 = arith.constant 0 : i32
    %dma_start3A_9 = tpu.memref_slice %arg8[%dma_start3A_5, %dma_start3A_7, %dma_start3A_8] : memref<2x128x128xf32, #tpu.memory_space<vmem>> -> memref<1x128x128xf32, #tpu.memory_space<vmem>>
    %dma_start3A_10 = tpu.memref_squeeze %dma_start3A_9 : memref<1x128x128xf32, #tpu.memory_space<vmem>> -> memref<128x128xf32, #tpu.memory_space<vmem>>
    %dma_start3A_11 = arith.constant 0 : i32
    %dma_start3A_12 = tpu.memref_slice %arg7[%dma_start3A, %dma_start3A_4, %dma_start3A_11] : memref<2x20x128xi32, #tpu.memory_space<vmem>> -> memref<1x1x128xi32, #tpu.memory_space<vmem>>
    %dma_start3A_13 = tpu.memref_squeeze %dma_start3A_12 : memref<1x1x128xi32, #tpu.memory_space<vmem>> -> memref<128xi32, #tpu.memory_space<vmem>>
    %dma_start3A_14 = arith.constant 0 : i32
    %dma_start3A_15 = arith.constant 0 : i32
    %dma_start3A_16 = tpu.memref_slice %arg2[%dma_start3A_14, %dma_start3A_15] : memref<10000x128xf32, #tpu.memory_space<hbm>> -> memref<10000x128xf32, #tpu.memory_space<hbm>>
    %dma_start3A_17 = tpu.memref_slice %arg10[%dma_start3A_6] : memref<2x!tpu.dma_semaphore, #tpu.memory_space<semaphore_mem>> -> memref<1x!tpu.dma_semaphore, #tpu.memory_space<semaphore_mem>>
    %dma_start3A_18 = tpu.memref_squeeze %dma_start3A_17 : memref<1x!tpu.dma_semaphore, #tpu.memory_space<semaphore_mem>> -> memref<!tpu.dma_semaphore, #tpu.memory_space<semaphore_mem>>
    tpu.enqueue_indirect_dma source(%dma_start3A_16 : memref<10000x128xf32, #tpu.memory_space<hbm>>) target(%dma_start3A_10 : memref<128x128xf32, #tpu.memory_space<vmem>>) offsets(%dma_start3A_13 : memref<128xi32, #tpu.memory_space<vmem>>) semaphore(%dma_start3A_18 : memref<!tpu.dma_semaphore, #tpu.memory_space<semaphore_mem>>)
    %scan3A = arith.constant 0 : i32
    %scan3A_19 = arith.constant 0 : i32
    %scan3A_20 = arith.constant 20 : i32
    %scan3A_21 = arith.addi %scan3A_19, %scan3A_20 : i32
    %scan3A_22 = arith.constant 1 : i32
    scf.for %scan3A_107 = %scan3A_19 to %scan3A_21 step %scan3A_22  : i32 {
      %rem3A = arith.constant 2 : i32
      %rem3A_108 = arith.remsi %scan3A_107, %rem3A : i32
      %dma_wait3A = arith.constant 0 : i32
      %dma_wait3A_109 = arith.constant 0 : i32
      %dma_wait3A_110 = arith.constant 0 : i32
      %dma_wait3A_111 = tpu.memref_slice %arg8[%rem3A_108, %dma_wait3A_109, %dma_wait3A_110] : memref<2x128x128xf32, #tpu.memory_space<vmem>> -> memref<1x128x128xf32, #tpu.memory_space<vmem>>
      %dma_wait3A_112 = tpu.memref_squeeze %dma_wait3A_111 : memref<1x128x128xf32, #tpu.memory_space<vmem>> -> memref<128x128xf32, #tpu.memory_space<vmem>>
      %dma_wait3A_113 = arith.constant 0 : i32
      %dma_wait3A_114 = tpu.memref_slice %arg7[%dma_wait3A, %scan3A_107, %dma_wait3A_113] : memref<2x20x128xi32, #tpu.memory_space<vmem>> -> memref<1x1x128xi32, #tpu.memory_space<vmem>>
      %dma_wait3A_115 = tpu.memref_squeeze %dma_wait3A_114 : memref<1x1x128xi32, #tpu.memory_space<vmem>> -> memref<128xi32, #tpu.memory_space<vmem>>
      %dma_wait3A_116 = arith.constant 0 : i32
      %dma_wait3A_117 = arith.constant 0 : i32
      %dma_wait3A_118 = tpu.memref_slice %arg2[%dma_wait3A_116, %dma_wait3A_117] : memref<10000x128xf32, #tpu.memory_space<hbm>> -> memref<10000x128xf32, #tpu.memory_space<hbm>>
      %dma_wait3A_119 = tpu.memref_slice %arg10[%rem3A_108] : memref<2x!tpu.dma_semaphore, #tpu.memory_space<semaphore_mem>> -> memref<1x!tpu.dma_semaphore, #tpu.memory_space<semaphore_mem>>
      %dma_wait3A_120 = tpu.memref_squeeze %dma_wait3A_119 : memref<1x!tpu.dma_semaphore, #tpu.memory_space<semaphore_mem>> -> memref<!tpu.dma_semaphore, #tpu.memory_space<semaphore_mem>>
      tpu.wait_indirect_dma semaphore(%dma_wait3A_120 : memref<!tpu.dma_semaphore, #tpu.memory_space<semaphore_mem>>) src(%dma_wait3A_118 : memref<10000x128xf32, #tpu.memory_space<hbm>>) dst(%dma_wait3A_112 : memref<128x128xf32, #tpu.memory_space<vmem>>)
      %add3A = arith.constant 1 : i32
      %add3A_121 = arith.addi %scan3A_107, %add3A : i32
      %lt3A = arith.constant 20 : i32
      %lt3A_122 = arith.cmpi slt, %add3A_121, %lt3A : i32
      %convert_element_type3A = arith.extui %lt3A_122 : i1 to i32
      %cond3A = arith.constant 0 : i32
      %cond3A_123 = arith.cmpi ne, %convert_element_type3A, %cond3A : i32
      scf.if %cond3A_123 {
        %add3A_125 = arith.constant 1 : i32
        %add3A_126 = arith.addi %scan3A_107, %add3A_125 : i32
        %sub3A = arith.constant 1 : i32
        %sub3A_127 = arith.subi %sub3A, %rem3A_108 : i32
        %sub3A_128 = arith.constant 1 : i32
        %sub3A_129 = arith.subi %sub3A_128, %rem3A_108 : i32
        %dma_start3A_130 = arith.constant 0 : i32
        %dma_start3A_131 = arith.constant 0 : i32
        %dma_start3A_132 = arith.constant 0 : i32
        %dma_start3A_133 = tpu.memref_slice %arg8[%sub3A_127, %dma_start3A_131, %dma_start3A_132] : memref<2x128x128xf32, #tpu.memory_space<vmem>> -> memref<1x128x128xf32, #tpu.memory_space<vmem>>
        %dma_start3A_134 = tpu.memref_squeeze %dma_start3A_133 : memref<1x128x128xf32, #tpu.memory_space<vmem>> -> memref<128x128xf32, #tpu.memory_space<vmem>>
        %dma_start3A_135 = arith.constant 0 : i32
        %dma_start3A_136 = tpu.memref_slice %arg7[%dma_start3A_130, %add3A_126, %dma_start3A_135] : memref<2x20x128xi32, #tpu.memory_space<vmem>> -> memref<1x1x128xi32, #tpu.memory_space<vmem>>
        %dma_start3A_137 = tpu.memref_squeeze %dma_start3A_136 : memref<1x1x128xi32, #tpu.memory_space<vmem>> -> memref<128xi32, #tpu.memory_space<vmem>>
        %dma_start3A_138 = arith.constant 0 : i32
        %dma_start3A_139 = arith.constant 0 : i32
        %dma_start3A_140 = tpu.memref_slice %arg2[%dma_start3A_138, %dma_start3A_139] : memref<10000x128xf32, #tpu.memory_space<hbm>> -> memref<10000x128xf32, #tpu.memory_space<hbm>>
        %dma_start3A_141 = tpu.memref_slice %arg10[%sub3A_129] : memref<2x!tpu.dma_semaphore, #tpu.memory_space<semaphore_mem>> -> memref<1x!tpu.dma_semaphore, #tpu.memory_space<semaphore_mem>>
        %dma_start3A_142 = tpu.memref_squeeze %dma_start3A_141 : memref<1x!tpu.dma_semaphore, #tpu.memory_space<semaphore_mem>> -> memref<!tpu.dma_semaphore, #tpu.memory_space<semaphore_mem>>
        tpu.enqueue_indirect_dma source(%dma_start3A_140 : memref<10000x128xf32, #tpu.memory_space<hbm>>) target(%dma_start3A_134 : memref<128x128xf32, #tpu.memory_space<vmem>>) offsets(%dma_start3A_137 : memref<128xi32, #tpu.memory_space<vmem>>) semaphore(%dma_start3A_142 : memref<!tpu.dma_semaphore, #tpu.memory_space<semaphore_mem>>)
      } else {
      }
      %run_scoped3A_124 = arith.constant 1 : i32
      "tpu.region"() ({
        %run_scoped3A_125 = tpu.sem_alloc : memref<!tpu.dma_semaphore, #tpu.memory_space<semaphore_mem>>
        %dma_start3A_126 = arith.constant 0 : i32
        %dma_start3A_127 = arith.constant 0 : i32
        %dma_start3A_128 = tpu.memref_slice %arg8[%rem3A_108, %dma_start3A_126, %dma_start3A_127] : memref<2x128x128xf32, #tpu.memory_space<vmem>> -> memref<1x128x128xf32, #tpu.memory_space<vmem>>
        %dma_start3A_129 = tpu.memref_squeeze %dma_start3A_128 : memref<1x128x128xf32, #tpu.memory_space<vmem>> -> memref<128x128xf32, #tpu.memory_space<vmem>>
        %dma_start3A_130 = arith.constant 0 : i32
        %dma_start3A_131 = tpu.memref_slice %arg7[%run_scoped3A_124, %scan3A_107, %dma_start3A_130] : memref<2x20x128xi32, #tpu.memory_space<vmem>> -> memref<1x1x128xi32, #tpu.memory_space<vmem>>
        %dma_start3A_132 = tpu.memref_squeeze %dma_start3A_131 : memref<1x1x128xi32, #tpu.memory_space<vmem>> -> memref<128xi32, #tpu.memory_space<vmem>>
        %dma_start3A_133 = arith.constant 0 : i32
        %dma_start3A_134 = arith.constant 0 : i32
        %dma_start3A_135 = tpu.memref_slice %arg9[%dma_start3A_133, %dma_start3A_134] : memref<10240x128xf32, #tpu.memory_space<vmem_shared>> -> memref<10240x128xf32, #tpu.memory_space<vmem_shared>>
        tpu.enqueue_indirect_dma source(%dma_start3A_129 : memref<128x128xf32, #tpu.memory_space<vmem>>) target(%dma_start3A_135 : memref<10240x128xf32, #tpu.memory_space<vmem_shared>>) offsets(%dma_start3A_132 : memref<128xi32, #tpu.memory_space<vmem>>) semaphore(%run_scoped3A_125 : memref<!tpu.dma_semaphore, #tpu.memory_space<semaphore_mem>>) {add = true}
        %dma_wait3A_136 = arith.constant 0 : i32
        %dma_wait3A_137 = arith.constant 0 : i32
        %dma_wait3A_138 = tpu.memref_slice %arg8[%rem3A_108, %dma_wait3A_136, %dma_wait3A_137] : memref<2x128x128xf32, #tpu.memory_space<vmem>> -> memref<1x128x128xf32, #tpu.memory_space<vmem>>
        %dma_wait3A_139 = tpu.memref_squeeze %dma_wait3A_138 : memref<1x128x128xf32, #tpu.memory_space<vmem>> -> memref<128x128xf32, #tpu.memory_space<vmem>>
        %dma_wait3A_140 = arith.constant 0 : i32
        %dma_wait3A_141 = tpu.memref_slice %arg7[%run_scoped3A_124, %scan3A_107, %dma_wait3A_140] : memref<2x20x128xi32, #tpu.memory_space<vmem>> -> memref<1x1x128xi32, #tpu.memory_space<vmem>>
        %dma_wait3A_142 = tpu.memref_squeeze %dma_wait3A_141 : memref<1x1x128xi32, #tpu.memory_space<vmem>> -> memref<128xi32, #tpu.memory_space<vmem>>
        %dma_wait3A_143 = arith.constant 0 : i32
        %dma_wait3A_144 = arith.constant 0 : i32
        %dma_wait3A_145 = tpu.memref_slice %arg9[%dma_wait3A_143, %dma_wait3A_144] : memref<10240x128xf32, #tpu.memory_space<vmem_shared>> -> memref<10240x128xf32, #tpu.memory_space<vmem_shared>>
        tpu.wait_indirect_dma semaphore(%run_scoped3A_125 : memref<!tpu.dma_semaphore, #tpu.memory_space<semaphore_mem>>) src(%dma_wait3A_139 : memref<128x128xf32, #tpu.memory_space<vmem>>) dst(%dma_wait3A_145 : memref<10240x128xf32, #tpu.memory_space<vmem_shared>>)
        tpu.yield
      }) : () -> ()
    }
    %scan3A_23 = arith.constant 20 : i32
    %run_scoped3A_24 = arith.constant 1 : i32
    %run_scoped3A_25 = arith.constant 0 : i32
    "tpu.region"() ({
      %run_scoped3A_107 = tpu.sem_alloc : memref<!tpu.dma_semaphore, #tpu.memory_space<semaphore_mem>>
      %dma_start3A_108 = arith.constant 0 : i32
      %dma_start3A_109 = arith.constant 0 : i32
      %dma_start3A_110 = tpu.memref_slice %arg7[%run_scoped3A_25, %dma_start3A_108, %dma_start3A_109] : memref<2x20x128xi32, #tpu.memory_space<vmem>> -> memref<1x20x128xi32, #tpu.memory_space<vmem>>
      %dma_start3A_111 = tpu.memref_squeeze %dma_start3A_110 : memref<1x20x128xi32, #tpu.memory_space<vmem>> -> memref<20x128xi32, #tpu.memory_space<vmem>>
      %dma_start3A_112 = arith.constant 0 : i32
      %dma_start3A_113 = arith.constant 0 : i32
      %dma_start3A_114 = tpu.memref_slice %arg3[%arg0, %arg1, %run_scoped3A_24, %dma_start3A_112, %dma_start3A_113] : memref<2x16x4x20x128xi32, #tpu.memory_space<hbm>> -> memref<1x1x1x20x128xi32, #tpu.memory_space<hbm>>
      %dma_start3A_115 = tpu.memref_squeeze %dma_start3A_114 : memref<1x1x1x20x128xi32, #tpu.memory_space<hbm>> -> memref<20x128xi32, #tpu.memory_space<hbm>>
      %dma_start3A_116 = arith.constant 0 : i32
      %dma_start3A_117 = arith.constant 0 : i32
      %dma_start3A_118 = tpu.memref_slice %arg7[%run_scoped3A_25, %dma_start3A_116, %dma_start3A_117] : memref<2x20x128xi32, #tpu.memory_space<vmem>> -> memref<1x20x128xi32, #tpu.memory_space<vmem>>
      %dma_start3A_119 = tpu.memref_squeeze %dma_start3A_118 : memref<1x20x128xi32, #tpu.memory_space<vmem>> -> memref<20x128xi32, #tpu.memory_space<vmem>>
      %dma_start3A_120 = arith.constant 0 : i32
      %dma_start3A_121 = arith.constant 0 : i32
      %dma_start3A_122 = tpu.memref_slice %arg3[%arg0, %arg1, %run_scoped3A_24, %dma_start3A_120, %dma_start3A_121] : memref<2x16x4x20x128xi32, #tpu.memory_space<hbm>> -> memref<1x1x1x20x128xi32, #tpu.memory_space<hbm>>
      %dma_start3A_123 = tpu.memref_squeeze %dma_start3A_122 : memref<1x1x1x20x128xi32, #tpu.memory_space<hbm>> -> memref<20x128xi32, #tpu.memory_space<hbm>>
      tpu.enqueue_dma source(%dma_start3A_123 : memref<20x128xi32, #tpu.memory_space<hbm>>) target(%dma_start3A_119 : memref<20x128xi32, #tpu.memory_space<vmem>>) target_semaphore(%run_scoped3A_107 : memref<!tpu.dma_semaphore, #tpu.memory_space<semaphore_mem>>)
      %dma_wait3A = arith.constant 0 : i32
      %dma_wait3A_124 = arith.constant 0 : i32
      %dma_wait3A_125 = tpu.memref_slice %arg7[%run_scoped3A_25, %dma_wait3A, %dma_wait3A_124] : memref<2x20x128xi32, #tpu.memory_space<vmem>> -> memref<1x20x128xi32, #tpu.memory_space<vmem>>
      %dma_wait3A_126 = tpu.memref_squeeze %dma_wait3A_125 : memref<1x20x128xi32, #tpu.memory_space<vmem>> -> memref<20x128xi32, #tpu.memory_space<vmem>>
      %dma_wait3A_127 = arith.constant 0 : i32
      %dma_wait3A_128 = arith.constant 0 : i32
      %dma_wait3A_129 = tpu.memref_slice %arg3[%arg0, %arg1, %run_scoped3A_24, %dma_wait3A_127, %dma_wait3A_128] : memref<2x16x4x20x128xi32, #tpu.memory_space<hbm>> -> memref<1x1x1x20x128xi32, #tpu.memory_space<hbm>>
      %dma_wait3A_130 = tpu.memref_squeeze %dma_wait3A_129 : memref<1x1x1x20x128xi32, #tpu.memory_space<hbm>> -> memref<20x128xi32, #tpu.memory_space<hbm>>
      %dma_wait3A_131 = arith.constant 0 : i32
      %dma_wait3A_132 = arith.constant 0 : i32
      %dma_wait3A_133 = tpu.memref_slice %arg7[%run_scoped3A_25, %dma_wait3A_131, %dma_wait3A_132] : memref<2x20x128xi32, #tpu.memory_space<vmem>> -> memref<1x20x128xi32, #tpu.memory_space<vmem>>
      %dma_wait3A_134 = tpu.memref_squeeze %dma_wait3A_133 : memref<1x20x128xi32, #tpu.memory_space<vmem>> -> memref<20x128xi32, #tpu.memory_space<vmem>>
      %dma_wait3A_135 = arith.constant 0 : i32
      %dma_wait3A_136 = arith.constant 0 : i32
      %dma_wait3A_137 = tpu.memref_slice %arg3[%arg0, %arg1, %run_scoped3A_24, %dma_wait3A_135, %dma_wait3A_136] : memref<2x16x4x20x128xi32, #tpu.memory_space<hbm>> -> memref<1x1x1x20x128xi32, #tpu.memory_space<hbm>>
      %dma_wait3A_138 = tpu.memref_squeeze %dma_wait3A_137 : memref<1x1x1x20x128xi32, #tpu.memory_space<hbm>> -> memref<20x128xi32, #tpu.memory_space<hbm>>
      tpu.wait_dma2 semaphore(%run_scoped3A_107 : memref<!tpu.dma_semaphore, #tpu.memory_space<semaphore_mem>>) src(%dma_wait3A_138 : memref<20x128xi32, #tpu.memory_space<hbm>>) dst(%dma_wait3A_134 : memref<20x128xi32, #tpu.memory_space<vmem>>)
      tpu.yield
    }) : () -> ()
    %run_scoped3A_26 = arith.constant 1 : i32
    %run_scoped3A_27 = arith.constant 1 : i32
    "tpu.region"() ({
      %run_scoped3A_107 = tpu.sem_alloc : memref<!tpu.dma_semaphore, #tpu.memory_space<semaphore_mem>>
      %dma_start3A_108 = arith.constant 0 : i32
      %dma_start3A_109 = arith.constant 0 : i32
      %dma_start3A_110 = tpu.memref_slice %arg7[%run_scoped3A_27, %dma_start3A_108, %dma_start3A_109] : memref<2x20x128xi32, #tpu.memory_space<vmem>> -> memref<1x20x128xi32, #tpu.memory_space<vmem>>
      %dma_start3A_111 = tpu.memref_squeeze %dma_start3A_110 : memref<1x20x128xi32, #tpu.memory_space<vmem>> -> memref<20x128xi32, #tpu.memory_space<vmem>>
      %dma_start3A_112 = arith.constant 0 : i32
      %dma_start3A_113 = arith.constant 0 : i32
      %dma_start3A_114 = tpu.memref_slice %arg4[%arg0, %arg1, %run_scoped3A_26, %dma_start3A_112, %dma_start3A_113] : memref<2x16x4x20x128xi32, #tpu.memory_space<hbm>> -> memref<1x1x1x20x128xi32, #tpu.memory_space<hbm>>
      %dma_start3A_115 = tpu.memref_squeeze %dma_start3A_114 : memref<1x1x1x20x128xi32, #tpu.memory_space<hbm>> -> memref<20x128xi32, #tpu.memory_space<hbm>>
      %dma_start3A_116 = arith.constant 0 : i32
      %dma_start3A_117 = arith.constant 0 : i32
      %dma_start3A_118 = tpu.memref_slice %arg7[%run_scoped3A_27, %dma_start3A_116, %dma_start3A_117] : memref<2x20x128xi32, #tpu.memory_space<vmem>> -> memref<1x20x128xi32, #tpu.memory_space<vmem>>
      %dma_start3A_119 = tpu.memref_squeeze %dma_start3A_118 : memref<1x20x128xi32, #tpu.memory_space<vmem>> -> memref<20x128xi32, #tpu.memory_space<vmem>>
      %dma_start3A_120 = arith.constant 0 : i32
      %dma_start3A_121 = arith.constant 0 : i32
      %dma_start3A_122 = tpu.memref_slice %arg4[%arg0, %arg1, %run_scoped3A_26, %dma_start3A_120, %dma_start3A_121] : memref<2x16x4x20x128xi32, #tpu.memory_space<hbm>> -> memref<1x1x1x20x128xi32, #tpu.memory_space<hbm>>
      %dma_start3A_123 = tpu.memref_squeeze %dma_start3A_122 : memref<1x1x1x20x128xi32, #tpu.memory_space<hbm>> -> memref<20x128xi32, #tpu.memory_space<hbm>>
      tpu.enqueue_dma source(%dma_start3A_123 : memref<20x128xi32, #tpu.memory_space<hbm>>) target(%dma_start3A_119 : memref<20x128xi32, #tpu.memory_space<vmem>>) target_semaphore(%run_scoped3A_107 : memref<!tpu.dma_semaphore, #tpu.memory_space<semaphore_mem>>)
      %dma_wait3A = arith.constant 0 : i32
      %dma_wait3A_124 = arith.constant 0 : i32
      %dma_wait3A_125 = tpu.memref_slice %arg7[%run_scoped3A_27, %dma_wait3A, %dma_wait3A_124] : memref<2x20x128xi32, #tpu.memory_space<vmem>> -> memref<1x20x128xi32, #tpu.memory_space<vmem>>
      %dma_wait3A_126 = tpu.memref_squeeze %dma_wait3A_125 : memref<1x20x128xi32, #tpu.memory_space<vmem>> -> memref<20x128xi32, #tpu.memory_space<vmem>>
      %dma_wait3A_127 = arith.constant 0 : i32
      %dma_wait3A_128 = arith.constant 0 : i32
      %dma_wait3A_129 = tpu.memref_slice %arg4[%arg0, %arg1, %run_scoped3A_26, %dma_wait3A_127, %dma_wait3A_128] : memref<2x16x4x20x128xi32, #tpu.memory_space<hbm>> -> memref<1x1x1x20x128xi32, #tpu.memory_space<hbm>>
      %dma_wait3A_130 = tpu.memref_squeeze %dma_wait3A_129 : memref<1x1x1x20x128xi32, #tpu.memory_space<hbm>> -> memref<20x128xi32, #tpu.memory_space<hbm>>
      %dma_wait3A_131 = arith.constant 0 : i32
      %dma_wait3A_132 = arith.constant 0 : i32
      %dma_wait3A_133 = tpu.memref_slice %arg7[%run_scoped3A_27, %dma_wait3A_131, %dma_wait3A_132] : memref<2x20x128xi32, #tpu.memory_space<vmem>> -> memref<1x20x128xi32, #tpu.memory_space<vmem>>
      %dma_wait3A_134 = tpu.memref_squeeze %dma_wait3A_133 : memref<1x20x128xi32, #tpu.memory_space<vmem>> -> memref<20x128xi32, #tpu.memory_space<vmem>>
      %dma_wait3A_135 = arith.constant 0 : i32
      %dma_wait3A_136 = arith.constant 0 : i32
      %dma_wait3A_137 = tpu.memref_slice %arg4[%arg0, %arg1, %run_scoped3A_26, %dma_wait3A_135, %dma_wait3A_136] : memref<2x16x4x20x128xi32, #tpu.memory_space<hbm>> -> memref<1x1x1x20x128xi32, #tpu.memory_space<hbm>>
      %dma_wait3A_138 = tpu.memref_squeeze %dma_wait3A_137 : memref<1x1x1x20x128xi32, #tpu.memory_space<hbm>> -> memref<20x128xi32, #tpu.memory_space<hbm>>
      tpu.wait_dma2 semaphore(%run_scoped3A_107 : memref<!tpu.dma_semaphore, #tpu.memory_space<semaphore_mem>>) src(%dma_wait3A_138 : memref<20x128xi32, #tpu.memory_space<hbm>>) dst(%dma_wait3A_134 : memref<20x128xi32, #tpu.memory_space<vmem>>)
      tpu.yield
    }) : () -> ()
    %dma_start3A_28 = arith.constant 0 : i32
    %dma_start3A_29 = arith.constant 0 : i32
    %dma_start3A_30 = arith.constant 0 : i32
    %dma_start3A_31 = arith.constant 0 : i32
    %dma_start3A_32 = arith.constant 0 : i32
    %dma_start3A_33 = arith.constant 0 : i32
    %dma_start3A_34 = tpu.memref_slice %arg8[%dma_start3A_30, %dma_start3A_32, %dma_start3A_33] : memref<2x128x128xf32, #tpu.memory_space<vmem>> -> memref<1x128x128xf32, #tpu.memory_space<vmem>>
    %dma_start3A_35 = tpu.memref_squeeze %dma_start3A_34 : memref<1x128x128xf32, #tpu.memory_space<vmem>> -> memref<128x128xf32, #tpu.memory_space<vmem>>
    %dma_start3A_36 = arith.constant 0 : i32
    %dma_start3A_37 = tpu.memref_slice %arg7[%dma_start3A_28, %dma_start3A_29, %dma_start3A_36] : memref<2x20x128xi32, #tpu.memory_space<vmem>> -> memref<1x1x128xi32, #tpu.memory_space<vmem>>
    %dma_start3A_38 = tpu.memref_squeeze %dma_start3A_37 : memref<1x1x128xi32, #tpu.memory_space<vmem>> -> memref<128xi32, #tpu.memory_space<vmem>>
    %dma_start3A_39 = arith.constant 0 : i32
    %dma_start3A_40 = arith.constant 0 : i32
    %dma_start3A_41 = tpu.memref_slice %arg2[%dma_start3A_39, %dma_start3A_40] : memref<10000x128xf32, #tpu.memory_space<hbm>> -> memref<10000x128xf32, #tpu.memory_space<hbm>>
    %dma_start3A_42 = tpu.memref_slice %arg10[%dma_start3A_31] : memref<2x!tpu.dma_semaphore, #tpu.memory_space<semaphore_mem>> -> memref<1x!tpu.dma_semaphore, #tpu.memory_space<semaphore_mem>>
    %dma_start3A_43 = tpu.memref_squeeze %dma_start3A_42 : memref<1x!tpu.dma_semaphore, #tpu.memory_space<semaphore_mem>> -> memref<!tpu.dma_semaphore, #tpu.memory_space<semaphore_mem>>
    tpu.enqueue_indirect_dma source(%dma_start3A_41 : memref<10000x128xf32, #tpu.memory_space<hbm>>) target(%dma_start3A_35 : memref<128x128xf32, #tpu.memory_space<vmem>>) offsets(%dma_start3A_38 : memref<128xi32, #tpu.memory_space<vmem>>) semaphore(%dma_start3A_43 : memref<!tpu.dma_semaphore, #tpu.memory_space<semaphore_mem>>)
    %scan3A_44 = arith.constant 0 : i32
    %scan3A_45 = arith.constant 0 : i32
    %scan3A_46 = arith.constant 20 : i32
    %scan3A_47 = arith.addi %scan3A_45, %scan3A_46 : i32
    %scan3A_48 = arith.constant 1 : i32
    scf.for %scan3A_107 = %scan3A_45 to %scan3A_47 step %scan3A_48  : i32 {
      %rem3A = arith.constant 2 : i32
      %rem3A_108 = arith.remsi %scan3A_107, %rem3A : i32
      %dma_wait3A = arith.constant 0 : i32
      %dma_wait3A_109 = arith.constant 0 : i32
      %dma_wait3A_110 = arith.constant 0 : i32
      %dma_wait3A_111 = tpu.memref_slice %arg8[%rem3A_108, %dma_wait3A_109, %dma_wait3A_110] : memref<2x128x128xf32, #tpu.memory_space<vmem>> -> memref<1x128x128xf32, #tpu.memory_space<vmem>>
      %dma_wait3A_112 = tpu.memref_squeeze %dma_wait3A_111 : memref<1x128x128xf32, #tpu.memory_space<vmem>> -> memref<128x128xf32, #tpu.memory_space<vmem>>
      %dma_wait3A_113 = arith.constant 0 : i32
      %dma_wait3A_114 = tpu.memref_slice %arg7[%dma_wait3A, %scan3A_107, %dma_wait3A_113] : memref<2x20x128xi32, #tpu.memory_space<vmem>> -> memref<1x1x128xi32, #tpu.memory_space<vmem>>
      %dma_wait3A_115 = tpu.memref_squeeze %dma_wait3A_114 : memref<1x1x128xi32, #tpu.memory_space<vmem>> -> memref<128xi32, #tpu.memory_space<vmem>>
      %dma_wait3A_116 = arith.constant 0 : i32
      %dma_wait3A_117 = arith.constant 0 : i32
      %dma_wait3A_118 = tpu.memref_slice %arg2[%dma_wait3A_116, %dma_wait3A_117] : memref<10000x128xf32, #tpu.memory_space<hbm>> -> memref<10000x128xf32, #tpu.memory_space<hbm>>
      %dma_wait3A_119 = tpu.memref_slice %arg10[%rem3A_108] : memref<2x!tpu.dma_semaphore, #tpu.memory_space<semaphore_mem>> -> memref<1x!tpu.dma_semaphore, #tpu.memory_space<semaphore_mem>>
      %dma_wait3A_120 = tpu.memref_squeeze %dma_wait3A_119 : memref<1x!tpu.dma_semaphore, #tpu.memory_space<semaphore_mem>> -> memref<!tpu.dma_semaphore, #tpu.memory_space<semaphore_mem>>
      tpu.wait_indirect_dma semaphore(%dma_wait3A_120 : memref<!tpu.dma_semaphore, #tpu.memory_space<semaphore_mem>>) src(%dma_wait3A_118 : memref<10000x128xf32, #tpu.memory_space<hbm>>) dst(%dma_wait3A_112 : memref<128x128xf32, #tpu.memory_space<vmem>>)
      %add3A = arith.constant 1 : i32
      %add3A_121 = arith.addi %scan3A_107, %add3A : i32
      %lt3A = arith.constant 20 : i32
      %lt3A_122 = arith.cmpi slt, %add3A_121, %lt3A : i32
      %convert_element_type3A = arith.extui %lt3A_122 : i1 to i32
      %cond3A = arith.constant 0 : i32
      %cond3A_123 = arith.cmpi ne, %convert_element_type3A, %cond3A : i32
      scf.if %cond3A_123 {
        %add3A_125 = arith.constant 1 : i32
        %add3A_126 = arith.addi %scan3A_107, %add3A_125 : i32
        %sub3A = arith.constant 1 : i32
        %sub3A_127 = arith.subi %sub3A, %rem3A_108 : i32
        %sub3A_128 = arith.constant 1 : i32
        %sub3A_129 = arith.subi %sub3A_128, %rem3A_108 : i32
        %dma_start3A_130 = arith.constant 0 : i32
        %dma_start3A_131 = arith.constant 0 : i32
        %dma_start3A_132 = arith.constant 0 : i32
        %dma_start3A_133 = tpu.memref_slice %arg8[%sub3A_127, %dma_start3A_131, %dma_start3A_132] : memref<2x128x128xf32, #tpu.memory_space<vmem>> -> memref<1x128x128xf32, #tpu.memory_space<vmem>>
        %dma_start3A_134 = tpu.memref_squeeze %dma_start3A_133 : memref<1x128x128xf32, #tpu.memory_space<vmem>> -> memref<128x128xf32, #tpu.memory_space<vmem>>
        %dma_start3A_135 = arith.constant 0 : i32
        %dma_start3A_136 = tpu.memref_slice %arg7[%dma_start3A_130, %add3A_126, %dma_start3A_135] : memref<2x20x128xi32, #tpu.memory_space<vmem>> -> memref<1x1x128xi32, #tpu.memory_space<vmem>>
        %dma_start3A_137 = tpu.memref_squeeze %dma_start3A_136 : memref<1x1x128xi32, #tpu.memory_space<vmem>> -> memref<128xi32, #tpu.memory_space<vmem>>
        %dma_start3A_138 = arith.constant 0 : i32
        %dma_start3A_139 = arith.constant 0 : i32
        %dma_start3A_140 = tpu.memref_slice %arg2[%dma_start3A_138, %dma_start3A_139] : memref<10000x128xf32, #tpu.memory_space<hbm>> -> memref<10000x128xf32, #tpu.memory_space<hbm>>
        %dma_start3A_141 = tpu.memref_slice %arg10[%sub3A_129] : memref<2x!tpu.dma_semaphore, #tpu.memory_space<semaphore_mem>> -> memref<1x!tpu.dma_semaphore, #tpu.memory_space<semaphore_mem>>
        %dma_start3A_142 = tpu.memref_squeeze %dma_start3A_141 : memref<1x!tpu.dma_semaphore, #tpu.memory_space<semaphore_mem>> -> memref<!tpu.dma_semaphore, #tpu.memory_space<semaphore_mem>>
        tpu.enqueue_indirect_dma source(%dma_start3A_140 : memref<10000x128xf32, #tpu.memory_space<hbm>>) target(%dma_start3A_134 : memref<128x128xf32, #tpu.memory_space<vmem>>) offsets(%dma_start3A_137 : memref<128xi32, #tpu.memory_space<vmem>>) semaphore(%dma_start3A_142 : memref<!tpu.dma_semaphore, #tpu.memory_space<semaphore_mem>>)
      } else {
      }
      %run_scoped3A_124 = arith.constant 1 : i32
      "tpu.region"() ({
        %run_scoped3A_125 = tpu.sem_alloc : memref<!tpu.dma_semaphore, #tpu.memory_space<semaphore_mem>>
        %dma_start3A_126 = arith.constant 0 : i32
        %dma_start3A_127 = arith.constant 0 : i32
        %dma_start3A_128 = tpu.memref_slice %arg8[%rem3A_108, %dma_start3A_126, %dma_start3A_127] : memref<2x128x128xf32, #tpu.memory_space<vmem>> -> memref<1x128x128xf32, #tpu.memory_space<vmem>>
        %dma_start3A_129 = tpu.memref_squeeze %dma_start3A_128 : memref<1x128x128xf32, #tpu.memory_space<vmem>> -> memref<128x128xf32, #tpu.memory_space<vmem>>
        %dma_start3A_130 = arith.constant 0 : i32
        %dma_start3A_131 = tpu.memref_slice %arg7[%run_scoped3A_124, %scan3A_107, %dma_start3A_130] : memref<2x20x128xi32, #tpu.memory_space<vmem>> -> memref<1x1x128xi32, #tpu.memory_space<vmem>>
        %dma_start3A_132 = tpu.memref_squeeze %dma_start3A_131 : memref<1x1x128xi32, #tpu.memory_space<vmem>> -> memref<128xi32, #tpu.memory_space<vmem>>
        %dma_start3A_133 = arith.constant 0 : i32
        %dma_start3A_134 = arith.constant 0 : i32
        %dma_start3A_135 = tpu.memref_slice %arg9[%dma_start3A_133, %dma_start3A_134] : memref<10240x128xf32, #tpu.memory_space<vmem_shared>> -> memref<10240x128xf32, #tpu.memory_space<vmem_shared>>
        tpu.enqueue_indirect_dma source(%dma_start3A_129 : memref<128x128xf32, #tpu.memory_space<vmem>>) target(%dma_start3A_135 : memref<10240x128xf32, #tpu.memory_space<vmem_shared>>) offsets(%dma_start3A_132 : memref<128xi32, #tpu.memory_space<vmem>>) semaphore(%run_scoped3A_125 : memref<!tpu.dma_semaphore, #tpu.memory_space<semaphore_mem>>) {add = true}
        %dma_wait3A_136 = arith.constant 0 : i32
        %dma_wait3A_137 = arith.constant 0 : i32
        %dma_wait3A_138 = tpu.memref_slice %arg8[%rem3A_108, %dma_wait3A_136, %dma_wait3A_137] : memref<2x128x128xf32, #tpu.memory_space<vmem>> -> memref<1x128x128xf32, #tpu.memory_space<vmem>>
        %dma_wait3A_139 = tpu.memref_squeeze %dma_wait3A_138 : memref<1x128x128xf32, #tpu.memory_space<vmem>> -> memref<128x128xf32, #tpu.memory_space<vmem>>
        %dma_wait3A_140 = arith.constant 0 : i32
        %dma_wait3A_141 = tpu.memref_slice %arg7[%run_scoped3A_124, %scan3A_107, %dma_wait3A_140] : memref<2x20x128xi32, #tpu.memory_space<vmem>> -> memref<1x1x128xi32, #tpu.memory_space<vmem>>
        %dma_wait3A_142 = tpu.memref_squeeze %dma_wait3A_141 : memref<1x1x128xi32, #tpu.memory_space<vmem>> -> memref<128xi32, #tpu.memory_space<vmem>>
        %dma_wait3A_143 = arith.constant 0 : i32
        %dma_wait3A_144 = arith.constant 0 : i32
        %dma_wait3A_145 = tpu.memref_slice %arg9[%dma_wait3A_143, %dma_wait3A_144] : memref<10240x128xf32, #tpu.memory_space<vmem_shared>> -> memref<10240x128xf32, #tpu.memory_space<vmem_shared>>
        tpu.wait_indirect_dma semaphore(%run_scoped3A_125 : memref<!tpu.dma_semaphore, #tpu.memory_space<semaphore_mem>>) src(%dma_wait3A_139 : memref<128x128xf32, #tpu.memory_space<vmem>>) dst(%dma_wait3A_145 : memref<10240x128xf32, #tpu.memory_space<vmem_shared>>)
        tpu.yield
      }) : () -> ()
    }
    %scan3A_49 = arith.constant 20 : i32
    %run_scoped3A_50 = arith.constant 2 : i32
    %run_scoped3A_51 = arith.constant 0 : i32
    "tpu.region"() ({
      %run_scoped3A_107 = tpu.sem_alloc : memref<!tpu.dma_semaphore, #tpu.memory_space<semaphore_mem>>
      %dma_start3A_108 = arith.constant 0 : i32
      %dma_start3A_109 = arith.constant 0 : i32
      %dma_start3A_110 = tpu.memref_slice %arg7[%run_scoped3A_51, %dma_start3A_108, %dma_start3A_109] : memref<2x20x128xi32, #tpu.memory_space<vmem>> -> memref<1x20x128xi32, #tpu.memory_space<vmem>>
      %dma_start3A_111 = tpu.memref_squeeze %dma_start3A_110 : memref<1x20x128xi32, #tpu.memory_space<vmem>> -> memref<20x128xi32, #tpu.memory_space<vmem>>
      %dma_start3A_112 = arith.constant 0 : i32
      %dma_start3A_113 = arith.constant 0 : i32
      %dma_start3A_114 = tpu.memref_slice %arg3[%arg0, %arg1, %run_scoped3A_50, %dma_start3A_112, %dma_start3A_113] : memref<2x16x4x20x128xi32, #tpu.memory_space<hbm>> -> memref<1x1x1x20x128xi32, #tpu.memory_space<hbm>>
      %dma_start3A_115 = tpu.memref_squeeze %dma_start3A_114 : memref<1x1x1x20x128xi32, #tpu.memory_space<hbm>> -> memref<20x128xi32, #tpu.memory_space<hbm>>
      %dma_start3A_116 = arith.constant 0 : i32
      %dma_start3A_117 = arith.constant 0 : i32
      %dma_start3A_118 = tpu.memref_slice %arg7[%run_scoped3A_51, %dma_start3A_116, %dma_start3A_117] : memref<2x20x128xi32, #tpu.memory_space<vmem>> -> memref<1x20x128xi32, #tpu.memory_space<vmem>>
      %dma_start3A_119 = tpu.memref_squeeze %dma_start3A_118 : memref<1x20x128xi32, #tpu.memory_space<vmem>> -> memref<20x128xi32, #tpu.memory_space<vmem>>
      %dma_start3A_120 = arith.constant 0 : i32
      %dma_start3A_121 = arith.constant 0 : i32
      %dma_start3A_122 = tpu.memref_slice %arg3[%arg0, %arg1, %run_scoped3A_50, %dma_start3A_120, %dma_start3A_121] : memref<2x16x4x20x128xi32, #tpu.memory_space<hbm>> -> memref<1x1x1x20x128xi32, #tpu.memory_space<hbm>>
      %dma_start3A_123 = tpu.memref_squeeze %dma_start3A_122 : memref<1x1x1x20x128xi32, #tpu.memory_space<hbm>> -> memref<20x128xi32, #tpu.memory_space<hbm>>
      tpu.enqueue_dma source(%dma_start3A_123 : memref<20x128xi32, #tpu.memory_space<hbm>>) target(%dma_start3A_119 : memref<20x128xi32, #tpu.memory_space<vmem>>) target_semaphore(%run_scoped3A_107 : memref<!tpu.dma_semaphore, #tpu.memory_space<semaphore_mem>>)
      %dma_wait3A = arith.constant 0 : i32
      %dma_wait3A_124 = arith.constant 0 : i32
      %dma_wait3A_125 = tpu.memref_slice %arg7[%run_scoped3A_51, %dma_wait3A, %dma_wait3A_124] : memref<2x20x128xi32, #tpu.memory_space<vmem>> -> memref<1x20x128xi32, #tpu.memory_space<vmem>>
      %dma_wait3A_126 = tpu.memref_squeeze %dma_wait3A_125 : memref<1x20x128xi32, #tpu.memory_space<vmem>> -> memref<20x128xi32, #tpu.memory_space<vmem>>
      %dma_wait3A_127 = arith.constant 0 : i32
      %dma_wait3A_128 = arith.constant 0 : i32
      %dma_wait3A_129 = tpu.memref_slice %arg3[%arg0, %arg1, %run_scoped3A_50, %dma_wait3A_127, %dma_wait3A_128] : memref<2x16x4x20x128xi32, #tpu.memory_space<hbm>> -> memref<1x1x1x20x128xi32, #tpu.memory_space<hbm>>
      %dma_wait3A_130 = tpu.memref_squeeze %dma_wait3A_129 : memref<1x1x1x20x128xi32, #tpu.memory_space<hbm>> -> memref<20x128xi32, #tpu.memory_space<hbm>>
      %dma_wait3A_131 = arith.constant 0 : i32
      %dma_wait3A_132 = arith.constant 0 : i32
      %dma_wait3A_133 = tpu.memref_slice %arg7[%run_scoped3A_51, %dma_wait3A_131, %dma_wait3A_132] : memref<2x20x128xi32, #tpu.memory_space<vmem>> -> memref<1x20x128xi32, #tpu.memory_space<vmem>>
      %dma_wait3A_134 = tpu.memref_squeeze %dma_wait3A_133 : memref<1x20x128xi32, #tpu.memory_space<vmem>> -> memref<20x128xi32, #tpu.memory_space<vmem>>
      %dma_wait3A_135 = arith.constant 0 : i32
      %dma_wait3A_136 = arith.constant 0 : i32
      %dma_wait3A_137 = tpu.memref_slice %arg3[%arg0, %arg1, %run_scoped3A_50, %dma_wait3A_135, %dma_wait3A_136] : memref<2x16x4x20x128xi32, #tpu.memory_space<hbm>> -> memref<1x1x1x20x128xi32, #tpu.memory_space<hbm>>
      %dma_wait3A_138 = tpu.memref_squeeze %dma_wait3A_137 : memref<1x1x1x20x128xi32, #tpu.memory_space<hbm>> -> memref<20x128xi32, #tpu.memory_space<hbm>>
      tpu.wait_dma2 semaphore(%run_scoped3A_107 : memref<!tpu.dma_semaphore, #tpu.memory_space<semaphore_mem>>) src(%dma_wait3A_138 : memref<20x128xi32, #tpu.memory_space<hbm>>) dst(%dma_wait3A_134 : memref<20x128xi32, #tpu.memory_space<vmem>>)
      tpu.yield
    }) : () -> ()
    %run_scoped3A_52 = arith.constant 2 : i32
    %run_scoped3A_53 = arith.constant 1 : i32
    "tpu.region"() ({
      %run_scoped3A_107 = tpu.sem_alloc : memref<!tpu.dma_semaphore, #tpu.memory_space<semaphore_mem>>
      %dma_start3A_108 = arith.constant 0 : i32
      %dma_start3A_109 = arith.constant 0 : i32
      %dma_start3A_110 = tpu.memref_slice %arg7[%run_scoped3A_53, %dma_start3A_108, %dma_start3A_109] : memref<2x20x128xi32, #tpu.memory_space<vmem>> -> memref<1x20x128xi32, #tpu.memory_space<vmem>>
      %dma_start3A_111 = tpu.memref_squeeze %dma_start3A_110 : memref<1x20x128xi32, #tpu.memory_space<vmem>> -> memref<20x128xi32, #tpu.memory_space<vmem>>
      %dma_start3A_112 = arith.constant 0 : i32
      %dma_start3A_113 = arith.constant 0 : i32
      %dma_start3A_114 = tpu.memref_slice %arg4[%arg0, %arg1, %run_scoped3A_52, %dma_start3A_112, %dma_start3A_113] : memref<2x16x4x20x128xi32, #tpu.memory_space<hbm>> -> memref<1x1x1x20x128xi32, #tpu.memory_space<hbm>>
      %dma_start3A_115 = tpu.memref_squeeze %dma_start3A_114 : memref<1x1x1x20x128xi32, #tpu.memory_space<hbm>> -> memref<20x128xi32, #tpu.memory_space<hbm>>
      %dma_start3A_116 = arith.constant 0 : i32
      %dma_start3A_117 = arith.constant 0 : i32
      %dma_start3A_118 = tpu.memref_slice %arg7[%run_scoped3A_53, %dma_start3A_116, %dma_start3A_117] : memref<2x20x128xi32, #tpu.memory_space<vmem>> -> memref<1x20x128xi32, #tpu.memory_space<vmem>>
      %dma_start3A_119 = tpu.memref_squeeze %dma_start3A_118 : memref<1x20x128xi32, #tpu.memory_space<vmem>> -> memref<20x128xi32, #tpu.memory_space<vmem>>
      %dma_start3A_120 = arith.constant 0 : i32
      %dma_start3A_121 = arith.constant 0 : i32
      %dma_start3A_122 = tpu.memref_slice %arg4[%arg0, %arg1, %run_scoped3A_52, %dma_start3A_120, %dma_start3A_121] : memref<2x16x4x20x128xi32, #tpu.memory_space<hbm>> -> memref<1x1x1x20x128xi32, #tpu.memory_space<hbm>>
      %dma_start3A_123 = tpu.memref_squeeze %dma_start3A_122 : memref<1x1x1x20x128xi32, #tpu.memory_space<hbm>> -> memref<20x128xi32, #tpu.memory_space<hbm>>
      tpu.enqueue_dma source(%dma_start3A_123 : memref<20x128xi32, #tpu.memory_space<hbm>>) target(%dma_start3A_119 : memref<20x128xi32, #tpu.memory_space<vmem>>) target_semaphore(%run_scoped3A_107 : memref<!tpu.dma_semaphore, #tpu.memory_space<semaphore_mem>>)
      %dma_wait3A = arith.constant 0 : i32
      %dma_wait3A_124 = arith.constant 0 : i32
      %dma_wait3A_125 = tpu.memref_slice %arg7[%run_scoped3A_53, %dma_wait3A, %dma_wait3A_124] : memref<2x20x128xi32, #tpu.memory_space<vmem>> -> memref<1x20x128xi32, #tpu.memory_space<vmem>>
      %dma_wait3A_126 = tpu.memref_squeeze %dma_wait3A_125 : memref<1x20x128xi32, #tpu.memory_space<vmem>> -> memref<20x128xi32, #tpu.memory_space<vmem>>
      %dma_wait3A_127 = arith.constant 0 : i32
      %dma_wait3A_128 = arith.constant 0 : i32
      %dma_wait3A_129 = tpu.memref_slice %arg4[%arg0, %arg1, %run_scoped3A_52, %dma_wait3A_127, %dma_wait3A_128] : memref<2x16x4x20x128xi32, #tpu.memory_space<hbm>> -> memref<1x1x1x20x128xi32, #tpu.memory_space<hbm>>
      %dma_wait3A_130 = tpu.memref_squeeze %dma_wait3A_129 : memref<1x1x1x20x128xi32, #tpu.memory_space<hbm>> -> memref<20x128xi32, #tpu.memory_space<hbm>>
      %dma_wait3A_131 = arith.constant 0 : i32
      %dma_wait3A_132 = arith.constant 0 : i32
      %dma_wait3A_133 = tpu.memref_slice %arg7[%run_scoped3A_53, %dma_wait3A_131, %dma_wait3A_132] : memref<2x20x128xi32, #tpu.memory_space<vmem>> -> memref<1x20x128xi32, #tpu.memory_space<vmem>>
      %dma_wait3A_134 = tpu.memref_squeeze %dma_wait3A_133 : memref<1x20x128xi32, #tpu.memory_space<vmem>> -> memref<20x128xi32, #tpu.memory_space<vmem>>
      %dma_wait3A_135 = arith.constant 0 : i32
      %dma_wait3A_136 = arith.constant 0 : i32
      %dma_wait3A_137 = tpu.memref_slice %arg4[%arg0, %arg1, %run_scoped3A_52, %dma_wait3A_135, %dma_wait3A_136] : memref<2x16x4x20x128xi32, #tpu.memory_space<hbm>> -> memref<1x1x1x20x128xi32, #tpu.memory_space<hbm>>
      %dma_wait3A_138 = tpu.memref_squeeze %dma_wait3A_137 : memref<1x1x1x20x128xi32, #tpu.memory_space<hbm>> -> memref<20x128xi32, #tpu.memory_space<hbm>>
      tpu.wait_dma2 semaphore(%run_scoped3A_107 : memref<!tpu.dma_semaphore, #tpu.memory_space<semaphore_mem>>) src(%dma_wait3A_138 : memref<20x128xi32, #tpu.memory_space<hbm>>) dst(%dma_wait3A_134 : memref<20x128xi32, #tpu.memory_space<vmem>>)
      tpu.yield
    }) : () -> ()
    %dma_start3A_54 = arith.constant 0 : i32
    %dma_start3A_55 = arith.constant 0 : i32
    %dma_start3A_56 = arith.constant 0 : i32
    %dma_start3A_57 = arith.constant 0 : i32
    %dma_start3A_58 = arith.constant 0 : i32
    %dma_start3A_59 = arith.constant 0 : i32
    %dma_start3A_60 = tpu.memref_slice %arg8[%dma_start3A_56, %dma_start3A_58, %dma_start3A_59] : memref<2x128x128xf32, #tpu.memory_space<vmem>> -> memref<1x128x128xf32, #tpu.memory_space<vmem>>
    %dma_start3A_61 = tpu.memref_squeeze %dma_start3A_60 : memref<1x128x128xf32, #tpu.memory_space<vmem>> -> memref<128x128xf32, #tpu.memory_space<vmem>>
    %dma_start3A_62 = arith.constant 0 : i32
    %dma_start3A_63 = tpu.memref_slice %arg7[%dma_start3A_54, %dma_start3A_55, %dma_start3A_62] : memref<2x20x128xi32, #tpu.memory_space<vmem>> -> memref<1x1x128xi32, #tpu.memory_space<vmem>>
    %dma_start3A_64 = tpu.memref_squeeze %dma_start3A_63 : memref<1x1x128xi32, #tpu.memory_space<vmem>> -> memref<128xi32, #tpu.memory_space<vmem>>
    %dma_start3A_65 = arith.constant 0 : i32
    %dma_start3A_66 = arith.constant 0 : i32
    %dma_start3A_67 = tpu.memref_slice %arg2[%dma_start3A_65, %dma_start3A_66] : memref<10000x128xf32, #tpu.memory_space<hbm>> -> memref<10000x128xf32, #tpu.memory_space<hbm>>
    %dma_start3A_68 = tpu.memref_slice %arg10[%dma_start3A_57] : memref<2x!tpu.dma_semaphore, #tpu.memory_space<semaphore_mem>> -> memref<1x!tpu.dma_semaphore, #tpu.memory_space<semaphore_mem>>
    %dma_start3A_69 = tpu.memref_squeeze %dma_start3A_68 : memref<1x!tpu.dma_semaphore, #tpu.memory_space<semaphore_mem>> -> memref<!tpu.dma_semaphore, #tpu.memory_space<semaphore_mem>>
    tpu.enqueue_indirect_dma source(%dma_start3A_67 : memref<10000x128xf32, #tpu.memory_space<hbm>>) target(%dma_start3A_61 : memref<128x128xf32, #tpu.memory_space<vmem>>) offsets(%dma_start3A_64 : memref<128xi32, #tpu.memory_space<vmem>>) semaphore(%dma_start3A_69 : memref<!tpu.dma_semaphore, #tpu.memory_space<semaphore_mem>>)
    %scan3A_70 = arith.constant 0 : i32
    %scan3A_71 = arith.constant 0 : i32
    %scan3A_72 = arith.constant 20 : i32
    %scan3A_73 = arith.addi %scan3A_71, %scan3A_72 : i32
    %scan3A_74 = arith.constant 1 : i32
    scf.for %scan3A_107 = %scan3A_71 to %scan3A_73 step %scan3A_74  : i32 {
      %rem3A = arith.constant 2 : i32
      %rem3A_108 = arith.remsi %scan3A_107, %rem3A : i32
      %dma_wait3A = arith.constant 0 : i32
      %dma_wait3A_109 = arith.constant 0 : i32
      %dma_wait3A_110 = arith.constant 0 : i32
      %dma_wait3A_111 = tpu.memref_slice %arg8[%rem3A_108, %dma_wait3A_109, %dma_wait3A_110] : memref<2x128x128xf32, #tpu.memory_space<vmem>> -> memref<1x128x128xf32, #tpu.memory_space<vmem>>
      %dma_wait3A_112 = tpu.memref_squeeze %dma_wait3A_111 : memref<1x128x128xf32, #tpu.memory_space<vmem>> -> memref<128x128xf32, #tpu.memory_space<vmem>>
      %dma_wait3A_113 = arith.constant 0 : i32
      %dma_wait3A_114 = tpu.memref_slice %arg7[%dma_wait3A, %scan3A_107, %dma_wait3A_113] : memref<2x20x128xi32, #tpu.memory_space<vmem>> -> memref<1x1x128xi32, #tpu.memory_space<vmem>>
      %dma_wait3A_115 = tpu.memref_squeeze %dma_wait3A_114 : memref<1x1x128xi32, #tpu.memory_space<vmem>> -> memref<128xi32, #tpu.memory_space<vmem>>
      %dma_wait3A_116 = arith.constant 0 : i32
      %dma_wait3A_117 = arith.constant 0 : i32
      %dma_wait3A_118 = tpu.memref_slice %arg2[%dma_wait3A_116, %dma_wait3A_117] : memref<10000x128xf32, #tpu.memory_space<hbm>> -> memref<10000x128xf32, #tpu.memory_space<hbm>>
      %dma_wait3A_119 = tpu.memref_slice %arg10[%rem3A_108] : memref<2x!tpu.dma_semaphore, #tpu.memory_space<semaphore_mem>> -> memref<1x!tpu.dma_semaphore, #tpu.memory_space<semaphore_mem>>
      %dma_wait3A_120 = tpu.memref_squeeze %dma_wait3A_119 : memref<1x!tpu.dma_semaphore, #tpu.memory_space<semaphore_mem>> -> memref<!tpu.dma_semaphore, #tpu.memory_space<semaphore_mem>>
      tpu.wait_indirect_dma semaphore(%dma_wait3A_120 : memref<!tpu.dma_semaphore, #tpu.memory_space<semaphore_mem>>) src(%dma_wait3A_118 : memref<10000x128xf32, #tpu.memory_space<hbm>>) dst(%dma_wait3A_112 : memref<128x128xf32, #tpu.memory_space<vmem>>)
      %add3A = arith.constant 1 : i32
      %add3A_121 = arith.addi %scan3A_107, %add3A : i32
      %lt3A = arith.constant 20 : i32
      %lt3A_122 = arith.cmpi slt, %add3A_121, %lt3A : i32
      %convert_element_type3A = arith.extui %lt3A_122 : i1 to i32
      %cond3A = arith.constant 0 : i32
      %cond3A_123 = arith.cmpi ne, %convert_element_type3A, %cond3A : i32
      scf.if %cond3A_123 {
        %add3A_125 = arith.constant 1 : i32
        %add3A_126 = arith.addi %scan3A_107, %add3A_125 : i32
        %sub3A = arith.constant 1 : i32
        %sub3A_127 = arith.subi %sub3A, %rem3A_108 : i32
        %sub3A_128 = arith.constant 1 : i32
        %sub3A_129 = arith.subi %sub3A_128, %rem3A_108 : i32
        %dma_start3A_130 = arith.constant 0 : i32
        %dma_start3A_131 = arith.constant 0 : i32
        %dma_start3A_132 = arith.constant 0 : i32
        %dma_start3A_133 = tpu.memref_slice %arg8[%sub3A_127, %dma_start3A_131, %dma_start3A_132] : memref<2x128x128xf32, #tpu.memory_space<vmem>> -> memref<1x128x128xf32, #tpu.memory_space<vmem>>
        %dma_start3A_134 = tpu.memref_squeeze %dma_start3A_133 : memref<1x128x128xf32, #tpu.memory_space<vmem>> -> memref<128x128xf32, #tpu.memory_space<vmem>>
        %dma_start3A_135 = arith.constant 0 : i32
        %dma_start3A_136 = tpu.memref_slice %arg7[%dma_start3A_130, %add3A_126, %dma_start3A_135] : memref<2x20x128xi32, #tpu.memory_space<vmem>> -> memref<1x1x128xi32, #tpu.memory_space<vmem>>
        %dma_start3A_137 = tpu.memref_squeeze %dma_start3A_136 : memref<1x1x128xi32, #tpu.memory_space<vmem>> -> memref<128xi32, #tpu.memory_space<vmem>>
        %dma_start3A_138 = arith.constant 0 : i32
        %dma_start3A_139 = arith.constant 0 : i32
        %dma_start3A_140 = tpu.memref_slice %arg2[%dma_start3A_138, %dma_start3A_139] : memref<10000x128xf32, #tpu.memory_space<hbm>> -> memref<10000x128xf32, #tpu.memory_space<hbm>>
        %dma_start3A_141 = tpu.memref_slice %arg10[%sub3A_129] : memref<2x!tpu.dma_semaphore, #tpu.memory_space<semaphore_mem>> -> memref<1x!tpu.dma_semaphore, #tpu.memory_space<semaphore_mem>>
        %dma_start3A_142 = tpu.memref_squeeze %dma_start3A_141 : memref<1x!tpu.dma_semaphore, #tpu.memory_space<semaphore_mem>> -> memref<!tpu.dma_semaphore, #tpu.memory_space<semaphore_mem>>
        tpu.enqueue_indirect_dma source(%dma_start3A_140 : memref<10000x128xf32, #tpu.memory_space<hbm>>) target(%dma_start3A_134 : memref<128x128xf32, #tpu.memory_space<vmem>>) offsets(%dma_start3A_137 : memref<128xi32, #tpu.memory_space<vmem>>) semaphore(%dma_start3A_142 : memref<!tpu.dma_semaphore, #tpu.memory_space<semaphore_mem>>)
      } else {
      }
      %run_scoped3A_124 = arith.constant 1 : i32
      "tpu.region"() ({
        %run_scoped3A_125 = tpu.sem_alloc : memref<!tpu.dma_semaphore, #tpu.memory_space<semaphore_mem>>
        %dma_start3A_126 = arith.constant 0 : i32
        %dma_start3A_127 = arith.constant 0 : i32
        %dma_start3A_128 = tpu.memref_slice %arg8[%rem3A_108, %dma_start3A_126, %dma_start3A_127] : memref<2x128x128xf32, #tpu.memory_space<vmem>> -> memref<1x128x128xf32, #tpu.memory_space<vmem>>
        %dma_start3A_129 = tpu.memref_squeeze %dma_start3A_128 : memref<1x128x128xf32, #tpu.memory_space<vmem>> -> memref<128x128xf32, #tpu.memory_space<vmem>>
        %dma_start3A_130 = arith.constant 0 : i32
        %dma_start3A_131 = tpu.memref_slice %arg7[%run_scoped3A_124, %scan3A_107, %dma_start3A_130] : memref<2x20x128xi32, #tpu.memory_space<vmem>> -> memref<1x1x128xi32, #tpu.memory_space<vmem>>
        %dma_start3A_132 = tpu.memref_squeeze %dma_start3A_131 : memref<1x1x128xi32, #tpu.memory_space<vmem>> -> memref<128xi32, #tpu.memory_space<vmem>>
        %dma_start3A_133 = arith.constant 0 : i32
        %dma_start3A_134 = arith.constant 0 : i32
        %dma_start3A_135 = tpu.memref_slice %arg9[%dma_start3A_133, %dma_start3A_134] : memref<10240x128xf32, #tpu.memory_space<vmem_shared>> -> memref<10240x128xf32, #tpu.memory_space<vmem_shared>>
        tpu.enqueue_indirect_dma source(%dma_start3A_129 : memref<128x128xf32, #tpu.memory_space<vmem>>) target(%dma_start3A_135 : memref<10240x128xf32, #tpu.memory_space<vmem_shared>>) offsets(%dma_start3A_132 : memref<128xi32, #tpu.memory_space<vmem>>) semaphore(%run_scoped3A_125 : memref<!tpu.dma_semaphore, #tpu.memory_space<semaphore_mem>>) {add = true}
        %dma_wait3A_136 = arith.constant 0 : i32
        %dma_wait3A_137 = arith.constant 0 : i32
        %dma_wait3A_138 = tpu.memref_slice %arg8[%rem3A_108, %dma_wait3A_136, %dma_wait3A_137] : memref<2x128x128xf32, #tpu.memory_space<vmem>> -> memref<1x128x128xf32, #tpu.memory_space<vmem>>
        %dma_wait3A_139 = tpu.memref_squeeze %dma_wait3A_138 : memref<1x128x128xf32, #tpu.memory_space<vmem>> -> memref<128x128xf32, #tpu.memory_space<vmem>>
        %dma_wait3A_140 = arith.constant 0 : i32
        %dma_wait3A_141 = tpu.memref_slice %arg7[%run_scoped3A_124, %scan3A_107, %dma_wait3A_140] : memref<2x20x128xi32, #tpu.memory_space<vmem>> -> memref<1x1x128xi32, #tpu.memory_space<vmem>>
        %dma_wait3A_142 = tpu.memref_squeeze %dma_wait3A_141 : memref<1x1x128xi32, #tpu.memory_space<vmem>> -> memref<128xi32, #tpu.memory_space<vmem>>
        %dma_wait3A_143 = arith.constant 0 : i32
        %dma_wait3A_144 = arith.constant 0 : i32
        %dma_wait3A_145 = tpu.memref_slice %arg9[%dma_wait3A_143, %dma_wait3A_144] : memref<10240x128xf32, #tpu.memory_space<vmem_shared>> -> memref<10240x128xf32, #tpu.memory_space<vmem_shared>>
        tpu.wait_indirect_dma semaphore(%run_scoped3A_125 : memref<!tpu.dma_semaphore, #tpu.memory_space<semaphore_mem>>) src(%dma_wait3A_139 : memref<128x128xf32, #tpu.memory_space<vmem>>) dst(%dma_wait3A_145 : memref<10240x128xf32, #tpu.memory_space<vmem_shared>>)
        tpu.yield
      }) : () -> ()
    }
    %scan3A_75 = arith.constant 20 : i32
    %run_scoped3A_76 = arith.constant 3 : i32
    %run_scoped3A_77 = arith.constant 0 : i32
    "tpu.region"() ({
      %run_scoped3A_107 = tpu.sem_alloc : memref<!tpu.dma_semaphore, #tpu.memory_space<semaphore_mem>>
      %dma_start3A_108 = arith.constant 0 : i32
      %dma_start3A_109 = arith.constant 0 : i32
      %dma_start3A_110 = tpu.memref_slice %arg7[%run_scoped3A_77, %dma_start3A_108, %dma_start3A_109] : memref<2x20x128xi32, #tpu.memory_space<vmem>> -> memref<1x20x128xi32, #tpu.memory_space<vmem>>
      %dma_start3A_111 = tpu.memref_squeeze %dma_start3A_110 : memref<1x20x128xi32, #tpu.memory_space<vmem>> -> memref<20x128xi32, #tpu.memory_space<vmem>>
      %dma_start3A_112 = arith.constant 0 : i32
      %dma_start3A_113 = arith.constant 0 : i32
      %dma_start3A_114 = tpu.memref_slice %arg3[%arg0, %arg1, %run_scoped3A_76, %dma_start3A_112, %dma_start3A_113] : memref<2x16x4x20x128xi32, #tpu.memory_space<hbm>> -> memref<1x1x1x20x128xi32, #tpu.memory_space<hbm>>
      %dma_start3A_115 = tpu.memref_squeeze %dma_start3A_114 : memref<1x1x1x20x128xi32, #tpu.memory_space<hbm>> -> memref<20x128xi32, #tpu.memory_space<hbm>>
      %dma_start3A_116 = arith.constant 0 : i32
      %dma_start3A_117 = arith.constant 0 : i32
      %dma_start3A_118 = tpu.memref_slice %arg7[%run_scoped3A_77, %dma_start3A_116, %dma_start3A_117] : memref<2x20x128xi32, #tpu.memory_space<vmem>> -> memref<1x20x128xi32, #tpu.memory_space<vmem>>
      %dma_start3A_119 = tpu.memref_squeeze %dma_start3A_118 : memref<1x20x128xi32, #tpu.memory_space<vmem>> -> memref<20x128xi32, #tpu.memory_space<vmem>>
      %dma_start3A_120 = arith.constant 0 : i32
      %dma_start3A_121 = arith.constant 0 : i32
      %dma_start3A_122 = tpu.memref_slice %arg3[%arg0, %arg1, %run_scoped3A_76, %dma_start3A_120, %dma_start3A_121] : memref<2x16x4x20x128xi32, #tpu.memory_space<hbm>> -> memref<1x1x1x20x128xi32, #tpu.memory_space<hbm>>
      %dma_start3A_123 = tpu.memref_squeeze %dma_start3A_122 : memref<1x1x1x20x128xi32, #tpu.memory_space<hbm>> -> memref<20x128xi32, #tpu.memory_space<hbm>>
      tpu.enqueue_dma source(%dma_start3A_123 : memref<20x128xi32, #tpu.memory_space<hbm>>) target(%dma_start3A_119 : memref<20x128xi32, #tpu.memory_space<vmem>>) target_semaphore(%run_scoped3A_107 : memref<!tpu.dma_semaphore, #tpu.memory_space<semaphore_mem>>)
      %dma_wait3A = arith.constant 0 : i32
      %dma_wait3A_124 = arith.constant 0 : i32
      %dma_wait3A_125 = tpu.memref_slice %arg7[%run_scoped3A_77, %dma_wait3A, %dma_wait3A_124] : memref<2x20x128xi32, #tpu.memory_space<vmem>> -> memref<1x20x128xi32, #tpu.memory_space<vmem>>
      %dma_wait3A_126 = tpu.memref_squeeze %dma_wait3A_125 : memref<1x20x128xi32, #tpu.memory_space<vmem>> -> memref<20x128xi32, #tpu.memory_space<vmem>>
      %dma_wait3A_127 = arith.constant 0 : i32
      %dma_wait3A_128 = arith.constant 0 : i32
      %dma_wait3A_129 = tpu.memref_slice %arg3[%arg0, %arg1, %run_scoped3A_76, %dma_wait3A_127, %dma_wait3A_128] : memref<2x16x4x20x128xi32, #tpu.memory_space<hbm>> -> memref<1x1x1x20x128xi32, #tpu.memory_space<hbm>>
      %dma_wait3A_130 = tpu.memref_squeeze %dma_wait3A_129 : memref<1x1x1x20x128xi32, #tpu.memory_space<hbm>> -> memref<20x128xi32, #tpu.memory_space<hbm>>
      %dma_wait3A_131 = arith.constant 0 : i32
      %dma_wait3A_132 = arith.constant 0 : i32
      %dma_wait3A_133 = tpu.memref_slice %arg7[%run_scoped3A_77, %dma_wait3A_131, %dma_wait3A_132] : memref<2x20x128xi32, #tpu.memory_space<vmem>> -> memref<1x20x128xi32, #tpu.memory_space<vmem>>
      %dma_wait3A_134 = tpu.memref_squeeze %dma_wait3A_133 : memref<1x20x128xi32, #tpu.memory_space<vmem>> -> memref<20x128xi32, #tpu.memory_space<vmem>>
      %dma_wait3A_135 = arith.constant 0 : i32
      %dma_wait3A_136 = arith.constant 0 : i32
      %dma_wait3A_137 = tpu.memref_slice %arg3[%arg0, %arg1, %run_scoped3A_76, %dma_wait3A_135, %dma_wait3A_136] : memref<2x16x4x20x128xi32, #tpu.memory_space<hbm>> -> memref<1x1x1x20x128xi32, #tpu.memory_space<hbm>>
      %dma_wait3A_138 = tpu.memref_squeeze %dma_wait3A_137 : memref<1x1x1x20x128xi32, #tpu.memory_space<hbm>> -> memref<20x128xi32, #tpu.memory_space<hbm>>
      tpu.wait_dma2 semaphore(%run_scoped3A_107 : memref<!tpu.dma_semaphore, #tpu.memory_space<semaphore_mem>>) src(%dma_wait3A_138 : memref<20x128xi32, #tpu.memory_space<hbm>>) dst(%dma_wait3A_134 : memref<20x128xi32, #tpu.memory_space<vmem>>)
      tpu.yield
    }) : () -> ()
    %run_scoped3A_78 = arith.constant 3 : i32
    %run_scoped3A_79 = arith.constant 1 : i32
    "tpu.region"() ({
      %run_scoped3A_107 = tpu.sem_alloc : memref<!tpu.dma_semaphore, #tpu.memory_space<semaphore_mem>>
      %dma_start3A_108 = arith.constant 0 : i32
      %dma_start3A_109 = arith.constant 0 : i32
      %dma_start3A_110 = tpu.memref_slice %arg7[%run_scoped3A_79, %dma_start3A_108, %dma_start3A_109] : memref<2x20x128xi32, #tpu.memory_space<vmem>> -> memref<1x20x128xi32, #tpu.memory_space<vmem>>
      %dma_start3A_111 = tpu.memref_squeeze %dma_start3A_110 : memref<1x20x128xi32, #tpu.memory_space<vmem>> -> memref<20x128xi32, #tpu.memory_space<vmem>>
      %dma_start3A_112 = arith.constant 0 : i32
      %dma_start3A_113 = arith.constant 0 : i32
      %dma_start3A_114 = tpu.memref_slice %arg4[%arg0, %arg1, %run_scoped3A_78, %dma_start3A_112, %dma_start3A_113] : memref<2x16x4x20x128xi32, #tpu.memory_space<hbm>> -> memref<1x1x1x20x128xi32, #tpu.memory_space<hbm>>
      %dma_start3A_115 = tpu.memref_squeeze %dma_start3A_114 : memref<1x1x1x20x128xi32, #tpu.memory_space<hbm>> -> memref<20x128xi32, #tpu.memory_space<hbm>>
      %dma_start3A_116 = arith.constant 0 : i32
      %dma_start3A_117 = arith.constant 0 : i32
      %dma_start3A_118 = tpu.memref_slice %arg7[%run_scoped3A_79, %dma_start3A_116, %dma_start3A_117] : memref<2x20x128xi32, #tpu.memory_space<vmem>> -> memref<1x20x128xi32, #tpu.memory_space<vmem>>
      %dma_start3A_119 = tpu.memref_squeeze %dma_start3A_118 : memref<1x20x128xi32, #tpu.memory_space<vmem>> -> memref<20x128xi32, #tpu.memory_space<vmem>>
      %dma_start3A_120 = arith.constant 0 : i32
      %dma_start3A_121 = arith.constant 0 : i32
      %dma_start3A_122 = tpu.memref_slice %arg4[%arg0, %arg1, %run_scoped3A_78, %dma_start3A_120, %dma_start3A_121] : memref<2x16x4x20x128xi32, #tpu.memory_space<hbm>> -> memref<1x1x1x20x128xi32, #tpu.memory_space<hbm>>
      %dma_start3A_123 = tpu.memref_squeeze %dma_start3A_122 : memref<1x1x1x20x128xi32, #tpu.memory_space<hbm>> -> memref<20x128xi32, #tpu.memory_space<hbm>>
      tpu.enqueue_dma source(%dma_start3A_123 : memref<20x128xi32, #tpu.memory_space<hbm>>) target(%dma_start3A_119 : memref<20x128xi32, #tpu.memory_space<vmem>>) target_semaphore(%run_scoped3A_107 : memref<!tpu.dma_semaphore, #tpu.memory_space<semaphore_mem>>)
      %dma_wait3A = arith.constant 0 : i32
      %dma_wait3A_124 = arith.constant 0 : i32
      %dma_wait3A_125 = tpu.memref_slice %arg7[%run_scoped3A_79, %dma_wait3A, %dma_wait3A_124] : memref<2x20x128xi32, #tpu.memory_space<vmem>> -> memref<1x20x128xi32, #tpu.memory_space<vmem>>
      %dma_wait3A_126 = tpu.memref_squeeze %dma_wait3A_125 : memref<1x20x128xi32, #tpu.memory_space<vmem>> -> memref<20x128xi32, #tpu.memory_space<vmem>>
      %dma_wait3A_127 = arith.constant 0 : i32
      %dma_wait3A_128 = arith.constant 0 : i32
      %dma_wait3A_129 = tpu.memref_slice %arg4[%arg0, %arg1, %run_scoped3A_78, %dma_wait3A_127, %dma_wait3A_128] : memref<2x16x4x20x128xi32, #tpu.memory_space<hbm>> -> memref<1x1x1x20x128xi32, #tpu.memory_space<hbm>>
      %dma_wait3A_130 = tpu.memref_squeeze %dma_wait3A_129 : memref<1x1x1x20x128xi32, #tpu.memory_space<hbm>> -> memref<20x128xi32, #tpu.memory_space<hbm>>
      %dma_wait3A_131 = arith.constant 0 : i32
      %dma_wait3A_132 = arith.constant 0 : i32
      %dma_wait3A_133 = tpu.memref_slice %arg7[%run_scoped3A_79, %dma_wait3A_131, %dma_wait3A_132] : memref<2x20x128xi32, #tpu.memory_space<vmem>> -> memref<1x20x128xi32, #tpu.memory_space<vmem>>
      %dma_wait3A_134 = tpu.memref_squeeze %dma_wait3A_133 : memref<1x20x128xi32, #tpu.memory_space<vmem>> -> memref<20x128xi32, #tpu.memory_space<vmem>>
      %dma_wait3A_135 = arith.constant 0 : i32
      %dma_wait3A_136 = arith.constant 0 : i32
      %dma_wait3A_137 = tpu.memref_slice %arg4[%arg0, %arg1, %run_scoped3A_78, %dma_wait3A_135, %dma_wait3A_136] : memref<2x16x4x20x128xi32, #tpu.memory_space<hbm>> -> memref<1x1x1x20x128xi32, #tpu.memory_space<hbm>>
      %dma_wait3A_138 = tpu.memref_squeeze %dma_wait3A_137 : memref<1x1x1x20x128xi32, #tpu.memory_space<hbm>> -> memref<20x128xi32, #tpu.memory_space<hbm>>
      tpu.wait_dma2 semaphore(%run_scoped3A_107 : memref<!tpu.dma_semaphore, #tpu.memory_space<semaphore_mem>>) src(%dma_wait3A_138 : memref<20x128xi32, #tpu.memory_space<hbm>>) dst(%dma_wait3A_134 : memref<20x128xi32, #tpu.memory_space<vmem>>)
      tpu.yield
    }) : () -> ()
    %dma_start3A_80 = arith.constant 0 : i32
    %dma_start3A_81 = arith.constant 0 : i32
    %dma_start3A_82 = arith.constant 0 : i32
    %dma_start3A_83 = arith.constant 0 : i32
    %dma_start3A_84 = arith.constant 0 : i32
    %dma_start3A_85 = arith.constant 0 : i32
    %dma_start3A_86 = tpu.memref_slice %arg8[%dma_start3A_82, %dma_start3A_84, %dma_start3A_85] : memref<2x128x128xf32, #tpu.memory_space<vmem>> -> memref<1x128x128xf32, #tpu.memory_space<vmem>>
    %dma_start3A_87 = tpu.memref_squeeze %dma_start3A_86 : memref<1x128x128xf32, #tpu.memory_space<vmem>> -> memref<128x128xf32, #tpu.memory_space<vmem>>
    %dma_start3A_88 = arith.constant 0 : i32
    %dma_start3A_89 = tpu.memref_slice %arg7[%dma_start3A_80, %dma_start3A_81, %dma_start3A_88] : memref<2x20x128xi32, #tpu.memory_space<vmem>> -> memref<1x1x128xi32, #tpu.memory_space<vmem>>
    %dma_start3A_90 = tpu.memref_squeeze %dma_start3A_89 : memref<1x1x128xi32, #tpu.memory_space<vmem>> -> memref<128xi32, #tpu.memory_space<vmem>>
    %dma_start3A_91 = arith.constant 0 : i32
    %dma_start3A_92 = arith.constant 0 : i32
    %dma_start3A_93 = tpu.memref_slice %arg2[%dma_start3A_91, %dma_start3A_92] : memref<10000x128xf32, #tpu.memory_space<hbm>> -> memref<10000x128xf32, #tpu.memory_space<hbm>>
    %dma_start3A_94 = tpu.memref_slice %arg10[%dma_start3A_83] : memref<2x!tpu.dma_semaphore, #tpu.memory_space<semaphore_mem>> -> memref<1x!tpu.dma_semaphore, #tpu.memory_space<semaphore_mem>>
    %dma_start3A_95 = tpu.memref_squeeze %dma_start3A_94 : memref<1x!tpu.dma_semaphore, #tpu.memory_space<semaphore_mem>> -> memref<!tpu.dma_semaphore, #tpu.memory_space<semaphore_mem>>
    tpu.enqueue_indirect_dma source(%dma_start3A_93 : memref<10000x128xf32, #tpu.memory_space<hbm>>) target(%dma_start3A_87 : memref<128x128xf32, #tpu.memory_space<vmem>>) offsets(%dma_start3A_90 : memref<128xi32, #tpu.memory_space<vmem>>) semaphore(%dma_start3A_95 : memref<!tpu.dma_semaphore, #tpu.memory_space<semaphore_mem>>)
    %scan3A_96 = arith.constant 0 : i32
    %scan3A_97 = arith.constant 0 : i32
    %scan3A_98 = arith.constant 20 : i32
    %scan3A_99 = arith.addi %scan3A_97, %scan3A_98 : i32
    %scan3A_100 = arith.constant 1 : i32
    scf.for %scan3A_107 = %scan3A_97 to %scan3A_99 step %scan3A_100  : i32 {
      %rem3A = arith.constant 2 : i32
      %rem3A_108 = arith.remsi %scan3A_107, %rem3A : i32
      %dma_wait3A = arith.constant 0 : i32
      %dma_wait3A_109 = arith.constant 0 : i32
      %dma_wait3A_110 = arith.constant 0 : i32
      %dma_wait3A_111 = tpu.memref_slice %arg8[%rem3A_108, %dma_wait3A_109, %dma_wait3A_110] : memref<2x128x128xf32, #tpu.memory_space<vmem>> -> memref<1x128x128xf32, #tpu.memory_space<vmem>>
      %dma_wait3A_112 = tpu.memref_squeeze %dma_wait3A_111 : memref<1x128x128xf32, #tpu.memory_space<vmem>> -> memref<128x128xf32, #tpu.memory_space<vmem>>
      %dma_wait3A_113 = arith.constant 0 : i32
      %dma_wait3A_114 = tpu.memref_slice %arg7[%dma_wait3A, %scan3A_107, %dma_wait3A_113] : memref<2x20x128xi32, #tpu.memory_space<vmem>> -> memref<1x1x128xi32, #tpu.memory_space<vmem>>
      %dma_wait3A_115 = tpu.memref_squeeze %dma_wait3A_114 : memref<1x1x128xi32, #tpu.memory_space<vmem>> -> memref<128xi32, #tpu.memory_space<vmem>>
      %dma_wait3A_116 = arith.constant 0 : i32
      %dma_wait3A_117 = arith.constant 0 : i32
      %dma_wait3A_118 = tpu.memref_slice %arg2[%dma_wait3A_116, %dma_wait3A_117] : memref<10000x128xf32, #tpu.memory_space<hbm>> -> memref<10000x128xf32, #tpu.memory_space<hbm>>
      %dma_wait3A_119 = tpu.memref_slice %arg10[%rem3A_108] : memref<2x!tpu.dma_semaphore, #tpu.memory_space<semaphore_mem>> -> memref<1x!tpu.dma_semaphore, #tpu.memory_space<semaphore_mem>>
      %dma_wait3A_120 = tpu.memref_squeeze %dma_wait3A_119 : memref<1x!tpu.dma_semaphore, #tpu.memory_space<semaphore_mem>> -> memref<!tpu.dma_semaphore, #tpu.memory_space<semaphore_mem>>
      tpu.wait_indirect_dma semaphore(%dma_wait3A_120 : memref<!tpu.dma_semaphore, #tpu.memory_space<semaphore_mem>>) src(%dma_wait3A_118 : memref<10000x128xf32, #tpu.memory_space<hbm>>) dst(%dma_wait3A_112 : memref<128x128xf32, #tpu.memory_space<vmem>>)
      %add3A = arith.constant 1 : i32
      %add3A_121 = arith.addi %scan3A_107, %add3A : i32
      %lt3A = arith.constant 20 : i32
      %lt3A_122 = arith.cmpi slt, %add3A_121, %lt3A : i32
      %convert_element_type3A = arith.extui %lt3A_122 : i1 to i32
      %cond3A = arith.constant 0 : i32
      %cond3A_123 = arith.cmpi ne, %convert_element_type3A, %cond3A : i32
      scf.if %cond3A_123 {
        %add3A_125 = arith.constant 1 : i32
        %add3A_126 = arith.addi %scan3A_107, %add3A_125 : i32
        %sub3A = arith.constant 1 : i32
        %sub3A_127 = arith.subi %sub3A, %rem3A_108 : i32
        %sub3A_128 = arith.constant 1 : i32
        %sub3A_129 = arith.subi %sub3A_128, %rem3A_108 : i32
        %dma_start3A_130 = arith.constant 0 : i32
        %dma_start3A_131 = arith.constant 0 : i32
        %dma_start3A_132 = arith.constant 0 : i32
        %dma_start3A_133 = tpu.memref_slice %arg8[%sub3A_127, %dma_start3A_131, %dma_start3A_132] : memref<2x128x128xf32, #tpu.memory_space<vmem>> -> memref<1x128x128xf32, #tpu.memory_space<vmem>>
        %dma_start3A_134 = tpu.memref_squeeze %dma_start3A_133 : memref<1x128x128xf32, #tpu.memory_space<vmem>> -> memref<128x128xf32, #tpu.memory_space<vmem>>
        %dma_start3A_135 = arith.constant 0 : i32
        %dma_start3A_136 = tpu.memref_slice %arg7[%dma_start3A_130, %add3A_126, %dma_start3A_135] : memref<2x20x128xi32, #tpu.memory_space<vmem>> -> memref<1x1x128xi32, #tpu.memory_space<vmem>>
        %dma_start3A_137 = tpu.memref_squeeze %dma_start3A_136 : memref<1x1x128xi32, #tpu.memory_space<vmem>> -> memref<128xi32, #tpu.memory_space<vmem>>
        %dma_start3A_138 = arith.constant 0 : i32
        %dma_start3A_139 = arith.constant 0 : i32
        %dma_start3A_140 = tpu.memref_slice %arg2[%dma_start3A_138, %dma_start3A_139] : memref<10000x128xf32, #tpu.memory_space<hbm>> -> memref<10000x128xf32, #tpu.memory_space<hbm>>
        %dma_start3A_141 = tpu.memref_slice %arg10[%sub3A_129] : memref<2x!tpu.dma_semaphore, #tpu.memory_space<semaphore_mem>> -> memref<1x!tpu.dma_semaphore, #tpu.memory_space<semaphore_mem>>
        %dma_start3A_142 = tpu.memref_squeeze %dma_start3A_141 : memref<1x!tpu.dma_semaphore, #tpu.memory_space<semaphore_mem>> -> memref<!tpu.dma_semaphore, #tpu.memory_space<semaphore_mem>>
        tpu.enqueue_indirect_dma source(%dma_start3A_140 : memref<10000x128xf32, #tpu.memory_space<hbm>>) target(%dma_start3A_134 : memref<128x128xf32, #tpu.memory_space<vmem>>) offsets(%dma_start3A_137 : memref<128xi32, #tpu.memory_space<vmem>>) semaphore(%dma_start3A_142 : memref<!tpu.dma_semaphore, #tpu.memory_space<semaphore_mem>>)
      } else {
      }
      %run_scoped3A_124 = arith.constant 1 : i32
      "tpu.region"() ({
        %run_scoped3A_125 = tpu.sem_alloc : memref<!tpu.dma_semaphore, #tpu.memory_space<semaphore_mem>>
        %dma_start3A_126 = arith.constant 0 : i32
        %dma_start3A_127 = arith.constant 0 : i32
        %dma_start3A_128 = tpu.memref_slice %arg8[%rem3A_108, %dma_start3A_126, %dma_start3A_127] : memref<2x128x128xf32, #tpu.memory_space<vmem>> -> memref<1x128x128xf32, #tpu.memory_space<vmem>>
        %dma_start3A_129 = tpu.memref_squeeze %dma_start3A_128 : memref<1x128x128xf32, #tpu.memory_space<vmem>> -> memref<128x128xf32, #tpu.memory_space<vmem>>
        %dma_start3A_130 = arith.constant 0 : i32
        %dma_start3A_131 = tpu.memref_slice %arg7[%run_scoped3A_124, %scan3A_107, %dma_start3A_130] : memref<2x20x128xi32, #tpu.memory_space<vmem>> -> memref<1x1x128xi32, #tpu.memory_space<vmem>>
        %dma_start3A_132 = tpu.memref_squeeze %dma_start3A_131 : memref<1x1x128xi32, #tpu.memory_space<vmem>> -> memref<128xi32, #tpu.memory_space<vmem>>
        %dma_start3A_133 = arith.constant 0 : i32
        %dma_start3A_134 = arith.constant 0 : i32
        %dma_start3A_135 = tpu.memref_slice %arg9[%dma_start3A_133, %dma_start3A_134] : memref<10240x128xf32, #tpu.memory_space<vmem_shared>> -> memref<10240x128xf32, #tpu.memory_space<vmem_shared>>
        tpu.enqueue_indirect_dma source(%dma_start3A_129 : memref<128x128xf32, #tpu.memory_space<vmem>>) target(%dma_start3A_135 : memref<10240x128xf32, #tpu.memory_space<vmem_shared>>) offsets(%dma_start3A_132 : memref<128xi32, #tpu.memory_space<vmem>>) semaphore(%run_scoped3A_125 : memref<!tpu.dma_semaphore, #tpu.memory_space<semaphore_mem>>) {add = true}
        %dma_wait3A_136 = arith.constant 0 : i32
        %dma_wait3A_137 = arith.constant 0 : i32
        %dma_wait3A_138 = tpu.memref_slice %arg8[%rem3A_108, %dma_wait3A_136, %dma_wait3A_137] : memref<2x128x128xf32, #tpu.memory_space<vmem>> -> memref<1x128x128xf32, #tpu.memory_space<vmem>>
        %dma_wait3A_139 = tpu.memref_squeeze %dma_wait3A_138 : memref<1x128x128xf32, #tpu.memory_space<vmem>> -> memref<128x128xf32, #tpu.memory_space<vmem>>
        %dma_wait3A_140 = arith.constant 0 : i32
        %dma_wait3A_141 = tpu.memref_slice %arg7[%run_scoped3A_124, %scan3A_107, %dma_wait3A_140] : memref<2x20x128xi32, #tpu.memory_space<vmem>> -> memref<1x1x128xi32, #tpu.memory_space<vmem>>
        %dma_wait3A_142 = tpu.memref_squeeze %dma_wait3A_141 : memref<1x1x128xi32, #tpu.memory_space<vmem>> -> memref<128xi32, #tpu.memory_space<vmem>>
        %dma_wait3A_143 = arith.constant 0 : i32
        %dma_wait3A_144 = arith.constant 0 : i32
        %dma_wait3A_145 = tpu.memref_slice %arg9[%dma_wait3A_143, %dma_wait3A_144] : memref<10240x128xf32, #tpu.memory_space<vmem_shared>> -> memref<10240x128xf32, #tpu.memory_space<vmem_shared>>
        tpu.wait_indirect_dma semaphore(%run_scoped3A_125 : memref<!tpu.dma_semaphore, #tpu.memory_space<semaphore_mem>>) src(%dma_wait3A_139 : memref<128x128xf32, #tpu.memory_space<vmem>>) dst(%dma_wait3A_145 : memref<10240x128xf32, #tpu.memory_space<vmem_shared>>)
        tpu.yield
      }) : () -> ()
    }
    %scan3A_101 = arith.constant 20 : i32
    %barrier3A_102 = arith.constant 0 : index
    tpu.barrier barrier_id(%barrier3A_102)
    %mul3A_103 = arith.constant 640 : i32
    %mul3A_104 = arith.muli %arg1, %mul3A_103 : i32
    %mul3A_105 = arith.constant 640 : i32
    %mul3A_106 = arith.muli %arg1, %mul3A_105 : i32
    "tpu.region"() ({
      %run_scoped3A_107 = tpu.sem_alloc : memref<!tpu.dma_semaphore, #tpu.memory_space<semaphore_mem>>
      %dma_start3A_108 = arith.constant 0 : i32
      %dma_start3A_109 = arith.constant 0 : i32
      %dma_start3A_110 = tpu.memref_slice %arg6[%arg0, %dma_start3A_108, %dma_start3A_109] : memref<2x10240x128xf32, #tpu.memory_space<hbm>> -> memref<1x10240x128xf32, #tpu.memory_space<hbm>>
      %dma_start3A_111 = tpu.memref_squeeze %dma_start3A_110 : memref<1x10240x128xf32, #tpu.memory_space<hbm>> -> memref<10240x128xf32, #tpu.memory_space<hbm>>
      %dma_start3A_112 = arith.constant 0 : i32
      %dma_start3A_113 = tpu.memref_slice %dma_start3A_111[%mul3A_106, %dma_start3A_112] : memref<10240x128xf32, #tpu.memory_space<hbm>> -> memref<640x128xf32, #tpu.memory_space<hbm>>
      %dma_start3A_114 = arith.constant 0 : i32
      %dma_start3A_115 = tpu.memref_slice %arg9[%mul3A_104, %dma_start3A_114] : memref<10240x128xf32, #tpu.memory_space<vmem_shared>> -> memref<640x128xf32, #tpu.memory_space<vmem_shared>>
      tpu.enqueue_dma source(%dma_start3A_115 : memref<640x128xf32, #tpu.memory_space<vmem_shared>>) target(%dma_start3A_113 : memref<640x128xf32, #tpu.memory_space<hbm>>) target_semaphore(%run_scoped3A_107 : memref<!tpu.dma_semaphore, #tpu.memory_space<semaphore_mem>>)
      %dma_wait3A = arith.constant 0 : i32
      %dma_wait3A_116 = arith.constant 0 : i32
      %dma_wait3A_117 = tpu.memref_slice %arg6[%arg0, %dma_wait3A, %dma_wait3A_116] : memref<2x10240x128xf32, #tpu.memory_space<hbm>> -> memref<1x10240x128xf32, #tpu.memory_space<hbm>>
      %dma_wait3A_118 = tpu.memref_squeeze %dma_wait3A_117 : memref<1x10240x128xf32, #tpu.memory_space<hbm>> -> memref<10240x128xf32, #tpu.memory_space<hbm>>
      %dma_wait3A_119 = arith.constant 0 : i32
      %dma_wait3A_120 = tpu.memref_slice %dma_wait3A_118[%mul3A_106, %dma_wait3A_119] : memref<10240x128xf32, #tpu.memory_space<hbm>> -> memref<640x128xf32, #tpu.memory_space<hbm>>
      %dma_wait3A_121 = arith.constant 0 : i32
      %dma_wait3A_122 = tpu.memref_slice %arg9[%mul3A_104, %dma_wait3A_121] : memref<10240x128xf32, #tpu.memory_space<vmem_shared>> -> memref<640x128xf32, #tpu.memory_space<vmem_shared>>
      tpu.wait_dma2 semaphore(%run_scoped3A_107 : memref<!tpu.dma_semaphore, #tpu.memory_space<semaphore_mem>>) src(%dma_wait3A_122 : memref<640x128xf32, #tpu.memory_space<vmem_shared>>) dst(%dma_wait3A_120 : memref<640x128xf32, #tpu.memory_space<hbm>>)
      tpu.yield
    }) : () -> ()
    return
  }
}

#map = affine_map<(d0, d1) -> (0, 0)>
#map1 = affine_map<(d0, d1) -> (0, 0, 0, 0, 0)>
#map2 = affine_map<(d0, d1) -> (0, 0, 0)>
module attributes {stable_mosaic.version = 14 : i64} {
  func.func @sc_agg(%arg0: i32, %arg1: i32, %arg2: memref<10000x128xf32, #tpu.memory_space<hbm>>, %arg3: memref<2x16x4x20x128xi32, #tpu.memory_space<hbm>>, %arg4: memref<2x16x4x20x128xi32, #tpu.memory_space<hbm>>, %arg5: memref<640x128xf32, #tpu.memory_space<hbm>>, %arg6: memref<2x10240x128xf32, #tpu.memory_space<hbm>>, %arg7: memref<2x20x128xi32, #tpu.memory_space<vmem>>, %arg8: memref<2x128x128xf32, #tpu.memory_space<vmem>>, %arg9: memref<10240x128xf32, #tpu.memory_space<vmem_shared>>, %arg10: memref<2x!tpu.dma_semaphore, #tpu.memory_space<semaphore_mem>>) attributes {dimension_semantics = [#tpu.dimension_semantics<core_parallel>, #tpu.dimension_semantics<subcore_parallel>], iteration_bounds = array<i64: 2, 16>, scalar_prefetch = 0 : i64, scratch_operands = 4 : i64, tpu.core_type = #tpu.core_type<sc_vector_subcore>, window_params = [{transform_indices = #map}, {transform_indices = #map1}, {transform_indices = #map1}, {transform_indices = #map}, {transform_indices = #map2}]} {
    %mul3A = arith.constant 640 : i32
    %mul3A_0 = arith.muli %arg1, %mul3A : i32
    "tpu.region"() ({
      %run_scoped3A_107 = tpu.sem_alloc : memref<!tpu.dma_semaphore, #tpu.memory_space<semaphore_mem>>
      %dma_start3A_108 = arith.constant 0 : i32
      %dma_start3A_109 = tpu.memref_slice %arg9[%mul3A_0, %dma_start3A_108] : memref<10240x128xf32, #tpu.memory_space<vmem_shared>> -> memref<640x128xf32, #tpu.memory_space<vmem_shared>>
      tpu.enqueue_dma source(%arg5 : memref<640x128xf32, #tpu.memory_space<hbm>>) target(%dma_start3A_109 : memref<640x128xf32, #tpu.memory_space<vmem_shared>>) target_semaphore(%run_scoped3A_107 : memref<!tpu.dma_semaphore, #tpu.memory_space<semaphore_mem>>)
      %dma_wait3A = arith.constant 0 : i32
      %dma_wait3A_110 = tpu.memref_slice %arg9[%mul3A_0, %dma_wait3A] : memref<10240x128xf32, #tpu.memory_space<vmem_shared>> -> memref<640x128xf32, #tpu.memory_space<vmem_shared>>
      tpu.wait_dma2 semaphore(%run_scoped3A_107 : memref<!tpu.dma_semaphore, #tpu.memory_space<semaphore_mem>>) src(%arg5 : memref<640x128xf32, #tpu.memory_space<hbm>>) dst(%dma_wait3A_110 : memref<640x128xf32, #tpu.memory_space<vmem_shared>>)
      tpu.yield
    }) : () -> ()
    %barrier3A = arith.constant 0 : index
    tpu.barrier barrier_id(%barrier3A)
    %run_scoped3A = arith.constant 0 : i32
    %run_scoped3A_1 = arith.constant 0 : i32
    "tpu.region"() ({
      %run_scoped3A_107 = tpu.sem_alloc : memref<!tpu.dma_semaphore, #tpu.memory_space<semaphore_mem>>
      %dma_start3A_108 = arith.constant 0 : i32
      %dma_start3A_109 = arith.constant 0 : i32
      %dma_start3A_110 = tpu.memref_slice %arg7[%run_scoped3A_1, %dma_start3A_108, %dma_start3A_109] : memref<2x20x128xi32, #tpu.memory_space<vmem>> -> memref<1x20x128xi32, #tpu.memory_space<vmem>>
      %dma_start3A_111 = tpu.memref_squeeze %dma_start3A_110 : memref<1x20x128xi32, #tpu.memory_space<vmem>> -> memref<20x128xi32, #tpu.memory_space<vmem>>
      %dma_start3A_112 = arith.constant 0 : i32
      %dma_start3A_113 = arith.constant 0 : i32
      %dma_start3A_114 = tpu.memref_slice %arg3[%arg0, %arg1, %run_scoped3A, %dma_start3A_112, %dma_start3A_113] : memref<2x16x4x20x128xi32, #tpu.memory_space<hbm>> -> memref<1x1x1x20x128xi32, #tpu.memory_space<hbm>>
      %dma_start3A_115 = tpu.memref_squeeze %dma_start3A_114 : memref<1x1x1x20x128xi32, #tpu.memory_space<hbm>> -> memref<20x128xi32, #tpu.memory_space<hbm>>
      %dma_start3A_116 = arith.constant 0 : i32
      %dma_start3A_117 = arith.constant 0 : i32
      %dma_start3A_118 = tpu.memref_slice %arg7[%run_scoped3A_1, %dma_start3A_116, %dma_start3A_117] : memref<2x20x128xi32, #tpu.memory_space<vmem>> -> memref<1x20x128xi32, #tpu.memory_space<vmem>>
      %dma_start3A_119 = tpu.memref_squeeze %dma_start3A_118 : memref<1x20x128xi32, #tpu.memory_space<vmem>> -> memref<20x128xi32, #tpu.memory_space<vmem>>
      %dma_start3A_120 = arith.constant 0 : i32
      %dma_start3A_121 = arith.constant 0 : i32
      %dma_start3A_122 = tpu.memref_slice %arg3[%arg0, %arg1, %run_scoped3A, %dma_start3A_120, %dma_start3A_121] : memref<2x16x4x20x128xi32, #tpu.memory_space<hbm>> -> memref<1x1x1x20x128xi32, #tpu.memory_space<hbm>>
      %dma_start3A_123 = tpu.memref_squeeze %dma_start3A_122 : memref<1x1x1x20x128xi32, #tpu.memory_space<hbm>> -> memref<20x128xi32, #tpu.memory_space<hbm>>
      tpu.enqueue_dma source(%dma_start3A_123 : memref<20x128xi32, #tpu.memory_space<hbm>>) target(%dma_start3A_119 : memref<20x128xi32, #tpu.memory_space<vmem>>) target_semaphore(%run_scoped3A_107 : memref<!tpu.dma_semaphore, #tpu.memory_space<semaphore_mem>>)
      %dma_wait3A = arith.constant 0 : i32
      %dma_wait3A_124 = arith.constant 0 : i32
      %dma_wait3A_125 = tpu.memref_slice %arg7[%run_scoped3A_1, %dma_wait3A, %dma_wait3A_124] : memref<2x20x128xi32, #tpu.memory_space<vmem>> -> memref<1x20x128xi32, #tpu.memory_space<vmem>>
      %dma_wait3A_126 = tpu.memref_squeeze %dma_wait3A_125 : memref<1x20x128xi32, #tpu.memory_space<vmem>> -> memref<20x128xi32, #tpu.memory_space<vmem>>
      %dma_wait3A_127 = arith.constant 0 : i32
      %dma_wait3A_128 = arith.constant 0 : i32
      %dma_wait3A_129 = tpu.memref_slice %arg3[%arg0, %arg1, %run_scoped3A, %dma_wait3A_127, %dma_wait3A_128] : memref<2x16x4x20x128xi32, #tpu.memory_space<hbm>> -> memref<1x1x1x20x128xi32, #tpu.memory_space<hbm>>
      %dma_wait3A_130 = tpu.memref_squeeze %dma_wait3A_129 : memref<1x1x1x20x128xi32, #tpu.memory_space<hbm>> -> memref<20x128xi32, #tpu.memory_space<hbm>>
      %dma_wait3A_131 = arith.constant 0 : i32
      %dma_wait3A_132 = arith.constant 0 : i32
      %dma_wait3A_133 = tpu.memref_slice %arg7[%run_scoped3A_1, %dma_wait3A_131, %dma_wait3A_132] : memref<2x20x128xi32, #tpu.memory_space<vmem>> -> memref<1x20x128xi32, #tpu.memory_space<vmem>>
      %dma_wait3A_134 = tpu.memref_squeeze %dma_wait3A_133 : memref<1x20x128xi32, #tpu.memory_space<vmem>> -> memref<20x128xi32, #tpu.memory_space<vmem>>
      %dma_wait3A_135 = arith.constant 0 : i32
      %dma_wait3A_136 = arith.constant 0 : i32
      %dma_wait3A_137 = tpu.memref_slice %arg3[%arg0, %arg1, %run_scoped3A, %dma_wait3A_135, %dma_wait3A_136] : memref<2x16x4x20x128xi32, #tpu.memory_space<hbm>> -> memref<1x1x1x20x128xi32, #tpu.memory_space<hbm>>
      %dma_wait3A_138 = tpu.memref_squeeze %dma_wait3A_137 : memref<1x1x1x20x128xi32, #tpu.memory_space<hbm>> -> memref<20x128xi32, #tpu.memory_space<hbm>>
      tpu.wait_dma2 semaphore(%run_scoped3A_107 : memref<!tpu.dma_semaphore, #tpu.memory_space<semaphore_mem>>) src(%dma_wait3A_138 : memref<20x128xi32, #tpu.memory_space<hbm>>) dst(%dma_wait3A_134 : memref<20x128xi32, #tpu.memory_space<vmem>>)
      tpu.yield
    }) : () -> ()
    %run_scoped3A_2 = arith.constant 0 : i32
    %run_scoped3A_3 = arith.constant 1 : i32
    "tpu.region"() ({
      %run_scoped3A_107 = tpu.sem_alloc : memref<!tpu.dma_semaphore, #tpu.memory_space<semaphore_mem>>
      %dma_start3A_108 = arith.constant 0 : i32
      %dma_start3A_109 = arith.constant 0 : i32
      %dma_start3A_110 = tpu.memref_slice %arg7[%run_scoped3A_3, %dma_start3A_108, %dma_start3A_109] : memref<2x20x128xi32, #tpu.memory_space<vmem>> -> memref<1x20x128xi32, #tpu.memory_space<vmem>>
      %dma_start3A_111 = tpu.memref_squeeze %dma_start3A_110 : memref<1x20x128xi32, #tpu.memory_space<vmem>> -> memref<20x128xi32, #tpu.memory_space<vmem>>
      %dma_start3A_112 = arith.constant 0 : i32
      %dma_start3A_113 = arith.constant 0 : i32
      %dma_start3A_114 = tpu.memref_slice %arg4[%arg0, %arg1, %run_scoped3A_2, %dma_start3A_112, %dma_start3A_113] : memref<2x16x4x20x128xi32, #tpu.memory_space<hbm>> -> memref<1x1x1x20x128xi32, #tpu.memory_space<hbm>>
      %dma_start3A_115 = tpu.memref_squeeze %dma_start3A_114 : memref<1x1x1x20x128xi32, #tpu.memory_space<hbm>> -> memref<20x128xi32, #tpu.memory_space<hbm>>
      %dma_start3A_116 = arith.constant 0 : i32
      %dma_start3A_117 = arith.constant 0 : i32
      %dma_start3A_118 = tpu.memref_slice %arg7[%run_scoped3A_3, %dma_start3A_116, %dma_start3A_117] : memref<2x20x128xi32, #tpu.memory_space<vmem>> -> memref<1x20x128xi32, #tpu.memory_space<vmem>>
      %dma_start3A_119 = tpu.memref_squeeze %dma_start3A_118 : memref<1x20x128xi32, #tpu.memory_space<vmem>> -> memref<20x128xi32, #tpu.memory_space<vmem>>
      %dma_start3A_120 = arith.constant 0 : i32
      %dma_start3A_121 = arith.constant 0 : i32
      %dma_start3A_122 = tpu.memref_slice %arg4[%arg0, %arg1, %run_scoped3A_2, %dma_start3A_120, %dma_start3A_121] : memref<2x16x4x20x128xi32, #tpu.memory_space<hbm>> -> memref<1x1x1x20x128xi32, #tpu.memory_space<hbm>>
      %dma_start3A_123 = tpu.memref_squeeze %dma_start3A_122 : memref<1x1x1x20x128xi32, #tpu.memory_space<hbm>> -> memref<20x128xi32, #tpu.memory_space<hbm>>
      tpu.enqueue_dma source(%dma_start3A_123 : memref<20x128xi32, #tpu.memory_space<hbm>>) target(%dma_start3A_119 : memref<20x128xi32, #tpu.memory_space<vmem>>) target_semaphore(%run_scoped3A_107 : memref<!tpu.dma_semaphore, #tpu.memory_space<semaphore_mem>>)
      %dma_wait3A = arith.constant 0 : i32
      %dma_wait3A_124 = arith.constant 0 : i32
      %dma_wait3A_125 = tpu.memref_slice %arg7[%run_scoped3A_3, %dma_wait3A, %dma_wait3A_124] : memref<2x20x128xi32, #tpu.memory_space<vmem>> -> memref<1x20x128xi32, #tpu.memory_space<vmem>>
      %dma_wait3A_126 = tpu.memref_squeeze %dma_wait3A_125 : memref<1x20x128xi32, #tpu.memory_space<vmem>> -> memref<20x128xi32, #tpu.memory_space<vmem>>
      %dma_wait3A_127 = arith.constant 0 : i32
      %dma_wait3A_128 = arith.constant 0 : i32
      %dma_wait3A_129 = tpu.memref_slice %arg4[%arg0, %arg1, %run_scoped3A_2, %dma_wait3A_127, %dma_wait3A_128] : memref<2x16x4x20x128xi32, #tpu.memory_space<hbm>> -> memref<1x1x1x20x128xi32, #tpu.memory_space<hbm>>
      %dma_wait3A_130 = tpu.memref_squeeze %dma_wait3A_129 : memref<1x1x1x20x128xi32, #tpu.memory_space<hbm>> -> memref<20x128xi32, #tpu.memory_space<hbm>>
      %dma_wait3A_131 = arith.constant 0 : i32
      %dma_wait3A_132 = arith.constant 0 : i32
      %dma_wait3A_133 = tpu.memref_slice %arg7[%run_scoped3A_3, %dma_wait3A_131, %dma_wait3A_132] : memref<2x20x128xi32, #tpu.memory_space<vmem>> -> memref<1x20x128xi32, #tpu.memory_space<vmem>>
      %dma_wait3A_134 = tpu.memref_squeeze %dma_wait3A_133 : memref<1x20x128xi32, #tpu.memory_space<vmem>> -> memref<20x128xi32, #tpu.memory_space<vmem>>
      %dma_wait3A_135 = arith.constant 0 : i32
      %dma_wait3A_136 = arith.constant 0 : i32
      %dma_wait3A_137 = tpu.memref_slice %arg4[%arg0, %arg1, %run_scoped3A_2, %dma_wait3A_135, %dma_wait3A_136] : memref<2x16x4x20x128xi32, #tpu.memory_space<hbm>> -> memref<1x1x1x20x128xi32, #tpu.memory_space<hbm>>
      %dma_wait3A_138 = tpu.memref_squeeze %dma_wait3A_137 : memref<1x1x1x20x128xi32, #tpu.memory_space<hbm>> -> memref<20x128xi32, #tpu.memory_space<hbm>>
      tpu.wait_dma2 semaphore(%run_scoped3A_107 : memref<!tpu.dma_semaphore, #tpu.memory_space<semaphore_mem>>) src(%dma_wait3A_138 : memref<20x128xi32, #tpu.memory_space<hbm>>) dst(%dma_wait3A_134 : memref<20x128xi32, #tpu.memory_space<vmem>>)
      tpu.yield
    }) : () -> ()
    %dma_start3A = arith.constant 0 : i32
    %dma_start3A_4 = arith.constant 0 : i32
    %dma_start3A_5 = arith.constant 0 : i32
    %dma_start3A_6 = arith.constant 0 : i32
    %dma_start3A_7 = arith.constant 0 : i32
    %dma_start3A_8 = arith.constant 0 : i32
    %dma_start3A_9 = tpu.memref_slice %arg8[%dma_start3A_5, %dma_start3A_7, %dma_start3A_8] : memref<2x128x128xf32, #tpu.memory_space<vmem>> -> memref<1x128x128xf32, #tpu.memory_space<vmem>>
    %dma_start3A_10 = tpu.memref_squeeze %dma_start3A_9 : memref<1x128x128xf32, #tpu.memory_space<vmem>> -> memref<128x128xf32, #tpu.memory_space<vmem>>
    %dma_start3A_11 = arith.constant 0 : i32
    %dma_start3A_12 = tpu.memref_slice %arg7[%dma_start3A, %dma_start3A_4, %dma_start3A_11] : memref<2x20x128xi32, #tpu.memory_space<vmem>> -> memref<1x1x128xi32, #tpu.memory_space<vmem>>
    %dma_start3A_13 = tpu.memref_squeeze %dma_start3A_12 : memref<1x1x128xi32, #tpu.memory_space<vmem>> -> memref<128xi32, #tpu.memory_space<vmem>>
    %dma_start3A_14 = arith.constant 0 : i32
    %dma_start3A_15 = arith.constant 0 : i32
    %dma_start3A_16 = tpu.memref_slice %arg2[%dma_start3A_14, %dma_start3A_15] : memref<10000x128xf32, #tpu.memory_space<hbm>> -> memref<10000x128xf32, #tpu.memory_space<hbm>>
    %dma_start3A_17 = tpu.memref_slice %arg10[%dma_start3A_6] : memref<2x!tpu.dma_semaphore, #tpu.memory_space<semaphore_mem>> -> memref<1x!tpu.dma_semaphore, #tpu.memory_space<semaphore_mem>>
    %dma_start3A_18 = tpu.memref_squeeze %dma_start3A_17 : memref<1x!tpu.dma_semaphore, #tpu.memory_space<semaphore_mem>> -> memref<!tpu.dma_semaphore, #tpu.memory_space<semaphore_mem>>
    tpu.enqueue_indirect_dma source(%dma_start3A_16 : memref<10000x128xf32, #tpu.memory_space<hbm>>) target(%dma_start3A_10 : memref<128x128xf32, #tpu.memory_space<vmem>>) offsets(%dma_start3A_13 : memref<128xi32, #tpu.memory_space<vmem>>) semaphore(%dma_start3A_18 : memref<!tpu.dma_semaphore, #tpu.memory_space<semaphore_mem>>)
    %scan3A = arith.constant 0 : i32
    %scan3A_19 = arith.constant 0 : i32
    %scan3A_20 = arith.constant 20 : i32
    %scan3A_21 = arith.addi %scan3A_19, %scan3A_20 : i32
    %scan3A_22 = arith.constant 1 : i32
    scf.for %scan3A_107 = %scan3A_19 to %scan3A_21 step %scan3A_22  : i32 {
      %rem3A = arith.constant 2 : i32
      %rem3A_108 = arith.remsi %scan3A_107, %rem3A : i32
      %dma_wait3A = arith.constant 0 : i32
      %dma_wait3A_109 = arith.constant 0 : i32
      %dma_wait3A_110 = arith.constant 0 : i32
      %dma_wait3A_111 = tpu.memref_slice %arg8[%rem3A_108, %dma_wait3A_109, %dma_wait3A_110] : memref<2x128x128xf32, #tpu.memory_space<vmem>> -> memref<1x128x128xf32, #tpu.memory_space<vmem>>
      %dma_wait3A_112 = tpu.memref_squeeze %dma_wait3A_111 : memref<1x128x128xf32, #tpu.memory_space<vmem>> -> memref<128x128xf32, #tpu.memory_space<vmem>>
      %dma_wait3A_113 = arith.constant 0 : i32
      %dma_wait3A_114 = tpu.memref_slice %arg7[%dma_wait3A, %scan3A_107, %dma_wait3A_113] : memref<2x20x128xi32, #tpu.memory_space<vmem>> -> memref<1x1x128xi32, #tpu.memory_space<vmem>>
      %dma_wait3A_115 = tpu.memref_squeeze %dma_wait3A_114 : memref<1x1x128xi32, #tpu.memory_space<vmem>> -> memref<128xi32, #tpu.memory_space<vmem>>
      %dma_wait3A_116 = arith.constant 0 : i32
      %dma_wait3A_117 = arith.constant 0 : i32
      %dma_wait3A_118 = tpu.memref_slice %arg2[%dma_wait3A_116, %dma_wait3A_117] : memref<10000x128xf32, #tpu.memory_space<hbm>> -> memref<10000x128xf32, #tpu.memory_space<hbm>>
      %dma_wait3A_119 = tpu.memref_slice %arg10[%rem3A_108] : memref<2x!tpu.dma_semaphore, #tpu.memory_space<semaphore_mem>> -> memref<1x!tpu.dma_semaphore, #tpu.memory_space<semaphore_mem>>
      %dma_wait3A_120 = tpu.memref_squeeze %dma_wait3A_119 : memref<1x!tpu.dma_semaphore, #tpu.memory_space<semaphore_mem>> -> memref<!tpu.dma_semaphore, #tpu.memory_space<semaphore_mem>>
      tpu.wait_indirect_dma semaphore(%dma_wait3A_120 : memref<!tpu.dma_semaphore, #tpu.memory_space<semaphore_mem>>) src(%dma_wait3A_118 : memref<10000x128xf32, #tpu.memory_space<hbm>>) dst(%dma_wait3A_112 : memref<128x128xf32, #tpu.memory_space<vmem>>)
      %add3A = arith.constant 1 : i32
      %add3A_121 = arith.addi %scan3A_107, %add3A : i32
      %lt3A = arith.constant 20 : i32
      %lt3A_122 = arith.cmpi slt, %add3A_121, %lt3A : i32
      %convert_element_type3A = arith.extui %lt3A_122 : i1 to i32
      %cond3A = arith.constant 0 : i32
      %cond3A_123 = arith.cmpi ne, %convert_element_type3A, %cond3A : i32
      scf.if %cond3A_123 {
        %add3A_125 = arith.constant 1 : i32
        %add3A_126 = arith.addi %scan3A_107, %add3A_125 : i32
        %sub3A = arith.constant 1 : i32
        %sub3A_127 = arith.subi %sub3A, %rem3A_108 : i32
        %sub3A_128 = arith.constant 1 : i32
        %sub3A_129 = arith.subi %sub3A_128, %rem3A_108 : i32
        %dma_start3A_130 = arith.constant 0 : i32
        %dma_start3A_131 = arith.constant 0 : i32
        %dma_start3A_132 = arith.constant 0 : i32
        %dma_start3A_133 = tpu.memref_slice %arg8[%sub3A_127, %dma_start3A_131, %dma_start3A_132] : memref<2x128x128xf32, #tpu.memory_space<vmem>> -> memref<1x128x128xf32, #tpu.memory_space<vmem>>
        %dma_start3A_134 = tpu.memref_squeeze %dma_start3A_133 : memref<1x128x128xf32, #tpu.memory_space<vmem>> -> memref<128x128xf32, #tpu.memory_space<vmem>>
        %dma_start3A_135 = arith.constant 0 : i32
        %dma_start3A_136 = tpu.memref_slice %arg7[%dma_start3A_130, %add3A_126, %dma_start3A_135] : memref<2x20x128xi32, #tpu.memory_space<vmem>> -> memref<1x1x128xi32, #tpu.memory_space<vmem>>
        %dma_start3A_137 = tpu.memref_squeeze %dma_start3A_136 : memref<1x1x128xi32, #tpu.memory_space<vmem>> -> memref<128xi32, #tpu.memory_space<vmem>>
        %dma_start3A_138 = arith.constant 0 : i32
        %dma_start3A_139 = arith.constant 0 : i32
        %dma_start3A_140 = tpu.memref_slice %arg2[%dma_start3A_138, %dma_start3A_139] : memref<10000x128xf32, #tpu.memory_space<hbm>> -> memref<10000x128xf32, #tpu.memory_space<hbm>>
        %dma_start3A_141 = tpu.memref_slice %arg10[%sub3A_129] : memref<2x!tpu.dma_semaphore, #tpu.memory_space<semaphore_mem>> -> memref<1x!tpu.dma_semaphore, #tpu.memory_space<semaphore_mem>>
        %dma_start3A_142 = tpu.memref_squeeze %dma_start3A_141 : memref<1x!tpu.dma_semaphore, #tpu.memory_space<semaphore_mem>> -> memref<!tpu.dma_semaphore, #tpu.memory_space<semaphore_mem>>
        tpu.enqueue_indirect_dma source(%dma_start3A_140 : memref<10000x128xf32, #tpu.memory_space<hbm>>) target(%dma_start3A_134 : memref<128x128xf32, #tpu.memory_space<vmem>>) offsets(%dma_start3A_137 : memref<128xi32, #tpu.memory_space<vmem>>) semaphore(%dma_start3A_142 : memref<!tpu.dma_semaphore, #tpu.memory_space<semaphore_mem>>)
      } else {
      }
      %run_scoped3A_124 = arith.constant 1 : i32
      "tpu.region"() ({
        %run_scoped3A_125 = tpu.sem_alloc : memref<!tpu.dma_semaphore, #tpu.memory_space<semaphore_mem>>
        %dma_start3A_126 = arith.constant 0 : i32
        %dma_start3A_127 = arith.constant 0 : i32
        %dma_start3A_128 = tpu.memref_slice %arg8[%rem3A_108, %dma_start3A_126, %dma_start3A_127] : memref<2x128x128xf32, #tpu.memory_space<vmem>> -> memref<1x128x128xf32, #tpu.memory_space<vmem>>
        %dma_start3A_129 = tpu.memref_squeeze %dma_start3A_128 : memref<1x128x128xf32, #tpu.memory_space<vmem>> -> memref<128x128xf32, #tpu.memory_space<vmem>>
        %dma_start3A_130 = arith.constant 0 : i32
        %dma_start3A_131 = tpu.memref_slice %arg7[%run_scoped3A_124, %scan3A_107, %dma_start3A_130] : memref<2x20x128xi32, #tpu.memory_space<vmem>> -> memref<1x1x128xi32, #tpu.memory_space<vmem>>
        %dma_start3A_132 = tpu.memref_squeeze %dma_start3A_131 : memref<1x1x128xi32, #tpu.memory_space<vmem>> -> memref<128xi32, #tpu.memory_space<vmem>>
        %dma_start3A_133 = arith.constant 0 : i32
        %dma_start3A_134 = arith.constant 0 : i32
        %dma_start3A_135 = tpu.memref_slice %arg9[%dma_start3A_133, %dma_start3A_134] : memref<10240x128xf32, #tpu.memory_space<vmem_shared>> -> memref<10240x128xf32, #tpu.memory_space<vmem_shared>>
        tpu.enqueue_indirect_dma source(%dma_start3A_129 : memref<128x128xf32, #tpu.memory_space<vmem>>) target(%dma_start3A_135 : memref<10240x128xf32, #tpu.memory_space<vmem_shared>>) offsets(%dma_start3A_132 : memref<128xi32, #tpu.memory_space<vmem>>) semaphore(%run_scoped3A_125 : memref<!tpu.dma_semaphore, #tpu.memory_space<semaphore_mem>>) {add = true}
        %dma_wait3A_136 = arith.constant 0 : i32
        %dma_wait3A_137 = arith.constant 0 : i32
        %dma_wait3A_138 = tpu.memref_slice %arg8[%rem3A_108, %dma_wait3A_136, %dma_wait3A_137] : memref<2x128x128xf32, #tpu.memory_space<vmem>> -> memref<1x128x128xf32, #tpu.memory_space<vmem>>
        %dma_wait3A_139 = tpu.memref_squeeze %dma_wait3A_138 : memref<1x128x128xf32, #tpu.memory_space<vmem>> -> memref<128x128xf32, #tpu.memory_space<vmem>>
        %dma_wait3A_140 = arith.constant 0 : i32
        %dma_wait3A_141 = tpu.memref_slice %arg7[%run_scoped3A_124, %scan3A_107, %dma_wait3A_140] : memref<2x20x128xi32, #tpu.memory_space<vmem>> -> memref<1x1x128xi32, #tpu.memory_space<vmem>>
        %dma_wait3A_142 = tpu.memref_squeeze %dma_wait3A_141 : memref<1x1x128xi32, #tpu.memory_space<vmem>> -> memref<128xi32, #tpu.memory_space<vmem>>
        %dma_wait3A_143 = arith.constant 0 : i32
        %dma_wait3A_144 = arith.constant 0 : i32
        %dma_wait3A_145 = tpu.memref_slice %arg9[%dma_wait3A_143, %dma_wait3A_144] : memref<10240x128xf32, #tpu.memory_space<vmem_shared>> -> memref<10240x128xf32, #tpu.memory_space<vmem_shared>>
        tpu.wait_indirect_dma semaphore(%run_scoped3A_125 : memref<!tpu.dma_semaphore, #tpu.memory_space<semaphore_mem>>) src(%dma_wait3A_139 : memref<128x128xf32, #tpu.memory_space<vmem>>) dst(%dma_wait3A_145 : memref<10240x128xf32, #tpu.memory_space<vmem_shared>>)
        tpu.yield
      }) : () -> ()
    }
    %scan3A_23 = arith.constant 20 : i32
    %run_scoped3A_24 = arith.constant 1 : i32
    %run_scoped3A_25 = arith.constant 0 : i32
    "tpu.region"() ({
      %run_scoped3A_107 = tpu.sem_alloc : memref<!tpu.dma_semaphore, #tpu.memory_space<semaphore_mem>>
      %dma_start3A_108 = arith.constant 0 : i32
      %dma_start3A_109 = arith.constant 0 : i32
      %dma_start3A_110 = tpu.memref_slice %arg7[%run_scoped3A_25, %dma_start3A_108, %dma_start3A_109] : memref<2x20x128xi32, #tpu.memory_space<vmem>> -> memref<1x20x128xi32, #tpu.memory_space<vmem>>
      %dma_start3A_111 = tpu.memref_squeeze %dma_start3A_110 : memref<1x20x128xi32, #tpu.memory_space<vmem>> -> memref<20x128xi32, #tpu.memory_space<vmem>>
      %dma_start3A_112 = arith.constant 0 : i32
      %dma_start3A_113 = arith.constant 0 : i32
      %dma_start3A_114 = tpu.memref_slice %arg3[%arg0, %arg1, %run_scoped3A_24, %dma_start3A_112, %dma_start3A_113] : memref<2x16x4x20x128xi32, #tpu.memory_space<hbm>> -> memref<1x1x1x20x128xi32, #tpu.memory_space<hbm>>
      %dma_start3A_115 = tpu.memref_squeeze %dma_start3A_114 : memref<1x1x1x20x128xi32, #tpu.memory_space<hbm>> -> memref<20x128xi32, #tpu.memory_space<hbm>>
      %dma_start3A_116 = arith.constant 0 : i32
      %dma_start3A_117 = arith.constant 0 : i32
      %dma_start3A_118 = tpu.memref_slice %arg7[%run_scoped3A_25, %dma_start3A_116, %dma_start3A_117] : memref<2x20x128xi32, #tpu.memory_space<vmem>> -> memref<1x20x128xi32, #tpu.memory_space<vmem>>
      %dma_start3A_119 = tpu.memref_squeeze %dma_start3A_118 : memref<1x20x128xi32, #tpu.memory_space<vmem>> -> memref<20x128xi32, #tpu.memory_space<vmem>>
      %dma_start3A_120 = arith.constant 0 : i32
      %dma_start3A_121 = arith.constant 0 : i32
      %dma_start3A_122 = tpu.memref_slice %arg3[%arg0, %arg1, %run_scoped3A_24, %dma_start3A_120, %dma_start3A_121] : memref<2x16x4x20x128xi32, #tpu.memory_space<hbm>> -> memref<1x1x1x20x128xi32, #tpu.memory_space<hbm>>
      %dma_start3A_123 = tpu.memref_squeeze %dma_start3A_122 : memref<1x1x1x20x128xi32, #tpu.memory_space<hbm>> -> memref<20x128xi32, #tpu.memory_space<hbm>>
      tpu.enqueue_dma source(%dma_start3A_123 : memref<20x128xi32, #tpu.memory_space<hbm>>) target(%dma_start3A_119 : memref<20x128xi32, #tpu.memory_space<vmem>>) target_semaphore(%run_scoped3A_107 : memref<!tpu.dma_semaphore, #tpu.memory_space<semaphore_mem>>)
      %dma_wait3A = arith.constant 0 : i32
      %dma_wait3A_124 = arith.constant 0 : i32
      %dma_wait3A_125 = tpu.memref_slice %arg7[%run_scoped3A_25, %dma_wait3A, %dma_wait3A_124] : memref<2x20x128xi32, #tpu.memory_space<vmem>> -> memref<1x20x128xi32, #tpu.memory_space<vmem>>
      %dma_wait3A_126 = tpu.memref_squeeze %dma_wait3A_125 : memref<1x20x128xi32, #tpu.memory_space<vmem>> -> memref<20x128xi32, #tpu.memory_space<vmem>>
      %dma_wait3A_127 = arith.constant 0 : i32
      %dma_wait3A_128 = arith.constant 0 : i32
      %dma_wait3A_129 = tpu.memref_slice %arg3[%arg0, %arg1, %run_scoped3A_24, %dma_wait3A_127, %dma_wait3A_128] : memref<2x16x4x20x128xi32, #tpu.memory_space<hbm>> -> memref<1x1x1x20x128xi32, #tpu.memory_space<hbm>>
      %dma_wait3A_130 = tpu.memref_squeeze %dma_wait3A_129 : memref<1x1x1x20x128xi32, #tpu.memory_space<hbm>> -> memref<20x128xi32, #tpu.memory_space<hbm>>
      %dma_wait3A_131 = arith.constant 0 : i32
      %dma_wait3A_132 = arith.constant 0 : i32
      %dma_wait3A_133 = tpu.memref_slice %arg7[%run_scoped3A_25, %dma_wait3A_131, %dma_wait3A_132] : memref<2x20x128xi32, #tpu.memory_space<vmem>> -> memref<1x20x128xi32, #tpu.memory_space<vmem>>
      %dma_wait3A_134 = tpu.memref_squeeze %dma_wait3A_133 : memref<1x20x128xi32, #tpu.memory_space<vmem>> -> memref<20x128xi32, #tpu.memory_space<vmem>>
      %dma_wait3A_135 = arith.constant 0 : i32
      %dma_wait3A_136 = arith.constant 0 : i32
      %dma_wait3A_137 = tpu.memref_slice %arg3[%arg0, %arg1, %run_scoped3A_24, %dma_wait3A_135, %dma_wait3A_136] : memref<2x16x4x20x128xi32, #tpu.memory_space<hbm>> -> memref<1x1x1x20x128xi32, #tpu.memory_space<hbm>>
      %dma_wait3A_138 = tpu.memref_squeeze %dma_wait3A_137 : memref<1x1x1x20x128xi32, #tpu.memory_space<hbm>> -> memref<20x128xi32, #tpu.memory_space<hbm>>
      tpu.wait_dma2 semaphore(%run_scoped3A_107 : memref<!tpu.dma_semaphore, #tpu.memory_space<semaphore_mem>>) src(%dma_wait3A_138 : memref<20x128xi32, #tpu.memory_space<hbm>>) dst(%dma_wait3A_134 : memref<20x128xi32, #tpu.memory_space<vmem>>)
      tpu.yield
    }) : () -> ()
    %run_scoped3A_26 = arith.constant 1 : i32
    %run_scoped3A_27 = arith.constant 1 : i32
    "tpu.region"() ({
      %run_scoped3A_107 = tpu.sem_alloc : memref<!tpu.dma_semaphore, #tpu.memory_space<semaphore_mem>>
      %dma_start3A_108 = arith.constant 0 : i32
      %dma_start3A_109 = arith.constant 0 : i32
      %dma_start3A_110 = tpu.memref_slice %arg7[%run_scoped3A_27, %dma_start3A_108, %dma_start3A_109] : memref<2x20x128xi32, #tpu.memory_space<vmem>> -> memref<1x20x128xi32, #tpu.memory_space<vmem>>
      %dma_start3A_111 = tpu.memref_squeeze %dma_start3A_110 : memref<1x20x128xi32, #tpu.memory_space<vmem>> -> memref<20x128xi32, #tpu.memory_space<vmem>>
      %dma_start3A_112 = arith.constant 0 : i32
      %dma_start3A_113 = arith.constant 0 : i32
      %dma_start3A_114 = tpu.memref_slice %arg4[%arg0, %arg1, %run_scoped3A_26, %dma_start3A_112, %dma_start3A_113] : memref<2x16x4x20x128xi32, #tpu.memory_space<hbm>> -> memref<1x1x1x20x128xi32, #tpu.memory_space<hbm>>
      %dma_start3A_115 = tpu.memref_squeeze %dma_start3A_114 : memref<1x1x1x20x128xi32, #tpu.memory_space<hbm>> -> memref<20x128xi32, #tpu.memory_space<hbm>>
      %dma_start3A_116 = arith.constant 0 : i32
      %dma_start3A_117 = arith.constant 0 : i32
      %dma_start3A_118 = tpu.memref_slice %arg7[%run_scoped3A_27, %dma_start3A_116, %dma_start3A_117] : memref<2x20x128xi32, #tpu.memory_space<vmem>> -> memref<1x20x128xi32, #tpu.memory_space<vmem>>
      %dma_start3A_119 = tpu.memref_squeeze %dma_start3A_118 : memref<1x20x128xi32, #tpu.memory_space<vmem>> -> memref<20x128xi32, #tpu.memory_space<vmem>>
      %dma_start3A_120 = arith.constant 0 : i32
      %dma_start3A_121 = arith.constant 0 : i32
      %dma_start3A_122 = tpu.memref_slice %arg4[%arg0, %arg1, %run_scoped3A_26, %dma_start3A_120, %dma_start3A_121] : memref<2x16x4x20x128xi32, #tpu.memory_space<hbm>> -> memref<1x1x1x20x128xi32, #tpu.memory_space<hbm>>
      %dma_start3A_123 = tpu.memref_squeeze %dma_start3A_122 : memref<1x1x1x20x128xi32, #tpu.memory_space<hbm>> -> memref<20x128xi32, #tpu.memory_space<hbm>>
      tpu.enqueue_dma source(%dma_start3A_123 : memref<20x128xi32, #tpu.memory_space<hbm>>) target(%dma_start3A_119 : memref<20x128xi32, #tpu.memory_space<vmem>>) target_semaphore(%run_scoped3A_107 : memref<!tpu.dma_semaphore, #tpu.memory_space<semaphore_mem>>)
      %dma_wait3A = arith.constant 0 : i32
      %dma_wait3A_124 = arith.constant 0 : i32
      %dma_wait3A_125 = tpu.memref_slice %arg7[%run_scoped3A_27, %dma_wait3A, %dma_wait3A_124] : memref<2x20x128xi32, #tpu.memory_space<vmem>> -> memref<1x20x128xi32, #tpu.memory_space<vmem>>
      %dma_wait3A_126 = tpu.memref_squeeze %dma_wait3A_125 : memref<1x20x128xi32, #tpu.memory_space<vmem>> -> memref<20x128xi32, #tpu.memory_space<vmem>>
      %dma_wait3A_127 = arith.constant 0 : i32
      %dma_wait3A_128 = arith.constant 0 : i32
      %dma_wait3A_129 = tpu.memref_slice %arg4[%arg0, %arg1, %run_scoped3A_26, %dma_wait3A_127, %dma_wait3A_128] : memref<2x16x4x20x128xi32, #tpu.memory_space<hbm>> -> memref<1x1x1x20x128xi32, #tpu.memory_space<hbm>>
      %dma_wait3A_130 = tpu.memref_squeeze %dma_wait3A_129 : memref<1x1x1x20x128xi32, #tpu.memory_space<hbm>> -> memref<20x128xi32, #tpu.memory_space<hbm>>
      %dma_wait3A_131 = arith.constant 0 : i32
      %dma_wait3A_132 = arith.constant 0 : i32
      %dma_wait3A_133 = tpu.memref_slice %arg7[%run_scoped3A_27, %dma_wait3A_131, %dma_wait3A_132] : memref<2x20x128xi32, #tpu.memory_space<vmem>> -> memref<1x20x128xi32, #tpu.memory_space<vmem>>
      %dma_wait3A_134 = tpu.memref_squeeze %dma_wait3A_133 : memref<1x20x128xi32, #tpu.memory_space<vmem>> -> memref<20x128xi32, #tpu.memory_space<vmem>>
      %dma_wait3A_135 = arith.constant 0 : i32
      %dma_wait3A_136 = arith.constant 0 : i32
      %dma_wait3A_137 = tpu.memref_slice %arg4[%arg0, %arg1, %run_scoped3A_26, %dma_wait3A_135, %dma_wait3A_136] : memref<2x16x4x20x128xi32, #tpu.memory_space<hbm>> -> memref<1x1x1x20x128xi32, #tpu.memory_space<hbm>>
      %dma_wait3A_138 = tpu.memref_squeeze %dma_wait3A_137 : memref<1x1x1x20x128xi32, #tpu.memory_space<hbm>> -> memref<20x128xi32, #tpu.memory_space<hbm>>
      tpu.wait_dma2 semaphore(%run_scoped3A_107 : memref<!tpu.dma_semaphore, #tpu.memory_space<semaphore_mem>>) src(%dma_wait3A_138 : memref<20x128xi32, #tpu.memory_space<hbm>>) dst(%dma_wait3A_134 : memref<20x128xi32, #tpu.memory_space<vmem>>)
      tpu.yield
    }) : () -> ()
    %dma_start3A_28 = arith.constant 0 : i32
    %dma_start3A_29 = arith.constant 0 : i32
    %dma_start3A_30 = arith.constant 0 : i32
    %dma_start3A_31 = arith.constant 0 : i32
    %dma_start3A_32 = arith.constant 0 : i32
    %dma_start3A_33 = arith.constant 0 : i32
    %dma_start3A_34 = tpu.memref_slice %arg8[%dma_start3A_30, %dma_start3A_32, %dma_start3A_33] : memref<2x128x128xf32, #tpu.memory_space<vmem>> -> memref<1x128x128xf32, #tpu.memory_space<vmem>>
    %dma_start3A_35 = tpu.memref_squeeze %dma_start3A_34 : memref<1x128x128xf32, #tpu.memory_space<vmem>> -> memref<128x128xf32, #tpu.memory_space<vmem>>
    %dma_start3A_36 = arith.constant 0 : i32
    %dma_start3A_37 = tpu.memref_slice %arg7[%dma_start3A_28, %dma_start3A_29, %dma_start3A_36] : memref<2x20x128xi32, #tpu.memory_space<vmem>> -> memref<1x1x128xi32, #tpu.memory_space<vmem>>
    %dma_start3A_38 = tpu.memref_squeeze %dma_start3A_37 : memref<1x1x128xi32, #tpu.memory_space<vmem>> -> memref<128xi32, #tpu.memory_space<vmem>>
    %dma_start3A_39 = arith.constant 0 : i32
    %dma_start3A_40 = arith.constant 0 : i32
    %dma_start3A_41 = tpu.memref_slice %arg2[%dma_start3A_39, %dma_start3A_40] : memref<10000x128xf32, #tpu.memory_space<hbm>> -> memref<10000x128xf32, #tpu.memory_space<hbm>>
    %dma_start3A_42 = tpu.memref_slice %arg10[%dma_start3A_31] : memref<2x!tpu.dma_semaphore, #tpu.memory_space<semaphore_mem>> -> memref<1x!tpu.dma_semaphore, #tpu.memory_space<semaphore_mem>>
    %dma_start3A_43 = tpu.memref_squeeze %dma_start3A_42 : memref<1x!tpu.dma_semaphore, #tpu.memory_space<semaphore_mem>> -> memref<!tpu.dma_semaphore, #tpu.memory_space<semaphore_mem>>
    tpu.enqueue_indirect_dma source(%dma_start3A_41 : memref<10000x128xf32, #tpu.memory_space<hbm>>) target(%dma_start3A_35 : memref<128x128xf32, #tpu.memory_space<vmem>>) offsets(%dma_start3A_38 : memref<128xi32, #tpu.memory_space<vmem>>) semaphore(%dma_start3A_43 : memref<!tpu.dma_semaphore, #tpu.memory_space<semaphore_mem>>)
    %scan3A_44 = arith.constant 0 : i32
    %scan3A_45 = arith.constant 0 : i32
    %scan3A_46 = arith.constant 20 : i32
    %scan3A_47 = arith.addi %scan3A_45, %scan3A_46 : i32
    %scan3A_48 = arith.constant 1 : i32
    scf.for %scan3A_107 = %scan3A_45 to %scan3A_47 step %scan3A_48  : i32 {
      %rem3A = arith.constant 2 : i32
      %rem3A_108 = arith.remsi %scan3A_107, %rem3A : i32
      %dma_wait3A = arith.constant 0 : i32
      %dma_wait3A_109 = arith.constant 0 : i32
      %dma_wait3A_110 = arith.constant 0 : i32
      %dma_wait3A_111 = tpu.memref_slice %arg8[%rem3A_108, %dma_wait3A_109, %dma_wait3A_110] : memref<2x128x128xf32, #tpu.memory_space<vmem>> -> memref<1x128x128xf32, #tpu.memory_space<vmem>>
      %dma_wait3A_112 = tpu.memref_squeeze %dma_wait3A_111 : memref<1x128x128xf32, #tpu.memory_space<vmem>> -> memref<128x128xf32, #tpu.memory_space<vmem>>
      %dma_wait3A_113 = arith.constant 0 : i32
      %dma_wait3A_114 = tpu.memref_slice %arg7[%dma_wait3A, %scan3A_107, %dma_wait3A_113] : memref<2x20x128xi32, #tpu.memory_space<vmem>> -> memref<1x1x128xi32, #tpu.memory_space<vmem>>
      %dma_wait3A_115 = tpu.memref_squeeze %dma_wait3A_114 : memref<1x1x128xi32, #tpu.memory_space<vmem>> -> memref<128xi32, #tpu.memory_space<vmem>>
      %dma_wait3A_116 = arith.constant 0 : i32
      %dma_wait3A_117 = arith.constant 0 : i32
      %dma_wait3A_118 = tpu.memref_slice %arg2[%dma_wait3A_116, %dma_wait3A_117] : memref<10000x128xf32, #tpu.memory_space<hbm>> -> memref<10000x128xf32, #tpu.memory_space<hbm>>
      %dma_wait3A_119 = tpu.memref_slice %arg10[%rem3A_108] : memref<2x!tpu.dma_semaphore, #tpu.memory_space<semaphore_mem>> -> memref<1x!tpu.dma_semaphore, #tpu.memory_space<semaphore_mem>>
      %dma_wait3A_120 = tpu.memref_squeeze %dma_wait3A_119 : memref<1x!tpu.dma_semaphore, #tpu.memory_space<semaphore_mem>> -> memref<!tpu.dma_semaphore, #tpu.memory_space<semaphore_mem>>
      tpu.wait_indirect_dma semaphore(%dma_wait3A_120 : memref<!tpu.dma_semaphore, #tpu.memory_space<semaphore_mem>>) src(%dma_wait3A_118 : memref<10000x128xf32, #tpu.memory_space<hbm>>) dst(%dma_wait3A_112 : memref<128x128xf32, #tpu.memory_space<vmem>>)
      %add3A = arith.constant 1 : i32
      %add3A_121 = arith.addi %scan3A_107, %add3A : i32
      %lt3A = arith.constant 20 : i32
      %lt3A_122 = arith.cmpi slt, %add3A_121, %lt3A : i32
      %convert_element_type3A = arith.extui %lt3A_122 : i1 to i32
      %cond3A = arith.constant 0 : i32
      %cond3A_123 = arith.cmpi ne, %convert_element_type3A, %cond3A : i32
      scf.if %cond3A_123 {
        %add3A_125 = arith.constant 1 : i32
        %add3A_126 = arith.addi %scan3A_107, %add3A_125 : i32
        %sub3A = arith.constant 1 : i32
        %sub3A_127 = arith.subi %sub3A, %rem3A_108 : i32
        %sub3A_128 = arith.constant 1 : i32
        %sub3A_129 = arith.subi %sub3A_128, %rem3A_108 : i32
        %dma_start3A_130 = arith.constant 0 : i32
        %dma_start3A_131 = arith.constant 0 : i32
        %dma_start3A_132 = arith.constant 0 : i32
        %dma_start3A_133 = tpu.memref_slice %arg8[%sub3A_127, %dma_start3A_131, %dma_start3A_132] : memref<2x128x128xf32, #tpu.memory_space<vmem>> -> memref<1x128x128xf32, #tpu.memory_space<vmem>>
        %dma_start3A_134 = tpu.memref_squeeze %dma_start3A_133 : memref<1x128x128xf32, #tpu.memory_space<vmem>> -> memref<128x128xf32, #tpu.memory_space<vmem>>
        %dma_start3A_135 = arith.constant 0 : i32
        %dma_start3A_136 = tpu.memref_slice %arg7[%dma_start3A_130, %add3A_126, %dma_start3A_135] : memref<2x20x128xi32, #tpu.memory_space<vmem>> -> memref<1x1x128xi32, #tpu.memory_space<vmem>>
        %dma_start3A_137 = tpu.memref_squeeze %dma_start3A_136 : memref<1x1x128xi32, #tpu.memory_space<vmem>> -> memref<128xi32, #tpu.memory_space<vmem>>
        %dma_start3A_138 = arith.constant 0 : i32
        %dma_start3A_139 = arith.constant 0 : i32
        %dma_start3A_140 = tpu.memref_slice %arg2[%dma_start3A_138, %dma_start3A_139] : memref<10000x128xf32, #tpu.memory_space<hbm>> -> memref<10000x128xf32, #tpu.memory_space<hbm>>
        %dma_start3A_141 = tpu.memref_slice %arg10[%sub3A_129] : memref<2x!tpu.dma_semaphore, #tpu.memory_space<semaphore_mem>> -> memref<1x!tpu.dma_semaphore, #tpu.memory_space<semaphore_mem>>
        %dma_start3A_142 = tpu.memref_squeeze %dma_start3A_141 : memref<1x!tpu.dma_semaphore, #tpu.memory_space<semaphore_mem>> -> memref<!tpu.dma_semaphore, #tpu.memory_space<semaphore_mem>>
        tpu.enqueue_indirect_dma source(%dma_start3A_140 : memref<10000x128xf32, #tpu.memory_space<hbm>>) target(%dma_start3A_134 : memref<128x128xf32, #tpu.memory_space<vmem>>) offsets(%dma_start3A_137 : memref<128xi32, #tpu.memory_space<vmem>>) semaphore(%dma_start3A_142 : memref<!tpu.dma_semaphore, #tpu.memory_space<semaphore_mem>>)
      } else {
      }
      %run_scoped3A_124 = arith.constant 1 : i32
      "tpu.region"() ({
        %run_scoped3A_125 = tpu.sem_alloc : memref<!tpu.dma_semaphore, #tpu.memory_space<semaphore_mem>>
        %dma_start3A_126 = arith.constant 0 : i32
        %dma_start3A_127 = arith.constant 0 : i32
        %dma_start3A_128 = tpu.memref_slice %arg8[%rem3A_108, %dma_start3A_126, %dma_start3A_127] : memref<2x128x128xf32, #tpu.memory_space<vmem>> -> memref<1x128x128xf32, #tpu.memory_space<vmem>>
        %dma_start3A_129 = tpu.memref_squeeze %dma_start3A_128 : memref<1x128x128xf32, #tpu.memory_space<vmem>> -> memref<128x128xf32, #tpu.memory_space<vmem>>
        %dma_start3A_130 = arith.constant 0 : i32
        %dma_start3A_131 = tpu.memref_slice %arg7[%run_scoped3A_124, %scan3A_107, %dma_start3A_130] : memref<2x20x128xi32, #tpu.memory_space<vmem>> -> memref<1x1x128xi32, #tpu.memory_space<vmem>>
        %dma_start3A_132 = tpu.memref_squeeze %dma_start3A_131 : memref<1x1x128xi32, #tpu.memory_space<vmem>> -> memref<128xi32, #tpu.memory_space<vmem>>
        %dma_start3A_133 = arith.constant 0 : i32
        %dma_start3A_134 = arith.constant 0 : i32
        %dma_start3A_135 = tpu.memref_slice %arg9[%dma_start3A_133, %dma_start3A_134] : memref<10240x128xf32, #tpu.memory_space<vmem_shared>> -> memref<10240x128xf32, #tpu.memory_space<vmem_shared>>
        tpu.enqueue_indirect_dma source(%dma_start3A_129 : memref<128x128xf32, #tpu.memory_space<vmem>>) target(%dma_start3A_135 : memref<10240x128xf32, #tpu.memory_space<vmem_shared>>) offsets(%dma_start3A_132 : memref<128xi32, #tpu.memory_space<vmem>>) semaphore(%run_scoped3A_125 : memref<!tpu.dma_semaphore, #tpu.memory_space<semaphore_mem>>) {add = true}
        %dma_wait3A_136 = arith.constant 0 : i32
        %dma_wait3A_137 = arith.constant 0 : i32
        %dma_wait3A_138 = tpu.memref_slice %arg8[%rem3A_108, %dma_wait3A_136, %dma_wait3A_137] : memref<2x128x128xf32, #tpu.memory_space<vmem>> -> memref<1x128x128xf32, #tpu.memory_space<vmem>>
        %dma_wait3A_139 = tpu.memref_squeeze %dma_wait3A_138 : memref<1x128x128xf32, #tpu.memory_space<vmem>> -> memref<128x128xf32, #tpu.memory_space<vmem>>
        %dma_wait3A_140 = arith.constant 0 : i32
        %dma_wait3A_141 = tpu.memref_slice %arg7[%run_scoped3A_124, %scan3A_107, %dma_wait3A_140] : memref<2x20x128xi32, #tpu.memory_space<vmem>> -> memref<1x1x128xi32, #tpu.memory_space<vmem>>
        %dma_wait3A_142 = tpu.memref_squeeze %dma_wait3A_141 : memref<1x1x128xi32, #tpu.memory_space<vmem>> -> memref<128xi32, #tpu.memory_space<vmem>>
        %dma_wait3A_143 = arith.constant 0 : i32
        %dma_wait3A_144 = arith.constant 0 : i32
        %dma_wait3A_145 = tpu.memref_slice %arg9[%dma_wait3A_143, %dma_wait3A_144] : memref<10240x128xf32, #tpu.memory_space<vmem_shared>> -> memref<10240x128xf32, #tpu.memory_space<vmem_shared>>
        tpu.wait_indirect_dma semaphore(%run_scoped3A_125 : memref<!tpu.dma_semaphore, #tpu.memory_space<semaphore_mem>>) src(%dma_wait3A_139 : memref<128x128xf32, #tpu.memory_space<vmem>>) dst(%dma_wait3A_145 : memref<10240x128xf32, #tpu.memory_space<vmem_shared>>)
        tpu.yield
      }) : () -> ()
    }
    %scan3A_49 = arith.constant 20 : i32
    %run_scoped3A_50 = arith.constant 2 : i32
    %run_scoped3A_51 = arith.constant 0 : i32
    "tpu.region"() ({
      %run_scoped3A_107 = tpu.sem_alloc : memref<!tpu.dma_semaphore, #tpu.memory_space<semaphore_mem>>
      %dma_start3A_108 = arith.constant 0 : i32
      %dma_start3A_109 = arith.constant 0 : i32
      %dma_start3A_110 = tpu.memref_slice %arg7[%run_scoped3A_51, %dma_start3A_108, %dma_start3A_109] : memref<2x20x128xi32, #tpu.memory_space<vmem>> -> memref<1x20x128xi32, #tpu.memory_space<vmem>>
      %dma_start3A_111 = tpu.memref_squeeze %dma_start3A_110 : memref<1x20x128xi32, #tpu.memory_space<vmem>> -> memref<20x128xi32, #tpu.memory_space<vmem>>
      %dma_start3A_112 = arith.constant 0 : i32
      %dma_start3A_113 = arith.constant 0 : i32
      %dma_start3A_114 = tpu.memref_slice %arg3[%arg0, %arg1, %run_scoped3A_50, %dma_start3A_112, %dma_start3A_113] : memref<2x16x4x20x128xi32, #tpu.memory_space<hbm>> -> memref<1x1x1x20x128xi32, #tpu.memory_space<hbm>>
      %dma_start3A_115 = tpu.memref_squeeze %dma_start3A_114 : memref<1x1x1x20x128xi32, #tpu.memory_space<hbm>> -> memref<20x128xi32, #tpu.memory_space<hbm>>
      %dma_start3A_116 = arith.constant 0 : i32
      %dma_start3A_117 = arith.constant 0 : i32
      %dma_start3A_118 = tpu.memref_slice %arg7[%run_scoped3A_51, %dma_start3A_116, %dma_start3A_117] : memref<2x20x128xi32, #tpu.memory_space<vmem>> -> memref<1x20x128xi32, #tpu.memory_space<vmem>>
      %dma_start3A_119 = tpu.memref_squeeze %dma_start3A_118 : memref<1x20x128xi32, #tpu.memory_space<vmem>> -> memref<20x128xi32, #tpu.memory_space<vmem>>
      %dma_start3A_120 = arith.constant 0 : i32
      %dma_start3A_121 = arith.constant 0 : i32
      %dma_start3A_122 = tpu.memref_slice %arg3[%arg0, %arg1, %run_scoped3A_50, %dma_start3A_120, %dma_start3A_121] : memref<2x16x4x20x128xi32, #tpu.memory_space<hbm>> -> memref<1x1x1x20x128xi32, #tpu.memory_space<hbm>>
      %dma_start3A_123 = tpu.memref_squeeze %dma_start3A_122 : memref<1x1x1x20x128xi32, #tpu.memory_space<hbm>> -> memref<20x128xi32, #tpu.memory_space<hbm>>
      tpu.enqueue_dma source(%dma_start3A_123 : memref<20x128xi32, #tpu.memory_space<hbm>>) target(%dma_start3A_119 : memref<20x128xi32, #tpu.memory_space<vmem>>) target_semaphore(%run_scoped3A_107 : memref<!tpu.dma_semaphore, #tpu.memory_space<semaphore_mem>>)
      %dma_wait3A = arith.constant 0 : i32
      %dma_wait3A_124 = arith.constant 0 : i32
      %dma_wait3A_125 = tpu.memref_slice %arg7[%run_scoped3A_51, %dma_wait3A, %dma_wait3A_124] : memref<2x20x128xi32, #tpu.memory_space<vmem>> -> memref<1x20x128xi32, #tpu.memory_space<vmem>>
      %dma_wait3A_126 = tpu.memref_squeeze %dma_wait3A_125 : memref<1x20x128xi32, #tpu.memory_space<vmem>> -> memref<20x128xi32, #tpu.memory_space<vmem>>
      %dma_wait3A_127 = arith.constant 0 : i32
      %dma_wait3A_128 = arith.constant 0 : i32
      %dma_wait3A_129 = tpu.memref_slice %arg3[%arg0, %arg1, %run_scoped3A_50, %dma_wait3A_127, %dma_wait3A_128] : memref<2x16x4x20x128xi32, #tpu.memory_space<hbm>> -> memref<1x1x1x20x128xi32, #tpu.memory_space<hbm>>
      %dma_wait3A_130 = tpu.memref_squeeze %dma_wait3A_129 : memref<1x1x1x20x128xi32, #tpu.memory_space<hbm>> -> memref<20x128xi32, #tpu.memory_space<hbm>>
      %dma_wait3A_131 = arith.constant 0 : i32
      %dma_wait3A_132 = arith.constant 0 : i32
      %dma_wait3A_133 = tpu.memref_slice %arg7[%run_scoped3A_51, %dma_wait3A_131, %dma_wait3A_132] : memref<2x20x128xi32, #tpu.memory_space<vmem>> -> memref<1x20x128xi32, #tpu.memory_space<vmem>>
      %dma_wait3A_134 = tpu.memref_squeeze %dma_wait3A_133 : memref<1x20x128xi32, #tpu.memory_space<vmem>> -> memref<20x128xi32, #tpu.memory_space<vmem>>
      %dma_wait3A_135 = arith.constant 0 : i32
      %dma_wait3A_136 = arith.constant 0 : i32
      %dma_wait3A_137 = tpu.memref_slice %arg3[%arg0, %arg1, %run_scoped3A_50, %dma_wait3A_135, %dma_wait3A_136] : memref<2x16x4x20x128xi32, #tpu.memory_space<hbm>> -> memref<1x1x1x20x128xi32, #tpu.memory_space<hbm>>
      %dma_wait3A_138 = tpu.memref_squeeze %dma_wait3A_137 : memref<1x1x1x20x128xi32, #tpu.memory_space<hbm>> -> memref<20x128xi32, #tpu.memory_space<hbm>>
      tpu.wait_dma2 semaphore(%run_scoped3A_107 : memref<!tpu.dma_semaphore, #tpu.memory_space<semaphore_mem>>) src(%dma_wait3A_138 : memref<20x128xi32, #tpu.memory_space<hbm>>) dst(%dma_wait3A_134 : memref<20x128xi32, #tpu.memory_space<vmem>>)
      tpu.yield
    }) : () -> ()
    %run_scoped3A_52 = arith.constant 2 : i32
    %run_scoped3A_53 = arith.constant 1 : i32
    "tpu.region"() ({
      %run_scoped3A_107 = tpu.sem_alloc : memref<!tpu.dma_semaphore, #tpu.memory_space<semaphore_mem>>
      %dma_start3A_108 = arith.constant 0 : i32
      %dma_start3A_109 = arith.constant 0 : i32
      %dma_start3A_110 = tpu.memref_slice %arg7[%run_scoped3A_53, %dma_start3A_108, %dma_start3A_109] : memref<2x20x128xi32, #tpu.memory_space<vmem>> -> memref<1x20x128xi32, #tpu.memory_space<vmem>>
      %dma_start3A_111 = tpu.memref_squeeze %dma_start3A_110 : memref<1x20x128xi32, #tpu.memory_space<vmem>> -> memref<20x128xi32, #tpu.memory_space<vmem>>
      %dma_start3A_112 = arith.constant 0 : i32
      %dma_start3A_113 = arith.constant 0 : i32
      %dma_start3A_114 = tpu.memref_slice %arg4[%arg0, %arg1, %run_scoped3A_52, %dma_start3A_112, %dma_start3A_113] : memref<2x16x4x20x128xi32, #tpu.memory_space<hbm>> -> memref<1x1x1x20x128xi32, #tpu.memory_space<hbm>>
      %dma_start3A_115 = tpu.memref_squeeze %dma_start3A_114 : memref<1x1x1x20x128xi32, #tpu.memory_space<hbm>> -> memref<20x128xi32, #tpu.memory_space<hbm>>
      %dma_start3A_116 = arith.constant 0 : i32
      %dma_start3A_117 = arith.constant 0 : i32
      %dma_start3A_118 = tpu.memref_slice %arg7[%run_scoped3A_53, %dma_start3A_116, %dma_start3A_117] : memref<2x20x128xi32, #tpu.memory_space<vmem>> -> memref<1x20x128xi32, #tpu.memory_space<vmem>>
      %dma_start3A_119 = tpu.memref_squeeze %dma_start3A_118 : memref<1x20x128xi32, #tpu.memory_space<vmem>> -> memref<20x128xi32, #tpu.memory_space<vmem>>
      %dma_start3A_120 = arith.constant 0 : i32
      %dma_start3A_121 = arith.constant 0 : i32
      %dma_start3A_122 = tpu.memref_slice %arg4[%arg0, %arg1, %run_scoped3A_52, %dma_start3A_120, %dma_start3A_121] : memref<2x16x4x20x128xi32, #tpu.memory_space<hbm>> -> memref<1x1x1x20x128xi32, #tpu.memory_space<hbm>>
      %dma_start3A_123 = tpu.memref_squeeze %dma_start3A_122 : memref<1x1x1x20x128xi32, #tpu.memory_space<hbm>> -> memref<20x128xi32, #tpu.memory_space<hbm>>
      tpu.enqueue_dma source(%dma_start3A_123 : memref<20x128xi32, #tpu.memory_space<hbm>>) target(%dma_start3A_119 : memref<20x128xi32, #tpu.memory_space<vmem>>) target_semaphore(%run_scoped3A_107 : memref<!tpu.dma_semaphore, #tpu.memory_space<semaphore_mem>>)
      %dma_wait3A = arith.constant 0 : i32
      %dma_wait3A_124 = arith.constant 0 : i32
      %dma_wait3A_125 = tpu.memref_slice %arg7[%run_scoped3A_53, %dma_wait3A, %dma_wait3A_124] : memref<2x20x128xi32, #tpu.memory_space<vmem>> -> memref<1x20x128xi32, #tpu.memory_space<vmem>>
      %dma_wait3A_126 = tpu.memref_squeeze %dma_wait3A_125 : memref<1x20x128xi32, #tpu.memory_space<vmem>> -> memref<20x128xi32, #tpu.memory_space<vmem>>
      %dma_wait3A_127 = arith.constant 0 : i32
      %dma_wait3A_128 = arith.constant 0 : i32
      %dma_wait3A_129 = tpu.memref_slice %arg4[%arg0, %arg1, %run_scoped3A_52, %dma_wait3A_127, %dma_wait3A_128] : memref<2x16x4x20x128xi32, #tpu.memory_space<hbm>> -> memref<1x1x1x20x128xi32, #tpu.memory_space<hbm>>
      %dma_wait3A_130 = tpu.memref_squeeze %dma_wait3A_129 : memref<1x1x1x20x128xi32, #tpu.memory_space<hbm>> -> memref<20x128xi32, #tpu.memory_space<hbm>>
      %dma_wait3A_131 = arith.constant 0 : i32
      %dma_wait3A_132 = arith.constant 0 : i32
      %dma_wait3A_133 = tpu.memref_slice %arg7[%run_scoped3A_53, %dma_wait3A_131, %dma_wait3A_132] : memref<2x20x128xi32, #tpu.memory_space<vmem>> -> memref<1x20x128xi32, #tpu.memory_space<vmem>>
      %dma_wait3A_134 = tpu.memref_squeeze %dma_wait3A_133 : memref<1x20x128xi32, #tpu.memory_space<vmem>> -> memref<20x128xi32, #tpu.memory_space<vmem>>
      %dma_wait3A_135 = arith.constant 0 : i32
      %dma_wait3A_136 = arith.constant 0 : i32
      %dma_wait3A_137 = tpu.memref_slice %arg4[%arg0, %arg1, %run_scoped3A_52, %dma_wait3A_135, %dma_wait3A_136] : memref<2x16x4x20x128xi32, #tpu.memory_space<hbm>> -> memref<1x1x1x20x128xi32, #tpu.memory_space<hbm>>
      %dma_wait3A_138 = tpu.memref_squeeze %dma_wait3A_137 : memref<1x1x1x20x128xi32, #tpu.memory_space<hbm>> -> memref<20x128xi32, #tpu.memory_space<hbm>>
      tpu.wait_dma2 semaphore(%run_scoped3A_107 : memref<!tpu.dma_semaphore, #tpu.memory_space<semaphore_mem>>) src(%dma_wait3A_138 : memref<20x128xi32, #tpu.memory_space<hbm>>) dst(%dma_wait3A_134 : memref<20x128xi32, #tpu.memory_space<vmem>>)
      tpu.yield
    }) : () -> ()
    %dma_start3A_54 = arith.constant 0 : i32
    %dma_start3A_55 = arith.constant 0 : i32
    %dma_start3A_56 = arith.constant 0 : i32
    %dma_start3A_57 = arith.constant 0 : i32
    %dma_start3A_58 = arith.constant 0 : i32
    %dma_start3A_59 = arith.constant 0 : i32
    %dma_start3A_60 = tpu.memref_slice %arg8[%dma_start3A_56, %dma_start3A_58, %dma_start3A_59] : memref<2x128x128xf32, #tpu.memory_space<vmem>> -> memref<1x128x128xf32, #tpu.memory_space<vmem>>
    %dma_start3A_61 = tpu.memref_squeeze %dma_start3A_60 : memref<1x128x128xf32, #tpu.memory_space<vmem>> -> memref<128x128xf32, #tpu.memory_space<vmem>>
    %dma_start3A_62 = arith.constant 0 : i32
    %dma_start3A_63 = tpu.memref_slice %arg7[%dma_start3A_54, %dma_start3A_55, %dma_start3A_62] : memref<2x20x128xi32, #tpu.memory_space<vmem>> -> memref<1x1x128xi32, #tpu.memory_space<vmem>>
    %dma_start3A_64 = tpu.memref_squeeze %dma_start3A_63 : memref<1x1x128xi32, #tpu.memory_space<vmem>> -> memref<128xi32, #tpu.memory_space<vmem>>
    %dma_start3A_65 = arith.constant 0 : i32
    %dma_start3A_66 = arith.constant 0 : i32
    %dma_start3A_67 = tpu.memref_slice %arg2[%dma_start3A_65, %dma_start3A_66] : memref<10000x128xf32, #tpu.memory_space<hbm>> -> memref<10000x128xf32, #tpu.memory_space<hbm>>
    %dma_start3A_68 = tpu.memref_slice %arg10[%dma_start3A_57] : memref<2x!tpu.dma_semaphore, #tpu.memory_space<semaphore_mem>> -> memref<1x!tpu.dma_semaphore, #tpu.memory_space<semaphore_mem>>
    %dma_start3A_69 = tpu.memref_squeeze %dma_start3A_68 : memref<1x!tpu.dma_semaphore, #tpu.memory_space<semaphore_mem>> -> memref<!tpu.dma_semaphore, #tpu.memory_space<semaphore_mem>>
    tpu.enqueue_indirect_dma source(%dma_start3A_67 : memref<10000x128xf32, #tpu.memory_space<hbm>>) target(%dma_start3A_61 : memref<128x128xf32, #tpu.memory_space<vmem>>) offsets(%dma_start3A_64 : memref<128xi32, #tpu.memory_space<vmem>>) semaphore(%dma_start3A_69 : memref<!tpu.dma_semaphore, #tpu.memory_space<semaphore_mem>>)
    %scan3A_70 = arith.constant 0 : i32
    %scan3A_71 = arith.constant 0 : i32
    %scan3A_72 = arith.constant 20 : i32
    %scan3A_73 = arith.addi %scan3A_71, %scan3A_72 : i32
    %scan3A_74 = arith.constant 1 : i32
    scf.for %scan3A_107 = %scan3A_71 to %scan3A_73 step %scan3A_74  : i32 {
      %rem3A = arith.constant 2 : i32
      %rem3A_108 = arith.remsi %scan3A_107, %rem3A : i32
      %dma_wait3A = arith.constant 0 : i32
      %dma_wait3A_109 = arith.constant 0 : i32
      %dma_wait3A_110 = arith.constant 0 : i32
      %dma_wait3A_111 = tpu.memref_slice %arg8[%rem3A_108, %dma_wait3A_109, %dma_wait3A_110] : memref<2x128x128xf32, #tpu.memory_space<vmem>> -> memref<1x128x128xf32, #tpu.memory_space<vmem>>
      %dma_wait3A_112 = tpu.memref_squeeze %dma_wait3A_111 : memref<1x128x128xf32, #tpu.memory_space<vmem>> -> memref<128x128xf32, #tpu.memory_space<vmem>>
      %dma_wait3A_113 = arith.constant 0 : i32
      %dma_wait3A_114 = tpu.memref_slice %arg7[%dma_wait3A, %scan3A_107, %dma_wait3A_113] : memref<2x20x128xi32, #tpu.memory_space<vmem>> -> memref<1x1x128xi32, #tpu.memory_space<vmem>>
      %dma_wait3A_115 = tpu.memref_squeeze %dma_wait3A_114 : memref<1x1x128xi32, #tpu.memory_space<vmem>> -> memref<128xi32, #tpu.memory_space<vmem>>
      %dma_wait3A_116 = arith.constant 0 : i32
      %dma_wait3A_117 = arith.constant 0 : i32
      %dma_wait3A_118 = tpu.memref_slice %arg2[%dma_wait3A_116, %dma_wait3A_117] : memref<10000x128xf32, #tpu.memory_space<hbm>> -> memref<10000x128xf32, #tpu.memory_space<hbm>>
      %dma_wait3A_119 = tpu.memref_slice %arg10[%rem3A_108] : memref<2x!tpu.dma_semaphore, #tpu.memory_space<semaphore_mem>> -> memref<1x!tpu.dma_semaphore, #tpu.memory_space<semaphore_mem>>
      %dma_wait3A_120 = tpu.memref_squeeze %dma_wait3A_119 : memref<1x!tpu.dma_semaphore, #tpu.memory_space<semaphore_mem>> -> memref<!tpu.dma_semaphore, #tpu.memory_space<semaphore_mem>>
      tpu.wait_indirect_dma semaphore(%dma_wait3A_120 : memref<!tpu.dma_semaphore, #tpu.memory_space<semaphore_mem>>) src(%dma_wait3A_118 : memref<10000x128xf32, #tpu.memory_space<hbm>>) dst(%dma_wait3A_112 : memref<128x128xf32, #tpu.memory_space<vmem>>)
      %add3A = arith.constant 1 : i32
      %add3A_121 = arith.addi %scan3A_107, %add3A : i32
      %lt3A = arith.constant 20 : i32
      %lt3A_122 = arith.cmpi slt, %add3A_121, %lt3A : i32
      %convert_element_type3A = arith.extui %lt3A_122 : i1 to i32
      %cond3A = arith.constant 0 : i32
      %cond3A_123 = arith.cmpi ne, %convert_element_type3A, %cond3A : i32
      scf.if %cond3A_123 {
        %add3A_125 = arith.constant 1 : i32
        %add3A_126 = arith.addi %scan3A_107, %add3A_125 : i32
        %sub3A = arith.constant 1 : i32
        %sub3A_127 = arith.subi %sub3A, %rem3A_108 : i32
        %sub3A_128 = arith.constant 1 : i32
        %sub3A_129 = arith.subi %sub3A_128, %rem3A_108 : i32
        %dma_start3A_130 = arith.constant 0 : i32
        %dma_start3A_131 = arith.constant 0 : i32
        %dma_start3A_132 = arith.constant 0 : i32
        %dma_start3A_133 = tpu.memref_slice %arg8[%sub3A_127, %dma_start3A_131, %dma_start3A_132] : memref<2x128x128xf32, #tpu.memory_space<vmem>> -> memref<1x128x128xf32, #tpu.memory_space<vmem>>
        %dma_start3A_134 = tpu.memref_squeeze %dma_start3A_133 : memref<1x128x128xf32, #tpu.memory_space<vmem>> -> memref<128x128xf32, #tpu.memory_space<vmem>>
        %dma_start3A_135 = arith.constant 0 : i32
        %dma_start3A_136 = tpu.memref_slice %arg7[%dma_start3A_130, %add3A_126, %dma_start3A_135] : memref<2x20x128xi32, #tpu.memory_space<vmem>> -> memref<1x1x128xi32, #tpu.memory_space<vmem>>
        %dma_start3A_137 = tpu.memref_squeeze %dma_start3A_136 : memref<1x1x128xi32, #tpu.memory_space<vmem>> -> memref<128xi32, #tpu.memory_space<vmem>>
        %dma_start3A_138 = arith.constant 0 : i32
        %dma_start3A_139 = arith.constant 0 : i32
        %dma_start3A_140 = tpu.memref_slice %arg2[%dma_start3A_138, %dma_start3A_139] : memref<10000x128xf32, #tpu.memory_space<hbm>> -> memref<10000x128xf32, #tpu.memory_space<hbm>>
        %dma_start3A_141 = tpu.memref_slice %arg10[%sub3A_129] : memref<2x!tpu.dma_semaphore, #tpu.memory_space<semaphore_mem>> -> memref<1x!tpu.dma_semaphore, #tpu.memory_space<semaphore_mem>>
        %dma_start3A_142 = tpu.memref_squeeze %dma_start3A_141 : memref<1x!tpu.dma_semaphore, #tpu.memory_space<semaphore_mem>> -> memref<!tpu.dma_semaphore, #tpu.memory_space<semaphore_mem>>
        tpu.enqueue_indirect_dma source(%dma_start3A_140 : memref<10000x128xf32, #tpu.memory_space<hbm>>) target(%dma_start3A_134 : memref<128x128xf32, #tpu.memory_space<vmem>>) offsets(%dma_start3A_137 : memref<128xi32, #tpu.memory_space<vmem>>) semaphore(%dma_start3A_142 : memref<!tpu.dma_semaphore, #tpu.memory_space<semaphore_mem>>)
      } else {
      }
      %run_scoped3A_124 = arith.constant 1 : i32
      "tpu.region"() ({
        %run_scoped3A_125 = tpu.sem_alloc : memref<!tpu.dma_semaphore, #tpu.memory_space<semaphore_mem>>
        %dma_start3A_126 = arith.constant 0 : i32
        %dma_start3A_127 = arith.constant 0 : i32
        %dma_start3A_128 = tpu.memref_slice %arg8[%rem3A_108, %dma_start3A_126, %dma_start3A_127] : memref<2x128x128xf32, #tpu.memory_space<vmem>> -> memref<1x128x128xf32, #tpu.memory_space<vmem>>
        %dma_start3A_129 = tpu.memref_squeeze %dma_start3A_128 : memref<1x128x128xf32, #tpu.memory_space<vmem>> -> memref<128x128xf32, #tpu.memory_space<vmem>>
        %dma_start3A_130 = arith.constant 0 : i32
        %dma_start3A_131 = tpu.memref_slice %arg7[%run_scoped3A_124, %scan3A_107, %dma_start3A_130] : memref<2x20x128xi32, #tpu.memory_space<vmem>> -> memref<1x1x128xi32, #tpu.memory_space<vmem>>
        %dma_start3A_132 = tpu.memref_squeeze %dma_start3A_131 : memref<1x1x128xi32, #tpu.memory_space<vmem>> -> memref<128xi32, #tpu.memory_space<vmem>>
        %dma_start3A_133 = arith.constant 0 : i32
        %dma_start3A_134 = arith.constant 0 : i32
        %dma_start3A_135 = tpu.memref_slice %arg9[%dma_start3A_133, %dma_start3A_134] : memref<10240x128xf32, #tpu.memory_space<vmem_shared>> -> memref<10240x128xf32, #tpu.memory_space<vmem_shared>>
        tpu.enqueue_indirect_dma source(%dma_start3A_129 : memref<128x128xf32, #tpu.memory_space<vmem>>) target(%dma_start3A_135 : memref<10240x128xf32, #tpu.memory_space<vmem_shared>>) offsets(%dma_start3A_132 : memref<128xi32, #tpu.memory_space<vmem>>) semaphore(%run_scoped3A_125 : memref<!tpu.dma_semaphore, #tpu.memory_space<semaphore_mem>>) {add = true}
        %dma_wait3A_136 = arith.constant 0 : i32
        %dma_wait3A_137 = arith.constant 0 : i32
        %dma_wait3A_138 = tpu.memref_slice %arg8[%rem3A_108, %dma_wait3A_136, %dma_wait3A_137] : memref<2x128x128xf32, #tpu.memory_space<vmem>> -> memref<1x128x128xf32, #tpu.memory_space<vmem>>
        %dma_wait3A_139 = tpu.memref_squeeze %dma_wait3A_138 : memref<1x128x128xf32, #tpu.memory_space<vmem>> -> memref<128x128xf32, #tpu.memory_space<vmem>>
        %dma_wait3A_140 = arith.constant 0 : i32
        %dma_wait3A_141 = tpu.memref_slice %arg7[%run_scoped3A_124, %scan3A_107, %dma_wait3A_140] : memref<2x20x128xi32, #tpu.memory_space<vmem>> -> memref<1x1x128xi32, #tpu.memory_space<vmem>>
        %dma_wait3A_142 = tpu.memref_squeeze %dma_wait3A_141 : memref<1x1x128xi32, #tpu.memory_space<vmem>> -> memref<128xi32, #tpu.memory_space<vmem>>
        %dma_wait3A_143 = arith.constant 0 : i32
        %dma_wait3A_144 = arith.constant 0 : i32
        %dma_wait3A_145 = tpu.memref_slice %arg9[%dma_wait3A_143, %dma_wait3A_144] : memref<10240x128xf32, #tpu.memory_space<vmem_shared>> -> memref<10240x128xf32, #tpu.memory_space<vmem_shared>>
        tpu.wait_indirect_dma semaphore(%run_scoped3A_125 : memref<!tpu.dma_semaphore, #tpu.memory_space<semaphore_mem>>) src(%dma_wait3A_139 : memref<128x128xf32, #tpu.memory_space<vmem>>) dst(%dma_wait3A_145 : memref<10240x128xf32, #tpu.memory_space<vmem_shared>>)
        tpu.yield
      }) : () -> ()
    }
    %scan3A_75 = arith.constant 20 : i32
    %run_scoped3A_76 = arith.constant 3 : i32
    %run_scoped3A_77 = arith.constant 0 : i32
    "tpu.region"() ({
      %run_scoped3A_107 = tpu.sem_alloc : memref<!tpu.dma_semaphore, #tpu.memory_space<semaphore_mem>>
      %dma_start3A_108 = arith.constant 0 : i32
      %dma_start3A_109 = arith.constant 0 : i32
      %dma_start3A_110 = tpu.memref_slice %arg7[%run_scoped3A_77, %dma_start3A_108, %dma_start3A_109] : memref<2x20x128xi32, #tpu.memory_space<vmem>> -> memref<1x20x128xi32, #tpu.memory_space<vmem>>
      %dma_start3A_111 = tpu.memref_squeeze %dma_start3A_110 : memref<1x20x128xi32, #tpu.memory_space<vmem>> -> memref<20x128xi32, #tpu.memory_space<vmem>>
      %dma_start3A_112 = arith.constant 0 : i32
      %dma_start3A_113 = arith.constant 0 : i32
      %dma_start3A_114 = tpu.memref_slice %arg3[%arg0, %arg1, %run_scoped3A_76, %dma_start3A_112, %dma_start3A_113] : memref<2x16x4x20x128xi32, #tpu.memory_space<hbm>> -> memref<1x1x1x20x128xi32, #tpu.memory_space<hbm>>
      %dma_start3A_115 = tpu.memref_squeeze %dma_start3A_114 : memref<1x1x1x20x128xi32, #tpu.memory_space<hbm>> -> memref<20x128xi32, #tpu.memory_space<hbm>>
      %dma_start3A_116 = arith.constant 0 : i32
      %dma_start3A_117 = arith.constant 0 : i32
      %dma_start3A_118 = tpu.memref_slice %arg7[%run_scoped3A_77, %dma_start3A_116, %dma_start3A_117] : memref<2x20x128xi32, #tpu.memory_space<vmem>> -> memref<1x20x128xi32, #tpu.memory_space<vmem>>
      %dma_start3A_119 = tpu.memref_squeeze %dma_start3A_118 : memref<1x20x128xi32, #tpu.memory_space<vmem>> -> memref<20x128xi32, #tpu.memory_space<vmem>>
      %dma_start3A_120 = arith.constant 0 : i32
      %dma_start3A_121 = arith.constant 0 : i32
      %dma_start3A_122 = tpu.memref_slice %arg3[%arg0, %arg1, %run_scoped3A_76, %dma_start3A_120, %dma_start3A_121] : memref<2x16x4x20x128xi32, #tpu.memory_space<hbm>> -> memref<1x1x1x20x128xi32, #tpu.memory_space<hbm>>
      %dma_start3A_123 = tpu.memref_squeeze %dma_start3A_122 : memref<1x1x1x20x128xi32, #tpu.memory_space<hbm>> -> memref<20x128xi32, #tpu.memory_space<hbm>>
      tpu.enqueue_dma source(%dma_start3A_123 : memref<20x128xi32, #tpu.memory_space<hbm>>) target(%dma_start3A_119 : memref<20x128xi32, #tpu.memory_space<vmem>>) target_semaphore(%run_scoped3A_107 : memref<!tpu.dma_semaphore, #tpu.memory_space<semaphore_mem>>)
      %dma_wait3A = arith.constant 0 : i32
      %dma_wait3A_124 = arith.constant 0 : i32
      %dma_wait3A_125 = tpu.memref_slice %arg7[%run_scoped3A_77, %dma_wait3A, %dma_wait3A_124] : memref<2x20x128xi32, #tpu.memory_space<vmem>> -> memref<1x20x128xi32, #tpu.memory_space<vmem>>
      %dma_wait3A_126 = tpu.memref_squeeze %dma_wait3A_125 : memref<1x20x128xi32, #tpu.memory_space<vmem>> -> memref<20x128xi32, #tpu.memory_space<vmem>>
      %dma_wait3A_127 = arith.constant 0 : i32
      %dma_wait3A_128 = arith.constant 0 : i32
      %dma_wait3A_129 = tpu.memref_slice %arg3[%arg0, %arg1, %run_scoped3A_76, %dma_wait3A_127, %dma_wait3A_128] : memref<2x16x4x20x128xi32, #tpu.memory_space<hbm>> -> memref<1x1x1x20x128xi32, #tpu.memory_space<hbm>>
      %dma_wait3A_130 = tpu.memref_squeeze %dma_wait3A_129 : memref<1x1x1x20x128xi32, #tpu.memory_space<hbm>> -> memref<20x128xi32, #tpu.memory_space<hbm>>
      %dma_wait3A_131 = arith.constant 0 : i32
      %dma_wait3A_132 = arith.constant 0 : i32
      %dma_wait3A_133 = tpu.memref_slice %arg7[%run_scoped3A_77, %dma_wait3A_131, %dma_wait3A_132] : memref<2x20x128xi32, #tpu.memory_space<vmem>> -> memref<1x20x128xi32, #tpu.memory_space<vmem>>
      %dma_wait3A_134 = tpu.memref_squeeze %dma_wait3A_133 : memref<1x20x128xi32, #tpu.memory_space<vmem>> -> memref<20x128xi32, #tpu.memory_space<vmem>>
      %dma_wait3A_135 = arith.constant 0 : i32
      %dma_wait3A_136 = arith.constant 0 : i32
      %dma_wait3A_137 = tpu.memref_slice %arg3[%arg0, %arg1, %run_scoped3A_76, %dma_wait3A_135, %dma_wait3A_136] : memref<2x16x4x20x128xi32, #tpu.memory_space<hbm>> -> memref<1x1x1x20x128xi32, #tpu.memory_space<hbm>>
      %dma_wait3A_138 = tpu.memref_squeeze %dma_wait3A_137 : memref<1x1x1x20x128xi32, #tpu.memory_space<hbm>> -> memref<20x128xi32, #tpu.memory_space<hbm>>
      tpu.wait_dma2 semaphore(%run_scoped3A_107 : memref<!tpu.dma_semaphore, #tpu.memory_space<semaphore_mem>>) src(%dma_wait3A_138 : memref<20x128xi32, #tpu.memory_space<hbm>>) dst(%dma_wait3A_134 : memref<20x128xi32, #tpu.memory_space<vmem>>)
      tpu.yield
    }) : () -> ()
    %run_scoped3A_78 = arith.constant 3 : i32
    %run_scoped3A_79 = arith.constant 1 : i32
    "tpu.region"() ({
      %run_scoped3A_107 = tpu.sem_alloc : memref<!tpu.dma_semaphore, #tpu.memory_space<semaphore_mem>>
      %dma_start3A_108 = arith.constant 0 : i32
      %dma_start3A_109 = arith.constant 0 : i32
      %dma_start3A_110 = tpu.memref_slice %arg7[%run_scoped3A_79, %dma_start3A_108, %dma_start3A_109] : memref<2x20x128xi32, #tpu.memory_space<vmem>> -> memref<1x20x128xi32, #tpu.memory_space<vmem>>
      %dma_start3A_111 = tpu.memref_squeeze %dma_start3A_110 : memref<1x20x128xi32, #tpu.memory_space<vmem>> -> memref<20x128xi32, #tpu.memory_space<vmem>>
      %dma_start3A_112 = arith.constant 0 : i32
      %dma_start3A_113 = arith.constant 0 : i32
      %dma_start3A_114 = tpu.memref_slice %arg4[%arg0, %arg1, %run_scoped3A_78, %dma_start3A_112, %dma_start3A_113] : memref<2x16x4x20x128xi32, #tpu.memory_space<hbm>> -> memref<1x1x1x20x128xi32, #tpu.memory_space<hbm>>
      %dma_start3A_115 = tpu.memref_squeeze %dma_start3A_114 : memref<1x1x1x20x128xi32, #tpu.memory_space<hbm>> -> memref<20x128xi32, #tpu.memory_space<hbm>>
      %dma_start3A_116 = arith.constant 0 : i32
      %dma_start3A_117 = arith.constant 0 : i32
      %dma_start3A_118 = tpu.memref_slice %arg7[%run_scoped3A_79, %dma_start3A_116, %dma_start3A_117] : memref<2x20x128xi32, #tpu.memory_space<vmem>> -> memref<1x20x128xi32, #tpu.memory_space<vmem>>
      %dma_start3A_119 = tpu.memref_squeeze %dma_start3A_118 : memref<1x20x128xi32, #tpu.memory_space<vmem>> -> memref<20x128xi32, #tpu.memory_space<vmem>>
      %dma_start3A_120 = arith.constant 0 : i32
      %dma_start3A_121 = arith.constant 0 : i32
      %dma_start3A_122 = tpu.memref_slice %arg4[%arg0, %arg1, %run_scoped3A_78, %dma_start3A_120, %dma_start3A_121] : memref<2x16x4x20x128xi32, #tpu.memory_space<hbm>> -> memref<1x1x1x20x128xi32, #tpu.memory_space<hbm>>
      %dma_start3A_123 = tpu.memref_squeeze %dma_start3A_122 : memref<1x1x1x20x128xi32, #tpu.memory_space<hbm>> -> memref<20x128xi32, #tpu.memory_space<hbm>>
      tpu.enqueue_dma source(%dma_start3A_123 : memref<20x128xi32, #tpu.memory_space<hbm>>) target(%dma_start3A_119 : memref<20x128xi32, #tpu.memory_space<vmem>>) target_semaphore(%run_scoped3A_107 : memref<!tpu.dma_semaphore, #tpu.memory_space<semaphore_mem>>)
      %dma_wait3A = arith.constant 0 : i32
      %dma_wait3A_124 = arith.constant 0 : i32
      %dma_wait3A_125 = tpu.memref_slice %arg7[%run_scoped3A_79, %dma_wait3A, %dma_wait3A_124] : memref<2x20x128xi32, #tpu.memory_space<vmem>> -> memref<1x20x128xi32, #tpu.memory_space<vmem>>
      %dma_wait3A_126 = tpu.memref_squeeze %dma_wait3A_125 : memref<1x20x128xi32, #tpu.memory_space<vmem>> -> memref<20x128xi32, #tpu.memory_space<vmem>>
      %dma_wait3A_127 = arith.constant 0 : i32
      %dma_wait3A_128 = arith.constant 0 : i32
      %dma_wait3A_129 = tpu.memref_slice %arg4[%arg0, %arg1, %run_scoped3A_78, %dma_wait3A_127, %dma_wait3A_128] : memref<2x16x4x20x128xi32, #tpu.memory_space<hbm>> -> memref<1x1x1x20x128xi32, #tpu.memory_space<hbm>>
      %dma_wait3A_130 = tpu.memref_squeeze %dma_wait3A_129 : memref<1x1x1x20x128xi32, #tpu.memory_space<hbm>> -> memref<20x128xi32, #tpu.memory_space<hbm>>
      %dma_wait3A_131 = arith.constant 0 : i32
      %dma_wait3A_132 = arith.constant 0 : i32
      %dma_wait3A_133 = tpu.memref_slice %arg7[%run_scoped3A_79, %dma_wait3A_131, %dma_wait3A_132] : memref<2x20x128xi32, #tpu.memory_space<vmem>> -> memref<1x20x128xi32, #tpu.memory_space<vmem>>
      %dma_wait3A_134 = tpu.memref_squeeze %dma_wait3A_133 : memref<1x20x128xi32, #tpu.memory_space<vmem>> -> memref<20x128xi32, #tpu.memory_space<vmem>>
      %dma_wait3A_135 = arith.constant 0 : i32
      %dma_wait3A_136 = arith.constant 0 : i32
      %dma_wait3A_137 = tpu.memref_slice %arg4[%arg0, %arg1, %run_scoped3A_78, %dma_wait3A_135, %dma_wait3A_136] : memref<2x16x4x20x128xi32, #tpu.memory_space<hbm>> -> memref<1x1x1x20x128xi32, #tpu.memory_space<hbm>>
      %dma_wait3A_138 = tpu.memref_squeeze %dma_wait3A_137 : memref<1x1x1x20x128xi32, #tpu.memory_space<hbm>> -> memref<20x128xi32, #tpu.memory_space<hbm>>
      tpu.wait_dma2 semaphore(%run_scoped3A_107 : memref<!tpu.dma_semaphore, #tpu.memory_space<semaphore_mem>>) src(%dma_wait3A_138 : memref<20x128xi32, #tpu.memory_space<hbm>>) dst(%dma_wait3A_134 : memref<20x128xi32, #tpu.memory_space<vmem>>)
      tpu.yield
    }) : () -> ()
    %dma_start3A_80 = arith.constant 0 : i32
    %dma_start3A_81 = arith.constant 0 : i32
    %dma_start3A_82 = arith.constant 0 : i32
    %dma_start3A_83 = arith.constant 0 : i32
    %dma_start3A_84 = arith.constant 0 : i32
    %dma_start3A_85 = arith.constant 0 : i32
    %dma_start3A_86 = tpu.memref_slice %arg8[%dma_start3A_82, %dma_start3A_84, %dma_start3A_85] : memref<2x128x128xf32, #tpu.memory_space<vmem>> -> memref<1x128x128xf32, #tpu.memory_space<vmem>>
    %dma_start3A_87 = tpu.memref_squeeze %dma_start3A_86 : memref<1x128x128xf32, #tpu.memory_space<vmem>> -> memref<128x128xf32, #tpu.memory_space<vmem>>
    %dma_start3A_88 = arith.constant 0 : i32
    %dma_start3A_89 = tpu.memref_slice %arg7[%dma_start3A_80, %dma_start3A_81, %dma_start3A_88] : memref<2x20x128xi32, #tpu.memory_space<vmem>> -> memref<1x1x128xi32, #tpu.memory_space<vmem>>
    %dma_start3A_90 = tpu.memref_squeeze %dma_start3A_89 : memref<1x1x128xi32, #tpu.memory_space<vmem>> -> memref<128xi32, #tpu.memory_space<vmem>>
    %dma_start3A_91 = arith.constant 0 : i32
    %dma_start3A_92 = arith.constant 0 : i32
    %dma_start3A_93 = tpu.memref_slice %arg2[%dma_start3A_91, %dma_start3A_92] : memref<10000x128xf32, #tpu.memory_space<hbm>> -> memref<10000x128xf32, #tpu.memory_space<hbm>>
    %dma_start3A_94 = tpu.memref_slice %arg10[%dma_start3A_83] : memref<2x!tpu.dma_semaphore, #tpu.memory_space<semaphore_mem>> -> memref<1x!tpu.dma_semaphore, #tpu.memory_space<semaphore_mem>>
    %dma_start3A_95 = tpu.memref_squeeze %dma_start3A_94 : memref<1x!tpu.dma_semaphore, #tpu.memory_space<semaphore_mem>> -> memref<!tpu.dma_semaphore, #tpu.memory_space<semaphore_mem>>
    tpu.enqueue_indirect_dma source(%dma_start3A_93 : memref<10000x128xf32, #tpu.memory_space<hbm>>) target(%dma_start3A_87 : memref<128x128xf32, #tpu.memory_space<vmem>>) offsets(%dma_start3A_90 : memref<128xi32, #tpu.memory_space<vmem>>) semaphore(%dma_start3A_95 : memref<!tpu.dma_semaphore, #tpu.memory_space<semaphore_mem>>)
    %scan3A_96 = arith.constant 0 : i32
    %scan3A_97 = arith.constant 0 : i32
    %scan3A_98 = arith.constant 20 : i32
    %scan3A_99 = arith.addi %scan3A_97, %scan3A_98 : i32
    %scan3A_100 = arith.constant 1 : i32
    scf.for %scan3A_107 = %scan3A_97 to %scan3A_99 step %scan3A_100  : i32 {
      %rem3A = arith.constant 2 : i32
      %rem3A_108 = arith.remsi %scan3A_107, %rem3A : i32
      %dma_wait3A = arith.constant 0 : i32
      %dma_wait3A_109 = arith.constant 0 : i32
      %dma_wait3A_110 = arith.constant 0 : i32
      %dma_wait3A_111 = tpu.memref_slice %arg8[%rem3A_108, %dma_wait3A_109, %dma_wait3A_110] : memref<2x128x128xf32, #tpu.memory_space<vmem>> -> memref<1x128x128xf32, #tpu.memory_space<vmem>>
      %dma_wait3A_112 = tpu.memref_squeeze %dma_wait3A_111 : memref<1x128x128xf32, #tpu.memory_space<vmem>> -> memref<128x128xf32, #tpu.memory_space<vmem>>
      %dma_wait3A_113 = arith.constant 0 : i32
      %dma_wait3A_114 = tpu.memref_slice %arg7[%dma_wait3A, %scan3A_107, %dma_wait3A_113] : memref<2x20x128xi32, #tpu.memory_space<vmem>> -> memref<1x1x128xi32, #tpu.memory_space<vmem>>
      %dma_wait3A_115 = tpu.memref_squeeze %dma_wait3A_114 : memref<1x1x128xi32, #tpu.memory_space<vmem>> -> memref<128xi32, #tpu.memory_space<vmem>>
      %dma_wait3A_116 = arith.constant 0 : i32
      %dma_wait3A_117 = arith.constant 0 : i32
      %dma_wait3A_118 = tpu.memref_slice %arg2[%dma_wait3A_116, %dma_wait3A_117] : memref<10000x128xf32, #tpu.memory_space<hbm>> -> memref<10000x128xf32, #tpu.memory_space<hbm>>
      %dma_wait3A_119 = tpu.memref_slice %arg10[%rem3A_108] : memref<2x!tpu.dma_semaphore, #tpu.memory_space<semaphore_mem>> -> memref<1x!tpu.dma_semaphore, #tpu.memory_space<semaphore_mem>>
      %dma_wait3A_120 = tpu.memref_squeeze %dma_wait3A_119 : memref<1x!tpu.dma_semaphore, #tpu.memory_space<semaphore_mem>> -> memref<!tpu.dma_semaphore, #tpu.memory_space<semaphore_mem>>
      tpu.wait_indirect_dma semaphore(%dma_wait3A_120 : memref<!tpu.dma_semaphore, #tpu.memory_space<semaphore_mem>>) src(%dma_wait3A_118 : memref<10000x128xf32, #tpu.memory_space<hbm>>) dst(%dma_wait3A_112 : memref<128x128xf32, #tpu.memory_space<vmem>>)
      %add3A = arith.constant 1 : i32
      %add3A_121 = arith.addi %scan3A_107, %add3A : i32
      %lt3A = arith.constant 20 : i32
      %lt3A_122 = arith.cmpi slt, %add3A_121, %lt3A : i32
      %convert_element_type3A = arith.extui %lt3A_122 : i1 to i32
      %cond3A = arith.constant 0 : i32
      %cond3A_123 = arith.cmpi ne, %convert_element_type3A, %cond3A : i32
      scf.if %cond3A_123 {
        %add3A_125 = arith.constant 1 : i32
        %add3A_126 = arith.addi %scan3A_107, %add3A_125 : i32
        %sub3A = arith.constant 1 : i32
        %sub3A_127 = arith.subi %sub3A, %rem3A_108 : i32
        %sub3A_128 = arith.constant 1 : i32
        %sub3A_129 = arith.subi %sub3A_128, %rem3A_108 : i32
        %dma_start3A_130 = arith.constant 0 : i32
        %dma_start3A_131 = arith.constant 0 : i32
        %dma_start3A_132 = arith.constant 0 : i32
        %dma_start3A_133 = tpu.memref_slice %arg8[%sub3A_127, %dma_start3A_131, %dma_start3A_132] : memref<2x128x128xf32, #tpu.memory_space<vmem>> -> memref<1x128x128xf32, #tpu.memory_space<vmem>>
        %dma_start3A_134 = tpu.memref_squeeze %dma_start3A_133 : memref<1x128x128xf32, #tpu.memory_space<vmem>> -> memref<128x128xf32, #tpu.memory_space<vmem>>
        %dma_start3A_135 = arith.constant 0 : i32
        %dma_start3A_136 = tpu.memref_slice %arg7[%dma_start3A_130, %add3A_126, %dma_start3A_135] : memref<2x20x128xi32, #tpu.memory_space<vmem>> -> memref<1x1x128xi32, #tpu.memory_space<vmem>>
        %dma_start3A_137 = tpu.memref_squeeze %dma_start3A_136 : memref<1x1x128xi32, #tpu.memory_space<vmem>> -> memref<128xi32, #tpu.memory_space<vmem>>
        %dma_start3A_138 = arith.constant 0 : i32
        %dma_start3A_139 = arith.constant 0 : i32
        %dma_start3A_140 = tpu.memref_slice %arg2[%dma_start3A_138, %dma_start3A_139] : memref<10000x128xf32, #tpu.memory_space<hbm>> -> memref<10000x128xf32, #tpu.memory_space<hbm>>
        %dma_start3A_141 = tpu.memref_slice %arg10[%sub3A_129] : memref<2x!tpu.dma_semaphore, #tpu.memory_space<semaphore_mem>> -> memref<1x!tpu.dma_semaphore, #tpu.memory_space<semaphore_mem>>
        %dma_start3A_142 = tpu.memref_squeeze %dma_start3A_141 : memref<1x!tpu.dma_semaphore, #tpu.memory_space<semaphore_mem>> -> memref<!tpu.dma_semaphore, #tpu.memory_space<semaphore_mem>>
        tpu.enqueue_indirect_dma source(%dma_start3A_140 : memref<10000x128xf32, #tpu.memory_space<hbm>>) target(%dma_start3A_134 : memref<128x128xf32, #tpu.memory_space<vmem>>) offsets(%dma_start3A_137 : memref<128xi32, #tpu.memory_space<vmem>>) semaphore(%dma_start3A_142 : memref<!tpu.dma_semaphore, #tpu.memory_space<semaphore_mem>>)
      } else {
      }
      %run_scoped3A_124 = arith.constant 1 : i32
      "tpu.region"() ({
        %run_scoped3A_125 = tpu.sem_alloc : memref<!tpu.dma_semaphore, #tpu.memory_space<semaphore_mem>>
        %dma_start3A_126 = arith.constant 0 : i32
        %dma_start3A_127 = arith.constant 0 : i32
        %dma_start3A_128 = tpu.memref_slice %arg8[%rem3A_108, %dma_start3A_126, %dma_start3A_127] : memref<2x128x128xf32, #tpu.memory_space<vmem>> -> memref<1x128x128xf32, #tpu.memory_space<vmem>>
        %dma_start3A_129 = tpu.memref_squeeze %dma_start3A_128 : memref<1x128x128xf32, #tpu.memory_space<vmem>> -> memref<128x128xf32, #tpu.memory_space<vmem>>
        %dma_start3A_130 = arith.constant 0 : i32
        %dma_start3A_131 = tpu.memref_slice %arg7[%run_scoped3A_124, %scan3A_107, %dma_start3A_130] : memref<2x20x128xi32, #tpu.memory_space<vmem>> -> memref<1x1x128xi32, #tpu.memory_space<vmem>>
        %dma_start3A_132 = tpu.memref_squeeze %dma_start3A_131 : memref<1x1x128xi32, #tpu.memory_space<vmem>> -> memref<128xi32, #tpu.memory_space<vmem>>
        %dma_start3A_133 = arith.constant 0 : i32
        %dma_start3A_134 = arith.constant 0 : i32
        %dma_start3A_135 = tpu.memref_slice %arg9[%dma_start3A_133, %dma_start3A_134] : memref<10240x128xf32, #tpu.memory_space<vmem_shared>> -> memref<10240x128xf32, #tpu.memory_space<vmem_shared>>
        tpu.enqueue_indirect_dma source(%dma_start3A_129 : memref<128x128xf32, #tpu.memory_space<vmem>>) target(%dma_start3A_135 : memref<10240x128xf32, #tpu.memory_space<vmem_shared>>) offsets(%dma_start3A_132 : memref<128xi32, #tpu.memory_space<vmem>>) semaphore(%run_scoped3A_125 : memref<!tpu.dma_semaphore, #tpu.memory_space<semaphore_mem>>) {add = true}
        %dma_wait3A_136 = arith.constant 0 : i32
        %dma_wait3A_137 = arith.constant 0 : i32
        %dma_wait3A_138 = tpu.memref_slice %arg8[%rem3A_108, %dma_wait3A_136, %dma_wait3A_137] : memref<2x128x128xf32, #tpu.memory_space<vmem>> -> memref<1x128x128xf32, #tpu.memory_space<vmem>>
        %dma_wait3A_139 = tpu.memref_squeeze %dma_wait3A_138 : memref<1x128x128xf32, #tpu.memory_space<vmem>> -> memref<128x128xf32, #tpu.memory_space<vmem>>
        %dma_wait3A_140 = arith.constant 0 : i32
        %dma_wait3A_141 = tpu.memref_slice %arg7[%run_scoped3A_124, %scan3A_107, %dma_wait3A_140] : memref<2x20x128xi32, #tpu.memory_space<vmem>> -> memref<1x1x128xi32, #tpu.memory_space<vmem>>
        %dma_wait3A_142 = tpu.memref_squeeze %dma_wait3A_141 : memref<1x1x128xi32, #tpu.memory_space<vmem>> -> memref<128xi32, #tpu.memory_space<vmem>>
        %dma_wait3A_143 = arith.constant 0 : i32
        %dma_wait3A_144 = arith.constant 0 : i32
        %dma_wait3A_145 = tpu.memref_slice %arg9[%dma_wait3A_143, %dma_wait3A_144] : memref<10240x128xf32, #tpu.memory_space<vmem_shared>> -> memref<10240x128xf32, #tpu.memory_space<vmem_shared>>
        tpu.wait_indirect_dma semaphore(%run_scoped3A_125 : memref<!tpu.dma_semaphore, #tpu.memory_space<semaphore_mem>>) src(%dma_wait3A_139 : memref<128x128xf32, #tpu.memory_space<vmem>>) dst(%dma_wait3A_145 : memref<10240x128xf32, #tpu.memory_space<vmem_shared>>)
        tpu.yield
      }) : () -> ()
    }
    %scan3A_101 = arith.constant 20 : i32
    %barrier3A_102 = arith.constant 0 : index
    tpu.barrier barrier_id(%barrier3A_102)
    %mul3A_103 = arith.constant 640 : i32
    %mul3A_104 = arith.muli %arg1, %mul3A_103 : i32
    %mul3A_105 = arith.constant 640 : i32
    %mul3A_106 = arith.muli %arg1, %mul3A_105 : i32
    "tpu.region"() ({
      %run_scoped3A_107 = tpu.sem_alloc : memref<!tpu.dma_semaphore, #tpu.memory_space<semaphore_mem>>
      %dma_start3A_108 = arith.constant 0 : i32
      %dma_start3A_109 = arith.constant 0 : i32
      %dma_start3A_110 = tpu.memref_slice %arg6[%arg0, %dma_start3A_108, %dma_start3A_109] : memref<2x10240x128xf32, #tpu.memory_space<hbm>> -> memref<1x10240x128xf32, #tpu.memory_space<hbm>>
      %dma_start3A_111 = tpu.memref_squeeze %dma_start3A_110 : memref<1x10240x128xf32, #tpu.memory_space<hbm>> -> memref<10240x128xf32, #tpu.memory_space<hbm>>
      %dma_start3A_112 = arith.constant 0 : i32
      %dma_start3A_113 = tpu.memref_slice %dma_start3A_111[%mul3A_106, %dma_start3A_112] : memref<10240x128xf32, #tpu.memory_space<hbm>> -> memref<640x128xf32, #tpu.memory_space<hbm>>
      %dma_start3A_114 = arith.constant 0 : i32
      %dma_start3A_115 = tpu.memref_slice %arg9[%mul3A_104, %dma_start3A_114] : memref<10240x128xf32, #tpu.memory_space<vmem_shared>> -> memref<640x128xf32, #tpu.memory_space<vmem_shared>>
      tpu.enqueue_dma source(%dma_start3A_115 : memref<640x128xf32, #tpu.memory_space<vmem_shared>>) target(%dma_start3A_113 : memref<640x128xf32, #tpu.memory_space<hbm>>) target_semaphore(%run_scoped3A_107 : memref<!tpu.dma_semaphore, #tpu.memory_space<semaphore_mem>>)
      %dma_wait3A = arith.constant 0 : i32
      %dma_wait3A_116 = arith.constant 0 : i32
      %dma_wait3A_117 = tpu.memref_slice %arg6[%arg0, %dma_wait3A, %dma_wait3A_116] : memref<2x10240x128xf32, #tpu.memory_space<hbm>> -> memref<1x10240x128xf32, #tpu.memory_space<hbm>>
      %dma_wait3A_118 = tpu.memref_squeeze %dma_wait3A_117 : memref<1x10240x128xf32, #tpu.memory_space<hbm>> -> memref<10240x128xf32, #tpu.memory_space<hbm>>
      %dma_wait3A_119 = arith.constant 0 : i32
      %dma_wait3A_120 = tpu.memref_slice %dma_wait3A_118[%mul3A_106, %dma_wait3A_119] : memref<10240x128xf32, #tpu.memory_space<hbm>> -> memref<640x128xf32, #tpu.memory_space<hbm>>
      %dma_wait3A_121 = arith.constant 0 : i32
      %dma_wait3A_122 = tpu.memref_slice %arg9[%mul3A_104, %dma_wait3A_121] : memref<10240x128xf32, #tpu.memory_space<vmem_shared>> -> memref<640x128xf32, #tpu.memory_space<vmem_shared>>
      tpu.wait_dma2 semaphore(%run_scoped3A_107 : memref<!tpu.dma_semaphore, #tpu.memory_space<semaphore_mem>>) src(%dma_wait3A_122 : memref<640x128xf32, #tpu.memory_space<vmem_shared>>) dst(%dma_wait3A_120 : memref<640x128xf32, #tpu.memory_space<hbm>>)
      tpu.yield
    }) : () -> ()
    return
  }
}

#map = affine_map<(d0, d1) -> (0, 0, 0)>
#map1 = affine_map<(d0, d1) -> (0, 0, 0, 0)>
#map2 = affine_map<(d0, d1) -> (0, 0)>
module attributes {stable_mosaic.version = 14 : i64} {
  func.func @sc_agg(%arg0: i32, %arg1: i32, %arg2: memref<2x10000x128xf32, #tpu.memory_space<hbm>>, %arg3: memref<16x8x20x128xi32, #tpu.memory_space<hbm>>, %arg4: memref<16x8x20x128xi32, #tpu.memory_space<hbm>>, %arg5: memref<640x128xf32, #tpu.memory_space<hbm>>, %arg6: memref<2x10240x128xf32, #tpu.memory_space<hbm>>, %arg7: memref<2x20x128xi32, #tpu.memory_space<vmem>>, %arg8: memref<2x128x128xf32, #tpu.memory_space<vmem>>, %arg9: memref<10240x128xf32, #tpu.memory_space<vmem_shared>>, %arg10: memref<2x!tpu.dma_semaphore, #tpu.memory_space<semaphore_mem>>) attributes {dimension_semantics = [#tpu.dimension_semantics<core_parallel>, #tpu.dimension_semantics<subcore_parallel>], iteration_bounds = array<i64: 2, 16>, scalar_prefetch = 0 : i64, scratch_operands = 4 : i64, tpu.core_type = #tpu.core_type<sc_vector_subcore>, window_params = [{transform_indices = #map}, {transform_indices = #map1}, {transform_indices = #map1}, {transform_indices = #map2}, {transform_indices = #map}]} {
    %mul3A = arith.constant 640 : i32
    %mul3A_0 = arith.muli %arg1, %mul3A : i32
    "tpu.region"() ({
      %run_scoped3A_243 = tpu.sem_alloc : memref<!tpu.dma_semaphore, #tpu.memory_space<semaphore_mem>>
      %dma_start3A_244 = arith.constant 0 : i32
      %dma_start3A_245 = tpu.memref_slice %arg9[%mul3A_0, %dma_start3A_244] : memref<10240x128xf32, #tpu.memory_space<vmem_shared>> -> memref<640x128xf32, #tpu.memory_space<vmem_shared>>
      tpu.enqueue_dma source(%arg5 : memref<640x128xf32, #tpu.memory_space<hbm>>) target(%dma_start3A_245 : memref<640x128xf32, #tpu.memory_space<vmem_shared>>) target_semaphore(%run_scoped3A_243 : memref<!tpu.dma_semaphore, #tpu.memory_space<semaphore_mem>>)
      %dma_wait3A = arith.constant 0 : i32
      %dma_wait3A_246 = tpu.memref_slice %arg9[%mul3A_0, %dma_wait3A] : memref<10240x128xf32, #tpu.memory_space<vmem_shared>> -> memref<640x128xf32, #tpu.memory_space<vmem_shared>>
      tpu.wait_dma2 semaphore(%run_scoped3A_243 : memref<!tpu.dma_semaphore, #tpu.memory_space<semaphore_mem>>) src(%arg5 : memref<640x128xf32, #tpu.memory_space<hbm>>) dst(%dma_wait3A_246 : memref<640x128xf32, #tpu.memory_space<vmem_shared>>)
      tpu.yield
    }) : () -> ()
    %barrier3A = arith.constant 0 : index
    tpu.barrier barrier_id(%barrier3A)
    %run_scoped3A = arith.constant 0 : i32
    %run_scoped3A_1 = arith.constant 0 : i32
    "tpu.region"() ({
      %run_scoped3A_243 = tpu.sem_alloc : memref<!tpu.dma_semaphore, #tpu.memory_space<semaphore_mem>>
      %dma_start3A_244 = arith.constant 0 : i32
      %dma_start3A_245 = arith.constant 0 : i32
      %dma_start3A_246 = tpu.memref_slice %arg7[%run_scoped3A_1, %dma_start3A_244, %dma_start3A_245] : memref<2x20x128xi32, #tpu.memory_space<vmem>> -> memref<1x20x128xi32, #tpu.memory_space<vmem>>
      %dma_start3A_247 = tpu.memref_squeeze %dma_start3A_246 : memref<1x20x128xi32, #tpu.memory_space<vmem>> -> memref<20x128xi32, #tpu.memory_space<vmem>>
      %dma_start3A_248 = arith.constant 0 : i32
      %dma_start3A_249 = arith.constant 0 : i32
      %dma_start3A_250 = tpu.memref_slice %arg3[%arg1, %run_scoped3A, %dma_start3A_248, %dma_start3A_249] : memref<16x8x20x128xi32, #tpu.memory_space<hbm>> -> memref<1x1x20x128xi32, #tpu.memory_space<hbm>>
      %dma_start3A_251 = tpu.memref_squeeze %dma_start3A_250 : memref<1x1x20x128xi32, #tpu.memory_space<hbm>> -> memref<20x128xi32, #tpu.memory_space<hbm>>
      %dma_start3A_252 = arith.constant 0 : i32
      %dma_start3A_253 = arith.constant 0 : i32
      %dma_start3A_254 = tpu.memref_slice %arg7[%run_scoped3A_1, %dma_start3A_252, %dma_start3A_253] : memref<2x20x128xi32, #tpu.memory_space<vmem>> -> memref<1x20x128xi32, #tpu.memory_space<vmem>>
      %dma_start3A_255 = tpu.memref_squeeze %dma_start3A_254 : memref<1x20x128xi32, #tpu.memory_space<vmem>> -> memref<20x128xi32, #tpu.memory_space<vmem>>
      %dma_start3A_256 = arith.constant 0 : i32
      %dma_start3A_257 = arith.constant 0 : i32
      %dma_start3A_258 = tpu.memref_slice %arg3[%arg1, %run_scoped3A, %dma_start3A_256, %dma_start3A_257] : memref<16x8x20x128xi32, #tpu.memory_space<hbm>> -> memref<1x1x20x128xi32, #tpu.memory_space<hbm>>
      %dma_start3A_259 = tpu.memref_squeeze %dma_start3A_258 : memref<1x1x20x128xi32, #tpu.memory_space<hbm>> -> memref<20x128xi32, #tpu.memory_space<hbm>>
      tpu.enqueue_dma source(%dma_start3A_259 : memref<20x128xi32, #tpu.memory_space<hbm>>) target(%dma_start3A_255 : memref<20x128xi32, #tpu.memory_space<vmem>>) target_semaphore(%run_scoped3A_243 : memref<!tpu.dma_semaphore, #tpu.memory_space<semaphore_mem>>)
      %dma_wait3A = arith.constant 0 : i32
      %dma_wait3A_260 = arith.constant 0 : i32
      %dma_wait3A_261 = tpu.memref_slice %arg7[%run_scoped3A_1, %dma_wait3A, %dma_wait3A_260] : memref<2x20x128xi32, #tpu.memory_space<vmem>> -> memref<1x20x128xi32, #tpu.memory_space<vmem>>
      %dma_wait3A_262 = tpu.memref_squeeze %dma_wait3A_261 : memref<1x20x128xi32, #tpu.memory_space<vmem>> -> memref<20x128xi32, #tpu.memory_space<vmem>>
      %dma_wait3A_263 = arith.constant 0 : i32
      %dma_wait3A_264 = arith.constant 0 : i32
      %dma_wait3A_265 = tpu.memref_slice %arg3[%arg1, %run_scoped3A, %dma_wait3A_263, %dma_wait3A_264] : memref<16x8x20x128xi32, #tpu.memory_space<hbm>> -> memref<1x1x20x128xi32, #tpu.memory_space<hbm>>
      %dma_wait3A_266 = tpu.memref_squeeze %dma_wait3A_265 : memref<1x1x20x128xi32, #tpu.memory_space<hbm>> -> memref<20x128xi32, #tpu.memory_space<hbm>>
      %dma_wait3A_267 = arith.constant 0 : i32
      %dma_wait3A_268 = arith.constant 0 : i32
      %dma_wait3A_269 = tpu.memref_slice %arg7[%run_scoped3A_1, %dma_wait3A_267, %dma_wait3A_268] : memref<2x20x128xi32, #tpu.memory_space<vmem>> -> memref<1x20x128xi32, #tpu.memory_space<vmem>>
      %dma_wait3A_270 = tpu.memref_squeeze %dma_wait3A_269 : memref<1x20x128xi32, #tpu.memory_space<vmem>> -> memref<20x128xi32, #tpu.memory_space<vmem>>
      %dma_wait3A_271 = arith.constant 0 : i32
      %dma_wait3A_272 = arith.constant 0 : i32
      %dma_wait3A_273 = tpu.memref_slice %arg3[%arg1, %run_scoped3A, %dma_wait3A_271, %dma_wait3A_272] : memref<16x8x20x128xi32, #tpu.memory_space<hbm>> -> memref<1x1x20x128xi32, #tpu.memory_space<hbm>>
      %dma_wait3A_274 = tpu.memref_squeeze %dma_wait3A_273 : memref<1x1x20x128xi32, #tpu.memory_space<hbm>> -> memref<20x128xi32, #tpu.memory_space<hbm>>
      tpu.wait_dma2 semaphore(%run_scoped3A_243 : memref<!tpu.dma_semaphore, #tpu.memory_space<semaphore_mem>>) src(%dma_wait3A_274 : memref<20x128xi32, #tpu.memory_space<hbm>>) dst(%dma_wait3A_270 : memref<20x128xi32, #tpu.memory_space<vmem>>)
      tpu.yield
    }) : () -> ()
    %run_scoped3A_2 = arith.constant 0 : i32
    %run_scoped3A_3 = arith.constant 1 : i32
    "tpu.region"() ({
      %run_scoped3A_243 = tpu.sem_alloc : memref<!tpu.dma_semaphore, #tpu.memory_space<semaphore_mem>>
      %dma_start3A_244 = arith.constant 0 : i32
      %dma_start3A_245 = arith.constant 0 : i32
      %dma_start3A_246 = tpu.memref_slice %arg7[%run_scoped3A_3, %dma_start3A_244, %dma_start3A_245] : memref<2x20x128xi32, #tpu.memory_space<vmem>> -> memref<1x20x128xi32, #tpu.memory_space<vmem>>
      %dma_start3A_247 = tpu.memref_squeeze %dma_start3A_246 : memref<1x20x128xi32, #tpu.memory_space<vmem>> -> memref<20x128xi32, #tpu.memory_space<vmem>>
      %dma_start3A_248 = arith.constant 0 : i32
      %dma_start3A_249 = arith.constant 0 : i32
      %dma_start3A_250 = tpu.memref_slice %arg4[%arg1, %run_scoped3A_2, %dma_start3A_248, %dma_start3A_249] : memref<16x8x20x128xi32, #tpu.memory_space<hbm>> -> memref<1x1x20x128xi32, #tpu.memory_space<hbm>>
      %dma_start3A_251 = tpu.memref_squeeze %dma_start3A_250 : memref<1x1x20x128xi32, #tpu.memory_space<hbm>> -> memref<20x128xi32, #tpu.memory_space<hbm>>
      %dma_start3A_252 = arith.constant 0 : i32
      %dma_start3A_253 = arith.constant 0 : i32
      %dma_start3A_254 = tpu.memref_slice %arg7[%run_scoped3A_3, %dma_start3A_252, %dma_start3A_253] : memref<2x20x128xi32, #tpu.memory_space<vmem>> -> memref<1x20x128xi32, #tpu.memory_space<vmem>>
      %dma_start3A_255 = tpu.memref_squeeze %dma_start3A_254 : memref<1x20x128xi32, #tpu.memory_space<vmem>> -> memref<20x128xi32, #tpu.memory_space<vmem>>
      %dma_start3A_256 = arith.constant 0 : i32
      %dma_start3A_257 = arith.constant 0 : i32
      %dma_start3A_258 = tpu.memref_slice %arg4[%arg1, %run_scoped3A_2, %dma_start3A_256, %dma_start3A_257] : memref<16x8x20x128xi32, #tpu.memory_space<hbm>> -> memref<1x1x20x128xi32, #tpu.memory_space<hbm>>
      %dma_start3A_259 = tpu.memref_squeeze %dma_start3A_258 : memref<1x1x20x128xi32, #tpu.memory_space<hbm>> -> memref<20x128xi32, #tpu.memory_space<hbm>>
      tpu.enqueue_dma source(%dma_start3A_259 : memref<20x128xi32, #tpu.memory_space<hbm>>) target(%dma_start3A_255 : memref<20x128xi32, #tpu.memory_space<vmem>>) target_semaphore(%run_scoped3A_243 : memref<!tpu.dma_semaphore, #tpu.memory_space<semaphore_mem>>)
      %dma_wait3A = arith.constant 0 : i32
      %dma_wait3A_260 = arith.constant 0 : i32
      %dma_wait3A_261 = tpu.memref_slice %arg7[%run_scoped3A_3, %dma_wait3A, %dma_wait3A_260] : memref<2x20x128xi32, #tpu.memory_space<vmem>> -> memref<1x20x128xi32, #tpu.memory_space<vmem>>
      %dma_wait3A_262 = tpu.memref_squeeze %dma_wait3A_261 : memref<1x20x128xi32, #tpu.memory_space<vmem>> -> memref<20x128xi32, #tpu.memory_space<vmem>>
      %dma_wait3A_263 = arith.constant 0 : i32
      %dma_wait3A_264 = arith.constant 0 : i32
      %dma_wait3A_265 = tpu.memref_slice %arg4[%arg1, %run_scoped3A_2, %dma_wait3A_263, %dma_wait3A_264] : memref<16x8x20x128xi32, #tpu.memory_space<hbm>> -> memref<1x1x20x128xi32, #tpu.memory_space<hbm>>
      %dma_wait3A_266 = tpu.memref_squeeze %dma_wait3A_265 : memref<1x1x20x128xi32, #tpu.memory_space<hbm>> -> memref<20x128xi32, #tpu.memory_space<hbm>>
      %dma_wait3A_267 = arith.constant 0 : i32
      %dma_wait3A_268 = arith.constant 0 : i32
      %dma_wait3A_269 = tpu.memref_slice %arg7[%run_scoped3A_3, %dma_wait3A_267, %dma_wait3A_268] : memref<2x20x128xi32, #tpu.memory_space<vmem>> -> memref<1x20x128xi32, #tpu.memory_space<vmem>>
      %dma_wait3A_270 = tpu.memref_squeeze %dma_wait3A_269 : memref<1x20x128xi32, #tpu.memory_space<vmem>> -> memref<20x128xi32, #tpu.memory_space<vmem>>
      %dma_wait3A_271 = arith.constant 0 : i32
      %dma_wait3A_272 = arith.constant 0 : i32
      %dma_wait3A_273 = tpu.memref_slice %arg4[%arg1, %run_scoped3A_2, %dma_wait3A_271, %dma_wait3A_272] : memref<16x8x20x128xi32, #tpu.memory_space<hbm>> -> memref<1x1x20x128xi32, #tpu.memory_space<hbm>>
      %dma_wait3A_274 = tpu.memref_squeeze %dma_wait3A_273 : memref<1x1x20x128xi32, #tpu.memory_space<hbm>> -> memref<20x128xi32, #tpu.memory_space<hbm>>
      tpu.wait_dma2 semaphore(%run_scoped3A_243 : memref<!tpu.dma_semaphore, #tpu.memory_space<semaphore_mem>>) src(%dma_wait3A_274 : memref<20x128xi32, #tpu.memory_space<hbm>>) dst(%dma_wait3A_270 : memref<20x128xi32, #tpu.memory_space<vmem>>)
      tpu.yield
    }) : () -> ()
    %dma_start3A = arith.constant 0 : i32
    %dma_start3A_4 = arith.constant 0 : i32
    %dma_start3A_5 = arith.constant 0 : i32
    %dma_start3A_6 = arith.constant 0 : i32
    %dma_start3A_7 = arith.constant 0 : i32
    %dma_start3A_8 = arith.constant 0 : i32
    %dma_start3A_9 = tpu.memref_slice %arg8[%dma_start3A_5, %dma_start3A_7, %dma_start3A_8] : memref<2x128x128xf32, #tpu.memory_space<vmem>> -> memref<1x128x128xf32, #tpu.memory_space<vmem>>
    %dma_start3A_10 = tpu.memref_squeeze %dma_start3A_9 : memref<1x128x128xf32, #tpu.memory_space<vmem>> -> memref<128x128xf32, #tpu.memory_space<vmem>>
    %dma_start3A_11 = arith.constant 0 : i32
    %dma_start3A_12 = tpu.memref_slice %arg7[%dma_start3A, %dma_start3A_4, %dma_start3A_11] : memref<2x20x128xi32, #tpu.memory_space<vmem>> -> memref<1x1x128xi32, #tpu.memory_space<vmem>>
    %dma_start3A_13 = tpu.memref_squeeze %dma_start3A_12 : memref<1x1x128xi32, #tpu.memory_space<vmem>> -> memref<128xi32, #tpu.memory_space<vmem>>
    %dma_start3A_14 = arith.constant 0 : i32
    %dma_start3A_15 = arith.constant 0 : i32
    %dma_start3A_16 = tpu.memref_slice %arg2[%arg0, %dma_start3A_14, %dma_start3A_15] : memref<2x10000x128xf32, #tpu.memory_space<hbm>> -> memref<1x10000x128xf32, #tpu.memory_space<hbm>>
    %dma_start3A_17 = tpu.memref_squeeze %dma_start3A_16 : memref<1x10000x128xf32, #tpu.memory_space<hbm>> -> memref<10000x128xf32, #tpu.memory_space<hbm>>
    %dma_start3A_18 = arith.constant 0 : i32
    %dma_start3A_19 = arith.constant 0 : i32
    %dma_start3A_20 = tpu.memref_slice %dma_start3A_17[%dma_start3A_18, %dma_start3A_19] : memref<10000x128xf32, #tpu.memory_space<hbm>> -> memref<10000x128xf32, #tpu.memory_space<hbm>>
    %dma_start3A_21 = tpu.memref_slice %arg10[%dma_start3A_6] : memref<2x!tpu.dma_semaphore, #tpu.memory_space<semaphore_mem>> -> memref<1x!tpu.dma_semaphore, #tpu.memory_space<semaphore_mem>>
    %dma_start3A_22 = tpu.memref_squeeze %dma_start3A_21 : memref<1x!tpu.dma_semaphore, #tpu.memory_space<semaphore_mem>> -> memref<!tpu.dma_semaphore, #tpu.memory_space<semaphore_mem>>
    tpu.enqueue_indirect_dma source(%dma_start3A_20 : memref<10000x128xf32, #tpu.memory_space<hbm>>) target(%dma_start3A_10 : memref<128x128xf32, #tpu.memory_space<vmem>>) offsets(%dma_start3A_13 : memref<128xi32, #tpu.memory_space<vmem>>) semaphore(%dma_start3A_22 : memref<!tpu.dma_semaphore, #tpu.memory_space<semaphore_mem>>)
    %scan3A = arith.constant 0 : i32
    %scan3A_23 = arith.constant 0 : i32
    %scan3A_24 = arith.constant 20 : i32
    %scan3A_25 = arith.addi %scan3A_23, %scan3A_24 : i32
    %scan3A_26 = arith.constant 1 : i32
    scf.for %scan3A_243 = %scan3A_23 to %scan3A_25 step %scan3A_26  : i32 {
      %rem3A = arith.constant 2 : i32
      %rem3A_244 = arith.remsi %scan3A_243, %rem3A : i32
      %dma_wait3A = arith.constant 0 : i32
      %dma_wait3A_245 = arith.constant 0 : i32
      %dma_wait3A_246 = arith.constant 0 : i32
      %dma_wait3A_247 = tpu.memref_slice %arg8[%rem3A_244, %dma_wait3A_245, %dma_wait3A_246] : memref<2x128x128xf32, #tpu.memory_space<vmem>> -> memref<1x128x128xf32, #tpu.memory_space<vmem>>
      %dma_wait3A_248 = tpu.memref_squeeze %dma_wait3A_247 : memref<1x128x128xf32, #tpu.memory_space<vmem>> -> memref<128x128xf32, #tpu.memory_space<vmem>>
      %dma_wait3A_249 = arith.constant 0 : i32
      %dma_wait3A_250 = tpu.memref_slice %arg7[%dma_wait3A, %scan3A_243, %dma_wait3A_249] : memref<2x20x128xi32, #tpu.memory_space<vmem>> -> memref<1x1x128xi32, #tpu.memory_space<vmem>>
      %dma_wait3A_251 = tpu.memref_squeeze %dma_wait3A_250 : memref<1x1x128xi32, #tpu.memory_space<vmem>> -> memref<128xi32, #tpu.memory_space<vmem>>
      %dma_wait3A_252 = arith.constant 0 : i32
      %dma_wait3A_253 = arith.constant 0 : i32
      %dma_wait3A_254 = tpu.memref_slice %arg2[%arg0, %dma_wait3A_252, %dma_wait3A_253] : memref<2x10000x128xf32, #tpu.memory_space<hbm>> -> memref<1x10000x128xf32, #tpu.memory_space<hbm>>
      %dma_wait3A_255 = tpu.memref_squeeze %dma_wait3A_254 : memref<1x10000x128xf32, #tpu.memory_space<hbm>> -> memref<10000x128xf32, #tpu.memory_space<hbm>>
      %dma_wait3A_256 = arith.constant 0 : i32
      %dma_wait3A_257 = arith.constant 0 : i32
      %dma_wait3A_258 = tpu.memref_slice %dma_wait3A_255[%dma_wait3A_256, %dma_wait3A_257] : memref<10000x128xf32, #tpu.memory_space<hbm>> -> memref<10000x128xf32, #tpu.memory_space<hbm>>
      %dma_wait3A_259 = tpu.memref_slice %arg10[%rem3A_244] : memref<2x!tpu.dma_semaphore, #tpu.memory_space<semaphore_mem>> -> memref<1x!tpu.dma_semaphore, #tpu.memory_space<semaphore_mem>>
      %dma_wait3A_260 = tpu.memref_squeeze %dma_wait3A_259 : memref<1x!tpu.dma_semaphore, #tpu.memory_space<semaphore_mem>> -> memref<!tpu.dma_semaphore, #tpu.memory_space<semaphore_mem>>
      tpu.wait_indirect_dma semaphore(%dma_wait3A_260 : memref<!tpu.dma_semaphore, #tpu.memory_space<semaphore_mem>>) src(%dma_wait3A_258 : memref<10000x128xf32, #tpu.memory_space<hbm>>) dst(%dma_wait3A_248 : memref<128x128xf32, #tpu.memory_space<vmem>>)
      %add3A = arith.constant 1 : i32
      %add3A_261 = arith.addi %scan3A_243, %add3A : i32
      %lt3A = arith.constant 20 : i32
      %lt3A_262 = arith.cmpi slt, %add3A_261, %lt3A : i32
      %convert_element_type3A = arith.extui %lt3A_262 : i1 to i32
      %cond3A = arith.constant 0 : i32
      %cond3A_263 = arith.cmpi ne, %convert_element_type3A, %cond3A : i32
      scf.if %cond3A_263 {
        %add3A_265 = arith.constant 1 : i32
        %add3A_266 = arith.addi %scan3A_243, %add3A_265 : i32
        %sub3A = arith.constant 1 : i32
        %sub3A_267 = arith.subi %sub3A, %rem3A_244 : i32
        %sub3A_268 = arith.constant 1 : i32
        %sub3A_269 = arith.subi %sub3A_268, %rem3A_244 : i32
        %dma_start3A_270 = arith.constant 0 : i32
        %dma_start3A_271 = arith.constant 0 : i32
        %dma_start3A_272 = arith.constant 0 : i32
        %dma_start3A_273 = tpu.memref_slice %arg8[%sub3A_267, %dma_start3A_271, %dma_start3A_272] : memref<2x128x128xf32, #tpu.memory_space<vmem>> -> memref<1x128x128xf32, #tpu.memory_space<vmem>>
        %dma_start3A_274 = tpu.memref_squeeze %dma_start3A_273 : memref<1x128x128xf32, #tpu.memory_space<vmem>> -> memref<128x128xf32, #tpu.memory_space<vmem>>
        %dma_start3A_275 = arith.constant 0 : i32
        %dma_start3A_276 = tpu.memref_slice %arg7[%dma_start3A_270, %add3A_266, %dma_start3A_275] : memref<2x20x128xi32, #tpu.memory_space<vmem>> -> memref<1x1x128xi32, #tpu.memory_space<vmem>>
        %dma_start3A_277 = tpu.memref_squeeze %dma_start3A_276 : memref<1x1x128xi32, #tpu.memory_space<vmem>> -> memref<128xi32, #tpu.memory_space<vmem>>
        %dma_start3A_278 = arith.constant 0 : i32
        %dma_start3A_279 = arith.constant 0 : i32
        %dma_start3A_280 = tpu.memref_slice %arg2[%arg0, %dma_start3A_278, %dma_start3A_279] : memref<2x10000x128xf32, #tpu.memory_space<hbm>> -> memref<1x10000x128xf32, #tpu.memory_space<hbm>>
        %dma_start3A_281 = tpu.memref_squeeze %dma_start3A_280 : memref<1x10000x128xf32, #tpu.memory_space<hbm>> -> memref<10000x128xf32, #tpu.memory_space<hbm>>
        %dma_start3A_282 = arith.constant 0 : i32
        %dma_start3A_283 = arith.constant 0 : i32
        %dma_start3A_284 = tpu.memref_slice %dma_start3A_281[%dma_start3A_282, %dma_start3A_283] : memref<10000x128xf32, #tpu.memory_space<hbm>> -> memref<10000x128xf32, #tpu.memory_space<hbm>>
        %dma_start3A_285 = tpu.memref_slice %arg10[%sub3A_269] : memref<2x!tpu.dma_semaphore, #tpu.memory_space<semaphore_mem>> -> memref<1x!tpu.dma_semaphore, #tpu.memory_space<semaphore_mem>>
        %dma_start3A_286 = tpu.memref_squeeze %dma_start3A_285 : memref<1x!tpu.dma_semaphore, #tpu.memory_space<semaphore_mem>> -> memref<!tpu.dma_semaphore, #tpu.memory_space<semaphore_mem>>
        tpu.enqueue_indirect_dma source(%dma_start3A_284 : memref<10000x128xf32, #tpu.memory_space<hbm>>) target(%dma_start3A_274 : memref<128x128xf32, #tpu.memory_space<vmem>>) offsets(%dma_start3A_277 : memref<128xi32, #tpu.memory_space<vmem>>) semaphore(%dma_start3A_286 : memref<!tpu.dma_semaphore, #tpu.memory_space<semaphore_mem>>)
      } else {
      }
      %run_scoped3A_264 = arith.constant 1 : i32
      "tpu.region"() ({
        %run_scoped3A_265 = tpu.sem_alloc : memref<!tpu.dma_semaphore, #tpu.memory_space<semaphore_mem>>
        %dma_start3A_266 = arith.constant 0 : i32
        %dma_start3A_267 = arith.constant 0 : i32
        %dma_start3A_268 = tpu.memref_slice %arg8[%rem3A_244, %dma_start3A_266, %dma_start3A_267] : memref<2x128x128xf32, #tpu.memory_space<vmem>> -> memref<1x128x128xf32, #tpu.memory_space<vmem>>
        %dma_start3A_269 = tpu.memref_squeeze %dma_start3A_268 : memref<1x128x128xf32, #tpu.memory_space<vmem>> -> memref<128x128xf32, #tpu.memory_space<vmem>>
        %dma_start3A_270 = arith.constant 0 : i32
        %dma_start3A_271 = tpu.memref_slice %arg7[%run_scoped3A_264, %scan3A_243, %dma_start3A_270] : memref<2x20x128xi32, #tpu.memory_space<vmem>> -> memref<1x1x128xi32, #tpu.memory_space<vmem>>
        %dma_start3A_272 = tpu.memref_squeeze %dma_start3A_271 : memref<1x1x128xi32, #tpu.memory_space<vmem>> -> memref<128xi32, #tpu.memory_space<vmem>>
        %dma_start3A_273 = arith.constant 0 : i32
        %dma_start3A_274 = arith.constant 0 : i32
        %dma_start3A_275 = tpu.memref_slice %arg9[%dma_start3A_273, %dma_start3A_274] : memref<10240x128xf32, #tpu.memory_space<vmem_shared>> -> memref<10240x128xf32, #tpu.memory_space<vmem_shared>>
        tpu.enqueue_indirect_dma source(%dma_start3A_269 : memref<128x128xf32, #tpu.memory_space<vmem>>) target(%dma_start3A_275 : memref<10240x128xf32, #tpu.memory_space<vmem_shared>>) offsets(%dma_start3A_272 : memref<128xi32, #tpu.memory_space<vmem>>) semaphore(%run_scoped3A_265 : memref<!tpu.dma_semaphore, #tpu.memory_space<semaphore_mem>>) {add = true}
        %dma_wait3A_276 = arith.constant 0 : i32
        %dma_wait3A_277 = arith.constant 0 : i32
        %dma_wait3A_278 = tpu.memref_slice %arg8[%rem3A_244, %dma_wait3A_276, %dma_wait3A_277] : memref<2x128x128xf32, #tpu.memory_space<vmem>> -> memref<1x128x128xf32, #tpu.memory_space<vmem>>
        %dma_wait3A_279 = tpu.memref_squeeze %dma_wait3A_278 : memref<1x128x128xf32, #tpu.memory_space<vmem>> -> memref<128x128xf32, #tpu.memory_space<vmem>>
        %dma_wait3A_280 = arith.constant 0 : i32
        %dma_wait3A_281 = tpu.memref_slice %arg7[%run_scoped3A_264, %scan3A_243, %dma_wait3A_280] : memref<2x20x128xi32, #tpu.memory_space<vmem>> -> memref<1x1x128xi32, #tpu.memory_space<vmem>>
        %dma_wait3A_282 = tpu.memref_squeeze %dma_wait3A_281 : memref<1x1x128xi32, #tpu.memory_space<vmem>> -> memref<128xi32, #tpu.memory_space<vmem>>
        %dma_wait3A_283 = arith.constant 0 : i32
        %dma_wait3A_284 = arith.constant 0 : i32
        %dma_wait3A_285 = tpu.memref_slice %arg9[%dma_wait3A_283, %dma_wait3A_284] : memref<10240x128xf32, #tpu.memory_space<vmem_shared>> -> memref<10240x128xf32, #tpu.memory_space<vmem_shared>>
        tpu.wait_indirect_dma semaphore(%run_scoped3A_265 : memref<!tpu.dma_semaphore, #tpu.memory_space<semaphore_mem>>) src(%dma_wait3A_279 : memref<128x128xf32, #tpu.memory_space<vmem>>) dst(%dma_wait3A_285 : memref<10240x128xf32, #tpu.memory_space<vmem_shared>>)
        tpu.yield
      }) : () -> ()
    }
    %scan3A_27 = arith.constant 20 : i32
    %run_scoped3A_28 = arith.constant 1 : i32
    %run_scoped3A_29 = arith.constant 0 : i32
    "tpu.region"() ({
      %run_scoped3A_243 = tpu.sem_alloc : memref<!tpu.dma_semaphore, #tpu.memory_space<semaphore_mem>>
      %dma_start3A_244 = arith.constant 0 : i32
      %dma_start3A_245 = arith.constant 0 : i32
      %dma_start3A_246 = tpu.memref_slice %arg7[%run_scoped3A_29, %dma_start3A_244, %dma_start3A_245] : memref<2x20x128xi32, #tpu.memory_space<vmem>> -> memref<1x20x128xi32, #tpu.memory_space<vmem>>
      %dma_start3A_247 = tpu.memref_squeeze %dma_start3A_246 : memref<1x20x128xi32, #tpu.memory_space<vmem>> -> memref<20x128xi32, #tpu.memory_space<vmem>>
      %dma_start3A_248 = arith.constant 0 : i32
      %dma_start3A_249 = arith.constant 0 : i32
      %dma_start3A_250 = tpu.memref_slice %arg3[%arg1, %run_scoped3A_28, %dma_start3A_248, %dma_start3A_249] : memref<16x8x20x128xi32, #tpu.memory_space<hbm>> -> memref<1x1x20x128xi32, #tpu.memory_space<hbm>>
      %dma_start3A_251 = tpu.memref_squeeze %dma_start3A_250 : memref<1x1x20x128xi32, #tpu.memory_space<hbm>> -> memref<20x128xi32, #tpu.memory_space<hbm>>
      %dma_start3A_252 = arith.constant 0 : i32
      %dma_start3A_253 = arith.constant 0 : i32
      %dma_start3A_254 = tpu.memref_slice %arg7[%run_scoped3A_29, %dma_start3A_252, %dma_start3A_253] : memref<2x20x128xi32, #tpu.memory_space<vmem>> -> memref<1x20x128xi32, #tpu.memory_space<vmem>>
      %dma_start3A_255 = tpu.memref_squeeze %dma_start3A_254 : memref<1x20x128xi32, #tpu.memory_space<vmem>> -> memref<20x128xi32, #tpu.memory_space<vmem>>
      %dma_start3A_256 = arith.constant 0 : i32
      %dma_start3A_257 = arith.constant 0 : i32
      %dma_start3A_258 = tpu.memref_slice %arg3[%arg1, %run_scoped3A_28, %dma_start3A_256, %dma_start3A_257] : memref<16x8x20x128xi32, #tpu.memory_space<hbm>> -> memref<1x1x20x128xi32, #tpu.memory_space<hbm>>
      %dma_start3A_259 = tpu.memref_squeeze %dma_start3A_258 : memref<1x1x20x128xi32, #tpu.memory_space<hbm>> -> memref<20x128xi32, #tpu.memory_space<hbm>>
      tpu.enqueue_dma source(%dma_start3A_259 : memref<20x128xi32, #tpu.memory_space<hbm>>) target(%dma_start3A_255 : memref<20x128xi32, #tpu.memory_space<vmem>>) target_semaphore(%run_scoped3A_243 : memref<!tpu.dma_semaphore, #tpu.memory_space<semaphore_mem>>)
      %dma_wait3A = arith.constant 0 : i32
      %dma_wait3A_260 = arith.constant 0 : i32
      %dma_wait3A_261 = tpu.memref_slice %arg7[%run_scoped3A_29, %dma_wait3A, %dma_wait3A_260] : memref<2x20x128xi32, #tpu.memory_space<vmem>> -> memref<1x20x128xi32, #tpu.memory_space<vmem>>
      %dma_wait3A_262 = tpu.memref_squeeze %dma_wait3A_261 : memref<1x20x128xi32, #tpu.memory_space<vmem>> -> memref<20x128xi32, #tpu.memory_space<vmem>>
      %dma_wait3A_263 = arith.constant 0 : i32
      %dma_wait3A_264 = arith.constant 0 : i32
      %dma_wait3A_265 = tpu.memref_slice %arg3[%arg1, %run_scoped3A_28, %dma_wait3A_263, %dma_wait3A_264] : memref<16x8x20x128xi32, #tpu.memory_space<hbm>> -> memref<1x1x20x128xi32, #tpu.memory_space<hbm>>
      %dma_wait3A_266 = tpu.memref_squeeze %dma_wait3A_265 : memref<1x1x20x128xi32, #tpu.memory_space<hbm>> -> memref<20x128xi32, #tpu.memory_space<hbm>>
      %dma_wait3A_267 = arith.constant 0 : i32
      %dma_wait3A_268 = arith.constant 0 : i32
      %dma_wait3A_269 = tpu.memref_slice %arg7[%run_scoped3A_29, %dma_wait3A_267, %dma_wait3A_268] : memref<2x20x128xi32, #tpu.memory_space<vmem>> -> memref<1x20x128xi32, #tpu.memory_space<vmem>>
      %dma_wait3A_270 = tpu.memref_squeeze %dma_wait3A_269 : memref<1x20x128xi32, #tpu.memory_space<vmem>> -> memref<20x128xi32, #tpu.memory_space<vmem>>
      %dma_wait3A_271 = arith.constant 0 : i32
      %dma_wait3A_272 = arith.constant 0 : i32
      %dma_wait3A_273 = tpu.memref_slice %arg3[%arg1, %run_scoped3A_28, %dma_wait3A_271, %dma_wait3A_272] : memref<16x8x20x128xi32, #tpu.memory_space<hbm>> -> memref<1x1x20x128xi32, #tpu.memory_space<hbm>>
      %dma_wait3A_274 = tpu.memref_squeeze %dma_wait3A_273 : memref<1x1x20x128xi32, #tpu.memory_space<hbm>> -> memref<20x128xi32, #tpu.memory_space<hbm>>
      tpu.wait_dma2 semaphore(%run_scoped3A_243 : memref<!tpu.dma_semaphore, #tpu.memory_space<semaphore_mem>>) src(%dma_wait3A_274 : memref<20x128xi32, #tpu.memory_space<hbm>>) dst(%dma_wait3A_270 : memref<20x128xi32, #tpu.memory_space<vmem>>)
      tpu.yield
    }) : () -> ()
    %run_scoped3A_30 = arith.constant 1 : i32
    %run_scoped3A_31 = arith.constant 1 : i32
    "tpu.region"() ({
      %run_scoped3A_243 = tpu.sem_alloc : memref<!tpu.dma_semaphore, #tpu.memory_space<semaphore_mem>>
      %dma_start3A_244 = arith.constant 0 : i32
      %dma_start3A_245 = arith.constant 0 : i32
      %dma_start3A_246 = tpu.memref_slice %arg7[%run_scoped3A_31, %dma_start3A_244, %dma_start3A_245] : memref<2x20x128xi32, #tpu.memory_space<vmem>> -> memref<1x20x128xi32, #tpu.memory_space<vmem>>
      %dma_start3A_247 = tpu.memref_squeeze %dma_start3A_246 : memref<1x20x128xi32, #tpu.memory_space<vmem>> -> memref<20x128xi32, #tpu.memory_space<vmem>>
      %dma_start3A_248 = arith.constant 0 : i32
      %dma_start3A_249 = arith.constant 0 : i32
      %dma_start3A_250 = tpu.memref_slice %arg4[%arg1, %run_scoped3A_30, %dma_start3A_248, %dma_start3A_249] : memref<16x8x20x128xi32, #tpu.memory_space<hbm>> -> memref<1x1x20x128xi32, #tpu.memory_space<hbm>>
      %dma_start3A_251 = tpu.memref_squeeze %dma_start3A_250 : memref<1x1x20x128xi32, #tpu.memory_space<hbm>> -> memref<20x128xi32, #tpu.memory_space<hbm>>
      %dma_start3A_252 = arith.constant 0 : i32
      %dma_start3A_253 = arith.constant 0 : i32
      %dma_start3A_254 = tpu.memref_slice %arg7[%run_scoped3A_31, %dma_start3A_252, %dma_start3A_253] : memref<2x20x128xi32, #tpu.memory_space<vmem>> -> memref<1x20x128xi32, #tpu.memory_space<vmem>>
      %dma_start3A_255 = tpu.memref_squeeze %dma_start3A_254 : memref<1x20x128xi32, #tpu.memory_space<vmem>> -> memref<20x128xi32, #tpu.memory_space<vmem>>
      %dma_start3A_256 = arith.constant 0 : i32
      %dma_start3A_257 = arith.constant 0 : i32
      %dma_start3A_258 = tpu.memref_slice %arg4[%arg1, %run_scoped3A_30, %dma_start3A_256, %dma_start3A_257] : memref<16x8x20x128xi32, #tpu.memory_space<hbm>> -> memref<1x1x20x128xi32, #tpu.memory_space<hbm>>
      %dma_start3A_259 = tpu.memref_squeeze %dma_start3A_258 : memref<1x1x20x128xi32, #tpu.memory_space<hbm>> -> memref<20x128xi32, #tpu.memory_space<hbm>>
      tpu.enqueue_dma source(%dma_start3A_259 : memref<20x128xi32, #tpu.memory_space<hbm>>) target(%dma_start3A_255 : memref<20x128xi32, #tpu.memory_space<vmem>>) target_semaphore(%run_scoped3A_243 : memref<!tpu.dma_semaphore, #tpu.memory_space<semaphore_mem>>)
      %dma_wait3A = arith.constant 0 : i32
      %dma_wait3A_260 = arith.constant 0 : i32
      %dma_wait3A_261 = tpu.memref_slice %arg7[%run_scoped3A_31, %dma_wait3A, %dma_wait3A_260] : memref<2x20x128xi32, #tpu.memory_space<vmem>> -> memref<1x20x128xi32, #tpu.memory_space<vmem>>
      %dma_wait3A_262 = tpu.memref_squeeze %dma_wait3A_261 : memref<1x20x128xi32, #tpu.memory_space<vmem>> -> memref<20x128xi32, #tpu.memory_space<vmem>>
      %dma_wait3A_263 = arith.constant 0 : i32
      %dma_wait3A_264 = arith.constant 0 : i32
      %dma_wait3A_265 = tpu.memref_slice %arg4[%arg1, %run_scoped3A_30, %dma_wait3A_263, %dma_wait3A_264] : memref<16x8x20x128xi32, #tpu.memory_space<hbm>> -> memref<1x1x20x128xi32, #tpu.memory_space<hbm>>
      %dma_wait3A_266 = tpu.memref_squeeze %dma_wait3A_265 : memref<1x1x20x128xi32, #tpu.memory_space<hbm>> -> memref<20x128xi32, #tpu.memory_space<hbm>>
      %dma_wait3A_267 = arith.constant 0 : i32
      %dma_wait3A_268 = arith.constant 0 : i32
      %dma_wait3A_269 = tpu.memref_slice %arg7[%run_scoped3A_31, %dma_wait3A_267, %dma_wait3A_268] : memref<2x20x128xi32, #tpu.memory_space<vmem>> -> memref<1x20x128xi32, #tpu.memory_space<vmem>>
      %dma_wait3A_270 = tpu.memref_squeeze %dma_wait3A_269 : memref<1x20x128xi32, #tpu.memory_space<vmem>> -> memref<20x128xi32, #tpu.memory_space<vmem>>
      %dma_wait3A_271 = arith.constant 0 : i32
      %dma_wait3A_272 = arith.constant 0 : i32
      %dma_wait3A_273 = tpu.memref_slice %arg4[%arg1, %run_scoped3A_30, %dma_wait3A_271, %dma_wait3A_272] : memref<16x8x20x128xi32, #tpu.memory_space<hbm>> -> memref<1x1x20x128xi32, #tpu.memory_space<hbm>>
      %dma_wait3A_274 = tpu.memref_squeeze %dma_wait3A_273 : memref<1x1x20x128xi32, #tpu.memory_space<hbm>> -> memref<20x128xi32, #tpu.memory_space<hbm>>
      tpu.wait_dma2 semaphore(%run_scoped3A_243 : memref<!tpu.dma_semaphore, #tpu.memory_space<semaphore_mem>>) src(%dma_wait3A_274 : memref<20x128xi32, #tpu.memory_space<hbm>>) dst(%dma_wait3A_270 : memref<20x128xi32, #tpu.memory_space<vmem>>)
      tpu.yield
    }) : () -> ()
    %dma_start3A_32 = arith.constant 0 : i32
    %dma_start3A_33 = arith.constant 0 : i32
    %dma_start3A_34 = arith.constant 0 : i32
    %dma_start3A_35 = arith.constant 0 : i32
    %dma_start3A_36 = arith.constant 0 : i32
    %dma_start3A_37 = arith.constant 0 : i32
    %dma_start3A_38 = tpu.memref_slice %arg8[%dma_start3A_34, %dma_start3A_36, %dma_start3A_37] : memref<2x128x128xf32, #tpu.memory_space<vmem>> -> memref<1x128x128xf32, #tpu.memory_space<vmem>>
    %dma_start3A_39 = tpu.memref_squeeze %dma_start3A_38 : memref<1x128x128xf32, #tpu.memory_space<vmem>> -> memref<128x128xf32, #tpu.memory_space<vmem>>
    %dma_start3A_40 = arith.constant 0 : i32
    %dma_start3A_41 = tpu.memref_slice %arg7[%dma_start3A_32, %dma_start3A_33, %dma_start3A_40] : memref<2x20x128xi32, #tpu.memory_space<vmem>> -> memref<1x1x128xi32, #tpu.memory_space<vmem>>
    %dma_start3A_42 = tpu.memref_squeeze %dma_start3A_41 : memref<1x1x128xi32, #tpu.memory_space<vmem>> -> memref<128xi32, #tpu.memory_space<vmem>>
    %dma_start3A_43 = arith.constant 0 : i32
    %dma_start3A_44 = arith.constant 0 : i32
    %dma_start3A_45 = tpu.memref_slice %arg2[%arg0, %dma_start3A_43, %dma_start3A_44] : memref<2x10000x128xf32, #tpu.memory_space<hbm>> -> memref<1x10000x128xf32, #tpu.memory_space<hbm>>
    %dma_start3A_46 = tpu.memref_squeeze %dma_start3A_45 : memref<1x10000x128xf32, #tpu.memory_space<hbm>> -> memref<10000x128xf32, #tpu.memory_space<hbm>>
    %dma_start3A_47 = arith.constant 0 : i32
    %dma_start3A_48 = arith.constant 0 : i32
    %dma_start3A_49 = tpu.memref_slice %dma_start3A_46[%dma_start3A_47, %dma_start3A_48] : memref<10000x128xf32, #tpu.memory_space<hbm>> -> memref<10000x128xf32, #tpu.memory_space<hbm>>
    %dma_start3A_50 = tpu.memref_slice %arg10[%dma_start3A_35] : memref<2x!tpu.dma_semaphore, #tpu.memory_space<semaphore_mem>> -> memref<1x!tpu.dma_semaphore, #tpu.memory_space<semaphore_mem>>
    %dma_start3A_51 = tpu.memref_squeeze %dma_start3A_50 : memref<1x!tpu.dma_semaphore, #tpu.memory_space<semaphore_mem>> -> memref<!tpu.dma_semaphore, #tpu.memory_space<semaphore_mem>>
    tpu.enqueue_indirect_dma source(%dma_start3A_49 : memref<10000x128xf32, #tpu.memory_space<hbm>>) target(%dma_start3A_39 : memref<128x128xf32, #tpu.memory_space<vmem>>) offsets(%dma_start3A_42 : memref<128xi32, #tpu.memory_space<vmem>>) semaphore(%dma_start3A_51 : memref<!tpu.dma_semaphore, #tpu.memory_space<semaphore_mem>>)
    %scan3A_52 = arith.constant 0 : i32
    %scan3A_53 = arith.constant 0 : i32
    %scan3A_54 = arith.constant 20 : i32
    %scan3A_55 = arith.addi %scan3A_53, %scan3A_54 : i32
    %scan3A_56 = arith.constant 1 : i32
    scf.for %scan3A_243 = %scan3A_53 to %scan3A_55 step %scan3A_56  : i32 {
      %rem3A = arith.constant 2 : i32
      %rem3A_244 = arith.remsi %scan3A_243, %rem3A : i32
      %dma_wait3A = arith.constant 0 : i32
      %dma_wait3A_245 = arith.constant 0 : i32
      %dma_wait3A_246 = arith.constant 0 : i32
      %dma_wait3A_247 = tpu.memref_slice %arg8[%rem3A_244, %dma_wait3A_245, %dma_wait3A_246] : memref<2x128x128xf32, #tpu.memory_space<vmem>> -> memref<1x128x128xf32, #tpu.memory_space<vmem>>
      %dma_wait3A_248 = tpu.memref_squeeze %dma_wait3A_247 : memref<1x128x128xf32, #tpu.memory_space<vmem>> -> memref<128x128xf32, #tpu.memory_space<vmem>>
      %dma_wait3A_249 = arith.constant 0 : i32
      %dma_wait3A_250 = tpu.memref_slice %arg7[%dma_wait3A, %scan3A_243, %dma_wait3A_249] : memref<2x20x128xi32, #tpu.memory_space<vmem>> -> memref<1x1x128xi32, #tpu.memory_space<vmem>>
      %dma_wait3A_251 = tpu.memref_squeeze %dma_wait3A_250 : memref<1x1x128xi32, #tpu.memory_space<vmem>> -> memref<128xi32, #tpu.memory_space<vmem>>
      %dma_wait3A_252 = arith.constant 0 : i32
      %dma_wait3A_253 = arith.constant 0 : i32
      %dma_wait3A_254 = tpu.memref_slice %arg2[%arg0, %dma_wait3A_252, %dma_wait3A_253] : memref<2x10000x128xf32, #tpu.memory_space<hbm>> -> memref<1x10000x128xf32, #tpu.memory_space<hbm>>
      %dma_wait3A_255 = tpu.memref_squeeze %dma_wait3A_254 : memref<1x10000x128xf32, #tpu.memory_space<hbm>> -> memref<10000x128xf32, #tpu.memory_space<hbm>>
      %dma_wait3A_256 = arith.constant 0 : i32
      %dma_wait3A_257 = arith.constant 0 : i32
      %dma_wait3A_258 = tpu.memref_slice %dma_wait3A_255[%dma_wait3A_256, %dma_wait3A_257] : memref<10000x128xf32, #tpu.memory_space<hbm>> -> memref<10000x128xf32, #tpu.memory_space<hbm>>
      %dma_wait3A_259 = tpu.memref_slice %arg10[%rem3A_244] : memref<2x!tpu.dma_semaphore, #tpu.memory_space<semaphore_mem>> -> memref<1x!tpu.dma_semaphore, #tpu.memory_space<semaphore_mem>>
      %dma_wait3A_260 = tpu.memref_squeeze %dma_wait3A_259 : memref<1x!tpu.dma_semaphore, #tpu.memory_space<semaphore_mem>> -> memref<!tpu.dma_semaphore, #tpu.memory_space<semaphore_mem>>
      tpu.wait_indirect_dma semaphore(%dma_wait3A_260 : memref<!tpu.dma_semaphore, #tpu.memory_space<semaphore_mem>>) src(%dma_wait3A_258 : memref<10000x128xf32, #tpu.memory_space<hbm>>) dst(%dma_wait3A_248 : memref<128x128xf32, #tpu.memory_space<vmem>>)
      %add3A = arith.constant 1 : i32
      %add3A_261 = arith.addi %scan3A_243, %add3A : i32
      %lt3A = arith.constant 20 : i32
      %lt3A_262 = arith.cmpi slt, %add3A_261, %lt3A : i32
      %convert_element_type3A = arith.extui %lt3A_262 : i1 to i32
      %cond3A = arith.constant 0 : i32
      %cond3A_263 = arith.cmpi ne, %convert_element_type3A, %cond3A : i32
      scf.if %cond3A_263 {
        %add3A_265 = arith.constant 1 : i32
        %add3A_266 = arith.addi %scan3A_243, %add3A_265 : i32
        %sub3A = arith.constant 1 : i32
        %sub3A_267 = arith.subi %sub3A, %rem3A_244 : i32
        %sub3A_268 = arith.constant 1 : i32
        %sub3A_269 = arith.subi %sub3A_268, %rem3A_244 : i32
        %dma_start3A_270 = arith.constant 0 : i32
        %dma_start3A_271 = arith.constant 0 : i32
        %dma_start3A_272 = arith.constant 0 : i32
        %dma_start3A_273 = tpu.memref_slice %arg8[%sub3A_267, %dma_start3A_271, %dma_start3A_272] : memref<2x128x128xf32, #tpu.memory_space<vmem>> -> memref<1x128x128xf32, #tpu.memory_space<vmem>>
        %dma_start3A_274 = tpu.memref_squeeze %dma_start3A_273 : memref<1x128x128xf32, #tpu.memory_space<vmem>> -> memref<128x128xf32, #tpu.memory_space<vmem>>
        %dma_start3A_275 = arith.constant 0 : i32
        %dma_start3A_276 = tpu.memref_slice %arg7[%dma_start3A_270, %add3A_266, %dma_start3A_275] : memref<2x20x128xi32, #tpu.memory_space<vmem>> -> memref<1x1x128xi32, #tpu.memory_space<vmem>>
        %dma_start3A_277 = tpu.memref_squeeze %dma_start3A_276 : memref<1x1x128xi32, #tpu.memory_space<vmem>> -> memref<128xi32, #tpu.memory_space<vmem>>
        %dma_start3A_278 = arith.constant 0 : i32
        %dma_start3A_279 = arith.constant 0 : i32
        %dma_start3A_280 = tpu.memref_slice %arg2[%arg0, %dma_start3A_278, %dma_start3A_279] : memref<2x10000x128xf32, #tpu.memory_space<hbm>> -> memref<1x10000x128xf32, #tpu.memory_space<hbm>>
        %dma_start3A_281 = tpu.memref_squeeze %dma_start3A_280 : memref<1x10000x128xf32, #tpu.memory_space<hbm>> -> memref<10000x128xf32, #tpu.memory_space<hbm>>
        %dma_start3A_282 = arith.constant 0 : i32
        %dma_start3A_283 = arith.constant 0 : i32
        %dma_start3A_284 = tpu.memref_slice %dma_start3A_281[%dma_start3A_282, %dma_start3A_283] : memref<10000x128xf32, #tpu.memory_space<hbm>> -> memref<10000x128xf32, #tpu.memory_space<hbm>>
        %dma_start3A_285 = tpu.memref_slice %arg10[%sub3A_269] : memref<2x!tpu.dma_semaphore, #tpu.memory_space<semaphore_mem>> -> memref<1x!tpu.dma_semaphore, #tpu.memory_space<semaphore_mem>>
        %dma_start3A_286 = tpu.memref_squeeze %dma_start3A_285 : memref<1x!tpu.dma_semaphore, #tpu.memory_space<semaphore_mem>> -> memref<!tpu.dma_semaphore, #tpu.memory_space<semaphore_mem>>
        tpu.enqueue_indirect_dma source(%dma_start3A_284 : memref<10000x128xf32, #tpu.memory_space<hbm>>) target(%dma_start3A_274 : memref<128x128xf32, #tpu.memory_space<vmem>>) offsets(%dma_start3A_277 : memref<128xi32, #tpu.memory_space<vmem>>) semaphore(%dma_start3A_286 : memref<!tpu.dma_semaphore, #tpu.memory_space<semaphore_mem>>)
      } else {
      }
      %run_scoped3A_264 = arith.constant 1 : i32
      "tpu.region"() ({
        %run_scoped3A_265 = tpu.sem_alloc : memref<!tpu.dma_semaphore, #tpu.memory_space<semaphore_mem>>
        %dma_start3A_266 = arith.constant 0 : i32
        %dma_start3A_267 = arith.constant 0 : i32
        %dma_start3A_268 = tpu.memref_slice %arg8[%rem3A_244, %dma_start3A_266, %dma_start3A_267] : memref<2x128x128xf32, #tpu.memory_space<vmem>> -> memref<1x128x128xf32, #tpu.memory_space<vmem>>
        %dma_start3A_269 = tpu.memref_squeeze %dma_start3A_268 : memref<1x128x128xf32, #tpu.memory_space<vmem>> -> memref<128x128xf32, #tpu.memory_space<vmem>>
        %dma_start3A_270 = arith.constant 0 : i32
        %dma_start3A_271 = tpu.memref_slice %arg7[%run_scoped3A_264, %scan3A_243, %dma_start3A_270] : memref<2x20x128xi32, #tpu.memory_space<vmem>> -> memref<1x1x128xi32, #tpu.memory_space<vmem>>
        %dma_start3A_272 = tpu.memref_squeeze %dma_start3A_271 : memref<1x1x128xi32, #tpu.memory_space<vmem>> -> memref<128xi32, #tpu.memory_space<vmem>>
        %dma_start3A_273 = arith.constant 0 : i32
        %dma_start3A_274 = arith.constant 0 : i32
        %dma_start3A_275 = tpu.memref_slice %arg9[%dma_start3A_273, %dma_start3A_274] : memref<10240x128xf32, #tpu.memory_space<vmem_shared>> -> memref<10240x128xf32, #tpu.memory_space<vmem_shared>>
        tpu.enqueue_indirect_dma source(%dma_start3A_269 : memref<128x128xf32, #tpu.memory_space<vmem>>) target(%dma_start3A_275 : memref<10240x128xf32, #tpu.memory_space<vmem_shared>>) offsets(%dma_start3A_272 : memref<128xi32, #tpu.memory_space<vmem>>) semaphore(%run_scoped3A_265 : memref<!tpu.dma_semaphore, #tpu.memory_space<semaphore_mem>>) {add = true}
        %dma_wait3A_276 = arith.constant 0 : i32
        %dma_wait3A_277 = arith.constant 0 : i32
        %dma_wait3A_278 = tpu.memref_slice %arg8[%rem3A_244, %dma_wait3A_276, %dma_wait3A_277] : memref<2x128x128xf32, #tpu.memory_space<vmem>> -> memref<1x128x128xf32, #tpu.memory_space<vmem>>
        %dma_wait3A_279 = tpu.memref_squeeze %dma_wait3A_278 : memref<1x128x128xf32, #tpu.memory_space<vmem>> -> memref<128x128xf32, #tpu.memory_space<vmem>>
        %dma_wait3A_280 = arith.constant 0 : i32
        %dma_wait3A_281 = tpu.memref_slice %arg7[%run_scoped3A_264, %scan3A_243, %dma_wait3A_280] : memref<2x20x128xi32, #tpu.memory_space<vmem>> -> memref<1x1x128xi32, #tpu.memory_space<vmem>>
        %dma_wait3A_282 = tpu.memref_squeeze %dma_wait3A_281 : memref<1x1x128xi32, #tpu.memory_space<vmem>> -> memref<128xi32, #tpu.memory_space<vmem>>
        %dma_wait3A_283 = arith.constant 0 : i32
        %dma_wait3A_284 = arith.constant 0 : i32
        %dma_wait3A_285 = tpu.memref_slice %arg9[%dma_wait3A_283, %dma_wait3A_284] : memref<10240x128xf32, #tpu.memory_space<vmem_shared>> -> memref<10240x128xf32, #tpu.memory_space<vmem_shared>>
        tpu.wait_indirect_dma semaphore(%run_scoped3A_265 : memref<!tpu.dma_semaphore, #tpu.memory_space<semaphore_mem>>) src(%dma_wait3A_279 : memref<128x128xf32, #tpu.memory_space<vmem>>) dst(%dma_wait3A_285 : memref<10240x128xf32, #tpu.memory_space<vmem_shared>>)
        tpu.yield
      }) : () -> ()
    }
    %scan3A_57 = arith.constant 20 : i32
    %run_scoped3A_58 = arith.constant 2 : i32
    %run_scoped3A_59 = arith.constant 0 : i32
    "tpu.region"() ({
      %run_scoped3A_243 = tpu.sem_alloc : memref<!tpu.dma_semaphore, #tpu.memory_space<semaphore_mem>>
      %dma_start3A_244 = arith.constant 0 : i32
      %dma_start3A_245 = arith.constant 0 : i32
      %dma_start3A_246 = tpu.memref_slice %arg7[%run_scoped3A_59, %dma_start3A_244, %dma_start3A_245] : memref<2x20x128xi32, #tpu.memory_space<vmem>> -> memref<1x20x128xi32, #tpu.memory_space<vmem>>
      %dma_start3A_247 = tpu.memref_squeeze %dma_start3A_246 : memref<1x20x128xi32, #tpu.memory_space<vmem>> -> memref<20x128xi32, #tpu.memory_space<vmem>>
      %dma_start3A_248 = arith.constant 0 : i32
      %dma_start3A_249 = arith.constant 0 : i32
      %dma_start3A_250 = tpu.memref_slice %arg3[%arg1, %run_scoped3A_58, %dma_start3A_248, %dma_start3A_249] : memref<16x8x20x128xi32, #tpu.memory_space<hbm>> -> memref<1x1x20x128xi32, #tpu.memory_space<hbm>>
      %dma_start3A_251 = tpu.memref_squeeze %dma_start3A_250 : memref<1x1x20x128xi32, #tpu.memory_space<hbm>> -> memref<20x128xi32, #tpu.memory_space<hbm>>
      %dma_start3A_252 = arith.constant 0 : i32
      %dma_start3A_253 = arith.constant 0 : i32
      %dma_start3A_254 = tpu.memref_slice %arg7[%run_scoped3A_59, %dma_start3A_252, %dma_start3A_253] : memref<2x20x128xi32, #tpu.memory_space<vmem>> -> memref<1x20x128xi32, #tpu.memory_space<vmem>>
      %dma_start3A_255 = tpu.memref_squeeze %dma_start3A_254 : memref<1x20x128xi32, #tpu.memory_space<vmem>> -> memref<20x128xi32, #tpu.memory_space<vmem>>
      %dma_start3A_256 = arith.constant 0 : i32
      %dma_start3A_257 = arith.constant 0 : i32
      %dma_start3A_258 = tpu.memref_slice %arg3[%arg1, %run_scoped3A_58, %dma_start3A_256, %dma_start3A_257] : memref<16x8x20x128xi32, #tpu.memory_space<hbm>> -> memref<1x1x20x128xi32, #tpu.memory_space<hbm>>
      %dma_start3A_259 = tpu.memref_squeeze %dma_start3A_258 : memref<1x1x20x128xi32, #tpu.memory_space<hbm>> -> memref<20x128xi32, #tpu.memory_space<hbm>>
      tpu.enqueue_dma source(%dma_start3A_259 : memref<20x128xi32, #tpu.memory_space<hbm>>) target(%dma_start3A_255 : memref<20x128xi32, #tpu.memory_space<vmem>>) target_semaphore(%run_scoped3A_243 : memref<!tpu.dma_semaphore, #tpu.memory_space<semaphore_mem>>)
      %dma_wait3A = arith.constant 0 : i32
      %dma_wait3A_260 = arith.constant 0 : i32
      %dma_wait3A_261 = tpu.memref_slice %arg7[%run_scoped3A_59, %dma_wait3A, %dma_wait3A_260] : memref<2x20x128xi32, #tpu.memory_space<vmem>> -> memref<1x20x128xi32, #tpu.memory_space<vmem>>
      %dma_wait3A_262 = tpu.memref_squeeze %dma_wait3A_261 : memref<1x20x128xi32, #tpu.memory_space<vmem>> -> memref<20x128xi32, #tpu.memory_space<vmem>>
      %dma_wait3A_263 = arith.constant 0 : i32
      %dma_wait3A_264 = arith.constant 0 : i32
      %dma_wait3A_265 = tpu.memref_slice %arg3[%arg1, %run_scoped3A_58, %dma_wait3A_263, %dma_wait3A_264] : memref<16x8x20x128xi32, #tpu.memory_space<hbm>> -> memref<1x1x20x128xi32, #tpu.memory_space<hbm>>
      %dma_wait3A_266 = tpu.memref_squeeze %dma_wait3A_265 : memref<1x1x20x128xi32, #tpu.memory_space<hbm>> -> memref<20x128xi32, #tpu.memory_space<hbm>>
      %dma_wait3A_267 = arith.constant 0 : i32
      %dma_wait3A_268 = arith.constant 0 : i32
      %dma_wait3A_269 = tpu.memref_slice %arg7[%run_scoped3A_59, %dma_wait3A_267, %dma_wait3A_268] : memref<2x20x128xi32, #tpu.memory_space<vmem>> -> memref<1x20x128xi32, #tpu.memory_space<vmem>>
      %dma_wait3A_270 = tpu.memref_squeeze %dma_wait3A_269 : memref<1x20x128xi32, #tpu.memory_space<vmem>> -> memref<20x128xi32, #tpu.memory_space<vmem>>
      %dma_wait3A_271 = arith.constant 0 : i32
      %dma_wait3A_272 = arith.constant 0 : i32
      %dma_wait3A_273 = tpu.memref_slice %arg3[%arg1, %run_scoped3A_58, %dma_wait3A_271, %dma_wait3A_272] : memref<16x8x20x128xi32, #tpu.memory_space<hbm>> -> memref<1x1x20x128xi32, #tpu.memory_space<hbm>>
      %dma_wait3A_274 = tpu.memref_squeeze %dma_wait3A_273 : memref<1x1x20x128xi32, #tpu.memory_space<hbm>> -> memref<20x128xi32, #tpu.memory_space<hbm>>
      tpu.wait_dma2 semaphore(%run_scoped3A_243 : memref<!tpu.dma_semaphore, #tpu.memory_space<semaphore_mem>>) src(%dma_wait3A_274 : memref<20x128xi32, #tpu.memory_space<hbm>>) dst(%dma_wait3A_270 : memref<20x128xi32, #tpu.memory_space<vmem>>)
      tpu.yield
    }) : () -> ()
    %run_scoped3A_60 = arith.constant 2 : i32
    %run_scoped3A_61 = arith.constant 1 : i32
    "tpu.region"() ({
      %run_scoped3A_243 = tpu.sem_alloc : memref<!tpu.dma_semaphore, #tpu.memory_space<semaphore_mem>>
      %dma_start3A_244 = arith.constant 0 : i32
      %dma_start3A_245 = arith.constant 0 : i32
      %dma_start3A_246 = tpu.memref_slice %arg7[%run_scoped3A_61, %dma_start3A_244, %dma_start3A_245] : memref<2x20x128xi32, #tpu.memory_space<vmem>> -> memref<1x20x128xi32, #tpu.memory_space<vmem>>
      %dma_start3A_247 = tpu.memref_squeeze %dma_start3A_246 : memref<1x20x128xi32, #tpu.memory_space<vmem>> -> memref<20x128xi32, #tpu.memory_space<vmem>>
      %dma_start3A_248 = arith.constant 0 : i32
      %dma_start3A_249 = arith.constant 0 : i32
      %dma_start3A_250 = tpu.memref_slice %arg4[%arg1, %run_scoped3A_60, %dma_start3A_248, %dma_start3A_249] : memref<16x8x20x128xi32, #tpu.memory_space<hbm>> -> memref<1x1x20x128xi32, #tpu.memory_space<hbm>>
      %dma_start3A_251 = tpu.memref_squeeze %dma_start3A_250 : memref<1x1x20x128xi32, #tpu.memory_space<hbm>> -> memref<20x128xi32, #tpu.memory_space<hbm>>
      %dma_start3A_252 = arith.constant 0 : i32
      %dma_start3A_253 = arith.constant 0 : i32
      %dma_start3A_254 = tpu.memref_slice %arg7[%run_scoped3A_61, %dma_start3A_252, %dma_start3A_253] : memref<2x20x128xi32, #tpu.memory_space<vmem>> -> memref<1x20x128xi32, #tpu.memory_space<vmem>>
      %dma_start3A_255 = tpu.memref_squeeze %dma_start3A_254 : memref<1x20x128xi32, #tpu.memory_space<vmem>> -> memref<20x128xi32, #tpu.memory_space<vmem>>
      %dma_start3A_256 = arith.constant 0 : i32
      %dma_start3A_257 = arith.constant 0 : i32
      %dma_start3A_258 = tpu.memref_slice %arg4[%arg1, %run_scoped3A_60, %dma_start3A_256, %dma_start3A_257] : memref<16x8x20x128xi32, #tpu.memory_space<hbm>> -> memref<1x1x20x128xi32, #tpu.memory_space<hbm>>
      %dma_start3A_259 = tpu.memref_squeeze %dma_start3A_258 : memref<1x1x20x128xi32, #tpu.memory_space<hbm>> -> memref<20x128xi32, #tpu.memory_space<hbm>>
      tpu.enqueue_dma source(%dma_start3A_259 : memref<20x128xi32, #tpu.memory_space<hbm>>) target(%dma_start3A_255 : memref<20x128xi32, #tpu.memory_space<vmem>>) target_semaphore(%run_scoped3A_243 : memref<!tpu.dma_semaphore, #tpu.memory_space<semaphore_mem>>)
      %dma_wait3A = arith.constant 0 : i32
      %dma_wait3A_260 = arith.constant 0 : i32
      %dma_wait3A_261 = tpu.memref_slice %arg7[%run_scoped3A_61, %dma_wait3A, %dma_wait3A_260] : memref<2x20x128xi32, #tpu.memory_space<vmem>> -> memref<1x20x128xi32, #tpu.memory_space<vmem>>
      %dma_wait3A_262 = tpu.memref_squeeze %dma_wait3A_261 : memref<1x20x128xi32, #tpu.memory_space<vmem>> -> memref<20x128xi32, #tpu.memory_space<vmem>>
      %dma_wait3A_263 = arith.constant 0 : i32
      %dma_wait3A_264 = arith.constant 0 : i32
      %dma_wait3A_265 = tpu.memref_slice %arg4[%arg1, %run_scoped3A_60, %dma_wait3A_263, %dma_wait3A_264] : memref<16x8x20x128xi32, #tpu.memory_space<hbm>> -> memref<1x1x20x128xi32, #tpu.memory_space<hbm>>
      %dma_wait3A_266 = tpu.memref_squeeze %dma_wait3A_265 : memref<1x1x20x128xi32, #tpu.memory_space<hbm>> -> memref<20x128xi32, #tpu.memory_space<hbm>>
      %dma_wait3A_267 = arith.constant 0 : i32
      %dma_wait3A_268 = arith.constant 0 : i32
      %dma_wait3A_269 = tpu.memref_slice %arg7[%run_scoped3A_61, %dma_wait3A_267, %dma_wait3A_268] : memref<2x20x128xi32, #tpu.memory_space<vmem>> -> memref<1x20x128xi32, #tpu.memory_space<vmem>>
      %dma_wait3A_270 = tpu.memref_squeeze %dma_wait3A_269 : memref<1x20x128xi32, #tpu.memory_space<vmem>> -> memref<20x128xi32, #tpu.memory_space<vmem>>
      %dma_wait3A_271 = arith.constant 0 : i32
      %dma_wait3A_272 = arith.constant 0 : i32
      %dma_wait3A_273 = tpu.memref_slice %arg4[%arg1, %run_scoped3A_60, %dma_wait3A_271, %dma_wait3A_272] : memref<16x8x20x128xi32, #tpu.memory_space<hbm>> -> memref<1x1x20x128xi32, #tpu.memory_space<hbm>>
      %dma_wait3A_274 = tpu.memref_squeeze %dma_wait3A_273 : memref<1x1x20x128xi32, #tpu.memory_space<hbm>> -> memref<20x128xi32, #tpu.memory_space<hbm>>
      tpu.wait_dma2 semaphore(%run_scoped3A_243 : memref<!tpu.dma_semaphore, #tpu.memory_space<semaphore_mem>>) src(%dma_wait3A_274 : memref<20x128xi32, #tpu.memory_space<hbm>>) dst(%dma_wait3A_270 : memref<20x128xi32, #tpu.memory_space<vmem>>)
      tpu.yield
    }) : () -> ()
    %dma_start3A_62 = arith.constant 0 : i32
    %dma_start3A_63 = arith.constant 0 : i32
    %dma_start3A_64 = arith.constant 0 : i32
    %dma_start3A_65 = arith.constant 0 : i32
    %dma_start3A_66 = arith.constant 0 : i32
    %dma_start3A_67 = arith.constant 0 : i32
    %dma_start3A_68 = tpu.memref_slice %arg8[%dma_start3A_64, %dma_start3A_66, %dma_start3A_67] : memref<2x128x128xf32, #tpu.memory_space<vmem>> -> memref<1x128x128xf32, #tpu.memory_space<vmem>>
    %dma_start3A_69 = tpu.memref_squeeze %dma_start3A_68 : memref<1x128x128xf32, #tpu.memory_space<vmem>> -> memref<128x128xf32, #tpu.memory_space<vmem>>
    %dma_start3A_70 = arith.constant 0 : i32
    %dma_start3A_71 = tpu.memref_slice %arg7[%dma_start3A_62, %dma_start3A_63, %dma_start3A_70] : memref<2x20x128xi32, #tpu.memory_space<vmem>> -> memref<1x1x128xi32, #tpu.memory_space<vmem>>
    %dma_start3A_72 = tpu.memref_squeeze %dma_start3A_71 : memref<1x1x128xi32, #tpu.memory_space<vmem>> -> memref<128xi32, #tpu.memory_space<vmem>>
    %dma_start3A_73 = arith.constant 0 : i32
    %dma_start3A_74 = arith.constant 0 : i32
    %dma_start3A_75 = tpu.memref_slice %arg2[%arg0, %dma_start3A_73, %dma_start3A_74] : memref<2x10000x128xf32, #tpu.memory_space<hbm>> -> memref<1x10000x128xf32, #tpu.memory_space<hbm>>
    %dma_start3A_76 = tpu.memref_squeeze %dma_start3A_75 : memref<1x10000x128xf32, #tpu.memory_space<hbm>> -> memref<10000x128xf32, #tpu.memory_space<hbm>>
    %dma_start3A_77 = arith.constant 0 : i32
    %dma_start3A_78 = arith.constant 0 : i32
    %dma_start3A_79 = tpu.memref_slice %dma_start3A_76[%dma_start3A_77, %dma_start3A_78] : memref<10000x128xf32, #tpu.memory_space<hbm>> -> memref<10000x128xf32, #tpu.memory_space<hbm>>
    %dma_start3A_80 = tpu.memref_slice %arg10[%dma_start3A_65] : memref<2x!tpu.dma_semaphore, #tpu.memory_space<semaphore_mem>> -> memref<1x!tpu.dma_semaphore, #tpu.memory_space<semaphore_mem>>
    %dma_start3A_81 = tpu.memref_squeeze %dma_start3A_80 : memref<1x!tpu.dma_semaphore, #tpu.memory_space<semaphore_mem>> -> memref<!tpu.dma_semaphore, #tpu.memory_space<semaphore_mem>>
    tpu.enqueue_indirect_dma source(%dma_start3A_79 : memref<10000x128xf32, #tpu.memory_space<hbm>>) target(%dma_start3A_69 : memref<128x128xf32, #tpu.memory_space<vmem>>) offsets(%dma_start3A_72 : memref<128xi32, #tpu.memory_space<vmem>>) semaphore(%dma_start3A_81 : memref<!tpu.dma_semaphore, #tpu.memory_space<semaphore_mem>>)
    %scan3A_82 = arith.constant 0 : i32
    %scan3A_83 = arith.constant 0 : i32
    %scan3A_84 = arith.constant 20 : i32
    %scan3A_85 = arith.addi %scan3A_83, %scan3A_84 : i32
    %scan3A_86 = arith.constant 1 : i32
    scf.for %scan3A_243 = %scan3A_83 to %scan3A_85 step %scan3A_86  : i32 {
      %rem3A = arith.constant 2 : i32
      %rem3A_244 = arith.remsi %scan3A_243, %rem3A : i32
      %dma_wait3A = arith.constant 0 : i32
      %dma_wait3A_245 = arith.constant 0 : i32
      %dma_wait3A_246 = arith.constant 0 : i32
      %dma_wait3A_247 = tpu.memref_slice %arg8[%rem3A_244, %dma_wait3A_245, %dma_wait3A_246] : memref<2x128x128xf32, #tpu.memory_space<vmem>> -> memref<1x128x128xf32, #tpu.memory_space<vmem>>
      %dma_wait3A_248 = tpu.memref_squeeze %dma_wait3A_247 : memref<1x128x128xf32, #tpu.memory_space<vmem>> -> memref<128x128xf32, #tpu.memory_space<vmem>>
      %dma_wait3A_249 = arith.constant 0 : i32
      %dma_wait3A_250 = tpu.memref_slice %arg7[%dma_wait3A, %scan3A_243, %dma_wait3A_249] : memref<2x20x128xi32, #tpu.memory_space<vmem>> -> memref<1x1x128xi32, #tpu.memory_space<vmem>>
      %dma_wait3A_251 = tpu.memref_squeeze %dma_wait3A_250 : memref<1x1x128xi32, #tpu.memory_space<vmem>> -> memref<128xi32, #tpu.memory_space<vmem>>
      %dma_wait3A_252 = arith.constant 0 : i32
      %dma_wait3A_253 = arith.constant 0 : i32
      %dma_wait3A_254 = tpu.memref_slice %arg2[%arg0, %dma_wait3A_252, %dma_wait3A_253] : memref<2x10000x128xf32, #tpu.memory_space<hbm>> -> memref<1x10000x128xf32, #tpu.memory_space<hbm>>
      %dma_wait3A_255 = tpu.memref_squeeze %dma_wait3A_254 : memref<1x10000x128xf32, #tpu.memory_space<hbm>> -> memref<10000x128xf32, #tpu.memory_space<hbm>>
      %dma_wait3A_256 = arith.constant 0 : i32
      %dma_wait3A_257 = arith.constant 0 : i32
      %dma_wait3A_258 = tpu.memref_slice %dma_wait3A_255[%dma_wait3A_256, %dma_wait3A_257] : memref<10000x128xf32, #tpu.memory_space<hbm>> -> memref<10000x128xf32, #tpu.memory_space<hbm>>
      %dma_wait3A_259 = tpu.memref_slice %arg10[%rem3A_244] : memref<2x!tpu.dma_semaphore, #tpu.memory_space<semaphore_mem>> -> memref<1x!tpu.dma_semaphore, #tpu.memory_space<semaphore_mem>>
      %dma_wait3A_260 = tpu.memref_squeeze %dma_wait3A_259 : memref<1x!tpu.dma_semaphore, #tpu.memory_space<semaphore_mem>> -> memref<!tpu.dma_semaphore, #tpu.memory_space<semaphore_mem>>
      tpu.wait_indirect_dma semaphore(%dma_wait3A_260 : memref<!tpu.dma_semaphore, #tpu.memory_space<semaphore_mem>>) src(%dma_wait3A_258 : memref<10000x128xf32, #tpu.memory_space<hbm>>) dst(%dma_wait3A_248 : memref<128x128xf32, #tpu.memory_space<vmem>>)
      %add3A = arith.constant 1 : i32
      %add3A_261 = arith.addi %scan3A_243, %add3A : i32
      %lt3A = arith.constant 20 : i32
      %lt3A_262 = arith.cmpi slt, %add3A_261, %lt3A : i32
      %convert_element_type3A = arith.extui %lt3A_262 : i1 to i32
      %cond3A = arith.constant 0 : i32
      %cond3A_263 = arith.cmpi ne, %convert_element_type3A, %cond3A : i32
      scf.if %cond3A_263 {
        %add3A_265 = arith.constant 1 : i32
        %add3A_266 = arith.addi %scan3A_243, %add3A_265 : i32
        %sub3A = arith.constant 1 : i32
        %sub3A_267 = arith.subi %sub3A, %rem3A_244 : i32
        %sub3A_268 = arith.constant 1 : i32
        %sub3A_269 = arith.subi %sub3A_268, %rem3A_244 : i32
        %dma_start3A_270 = arith.constant 0 : i32
        %dma_start3A_271 = arith.constant 0 : i32
        %dma_start3A_272 = arith.constant 0 : i32
        %dma_start3A_273 = tpu.memref_slice %arg8[%sub3A_267, %dma_start3A_271, %dma_start3A_272] : memref<2x128x128xf32, #tpu.memory_space<vmem>> -> memref<1x128x128xf32, #tpu.memory_space<vmem>>
        %dma_start3A_274 = tpu.memref_squeeze %dma_start3A_273 : memref<1x128x128xf32, #tpu.memory_space<vmem>> -> memref<128x128xf32, #tpu.memory_space<vmem>>
        %dma_start3A_275 = arith.constant 0 : i32
        %dma_start3A_276 = tpu.memref_slice %arg7[%dma_start3A_270, %add3A_266, %dma_start3A_275] : memref<2x20x128xi32, #tpu.memory_space<vmem>> -> memref<1x1x128xi32, #tpu.memory_space<vmem>>
        %dma_start3A_277 = tpu.memref_squeeze %dma_start3A_276 : memref<1x1x128xi32, #tpu.memory_space<vmem>> -> memref<128xi32, #tpu.memory_space<vmem>>
        %dma_start3A_278 = arith.constant 0 : i32
        %dma_start3A_279 = arith.constant 0 : i32
        %dma_start3A_280 = tpu.memref_slice %arg2[%arg0, %dma_start3A_278, %dma_start3A_279] : memref<2x10000x128xf32, #tpu.memory_space<hbm>> -> memref<1x10000x128xf32, #tpu.memory_space<hbm>>
        %dma_start3A_281 = tpu.memref_squeeze %dma_start3A_280 : memref<1x10000x128xf32, #tpu.memory_space<hbm>> -> memref<10000x128xf32, #tpu.memory_space<hbm>>
        %dma_start3A_282 = arith.constant 0 : i32
        %dma_start3A_283 = arith.constant 0 : i32
        %dma_start3A_284 = tpu.memref_slice %dma_start3A_281[%dma_start3A_282, %dma_start3A_283] : memref<10000x128xf32, #tpu.memory_space<hbm>> -> memref<10000x128xf32, #tpu.memory_space<hbm>>
        %dma_start3A_285 = tpu.memref_slice %arg10[%sub3A_269] : memref<2x!tpu.dma_semaphore, #tpu.memory_space<semaphore_mem>> -> memref<1x!tpu.dma_semaphore, #tpu.memory_space<semaphore_mem>>
        %dma_start3A_286 = tpu.memref_squeeze %dma_start3A_285 : memref<1x!tpu.dma_semaphore, #tpu.memory_space<semaphore_mem>> -> memref<!tpu.dma_semaphore, #tpu.memory_space<semaphore_mem>>
        tpu.enqueue_indirect_dma source(%dma_start3A_284 : memref<10000x128xf32, #tpu.memory_space<hbm>>) target(%dma_start3A_274 : memref<128x128xf32, #tpu.memory_space<vmem>>) offsets(%dma_start3A_277 : memref<128xi32, #tpu.memory_space<vmem>>) semaphore(%dma_start3A_286 : memref<!tpu.dma_semaphore, #tpu.memory_space<semaphore_mem>>)
      } else {
      }
      %run_scoped3A_264 = arith.constant 1 : i32
      "tpu.region"() ({
        %run_scoped3A_265 = tpu.sem_alloc : memref<!tpu.dma_semaphore, #tpu.memory_space<semaphore_mem>>
        %dma_start3A_266 = arith.constant 0 : i32
        %dma_start3A_267 = arith.constant 0 : i32
        %dma_start3A_268 = tpu.memref_slice %arg8[%rem3A_244, %dma_start3A_266, %dma_start3A_267] : memref<2x128x128xf32, #tpu.memory_space<vmem>> -> memref<1x128x128xf32, #tpu.memory_space<vmem>>
        %dma_start3A_269 = tpu.memref_squeeze %dma_start3A_268 : memref<1x128x128xf32, #tpu.memory_space<vmem>> -> memref<128x128xf32, #tpu.memory_space<vmem>>
        %dma_start3A_270 = arith.constant 0 : i32
        %dma_start3A_271 = tpu.memref_slice %arg7[%run_scoped3A_264, %scan3A_243, %dma_start3A_270] : memref<2x20x128xi32, #tpu.memory_space<vmem>> -> memref<1x1x128xi32, #tpu.memory_space<vmem>>
        %dma_start3A_272 = tpu.memref_squeeze %dma_start3A_271 : memref<1x1x128xi32, #tpu.memory_space<vmem>> -> memref<128xi32, #tpu.memory_space<vmem>>
        %dma_start3A_273 = arith.constant 0 : i32
        %dma_start3A_274 = arith.constant 0 : i32
        %dma_start3A_275 = tpu.memref_slice %arg9[%dma_start3A_273, %dma_start3A_274] : memref<10240x128xf32, #tpu.memory_space<vmem_shared>> -> memref<10240x128xf32, #tpu.memory_space<vmem_shared>>
        tpu.enqueue_indirect_dma source(%dma_start3A_269 : memref<128x128xf32, #tpu.memory_space<vmem>>) target(%dma_start3A_275 : memref<10240x128xf32, #tpu.memory_space<vmem_shared>>) offsets(%dma_start3A_272 : memref<128xi32, #tpu.memory_space<vmem>>) semaphore(%run_scoped3A_265 : memref<!tpu.dma_semaphore, #tpu.memory_space<semaphore_mem>>) {add = true}
        %dma_wait3A_276 = arith.constant 0 : i32
        %dma_wait3A_277 = arith.constant 0 : i32
        %dma_wait3A_278 = tpu.memref_slice %arg8[%rem3A_244, %dma_wait3A_276, %dma_wait3A_277] : memref<2x128x128xf32, #tpu.memory_space<vmem>> -> memref<1x128x128xf32, #tpu.memory_space<vmem>>
        %dma_wait3A_279 = tpu.memref_squeeze %dma_wait3A_278 : memref<1x128x128xf32, #tpu.memory_space<vmem>> -> memref<128x128xf32, #tpu.memory_space<vmem>>
        %dma_wait3A_280 = arith.constant 0 : i32
        %dma_wait3A_281 = tpu.memref_slice %arg7[%run_scoped3A_264, %scan3A_243, %dma_wait3A_280] : memref<2x20x128xi32, #tpu.memory_space<vmem>> -> memref<1x1x128xi32, #tpu.memory_space<vmem>>
        %dma_wait3A_282 = tpu.memref_squeeze %dma_wait3A_281 : memref<1x1x128xi32, #tpu.memory_space<vmem>> -> memref<128xi32, #tpu.memory_space<vmem>>
        %dma_wait3A_283 = arith.constant 0 : i32
        %dma_wait3A_284 = arith.constant 0 : i32
        %dma_wait3A_285 = tpu.memref_slice %arg9[%dma_wait3A_283, %dma_wait3A_284] : memref<10240x128xf32, #tpu.memory_space<vmem_shared>> -> memref<10240x128xf32, #tpu.memory_space<vmem_shared>>
        tpu.wait_indirect_dma semaphore(%run_scoped3A_265 : memref<!tpu.dma_semaphore, #tpu.memory_space<semaphore_mem>>) src(%dma_wait3A_279 : memref<128x128xf32, #tpu.memory_space<vmem>>) dst(%dma_wait3A_285 : memref<10240x128xf32, #tpu.memory_space<vmem_shared>>)
        tpu.yield
      }) : () -> ()
    }
    %scan3A_87 = arith.constant 20 : i32
    %run_scoped3A_88 = arith.constant 3 : i32
    %run_scoped3A_89 = arith.constant 0 : i32
    "tpu.region"() ({
      %run_scoped3A_243 = tpu.sem_alloc : memref<!tpu.dma_semaphore, #tpu.memory_space<semaphore_mem>>
      %dma_start3A_244 = arith.constant 0 : i32
      %dma_start3A_245 = arith.constant 0 : i32
      %dma_start3A_246 = tpu.memref_slice %arg7[%run_scoped3A_89, %dma_start3A_244, %dma_start3A_245] : memref<2x20x128xi32, #tpu.memory_space<vmem>> -> memref<1x20x128xi32, #tpu.memory_space<vmem>>
      %dma_start3A_247 = tpu.memref_squeeze %dma_start3A_246 : memref<1x20x128xi32, #tpu.memory_space<vmem>> -> memref<20x128xi32, #tpu.memory_space<vmem>>
      %dma_start3A_248 = arith.constant 0 : i32
      %dma_start3A_249 = arith.constant 0 : i32
      %dma_start3A_250 = tpu.memref_slice %arg3[%arg1, %run_scoped3A_88, %dma_start3A_248, %dma_start3A_249] : memref<16x8x20x128xi32, #tpu.memory_space<hbm>> -> memref<1x1x20x128xi32, #tpu.memory_space<hbm>>
      %dma_start3A_251 = tpu.memref_squeeze %dma_start3A_250 : memref<1x1x20x128xi32, #tpu.memory_space<hbm>> -> memref<20x128xi32, #tpu.memory_space<hbm>>
      %dma_start3A_252 = arith.constant 0 : i32
      %dma_start3A_253 = arith.constant 0 : i32
      %dma_start3A_254 = tpu.memref_slice %arg7[%run_scoped3A_89, %dma_start3A_252, %dma_start3A_253] : memref<2x20x128xi32, #tpu.memory_space<vmem>> -> memref<1x20x128xi32, #tpu.memory_space<vmem>>
      %dma_start3A_255 = tpu.memref_squeeze %dma_start3A_254 : memref<1x20x128xi32, #tpu.memory_space<vmem>> -> memref<20x128xi32, #tpu.memory_space<vmem>>
      %dma_start3A_256 = arith.constant 0 : i32
      %dma_start3A_257 = arith.constant 0 : i32
      %dma_start3A_258 = tpu.memref_slice %arg3[%arg1, %run_scoped3A_88, %dma_start3A_256, %dma_start3A_257] : memref<16x8x20x128xi32, #tpu.memory_space<hbm>> -> memref<1x1x20x128xi32, #tpu.memory_space<hbm>>
      %dma_start3A_259 = tpu.memref_squeeze %dma_start3A_258 : memref<1x1x20x128xi32, #tpu.memory_space<hbm>> -> memref<20x128xi32, #tpu.memory_space<hbm>>
      tpu.enqueue_dma source(%dma_start3A_259 : memref<20x128xi32, #tpu.memory_space<hbm>>) target(%dma_start3A_255 : memref<20x128xi32, #tpu.memory_space<vmem>>) target_semaphore(%run_scoped3A_243 : memref<!tpu.dma_semaphore, #tpu.memory_space<semaphore_mem>>)
      %dma_wait3A = arith.constant 0 : i32
      %dma_wait3A_260 = arith.constant 0 : i32
      %dma_wait3A_261 = tpu.memref_slice %arg7[%run_scoped3A_89, %dma_wait3A, %dma_wait3A_260] : memref<2x20x128xi32, #tpu.memory_space<vmem>> -> memref<1x20x128xi32, #tpu.memory_space<vmem>>
      %dma_wait3A_262 = tpu.memref_squeeze %dma_wait3A_261 : memref<1x20x128xi32, #tpu.memory_space<vmem>> -> memref<20x128xi32, #tpu.memory_space<vmem>>
      %dma_wait3A_263 = arith.constant 0 : i32
      %dma_wait3A_264 = arith.constant 0 : i32
      %dma_wait3A_265 = tpu.memref_slice %arg3[%arg1, %run_scoped3A_88, %dma_wait3A_263, %dma_wait3A_264] : memref<16x8x20x128xi32, #tpu.memory_space<hbm>> -> memref<1x1x20x128xi32, #tpu.memory_space<hbm>>
      %dma_wait3A_266 = tpu.memref_squeeze %dma_wait3A_265 : memref<1x1x20x128xi32, #tpu.memory_space<hbm>> -> memref<20x128xi32, #tpu.memory_space<hbm>>
      %dma_wait3A_267 = arith.constant 0 : i32
      %dma_wait3A_268 = arith.constant 0 : i32
      %dma_wait3A_269 = tpu.memref_slice %arg7[%run_scoped3A_89, %dma_wait3A_267, %dma_wait3A_268] : memref<2x20x128xi32, #tpu.memory_space<vmem>> -> memref<1x20x128xi32, #tpu.memory_space<vmem>>
      %dma_wait3A_270 = tpu.memref_squeeze %dma_wait3A_269 : memref<1x20x128xi32, #tpu.memory_space<vmem>> -> memref<20x128xi32, #tpu.memory_space<vmem>>
      %dma_wait3A_271 = arith.constant 0 : i32
      %dma_wait3A_272 = arith.constant 0 : i32
      %dma_wait3A_273 = tpu.memref_slice %arg3[%arg1, %run_scoped3A_88, %dma_wait3A_271, %dma_wait3A_272] : memref<16x8x20x128xi32, #tpu.memory_space<hbm>> -> memref<1x1x20x128xi32, #tpu.memory_space<hbm>>
      %dma_wait3A_274 = tpu.memref_squeeze %dma_wait3A_273 : memref<1x1x20x128xi32, #tpu.memory_space<hbm>> -> memref<20x128xi32, #tpu.memory_space<hbm>>
      tpu.wait_dma2 semaphore(%run_scoped3A_243 : memref<!tpu.dma_semaphore, #tpu.memory_space<semaphore_mem>>) src(%dma_wait3A_274 : memref<20x128xi32, #tpu.memory_space<hbm>>) dst(%dma_wait3A_270 : memref<20x128xi32, #tpu.memory_space<vmem>>)
      tpu.yield
    }) : () -> ()
    %run_scoped3A_90 = arith.constant 3 : i32
    %run_scoped3A_91 = arith.constant 1 : i32
    "tpu.region"() ({
      %run_scoped3A_243 = tpu.sem_alloc : memref<!tpu.dma_semaphore, #tpu.memory_space<semaphore_mem>>
      %dma_start3A_244 = arith.constant 0 : i32
      %dma_start3A_245 = arith.constant 0 : i32
      %dma_start3A_246 = tpu.memref_slice %arg7[%run_scoped3A_91, %dma_start3A_244, %dma_start3A_245] : memref<2x20x128xi32, #tpu.memory_space<vmem>> -> memref<1x20x128xi32, #tpu.memory_space<vmem>>
      %dma_start3A_247 = tpu.memref_squeeze %dma_start3A_246 : memref<1x20x128xi32, #tpu.memory_space<vmem>> -> memref<20x128xi32, #tpu.memory_space<vmem>>
      %dma_start3A_248 = arith.constant 0 : i32
      %dma_start3A_249 = arith.constant 0 : i32
      %dma_start3A_250 = tpu.memref_slice %arg4[%arg1, %run_scoped3A_90, %dma_start3A_248, %dma_start3A_249] : memref<16x8x20x128xi32, #tpu.memory_space<hbm>> -> memref<1x1x20x128xi32, #tpu.memory_space<hbm>>
      %dma_start3A_251 = tpu.memref_squeeze %dma_start3A_250 : memref<1x1x20x128xi32, #tpu.memory_space<hbm>> -> memref<20x128xi32, #tpu.memory_space<hbm>>
      %dma_start3A_252 = arith.constant 0 : i32
      %dma_start3A_253 = arith.constant 0 : i32
      %dma_start3A_254 = tpu.memref_slice %arg7[%run_scoped3A_91, %dma_start3A_252, %dma_start3A_253] : memref<2x20x128xi32, #tpu.memory_space<vmem>> -> memref<1x20x128xi32, #tpu.memory_space<vmem>>
      %dma_start3A_255 = tpu.memref_squeeze %dma_start3A_254 : memref<1x20x128xi32, #tpu.memory_space<vmem>> -> memref<20x128xi32, #tpu.memory_space<vmem>>
      %dma_start3A_256 = arith.constant 0 : i32
      %dma_start3A_257 = arith.constant 0 : i32
      %dma_start3A_258 = tpu.memref_slice %arg4[%arg1, %run_scoped3A_90, %dma_start3A_256, %dma_start3A_257] : memref<16x8x20x128xi32, #tpu.memory_space<hbm>> -> memref<1x1x20x128xi32, #tpu.memory_space<hbm>>
      %dma_start3A_259 = tpu.memref_squeeze %dma_start3A_258 : memref<1x1x20x128xi32, #tpu.memory_space<hbm>> -> memref<20x128xi32, #tpu.memory_space<hbm>>
      tpu.enqueue_dma source(%dma_start3A_259 : memref<20x128xi32, #tpu.memory_space<hbm>>) target(%dma_start3A_255 : memref<20x128xi32, #tpu.memory_space<vmem>>) target_semaphore(%run_scoped3A_243 : memref<!tpu.dma_semaphore, #tpu.memory_space<semaphore_mem>>)
      %dma_wait3A = arith.constant 0 : i32
      %dma_wait3A_260 = arith.constant 0 : i32
      %dma_wait3A_261 = tpu.memref_slice %arg7[%run_scoped3A_91, %dma_wait3A, %dma_wait3A_260] : memref<2x20x128xi32, #tpu.memory_space<vmem>> -> memref<1x20x128xi32, #tpu.memory_space<vmem>>
      %dma_wait3A_262 = tpu.memref_squeeze %dma_wait3A_261 : memref<1x20x128xi32, #tpu.memory_space<vmem>> -> memref<20x128xi32, #tpu.memory_space<vmem>>
      %dma_wait3A_263 = arith.constant 0 : i32
      %dma_wait3A_264 = arith.constant 0 : i32
      %dma_wait3A_265 = tpu.memref_slice %arg4[%arg1, %run_scoped3A_90, %dma_wait3A_263, %dma_wait3A_264] : memref<16x8x20x128xi32, #tpu.memory_space<hbm>> -> memref<1x1x20x128xi32, #tpu.memory_space<hbm>>
      %dma_wait3A_266 = tpu.memref_squeeze %dma_wait3A_265 : memref<1x1x20x128xi32, #tpu.memory_space<hbm>> -> memref<20x128xi32, #tpu.memory_space<hbm>>
      %dma_wait3A_267 = arith.constant 0 : i32
      %dma_wait3A_268 = arith.constant 0 : i32
      %dma_wait3A_269 = tpu.memref_slice %arg7[%run_scoped3A_91, %dma_wait3A_267, %dma_wait3A_268] : memref<2x20x128xi32, #tpu.memory_space<vmem>> -> memref<1x20x128xi32, #tpu.memory_space<vmem>>
      %dma_wait3A_270 = tpu.memref_squeeze %dma_wait3A_269 : memref<1x20x128xi32, #tpu.memory_space<vmem>> -> memref<20x128xi32, #tpu.memory_space<vmem>>
      %dma_wait3A_271 = arith.constant 0 : i32
      %dma_wait3A_272 = arith.constant 0 : i32
      %dma_wait3A_273 = tpu.memref_slice %arg4[%arg1, %run_scoped3A_90, %dma_wait3A_271, %dma_wait3A_272] : memref<16x8x20x128xi32, #tpu.memory_space<hbm>> -> memref<1x1x20x128xi32, #tpu.memory_space<hbm>>
      %dma_wait3A_274 = tpu.memref_squeeze %dma_wait3A_273 : memref<1x1x20x128xi32, #tpu.memory_space<hbm>> -> memref<20x128xi32, #tpu.memory_space<hbm>>
      tpu.wait_dma2 semaphore(%run_scoped3A_243 : memref<!tpu.dma_semaphore, #tpu.memory_space<semaphore_mem>>) src(%dma_wait3A_274 : memref<20x128xi32, #tpu.memory_space<hbm>>) dst(%dma_wait3A_270 : memref<20x128xi32, #tpu.memory_space<vmem>>)
      tpu.yield
    }) : () -> ()
    %dma_start3A_92 = arith.constant 0 : i32
    %dma_start3A_93 = arith.constant 0 : i32
    %dma_start3A_94 = arith.constant 0 : i32
    %dma_start3A_95 = arith.constant 0 : i32
    %dma_start3A_96 = arith.constant 0 : i32
    %dma_start3A_97 = arith.constant 0 : i32
    %dma_start3A_98 = tpu.memref_slice %arg8[%dma_start3A_94, %dma_start3A_96, %dma_start3A_97] : memref<2x128x128xf32, #tpu.memory_space<vmem>> -> memref<1x128x128xf32, #tpu.memory_space<vmem>>
    %dma_start3A_99 = tpu.memref_squeeze %dma_start3A_98 : memref<1x128x128xf32, #tpu.memory_space<vmem>> -> memref<128x128xf32, #tpu.memory_space<vmem>>
    %dma_start3A_100 = arith.constant 0 : i32
    %dma_start3A_101 = tpu.memref_slice %arg7[%dma_start3A_92, %dma_start3A_93, %dma_start3A_100] : memref<2x20x128xi32, #tpu.memory_space<vmem>> -> memref<1x1x128xi32, #tpu.memory_space<vmem>>
    %dma_start3A_102 = tpu.memref_squeeze %dma_start3A_101 : memref<1x1x128xi32, #tpu.memory_space<vmem>> -> memref<128xi32, #tpu.memory_space<vmem>>
    %dma_start3A_103 = arith.constant 0 : i32
    %dma_start3A_104 = arith.constant 0 : i32
    %dma_start3A_105 = tpu.memref_slice %arg2[%arg0, %dma_start3A_103, %dma_start3A_104] : memref<2x10000x128xf32, #tpu.memory_space<hbm>> -> memref<1x10000x128xf32, #tpu.memory_space<hbm>>
    %dma_start3A_106 = tpu.memref_squeeze %dma_start3A_105 : memref<1x10000x128xf32, #tpu.memory_space<hbm>> -> memref<10000x128xf32, #tpu.memory_space<hbm>>
    %dma_start3A_107 = arith.constant 0 : i32
    %dma_start3A_108 = arith.constant 0 : i32
    %dma_start3A_109 = tpu.memref_slice %dma_start3A_106[%dma_start3A_107, %dma_start3A_108] : memref<10000x128xf32, #tpu.memory_space<hbm>> -> memref<10000x128xf32, #tpu.memory_space<hbm>>
    %dma_start3A_110 = tpu.memref_slice %arg10[%dma_start3A_95] : memref<2x!tpu.dma_semaphore, #tpu.memory_space<semaphore_mem>> -> memref<1x!tpu.dma_semaphore, #tpu.memory_space<semaphore_mem>>
    %dma_start3A_111 = tpu.memref_squeeze %dma_start3A_110 : memref<1x!tpu.dma_semaphore, #tpu.memory_space<semaphore_mem>> -> memref<!tpu.dma_semaphore, #tpu.memory_space<semaphore_mem>>
    tpu.enqueue_indirect_dma source(%dma_start3A_109 : memref<10000x128xf32, #tpu.memory_space<hbm>>) target(%dma_start3A_99 : memref<128x128xf32, #tpu.memory_space<vmem>>) offsets(%dma_start3A_102 : memref<128xi32, #tpu.memory_space<vmem>>) semaphore(%dma_start3A_111 : memref<!tpu.dma_semaphore, #tpu.memory_space<semaphore_mem>>)
    %scan3A_112 = arith.constant 0 : i32
    %scan3A_113 = arith.constant 0 : i32
    %scan3A_114 = arith.constant 20 : i32
    %scan3A_115 = arith.addi %scan3A_113, %scan3A_114 : i32
    %scan3A_116 = arith.constant 1 : i32
    scf.for %scan3A_243 = %scan3A_113 to %scan3A_115 step %scan3A_116  : i32 {
      %rem3A = arith.constant 2 : i32
      %rem3A_244 = arith.remsi %scan3A_243, %rem3A : i32
      %dma_wait3A = arith.constant 0 : i32
      %dma_wait3A_245 = arith.constant 0 : i32
      %dma_wait3A_246 = arith.constant 0 : i32
      %dma_wait3A_247 = tpu.memref_slice %arg8[%rem3A_244, %dma_wait3A_245, %dma_wait3A_246] : memref<2x128x128xf32, #tpu.memory_space<vmem>> -> memref<1x128x128xf32, #tpu.memory_space<vmem>>
      %dma_wait3A_248 = tpu.memref_squeeze %dma_wait3A_247 : memref<1x128x128xf32, #tpu.memory_space<vmem>> -> memref<128x128xf32, #tpu.memory_space<vmem>>
      %dma_wait3A_249 = arith.constant 0 : i32
      %dma_wait3A_250 = tpu.memref_slice %arg7[%dma_wait3A, %scan3A_243, %dma_wait3A_249] : memref<2x20x128xi32, #tpu.memory_space<vmem>> -> memref<1x1x128xi32, #tpu.memory_space<vmem>>
      %dma_wait3A_251 = tpu.memref_squeeze %dma_wait3A_250 : memref<1x1x128xi32, #tpu.memory_space<vmem>> -> memref<128xi32, #tpu.memory_space<vmem>>
      %dma_wait3A_252 = arith.constant 0 : i32
      %dma_wait3A_253 = arith.constant 0 : i32
      %dma_wait3A_254 = tpu.memref_slice %arg2[%arg0, %dma_wait3A_252, %dma_wait3A_253] : memref<2x10000x128xf32, #tpu.memory_space<hbm>> -> memref<1x10000x128xf32, #tpu.memory_space<hbm>>
      %dma_wait3A_255 = tpu.memref_squeeze %dma_wait3A_254 : memref<1x10000x128xf32, #tpu.memory_space<hbm>> -> memref<10000x128xf32, #tpu.memory_space<hbm>>
      %dma_wait3A_256 = arith.constant 0 : i32
      %dma_wait3A_257 = arith.constant 0 : i32
      %dma_wait3A_258 = tpu.memref_slice %dma_wait3A_255[%dma_wait3A_256, %dma_wait3A_257] : memref<10000x128xf32, #tpu.memory_space<hbm>> -> memref<10000x128xf32, #tpu.memory_space<hbm>>
      %dma_wait3A_259 = tpu.memref_slice %arg10[%rem3A_244] : memref<2x!tpu.dma_semaphore, #tpu.memory_space<semaphore_mem>> -> memref<1x!tpu.dma_semaphore, #tpu.memory_space<semaphore_mem>>
      %dma_wait3A_260 = tpu.memref_squeeze %dma_wait3A_259 : memref<1x!tpu.dma_semaphore, #tpu.memory_space<semaphore_mem>> -> memref<!tpu.dma_semaphore, #tpu.memory_space<semaphore_mem>>
      tpu.wait_indirect_dma semaphore(%dma_wait3A_260 : memref<!tpu.dma_semaphore, #tpu.memory_space<semaphore_mem>>) src(%dma_wait3A_258 : memref<10000x128xf32, #tpu.memory_space<hbm>>) dst(%dma_wait3A_248 : memref<128x128xf32, #tpu.memory_space<vmem>>)
      %add3A = arith.constant 1 : i32
      %add3A_261 = arith.addi %scan3A_243, %add3A : i32
      %lt3A = arith.constant 20 : i32
      %lt3A_262 = arith.cmpi slt, %add3A_261, %lt3A : i32
      %convert_element_type3A = arith.extui %lt3A_262 : i1 to i32
      %cond3A = arith.constant 0 : i32
      %cond3A_263 = arith.cmpi ne, %convert_element_type3A, %cond3A : i32
      scf.if %cond3A_263 {
        %add3A_265 = arith.constant 1 : i32
        %add3A_266 = arith.addi %scan3A_243, %add3A_265 : i32
        %sub3A = arith.constant 1 : i32
        %sub3A_267 = arith.subi %sub3A, %rem3A_244 : i32
        %sub3A_268 = arith.constant 1 : i32
        %sub3A_269 = arith.subi %sub3A_268, %rem3A_244 : i32
        %dma_start3A_270 = arith.constant 0 : i32
        %dma_start3A_271 = arith.constant 0 : i32
        %dma_start3A_272 = arith.constant 0 : i32
        %dma_start3A_273 = tpu.memref_slice %arg8[%sub3A_267, %dma_start3A_271, %dma_start3A_272] : memref<2x128x128xf32, #tpu.memory_space<vmem>> -> memref<1x128x128xf32, #tpu.memory_space<vmem>>
        %dma_start3A_274 = tpu.memref_squeeze %dma_start3A_273 : memref<1x128x128xf32, #tpu.memory_space<vmem>> -> memref<128x128xf32, #tpu.memory_space<vmem>>
        %dma_start3A_275 = arith.constant 0 : i32
        %dma_start3A_276 = tpu.memref_slice %arg7[%dma_start3A_270, %add3A_266, %dma_start3A_275] : memref<2x20x128xi32, #tpu.memory_space<vmem>> -> memref<1x1x128xi32, #tpu.memory_space<vmem>>
        %dma_start3A_277 = tpu.memref_squeeze %dma_start3A_276 : memref<1x1x128xi32, #tpu.memory_space<vmem>> -> memref<128xi32, #tpu.memory_space<vmem>>
        %dma_start3A_278 = arith.constant 0 : i32
        %dma_start3A_279 = arith.constant 0 : i32
        %dma_start3A_280 = tpu.memref_slice %arg2[%arg0, %dma_start3A_278, %dma_start3A_279] : memref<2x10000x128xf32, #tpu.memory_space<hbm>> -> memref<1x10000x128xf32, #tpu.memory_space<hbm>>
        %dma_start3A_281 = tpu.memref_squeeze %dma_start3A_280 : memref<1x10000x128xf32, #tpu.memory_space<hbm>> -> memref<10000x128xf32, #tpu.memory_space<hbm>>
        %dma_start3A_282 = arith.constant 0 : i32
        %dma_start3A_283 = arith.constant 0 : i32
        %dma_start3A_284 = tpu.memref_slice %dma_start3A_281[%dma_start3A_282, %dma_start3A_283] : memref<10000x128xf32, #tpu.memory_space<hbm>> -> memref<10000x128xf32, #tpu.memory_space<hbm>>
        %dma_start3A_285 = tpu.memref_slice %arg10[%sub3A_269] : memref<2x!tpu.dma_semaphore, #tpu.memory_space<semaphore_mem>> -> memref<1x!tpu.dma_semaphore, #tpu.memory_space<semaphore_mem>>
        %dma_start3A_286 = tpu.memref_squeeze %dma_start3A_285 : memref<1x!tpu.dma_semaphore, #tpu.memory_space<semaphore_mem>> -> memref<!tpu.dma_semaphore, #tpu.memory_space<semaphore_mem>>
        tpu.enqueue_indirect_dma source(%dma_start3A_284 : memref<10000x128xf32, #tpu.memory_space<hbm>>) target(%dma_start3A_274 : memref<128x128xf32, #tpu.memory_space<vmem>>) offsets(%dma_start3A_277 : memref<128xi32, #tpu.memory_space<vmem>>) semaphore(%dma_start3A_286 : memref<!tpu.dma_semaphore, #tpu.memory_space<semaphore_mem>>)
      } else {
      }
      %run_scoped3A_264 = arith.constant 1 : i32
      "tpu.region"() ({
        %run_scoped3A_265 = tpu.sem_alloc : memref<!tpu.dma_semaphore, #tpu.memory_space<semaphore_mem>>
        %dma_start3A_266 = arith.constant 0 : i32
        %dma_start3A_267 = arith.constant 0 : i32
        %dma_start3A_268 = tpu.memref_slice %arg8[%rem3A_244, %dma_start3A_266, %dma_start3A_267] : memref<2x128x128xf32, #tpu.memory_space<vmem>> -> memref<1x128x128xf32, #tpu.memory_space<vmem>>
        %dma_start3A_269 = tpu.memref_squeeze %dma_start3A_268 : memref<1x128x128xf32, #tpu.memory_space<vmem>> -> memref<128x128xf32, #tpu.memory_space<vmem>>
        %dma_start3A_270 = arith.constant 0 : i32
        %dma_start3A_271 = tpu.memref_slice %arg7[%run_scoped3A_264, %scan3A_243, %dma_start3A_270] : memref<2x20x128xi32, #tpu.memory_space<vmem>> -> memref<1x1x128xi32, #tpu.memory_space<vmem>>
        %dma_start3A_272 = tpu.memref_squeeze %dma_start3A_271 : memref<1x1x128xi32, #tpu.memory_space<vmem>> -> memref<128xi32, #tpu.memory_space<vmem>>
        %dma_start3A_273 = arith.constant 0 : i32
        %dma_start3A_274 = arith.constant 0 : i32
        %dma_start3A_275 = tpu.memref_slice %arg9[%dma_start3A_273, %dma_start3A_274] : memref<10240x128xf32, #tpu.memory_space<vmem_shared>> -> memref<10240x128xf32, #tpu.memory_space<vmem_shared>>
        tpu.enqueue_indirect_dma source(%dma_start3A_269 : memref<128x128xf32, #tpu.memory_space<vmem>>) target(%dma_start3A_275 : memref<10240x128xf32, #tpu.memory_space<vmem_shared>>) offsets(%dma_start3A_272 : memref<128xi32, #tpu.memory_space<vmem>>) semaphore(%run_scoped3A_265 : memref<!tpu.dma_semaphore, #tpu.memory_space<semaphore_mem>>) {add = true}
        %dma_wait3A_276 = arith.constant 0 : i32
        %dma_wait3A_277 = arith.constant 0 : i32
        %dma_wait3A_278 = tpu.memref_slice %arg8[%rem3A_244, %dma_wait3A_276, %dma_wait3A_277] : memref<2x128x128xf32, #tpu.memory_space<vmem>> -> memref<1x128x128xf32, #tpu.memory_space<vmem>>
        %dma_wait3A_279 = tpu.memref_squeeze %dma_wait3A_278 : memref<1x128x128xf32, #tpu.memory_space<vmem>> -> memref<128x128xf32, #tpu.memory_space<vmem>>
        %dma_wait3A_280 = arith.constant 0 : i32
        %dma_wait3A_281 = tpu.memref_slice %arg7[%run_scoped3A_264, %scan3A_243, %dma_wait3A_280] : memref<2x20x128xi32, #tpu.memory_space<vmem>> -> memref<1x1x128xi32, #tpu.memory_space<vmem>>
        %dma_wait3A_282 = tpu.memref_squeeze %dma_wait3A_281 : memref<1x1x128xi32, #tpu.memory_space<vmem>> -> memref<128xi32, #tpu.memory_space<vmem>>
        %dma_wait3A_283 = arith.constant 0 : i32
        %dma_wait3A_284 = arith.constant 0 : i32
        %dma_wait3A_285 = tpu.memref_slice %arg9[%dma_wait3A_283, %dma_wait3A_284] : memref<10240x128xf32, #tpu.memory_space<vmem_shared>> -> memref<10240x128xf32, #tpu.memory_space<vmem_shared>>
        tpu.wait_indirect_dma semaphore(%run_scoped3A_265 : memref<!tpu.dma_semaphore, #tpu.memory_space<semaphore_mem>>) src(%dma_wait3A_279 : memref<128x128xf32, #tpu.memory_space<vmem>>) dst(%dma_wait3A_285 : memref<10240x128xf32, #tpu.memory_space<vmem_shared>>)
        tpu.yield
      }) : () -> ()
    }
    %scan3A_117 = arith.constant 20 : i32
    %run_scoped3A_118 = arith.constant 4 : i32
    %run_scoped3A_119 = arith.constant 0 : i32
    "tpu.region"() ({
      %run_scoped3A_243 = tpu.sem_alloc : memref<!tpu.dma_semaphore, #tpu.memory_space<semaphore_mem>>
      %dma_start3A_244 = arith.constant 0 : i32
      %dma_start3A_245 = arith.constant 0 : i32
      %dma_start3A_246 = tpu.memref_slice %arg7[%run_scoped3A_119, %dma_start3A_244, %dma_start3A_245] : memref<2x20x128xi32, #tpu.memory_space<vmem>> -> memref<1x20x128xi32, #tpu.memory_space<vmem>>
      %dma_start3A_247 = tpu.memref_squeeze %dma_start3A_246 : memref<1x20x128xi32, #tpu.memory_space<vmem>> -> memref<20x128xi32, #tpu.memory_space<vmem>>
      %dma_start3A_248 = arith.constant 0 : i32
      %dma_start3A_249 = arith.constant 0 : i32
      %dma_start3A_250 = tpu.memref_slice %arg3[%arg1, %run_scoped3A_118, %dma_start3A_248, %dma_start3A_249] : memref<16x8x20x128xi32, #tpu.memory_space<hbm>> -> memref<1x1x20x128xi32, #tpu.memory_space<hbm>>
      %dma_start3A_251 = tpu.memref_squeeze %dma_start3A_250 : memref<1x1x20x128xi32, #tpu.memory_space<hbm>> -> memref<20x128xi32, #tpu.memory_space<hbm>>
      %dma_start3A_252 = arith.constant 0 : i32
      %dma_start3A_253 = arith.constant 0 : i32
      %dma_start3A_254 = tpu.memref_slice %arg7[%run_scoped3A_119, %dma_start3A_252, %dma_start3A_253] : memref<2x20x128xi32, #tpu.memory_space<vmem>> -> memref<1x20x128xi32, #tpu.memory_space<vmem>>
      %dma_start3A_255 = tpu.memref_squeeze %dma_start3A_254 : memref<1x20x128xi32, #tpu.memory_space<vmem>> -> memref<20x128xi32, #tpu.memory_space<vmem>>
      %dma_start3A_256 = arith.constant 0 : i32
      %dma_start3A_257 = arith.constant 0 : i32
      %dma_start3A_258 = tpu.memref_slice %arg3[%arg1, %run_scoped3A_118, %dma_start3A_256, %dma_start3A_257] : memref<16x8x20x128xi32, #tpu.memory_space<hbm>> -> memref<1x1x20x128xi32, #tpu.memory_space<hbm>>
      %dma_start3A_259 = tpu.memref_squeeze %dma_start3A_258 : memref<1x1x20x128xi32, #tpu.memory_space<hbm>> -> memref<20x128xi32, #tpu.memory_space<hbm>>
      tpu.enqueue_dma source(%dma_start3A_259 : memref<20x128xi32, #tpu.memory_space<hbm>>) target(%dma_start3A_255 : memref<20x128xi32, #tpu.memory_space<vmem>>) target_semaphore(%run_scoped3A_243 : memref<!tpu.dma_semaphore, #tpu.memory_space<semaphore_mem>>)
      %dma_wait3A = arith.constant 0 : i32
      %dma_wait3A_260 = arith.constant 0 : i32
      %dma_wait3A_261 = tpu.memref_slice %arg7[%run_scoped3A_119, %dma_wait3A, %dma_wait3A_260] : memref<2x20x128xi32, #tpu.memory_space<vmem>> -> memref<1x20x128xi32, #tpu.memory_space<vmem>>
      %dma_wait3A_262 = tpu.memref_squeeze %dma_wait3A_261 : memref<1x20x128xi32, #tpu.memory_space<vmem>> -> memref<20x128xi32, #tpu.memory_space<vmem>>
      %dma_wait3A_263 = arith.constant 0 : i32
      %dma_wait3A_264 = arith.constant 0 : i32
      %dma_wait3A_265 = tpu.memref_slice %arg3[%arg1, %run_scoped3A_118, %dma_wait3A_263, %dma_wait3A_264] : memref<16x8x20x128xi32, #tpu.memory_space<hbm>> -> memref<1x1x20x128xi32, #tpu.memory_space<hbm>>
      %dma_wait3A_266 = tpu.memref_squeeze %dma_wait3A_265 : memref<1x1x20x128xi32, #tpu.memory_space<hbm>> -> memref<20x128xi32, #tpu.memory_space<hbm>>
      %dma_wait3A_267 = arith.constant 0 : i32
      %dma_wait3A_268 = arith.constant 0 : i32
      %dma_wait3A_269 = tpu.memref_slice %arg7[%run_scoped3A_119, %dma_wait3A_267, %dma_wait3A_268] : memref<2x20x128xi32, #tpu.memory_space<vmem>> -> memref<1x20x128xi32, #tpu.memory_space<vmem>>
      %dma_wait3A_270 = tpu.memref_squeeze %dma_wait3A_269 : memref<1x20x128xi32, #tpu.memory_space<vmem>> -> memref<20x128xi32, #tpu.memory_space<vmem>>
      %dma_wait3A_271 = arith.constant 0 : i32
      %dma_wait3A_272 = arith.constant 0 : i32
      %dma_wait3A_273 = tpu.memref_slice %arg3[%arg1, %run_scoped3A_118, %dma_wait3A_271, %dma_wait3A_272] : memref<16x8x20x128xi32, #tpu.memory_space<hbm>> -> memref<1x1x20x128xi32, #tpu.memory_space<hbm>>
      %dma_wait3A_274 = tpu.memref_squeeze %dma_wait3A_273 : memref<1x1x20x128xi32, #tpu.memory_space<hbm>> -> memref<20x128xi32, #tpu.memory_space<hbm>>
      tpu.wait_dma2 semaphore(%run_scoped3A_243 : memref<!tpu.dma_semaphore, #tpu.memory_space<semaphore_mem>>) src(%dma_wait3A_274 : memref<20x128xi32, #tpu.memory_space<hbm>>) dst(%dma_wait3A_270 : memref<20x128xi32, #tpu.memory_space<vmem>>)
      tpu.yield
    }) : () -> ()
    %run_scoped3A_120 = arith.constant 4 : i32
    %run_scoped3A_121 = arith.constant 1 : i32
    "tpu.region"() ({
      %run_scoped3A_243 = tpu.sem_alloc : memref<!tpu.dma_semaphore, #tpu.memory_space<semaphore_mem>>
      %dma_start3A_244 = arith.constant 0 : i32
      %dma_start3A_245 = arith.constant 0 : i32
      %dma_start3A_246 = tpu.memref_slice %arg7[%run_scoped3A_121, %dma_start3A_244, %dma_start3A_245] : memref<2x20x128xi32, #tpu.memory_space<vmem>> -> memref<1x20x128xi32, #tpu.memory_space<vmem>>
      %dma_start3A_247 = tpu.memref_squeeze %dma_start3A_246 : memref<1x20x128xi32, #tpu.memory_space<vmem>> -> memref<20x128xi32, #tpu.memory_space<vmem>>
      %dma_start3A_248 = arith.constant 0 : i32
      %dma_start3A_249 = arith.constant 0 : i32
      %dma_start3A_250 = tpu.memref_slice %arg4[%arg1, %run_scoped3A_120, %dma_start3A_248, %dma_start3A_249] : memref<16x8x20x128xi32, #tpu.memory_space<hbm>> -> memref<1x1x20x128xi32, #tpu.memory_space<hbm>>
      %dma_start3A_251 = tpu.memref_squeeze %dma_start3A_250 : memref<1x1x20x128xi32, #tpu.memory_space<hbm>> -> memref<20x128xi32, #tpu.memory_space<hbm>>
      %dma_start3A_252 = arith.constant 0 : i32
      %dma_start3A_253 = arith.constant 0 : i32
      %dma_start3A_254 = tpu.memref_slice %arg7[%run_scoped3A_121, %dma_start3A_252, %dma_start3A_253] : memref<2x20x128xi32, #tpu.memory_space<vmem>> -> memref<1x20x128xi32, #tpu.memory_space<vmem>>
      %dma_start3A_255 = tpu.memref_squeeze %dma_start3A_254 : memref<1x20x128xi32, #tpu.memory_space<vmem>> -> memref<20x128xi32, #tpu.memory_space<vmem>>
      %dma_start3A_256 = arith.constant 0 : i32
      %dma_start3A_257 = arith.constant 0 : i32
      %dma_start3A_258 = tpu.memref_slice %arg4[%arg1, %run_scoped3A_120, %dma_start3A_256, %dma_start3A_257] : memref<16x8x20x128xi32, #tpu.memory_space<hbm>> -> memref<1x1x20x128xi32, #tpu.memory_space<hbm>>
      %dma_start3A_259 = tpu.memref_squeeze %dma_start3A_258 : memref<1x1x20x128xi32, #tpu.memory_space<hbm>> -> memref<20x128xi32, #tpu.memory_space<hbm>>
      tpu.enqueue_dma source(%dma_start3A_259 : memref<20x128xi32, #tpu.memory_space<hbm>>) target(%dma_start3A_255 : memref<20x128xi32, #tpu.memory_space<vmem>>) target_semaphore(%run_scoped3A_243 : memref<!tpu.dma_semaphore, #tpu.memory_space<semaphore_mem>>)
      %dma_wait3A = arith.constant 0 : i32
      %dma_wait3A_260 = arith.constant 0 : i32
      %dma_wait3A_261 = tpu.memref_slice %arg7[%run_scoped3A_121, %dma_wait3A, %dma_wait3A_260] : memref<2x20x128xi32, #tpu.memory_space<vmem>> -> memref<1x20x128xi32, #tpu.memory_space<vmem>>
      %dma_wait3A_262 = tpu.memref_squeeze %dma_wait3A_261 : memref<1x20x128xi32, #tpu.memory_space<vmem>> -> memref<20x128xi32, #tpu.memory_space<vmem>>
      %dma_wait3A_263 = arith.constant 0 : i32
      %dma_wait3A_264 = arith.constant 0 : i32
      %dma_wait3A_265 = tpu.memref_slice %arg4[%arg1, %run_scoped3A_120, %dma_wait3A_263, %dma_wait3A_264] : memref<16x8x20x128xi32, #tpu.memory_space<hbm>> -> memref<1x1x20x128xi32, #tpu.memory_space<hbm>>
      %dma_wait3A_266 = tpu.memref_squeeze %dma_wait3A_265 : memref<1x1x20x128xi32, #tpu.memory_space<hbm>> -> memref<20x128xi32, #tpu.memory_space<hbm>>
      %dma_wait3A_267 = arith.constant 0 : i32
      %dma_wait3A_268 = arith.constant 0 : i32
      %dma_wait3A_269 = tpu.memref_slice %arg7[%run_scoped3A_121, %dma_wait3A_267, %dma_wait3A_268] : memref<2x20x128xi32, #tpu.memory_space<vmem>> -> memref<1x20x128xi32, #tpu.memory_space<vmem>>
      %dma_wait3A_270 = tpu.memref_squeeze %dma_wait3A_269 : memref<1x20x128xi32, #tpu.memory_space<vmem>> -> memref<20x128xi32, #tpu.memory_space<vmem>>
      %dma_wait3A_271 = arith.constant 0 : i32
      %dma_wait3A_272 = arith.constant 0 : i32
      %dma_wait3A_273 = tpu.memref_slice %arg4[%arg1, %run_scoped3A_120, %dma_wait3A_271, %dma_wait3A_272] : memref<16x8x20x128xi32, #tpu.memory_space<hbm>> -> memref<1x1x20x128xi32, #tpu.memory_space<hbm>>
      %dma_wait3A_274 = tpu.memref_squeeze %dma_wait3A_273 : memref<1x1x20x128xi32, #tpu.memory_space<hbm>> -> memref<20x128xi32, #tpu.memory_space<hbm>>
      tpu.wait_dma2 semaphore(%run_scoped3A_243 : memref<!tpu.dma_semaphore, #tpu.memory_space<semaphore_mem>>) src(%dma_wait3A_274 : memref<20x128xi32, #tpu.memory_space<hbm>>) dst(%dma_wait3A_270 : memref<20x128xi32, #tpu.memory_space<vmem>>)
      tpu.yield
    }) : () -> ()
    %dma_start3A_122 = arith.constant 0 : i32
    %dma_start3A_123 = arith.constant 0 : i32
    %dma_start3A_124 = arith.constant 0 : i32
    %dma_start3A_125 = arith.constant 0 : i32
    %dma_start3A_126 = arith.constant 0 : i32
    %dma_start3A_127 = arith.constant 0 : i32
    %dma_start3A_128 = tpu.memref_slice %arg8[%dma_start3A_124, %dma_start3A_126, %dma_start3A_127] : memref<2x128x128xf32, #tpu.memory_space<vmem>> -> memref<1x128x128xf32, #tpu.memory_space<vmem>>
    %dma_start3A_129 = tpu.memref_squeeze %dma_start3A_128 : memref<1x128x128xf32, #tpu.memory_space<vmem>> -> memref<128x128xf32, #tpu.memory_space<vmem>>
    %dma_start3A_130 = arith.constant 0 : i32
    %dma_start3A_131 = tpu.memref_slice %arg7[%dma_start3A_122, %dma_start3A_123, %dma_start3A_130] : memref<2x20x128xi32, #tpu.memory_space<vmem>> -> memref<1x1x128xi32, #tpu.memory_space<vmem>>
    %dma_start3A_132 = tpu.memref_squeeze %dma_start3A_131 : memref<1x1x128xi32, #tpu.memory_space<vmem>> -> memref<128xi32, #tpu.memory_space<vmem>>
    %dma_start3A_133 = arith.constant 0 : i32
    %dma_start3A_134 = arith.constant 0 : i32
    %dma_start3A_135 = tpu.memref_slice %arg2[%arg0, %dma_start3A_133, %dma_start3A_134] : memref<2x10000x128xf32, #tpu.memory_space<hbm>> -> memref<1x10000x128xf32, #tpu.memory_space<hbm>>
    %dma_start3A_136 = tpu.memref_squeeze %dma_start3A_135 : memref<1x10000x128xf32, #tpu.memory_space<hbm>> -> memref<10000x128xf32, #tpu.memory_space<hbm>>
    %dma_start3A_137 = arith.constant 0 : i32
    %dma_start3A_138 = arith.constant 0 : i32
    %dma_start3A_139 = tpu.memref_slice %dma_start3A_136[%dma_start3A_137, %dma_start3A_138] : memref<10000x128xf32, #tpu.memory_space<hbm>> -> memref<10000x128xf32, #tpu.memory_space<hbm>>
    %dma_start3A_140 = tpu.memref_slice %arg10[%dma_start3A_125] : memref<2x!tpu.dma_semaphore, #tpu.memory_space<semaphore_mem>> -> memref<1x!tpu.dma_semaphore, #tpu.memory_space<semaphore_mem>>
    %dma_start3A_141 = tpu.memref_squeeze %dma_start3A_140 : memref<1x!tpu.dma_semaphore, #tpu.memory_space<semaphore_mem>> -> memref<!tpu.dma_semaphore, #tpu.memory_space<semaphore_mem>>
    tpu.enqueue_indirect_dma source(%dma_start3A_139 : memref<10000x128xf32, #tpu.memory_space<hbm>>) target(%dma_start3A_129 : memref<128x128xf32, #tpu.memory_space<vmem>>) offsets(%dma_start3A_132 : memref<128xi32, #tpu.memory_space<vmem>>) semaphore(%dma_start3A_141 : memref<!tpu.dma_semaphore, #tpu.memory_space<semaphore_mem>>)
    %scan3A_142 = arith.constant 0 : i32
    %scan3A_143 = arith.constant 0 : i32
    %scan3A_144 = arith.constant 20 : i32
    %scan3A_145 = arith.addi %scan3A_143, %scan3A_144 : i32
    %scan3A_146 = arith.constant 1 : i32
    scf.for %scan3A_243 = %scan3A_143 to %scan3A_145 step %scan3A_146  : i32 {
      %rem3A = arith.constant 2 : i32
      %rem3A_244 = arith.remsi %scan3A_243, %rem3A : i32
      %dma_wait3A = arith.constant 0 : i32
      %dma_wait3A_245 = arith.constant 0 : i32
      %dma_wait3A_246 = arith.constant 0 : i32
      %dma_wait3A_247 = tpu.memref_slice %arg8[%rem3A_244, %dma_wait3A_245, %dma_wait3A_246] : memref<2x128x128xf32, #tpu.memory_space<vmem>> -> memref<1x128x128xf32, #tpu.memory_space<vmem>>
      %dma_wait3A_248 = tpu.memref_squeeze %dma_wait3A_247 : memref<1x128x128xf32, #tpu.memory_space<vmem>> -> memref<128x128xf32, #tpu.memory_space<vmem>>
      %dma_wait3A_249 = arith.constant 0 : i32
      %dma_wait3A_250 = tpu.memref_slice %arg7[%dma_wait3A, %scan3A_243, %dma_wait3A_249] : memref<2x20x128xi32, #tpu.memory_space<vmem>> -> memref<1x1x128xi32, #tpu.memory_space<vmem>>
      %dma_wait3A_251 = tpu.memref_squeeze %dma_wait3A_250 : memref<1x1x128xi32, #tpu.memory_space<vmem>> -> memref<128xi32, #tpu.memory_space<vmem>>
      %dma_wait3A_252 = arith.constant 0 : i32
      %dma_wait3A_253 = arith.constant 0 : i32
      %dma_wait3A_254 = tpu.memref_slice %arg2[%arg0, %dma_wait3A_252, %dma_wait3A_253] : memref<2x10000x128xf32, #tpu.memory_space<hbm>> -> memref<1x10000x128xf32, #tpu.memory_space<hbm>>
      %dma_wait3A_255 = tpu.memref_squeeze %dma_wait3A_254 : memref<1x10000x128xf32, #tpu.memory_space<hbm>> -> memref<10000x128xf32, #tpu.memory_space<hbm>>
      %dma_wait3A_256 = arith.constant 0 : i32
      %dma_wait3A_257 = arith.constant 0 : i32
      %dma_wait3A_258 = tpu.memref_slice %dma_wait3A_255[%dma_wait3A_256, %dma_wait3A_257] : memref<10000x128xf32, #tpu.memory_space<hbm>> -> memref<10000x128xf32, #tpu.memory_space<hbm>>
      %dma_wait3A_259 = tpu.memref_slice %arg10[%rem3A_244] : memref<2x!tpu.dma_semaphore, #tpu.memory_space<semaphore_mem>> -> memref<1x!tpu.dma_semaphore, #tpu.memory_space<semaphore_mem>>
      %dma_wait3A_260 = tpu.memref_squeeze %dma_wait3A_259 : memref<1x!tpu.dma_semaphore, #tpu.memory_space<semaphore_mem>> -> memref<!tpu.dma_semaphore, #tpu.memory_space<semaphore_mem>>
      tpu.wait_indirect_dma semaphore(%dma_wait3A_260 : memref<!tpu.dma_semaphore, #tpu.memory_space<semaphore_mem>>) src(%dma_wait3A_258 : memref<10000x128xf32, #tpu.memory_space<hbm>>) dst(%dma_wait3A_248 : memref<128x128xf32, #tpu.memory_space<vmem>>)
      %add3A = arith.constant 1 : i32
      %add3A_261 = arith.addi %scan3A_243, %add3A : i32
      %lt3A = arith.constant 20 : i32
      %lt3A_262 = arith.cmpi slt, %add3A_261, %lt3A : i32
      %convert_element_type3A = arith.extui %lt3A_262 : i1 to i32
      %cond3A = arith.constant 0 : i32
      %cond3A_263 = arith.cmpi ne, %convert_element_type3A, %cond3A : i32
      scf.if %cond3A_263 {
        %add3A_265 = arith.constant 1 : i32
        %add3A_266 = arith.addi %scan3A_243, %add3A_265 : i32
        %sub3A = arith.constant 1 : i32
        %sub3A_267 = arith.subi %sub3A, %rem3A_244 : i32
        %sub3A_268 = arith.constant 1 : i32
        %sub3A_269 = arith.subi %sub3A_268, %rem3A_244 : i32
        %dma_start3A_270 = arith.constant 0 : i32
        %dma_start3A_271 = arith.constant 0 : i32
        %dma_start3A_272 = arith.constant 0 : i32
        %dma_start3A_273 = tpu.memref_slice %arg8[%sub3A_267, %dma_start3A_271, %dma_start3A_272] : memref<2x128x128xf32, #tpu.memory_space<vmem>> -> memref<1x128x128xf32, #tpu.memory_space<vmem>>
        %dma_start3A_274 = tpu.memref_squeeze %dma_start3A_273 : memref<1x128x128xf32, #tpu.memory_space<vmem>> -> memref<128x128xf32, #tpu.memory_space<vmem>>
        %dma_start3A_275 = arith.constant 0 : i32
        %dma_start3A_276 = tpu.memref_slice %arg7[%dma_start3A_270, %add3A_266, %dma_start3A_275] : memref<2x20x128xi32, #tpu.memory_space<vmem>> -> memref<1x1x128xi32, #tpu.memory_space<vmem>>
        %dma_start3A_277 = tpu.memref_squeeze %dma_start3A_276 : memref<1x1x128xi32, #tpu.memory_space<vmem>> -> memref<128xi32, #tpu.memory_space<vmem>>
        %dma_start3A_278 = arith.constant 0 : i32
        %dma_start3A_279 = arith.constant 0 : i32
        %dma_start3A_280 = tpu.memref_slice %arg2[%arg0, %dma_start3A_278, %dma_start3A_279] : memref<2x10000x128xf32, #tpu.memory_space<hbm>> -> memref<1x10000x128xf32, #tpu.memory_space<hbm>>
        %dma_start3A_281 = tpu.memref_squeeze %dma_start3A_280 : memref<1x10000x128xf32, #tpu.memory_space<hbm>> -> memref<10000x128xf32, #tpu.memory_space<hbm>>
        %dma_start3A_282 = arith.constant 0 : i32
        %dma_start3A_283 = arith.constant 0 : i32
        %dma_start3A_284 = tpu.memref_slice %dma_start3A_281[%dma_start3A_282, %dma_start3A_283] : memref<10000x128xf32, #tpu.memory_space<hbm>> -> memref<10000x128xf32, #tpu.memory_space<hbm>>
        %dma_start3A_285 = tpu.memref_slice %arg10[%sub3A_269] : memref<2x!tpu.dma_semaphore, #tpu.memory_space<semaphore_mem>> -> memref<1x!tpu.dma_semaphore, #tpu.memory_space<semaphore_mem>>
        %dma_start3A_286 = tpu.memref_squeeze %dma_start3A_285 : memref<1x!tpu.dma_semaphore, #tpu.memory_space<semaphore_mem>> -> memref<!tpu.dma_semaphore, #tpu.memory_space<semaphore_mem>>
        tpu.enqueue_indirect_dma source(%dma_start3A_284 : memref<10000x128xf32, #tpu.memory_space<hbm>>) target(%dma_start3A_274 : memref<128x128xf32, #tpu.memory_space<vmem>>) offsets(%dma_start3A_277 : memref<128xi32, #tpu.memory_space<vmem>>) semaphore(%dma_start3A_286 : memref<!tpu.dma_semaphore, #tpu.memory_space<semaphore_mem>>)
      } else {
      }
      %run_scoped3A_264 = arith.constant 1 : i32
      "tpu.region"() ({
        %run_scoped3A_265 = tpu.sem_alloc : memref<!tpu.dma_semaphore, #tpu.memory_space<semaphore_mem>>
        %dma_start3A_266 = arith.constant 0 : i32
        %dma_start3A_267 = arith.constant 0 : i32
        %dma_start3A_268 = tpu.memref_slice %arg8[%rem3A_244, %dma_start3A_266, %dma_start3A_267] : memref<2x128x128xf32, #tpu.memory_space<vmem>> -> memref<1x128x128xf32, #tpu.memory_space<vmem>>
        %dma_start3A_269 = tpu.memref_squeeze %dma_start3A_268 : memref<1x128x128xf32, #tpu.memory_space<vmem>> -> memref<128x128xf32, #tpu.memory_space<vmem>>
        %dma_start3A_270 = arith.constant 0 : i32
        %dma_start3A_271 = tpu.memref_slice %arg7[%run_scoped3A_264, %scan3A_243, %dma_start3A_270] : memref<2x20x128xi32, #tpu.memory_space<vmem>> -> memref<1x1x128xi32, #tpu.memory_space<vmem>>
        %dma_start3A_272 = tpu.memref_squeeze %dma_start3A_271 : memref<1x1x128xi32, #tpu.memory_space<vmem>> -> memref<128xi32, #tpu.memory_space<vmem>>
        %dma_start3A_273 = arith.constant 0 : i32
        %dma_start3A_274 = arith.constant 0 : i32
        %dma_start3A_275 = tpu.memref_slice %arg9[%dma_start3A_273, %dma_start3A_274] : memref<10240x128xf32, #tpu.memory_space<vmem_shared>> -> memref<10240x128xf32, #tpu.memory_space<vmem_shared>>
        tpu.enqueue_indirect_dma source(%dma_start3A_269 : memref<128x128xf32, #tpu.memory_space<vmem>>) target(%dma_start3A_275 : memref<10240x128xf32, #tpu.memory_space<vmem_shared>>) offsets(%dma_start3A_272 : memref<128xi32, #tpu.memory_space<vmem>>) semaphore(%run_scoped3A_265 : memref<!tpu.dma_semaphore, #tpu.memory_space<semaphore_mem>>) {add = true}
        %dma_wait3A_276 = arith.constant 0 : i32
        %dma_wait3A_277 = arith.constant 0 : i32
        %dma_wait3A_278 = tpu.memref_slice %arg8[%rem3A_244, %dma_wait3A_276, %dma_wait3A_277] : memref<2x128x128xf32, #tpu.memory_space<vmem>> -> memref<1x128x128xf32, #tpu.memory_space<vmem>>
        %dma_wait3A_279 = tpu.memref_squeeze %dma_wait3A_278 : memref<1x128x128xf32, #tpu.memory_space<vmem>> -> memref<128x128xf32, #tpu.memory_space<vmem>>
        %dma_wait3A_280 = arith.constant 0 : i32
        %dma_wait3A_281 = tpu.memref_slice %arg7[%run_scoped3A_264, %scan3A_243, %dma_wait3A_280] : memref<2x20x128xi32, #tpu.memory_space<vmem>> -> memref<1x1x128xi32, #tpu.memory_space<vmem>>
        %dma_wait3A_282 = tpu.memref_squeeze %dma_wait3A_281 : memref<1x1x128xi32, #tpu.memory_space<vmem>> -> memref<128xi32, #tpu.memory_space<vmem>>
        %dma_wait3A_283 = arith.constant 0 : i32
        %dma_wait3A_284 = arith.constant 0 : i32
        %dma_wait3A_285 = tpu.memref_slice %arg9[%dma_wait3A_283, %dma_wait3A_284] : memref<10240x128xf32, #tpu.memory_space<vmem_shared>> -> memref<10240x128xf32, #tpu.memory_space<vmem_shared>>
        tpu.wait_indirect_dma semaphore(%run_scoped3A_265 : memref<!tpu.dma_semaphore, #tpu.memory_space<semaphore_mem>>) src(%dma_wait3A_279 : memref<128x128xf32, #tpu.memory_space<vmem>>) dst(%dma_wait3A_285 : memref<10240x128xf32, #tpu.memory_space<vmem_shared>>)
        tpu.yield
      }) : () -> ()
    }
    %scan3A_147 = arith.constant 20 : i32
    %run_scoped3A_148 = arith.constant 5 : i32
    %run_scoped3A_149 = arith.constant 0 : i32
    "tpu.region"() ({
      %run_scoped3A_243 = tpu.sem_alloc : memref<!tpu.dma_semaphore, #tpu.memory_space<semaphore_mem>>
      %dma_start3A_244 = arith.constant 0 : i32
      %dma_start3A_245 = arith.constant 0 : i32
      %dma_start3A_246 = tpu.memref_slice %arg7[%run_scoped3A_149, %dma_start3A_244, %dma_start3A_245] : memref<2x20x128xi32, #tpu.memory_space<vmem>> -> memref<1x20x128xi32, #tpu.memory_space<vmem>>
      %dma_start3A_247 = tpu.memref_squeeze %dma_start3A_246 : memref<1x20x128xi32, #tpu.memory_space<vmem>> -> memref<20x128xi32, #tpu.memory_space<vmem>>
      %dma_start3A_248 = arith.constant 0 : i32
      %dma_start3A_249 = arith.constant 0 : i32
      %dma_start3A_250 = tpu.memref_slice %arg3[%arg1, %run_scoped3A_148, %dma_start3A_248, %dma_start3A_249] : memref<16x8x20x128xi32, #tpu.memory_space<hbm>> -> memref<1x1x20x128xi32, #tpu.memory_space<hbm>>
      %dma_start3A_251 = tpu.memref_squeeze %dma_start3A_250 : memref<1x1x20x128xi32, #tpu.memory_space<hbm>> -> memref<20x128xi32, #tpu.memory_space<hbm>>
      %dma_start3A_252 = arith.constant 0 : i32
      %dma_start3A_253 = arith.constant 0 : i32
      %dma_start3A_254 = tpu.memref_slice %arg7[%run_scoped3A_149, %dma_start3A_252, %dma_start3A_253] : memref<2x20x128xi32, #tpu.memory_space<vmem>> -> memref<1x20x128xi32, #tpu.memory_space<vmem>>
      %dma_start3A_255 = tpu.memref_squeeze %dma_start3A_254 : memref<1x20x128xi32, #tpu.memory_space<vmem>> -> memref<20x128xi32, #tpu.memory_space<vmem>>
      %dma_start3A_256 = arith.constant 0 : i32
      %dma_start3A_257 = arith.constant 0 : i32
      %dma_start3A_258 = tpu.memref_slice %arg3[%arg1, %run_scoped3A_148, %dma_start3A_256, %dma_start3A_257] : memref<16x8x20x128xi32, #tpu.memory_space<hbm>> -> memref<1x1x20x128xi32, #tpu.memory_space<hbm>>
      %dma_start3A_259 = tpu.memref_squeeze %dma_start3A_258 : memref<1x1x20x128xi32, #tpu.memory_space<hbm>> -> memref<20x128xi32, #tpu.memory_space<hbm>>
      tpu.enqueue_dma source(%dma_start3A_259 : memref<20x128xi32, #tpu.memory_space<hbm>>) target(%dma_start3A_255 : memref<20x128xi32, #tpu.memory_space<vmem>>) target_semaphore(%run_scoped3A_243 : memref<!tpu.dma_semaphore, #tpu.memory_space<semaphore_mem>>)
      %dma_wait3A = arith.constant 0 : i32
      %dma_wait3A_260 = arith.constant 0 : i32
      %dma_wait3A_261 = tpu.memref_slice %arg7[%run_scoped3A_149, %dma_wait3A, %dma_wait3A_260] : memref<2x20x128xi32, #tpu.memory_space<vmem>> -> memref<1x20x128xi32, #tpu.memory_space<vmem>>
      %dma_wait3A_262 = tpu.memref_squeeze %dma_wait3A_261 : memref<1x20x128xi32, #tpu.memory_space<vmem>> -> memref<20x128xi32, #tpu.memory_space<vmem>>
      %dma_wait3A_263 = arith.constant 0 : i32
      %dma_wait3A_264 = arith.constant 0 : i32
      %dma_wait3A_265 = tpu.memref_slice %arg3[%arg1, %run_scoped3A_148, %dma_wait3A_263, %dma_wait3A_264] : memref<16x8x20x128xi32, #tpu.memory_space<hbm>> -> memref<1x1x20x128xi32, #tpu.memory_space<hbm>>
      %dma_wait3A_266 = tpu.memref_squeeze %dma_wait3A_265 : memref<1x1x20x128xi32, #tpu.memory_space<hbm>> -> memref<20x128xi32, #tpu.memory_space<hbm>>
      %dma_wait3A_267 = arith.constant 0 : i32
      %dma_wait3A_268 = arith.constant 0 : i32
      %dma_wait3A_269 = tpu.memref_slice %arg7[%run_scoped3A_149, %dma_wait3A_267, %dma_wait3A_268] : memref<2x20x128xi32, #tpu.memory_space<vmem>> -> memref<1x20x128xi32, #tpu.memory_space<vmem>>
      %dma_wait3A_270 = tpu.memref_squeeze %dma_wait3A_269 : memref<1x20x128xi32, #tpu.memory_space<vmem>> -> memref<20x128xi32, #tpu.memory_space<vmem>>
      %dma_wait3A_271 = arith.constant 0 : i32
      %dma_wait3A_272 = arith.constant 0 : i32
      %dma_wait3A_273 = tpu.memref_slice %arg3[%arg1, %run_scoped3A_148, %dma_wait3A_271, %dma_wait3A_272] : memref<16x8x20x128xi32, #tpu.memory_space<hbm>> -> memref<1x1x20x128xi32, #tpu.memory_space<hbm>>
      %dma_wait3A_274 = tpu.memref_squeeze %dma_wait3A_273 : memref<1x1x20x128xi32, #tpu.memory_space<hbm>> -> memref<20x128xi32, #tpu.memory_space<hbm>>
      tpu.wait_dma2 semaphore(%run_scoped3A_243 : memref<!tpu.dma_semaphore, #tpu.memory_space<semaphore_mem>>) src(%dma_wait3A_274 : memref<20x128xi32, #tpu.memory_space<hbm>>) dst(%dma_wait3A_270 : memref<20x128xi32, #tpu.memory_space<vmem>>)
      tpu.yield
    }) : () -> ()
    %run_scoped3A_150 = arith.constant 5 : i32
    %run_scoped3A_151 = arith.constant 1 : i32
    "tpu.region"() ({
      %run_scoped3A_243 = tpu.sem_alloc : memref<!tpu.dma_semaphore, #tpu.memory_space<semaphore_mem>>
      %dma_start3A_244 = arith.constant 0 : i32
      %dma_start3A_245 = arith.constant 0 : i32
      %dma_start3A_246 = tpu.memref_slice %arg7[%run_scoped3A_151, %dma_start3A_244, %dma_start3A_245] : memref<2x20x128xi32, #tpu.memory_space<vmem>> -> memref<1x20x128xi32, #tpu.memory_space<vmem>>
      %dma_start3A_247 = tpu.memref_squeeze %dma_start3A_246 : memref<1x20x128xi32, #tpu.memory_space<vmem>> -> memref<20x128xi32, #tpu.memory_space<vmem>>
      %dma_start3A_248 = arith.constant 0 : i32
      %dma_start3A_249 = arith.constant 0 : i32
      %dma_start3A_250 = tpu.memref_slice %arg4[%arg1, %run_scoped3A_150, %dma_start3A_248, %dma_start3A_249] : memref<16x8x20x128xi32, #tpu.memory_space<hbm>> -> memref<1x1x20x128xi32, #tpu.memory_space<hbm>>
      %dma_start3A_251 = tpu.memref_squeeze %dma_start3A_250 : memref<1x1x20x128xi32, #tpu.memory_space<hbm>> -> memref<20x128xi32, #tpu.memory_space<hbm>>
      %dma_start3A_252 = arith.constant 0 : i32
      %dma_start3A_253 = arith.constant 0 : i32
      %dma_start3A_254 = tpu.memref_slice %arg7[%run_scoped3A_151, %dma_start3A_252, %dma_start3A_253] : memref<2x20x128xi32, #tpu.memory_space<vmem>> -> memref<1x20x128xi32, #tpu.memory_space<vmem>>
      %dma_start3A_255 = tpu.memref_squeeze %dma_start3A_254 : memref<1x20x128xi32, #tpu.memory_space<vmem>> -> memref<20x128xi32, #tpu.memory_space<vmem>>
      %dma_start3A_256 = arith.constant 0 : i32
      %dma_start3A_257 = arith.constant 0 : i32
      %dma_start3A_258 = tpu.memref_slice %arg4[%arg1, %run_scoped3A_150, %dma_start3A_256, %dma_start3A_257] : memref<16x8x20x128xi32, #tpu.memory_space<hbm>> -> memref<1x1x20x128xi32, #tpu.memory_space<hbm>>
      %dma_start3A_259 = tpu.memref_squeeze %dma_start3A_258 : memref<1x1x20x128xi32, #tpu.memory_space<hbm>> -> memref<20x128xi32, #tpu.memory_space<hbm>>
      tpu.enqueue_dma source(%dma_start3A_259 : memref<20x128xi32, #tpu.memory_space<hbm>>) target(%dma_start3A_255 : memref<20x128xi32, #tpu.memory_space<vmem>>) target_semaphore(%run_scoped3A_243 : memref<!tpu.dma_semaphore, #tpu.memory_space<semaphore_mem>>)
      %dma_wait3A = arith.constant 0 : i32
      %dma_wait3A_260 = arith.constant 0 : i32
      %dma_wait3A_261 = tpu.memref_slice %arg7[%run_scoped3A_151, %dma_wait3A, %dma_wait3A_260] : memref<2x20x128xi32, #tpu.memory_space<vmem>> -> memref<1x20x128xi32, #tpu.memory_space<vmem>>
      %dma_wait3A_262 = tpu.memref_squeeze %dma_wait3A_261 : memref<1x20x128xi32, #tpu.memory_space<vmem>> -> memref<20x128xi32, #tpu.memory_space<vmem>>
      %dma_wait3A_263 = arith.constant 0 : i32
      %dma_wait3A_264 = arith.constant 0 : i32
      %dma_wait3A_265 = tpu.memref_slice %arg4[%arg1, %run_scoped3A_150, %dma_wait3A_263, %dma_wait3A_264] : memref<16x8x20x128xi32, #tpu.memory_space<hbm>> -> memref<1x1x20x128xi32, #tpu.memory_space<hbm>>
      %dma_wait3A_266 = tpu.memref_squeeze %dma_wait3A_265 : memref<1x1x20x128xi32, #tpu.memory_space<hbm>> -> memref<20x128xi32, #tpu.memory_space<hbm>>
      %dma_wait3A_267 = arith.constant 0 : i32
      %dma_wait3A_268 = arith.constant 0 : i32
      %dma_wait3A_269 = tpu.memref_slice %arg7[%run_scoped3A_151, %dma_wait3A_267, %dma_wait3A_268] : memref<2x20x128xi32, #tpu.memory_space<vmem>> -> memref<1x20x128xi32, #tpu.memory_space<vmem>>
      %dma_wait3A_270 = tpu.memref_squeeze %dma_wait3A_269 : memref<1x20x128xi32, #tpu.memory_space<vmem>> -> memref<20x128xi32, #tpu.memory_space<vmem>>
      %dma_wait3A_271 = arith.constant 0 : i32
      %dma_wait3A_272 = arith.constant 0 : i32
      %dma_wait3A_273 = tpu.memref_slice %arg4[%arg1, %run_scoped3A_150, %dma_wait3A_271, %dma_wait3A_272] : memref<16x8x20x128xi32, #tpu.memory_space<hbm>> -> memref<1x1x20x128xi32, #tpu.memory_space<hbm>>
      %dma_wait3A_274 = tpu.memref_squeeze %dma_wait3A_273 : memref<1x1x20x128xi32, #tpu.memory_space<hbm>> -> memref<20x128xi32, #tpu.memory_space<hbm>>
      tpu.wait_dma2 semaphore(%run_scoped3A_243 : memref<!tpu.dma_semaphore, #tpu.memory_space<semaphore_mem>>) src(%dma_wait3A_274 : memref<20x128xi32, #tpu.memory_space<hbm>>) dst(%dma_wait3A_270 : memref<20x128xi32, #tpu.memory_space<vmem>>)
      tpu.yield
    }) : () -> ()
    %dma_start3A_152 = arith.constant 0 : i32
    %dma_start3A_153 = arith.constant 0 : i32
    %dma_start3A_154 = arith.constant 0 : i32
    %dma_start3A_155 = arith.constant 0 : i32
    %dma_start3A_156 = arith.constant 0 : i32
    %dma_start3A_157 = arith.constant 0 : i32
    %dma_start3A_158 = tpu.memref_slice %arg8[%dma_start3A_154, %dma_start3A_156, %dma_start3A_157] : memref<2x128x128xf32, #tpu.memory_space<vmem>> -> memref<1x128x128xf32, #tpu.memory_space<vmem>>
    %dma_start3A_159 = tpu.memref_squeeze %dma_start3A_158 : memref<1x128x128xf32, #tpu.memory_space<vmem>> -> memref<128x128xf32, #tpu.memory_space<vmem>>
    %dma_start3A_160 = arith.constant 0 : i32
    %dma_start3A_161 = tpu.memref_slice %arg7[%dma_start3A_152, %dma_start3A_153, %dma_start3A_160] : memref<2x20x128xi32, #tpu.memory_space<vmem>> -> memref<1x1x128xi32, #tpu.memory_space<vmem>>
    %dma_start3A_162 = tpu.memref_squeeze %dma_start3A_161 : memref<1x1x128xi32, #tpu.memory_space<vmem>> -> memref<128xi32, #tpu.memory_space<vmem>>
    %dma_start3A_163 = arith.constant 0 : i32
    %dma_start3A_164 = arith.constant 0 : i32
    %dma_start3A_165 = tpu.memref_slice %arg2[%arg0, %dma_start3A_163, %dma_start3A_164] : memref<2x10000x128xf32, #tpu.memory_space<hbm>> -> memref<1x10000x128xf32, #tpu.memory_space<hbm>>
    %dma_start3A_166 = tpu.memref_squeeze %dma_start3A_165 : memref<1x10000x128xf32, #tpu.memory_space<hbm>> -> memref<10000x128xf32, #tpu.memory_space<hbm>>
    %dma_start3A_167 = arith.constant 0 : i32
    %dma_start3A_168 = arith.constant 0 : i32
    %dma_start3A_169 = tpu.memref_slice %dma_start3A_166[%dma_start3A_167, %dma_start3A_168] : memref<10000x128xf32, #tpu.memory_space<hbm>> -> memref<10000x128xf32, #tpu.memory_space<hbm>>
    %dma_start3A_170 = tpu.memref_slice %arg10[%dma_start3A_155] : memref<2x!tpu.dma_semaphore, #tpu.memory_space<semaphore_mem>> -> memref<1x!tpu.dma_semaphore, #tpu.memory_space<semaphore_mem>>
    %dma_start3A_171 = tpu.memref_squeeze %dma_start3A_170 : memref<1x!tpu.dma_semaphore, #tpu.memory_space<semaphore_mem>> -> memref<!tpu.dma_semaphore, #tpu.memory_space<semaphore_mem>>
    tpu.enqueue_indirect_dma source(%dma_start3A_169 : memref<10000x128xf32, #tpu.memory_space<hbm>>) target(%dma_start3A_159 : memref<128x128xf32, #tpu.memory_space<vmem>>) offsets(%dma_start3A_162 : memref<128xi32, #tpu.memory_space<vmem>>) semaphore(%dma_start3A_171 : memref<!tpu.dma_semaphore, #tpu.memory_space<semaphore_mem>>)
    %scan3A_172 = arith.constant 0 : i32
    %scan3A_173 = arith.constant 0 : i32
    %scan3A_174 = arith.constant 20 : i32
    %scan3A_175 = arith.addi %scan3A_173, %scan3A_174 : i32
    %scan3A_176 = arith.constant 1 : i32
    scf.for %scan3A_243 = %scan3A_173 to %scan3A_175 step %scan3A_176  : i32 {
      %rem3A = arith.constant 2 : i32
      %rem3A_244 = arith.remsi %scan3A_243, %rem3A : i32
      %dma_wait3A = arith.constant 0 : i32
      %dma_wait3A_245 = arith.constant 0 : i32
      %dma_wait3A_246 = arith.constant 0 : i32
      %dma_wait3A_247 = tpu.memref_slice %arg8[%rem3A_244, %dma_wait3A_245, %dma_wait3A_246] : memref<2x128x128xf32, #tpu.memory_space<vmem>> -> memref<1x128x128xf32, #tpu.memory_space<vmem>>
      %dma_wait3A_248 = tpu.memref_squeeze %dma_wait3A_247 : memref<1x128x128xf32, #tpu.memory_space<vmem>> -> memref<128x128xf32, #tpu.memory_space<vmem>>
      %dma_wait3A_249 = arith.constant 0 : i32
      %dma_wait3A_250 = tpu.memref_slice %arg7[%dma_wait3A, %scan3A_243, %dma_wait3A_249] : memref<2x20x128xi32, #tpu.memory_space<vmem>> -> memref<1x1x128xi32, #tpu.memory_space<vmem>>
      %dma_wait3A_251 = tpu.memref_squeeze %dma_wait3A_250 : memref<1x1x128xi32, #tpu.memory_space<vmem>> -> memref<128xi32, #tpu.memory_space<vmem>>
      %dma_wait3A_252 = arith.constant 0 : i32
      %dma_wait3A_253 = arith.constant 0 : i32
      %dma_wait3A_254 = tpu.memref_slice %arg2[%arg0, %dma_wait3A_252, %dma_wait3A_253] : memref<2x10000x128xf32, #tpu.memory_space<hbm>> -> memref<1x10000x128xf32, #tpu.memory_space<hbm>>
      %dma_wait3A_255 = tpu.memref_squeeze %dma_wait3A_254 : memref<1x10000x128xf32, #tpu.memory_space<hbm>> -> memref<10000x128xf32, #tpu.memory_space<hbm>>
      %dma_wait3A_256 = arith.constant 0 : i32
      %dma_wait3A_257 = arith.constant 0 : i32
      %dma_wait3A_258 = tpu.memref_slice %dma_wait3A_255[%dma_wait3A_256, %dma_wait3A_257] : memref<10000x128xf32, #tpu.memory_space<hbm>> -> memref<10000x128xf32, #tpu.memory_space<hbm>>
      %dma_wait3A_259 = tpu.memref_slice %arg10[%rem3A_244] : memref<2x!tpu.dma_semaphore, #tpu.memory_space<semaphore_mem>> -> memref<1x!tpu.dma_semaphore, #tpu.memory_space<semaphore_mem>>
      %dma_wait3A_260 = tpu.memref_squeeze %dma_wait3A_259 : memref<1x!tpu.dma_semaphore, #tpu.memory_space<semaphore_mem>> -> memref<!tpu.dma_semaphore, #tpu.memory_space<semaphore_mem>>
      tpu.wait_indirect_dma semaphore(%dma_wait3A_260 : memref<!tpu.dma_semaphore, #tpu.memory_space<semaphore_mem>>) src(%dma_wait3A_258 : memref<10000x128xf32, #tpu.memory_space<hbm>>) dst(%dma_wait3A_248 : memref<128x128xf32, #tpu.memory_space<vmem>>)
      %add3A = arith.constant 1 : i32
      %add3A_261 = arith.addi %scan3A_243, %add3A : i32
      %lt3A = arith.constant 20 : i32
      %lt3A_262 = arith.cmpi slt, %add3A_261, %lt3A : i32
      %convert_element_type3A = arith.extui %lt3A_262 : i1 to i32
      %cond3A = arith.constant 0 : i32
      %cond3A_263 = arith.cmpi ne, %convert_element_type3A, %cond3A : i32
      scf.if %cond3A_263 {
        %add3A_265 = arith.constant 1 : i32
        %add3A_266 = arith.addi %scan3A_243, %add3A_265 : i32
        %sub3A = arith.constant 1 : i32
        %sub3A_267 = arith.subi %sub3A, %rem3A_244 : i32
        %sub3A_268 = arith.constant 1 : i32
        %sub3A_269 = arith.subi %sub3A_268, %rem3A_244 : i32
        %dma_start3A_270 = arith.constant 0 : i32
        %dma_start3A_271 = arith.constant 0 : i32
        %dma_start3A_272 = arith.constant 0 : i32
        %dma_start3A_273 = tpu.memref_slice %arg8[%sub3A_267, %dma_start3A_271, %dma_start3A_272] : memref<2x128x128xf32, #tpu.memory_space<vmem>> -> memref<1x128x128xf32, #tpu.memory_space<vmem>>
        %dma_start3A_274 = tpu.memref_squeeze %dma_start3A_273 : memref<1x128x128xf32, #tpu.memory_space<vmem>> -> memref<128x128xf32, #tpu.memory_space<vmem>>
        %dma_start3A_275 = arith.constant 0 : i32
        %dma_start3A_276 = tpu.memref_slice %arg7[%dma_start3A_270, %add3A_266, %dma_start3A_275] : memref<2x20x128xi32, #tpu.memory_space<vmem>> -> memref<1x1x128xi32, #tpu.memory_space<vmem>>
        %dma_start3A_277 = tpu.memref_squeeze %dma_start3A_276 : memref<1x1x128xi32, #tpu.memory_space<vmem>> -> memref<128xi32, #tpu.memory_space<vmem>>
        %dma_start3A_278 = arith.constant 0 : i32
        %dma_start3A_279 = arith.constant 0 : i32
        %dma_start3A_280 = tpu.memref_slice %arg2[%arg0, %dma_start3A_278, %dma_start3A_279] : memref<2x10000x128xf32, #tpu.memory_space<hbm>> -> memref<1x10000x128xf32, #tpu.memory_space<hbm>>
        %dma_start3A_281 = tpu.memref_squeeze %dma_start3A_280 : memref<1x10000x128xf32, #tpu.memory_space<hbm>> -> memref<10000x128xf32, #tpu.memory_space<hbm>>
        %dma_start3A_282 = arith.constant 0 : i32
        %dma_start3A_283 = arith.constant 0 : i32
        %dma_start3A_284 = tpu.memref_slice %dma_start3A_281[%dma_start3A_282, %dma_start3A_283] : memref<10000x128xf32, #tpu.memory_space<hbm>> -> memref<10000x128xf32, #tpu.memory_space<hbm>>
        %dma_start3A_285 = tpu.memref_slice %arg10[%sub3A_269] : memref<2x!tpu.dma_semaphore, #tpu.memory_space<semaphore_mem>> -> memref<1x!tpu.dma_semaphore, #tpu.memory_space<semaphore_mem>>
        %dma_start3A_286 = tpu.memref_squeeze %dma_start3A_285 : memref<1x!tpu.dma_semaphore, #tpu.memory_space<semaphore_mem>> -> memref<!tpu.dma_semaphore, #tpu.memory_space<semaphore_mem>>
        tpu.enqueue_indirect_dma source(%dma_start3A_284 : memref<10000x128xf32, #tpu.memory_space<hbm>>) target(%dma_start3A_274 : memref<128x128xf32, #tpu.memory_space<vmem>>) offsets(%dma_start3A_277 : memref<128xi32, #tpu.memory_space<vmem>>) semaphore(%dma_start3A_286 : memref<!tpu.dma_semaphore, #tpu.memory_space<semaphore_mem>>)
      } else {
      }
      %run_scoped3A_264 = arith.constant 1 : i32
      "tpu.region"() ({
        %run_scoped3A_265 = tpu.sem_alloc : memref<!tpu.dma_semaphore, #tpu.memory_space<semaphore_mem>>
        %dma_start3A_266 = arith.constant 0 : i32
        %dma_start3A_267 = arith.constant 0 : i32
        %dma_start3A_268 = tpu.memref_slice %arg8[%rem3A_244, %dma_start3A_266, %dma_start3A_267] : memref<2x128x128xf32, #tpu.memory_space<vmem>> -> memref<1x128x128xf32, #tpu.memory_space<vmem>>
        %dma_start3A_269 = tpu.memref_squeeze %dma_start3A_268 : memref<1x128x128xf32, #tpu.memory_space<vmem>> -> memref<128x128xf32, #tpu.memory_space<vmem>>
        %dma_start3A_270 = arith.constant 0 : i32
        %dma_start3A_271 = tpu.memref_slice %arg7[%run_scoped3A_264, %scan3A_243, %dma_start3A_270] : memref<2x20x128xi32, #tpu.memory_space<vmem>> -> memref<1x1x128xi32, #tpu.memory_space<vmem>>
        %dma_start3A_272 = tpu.memref_squeeze %dma_start3A_271 : memref<1x1x128xi32, #tpu.memory_space<vmem>> -> memref<128xi32, #tpu.memory_space<vmem>>
        %dma_start3A_273 = arith.constant 0 : i32
        %dma_start3A_274 = arith.constant 0 : i32
        %dma_start3A_275 = tpu.memref_slice %arg9[%dma_start3A_273, %dma_start3A_274] : memref<10240x128xf32, #tpu.memory_space<vmem_shared>> -> memref<10240x128xf32, #tpu.memory_space<vmem_shared>>
        tpu.enqueue_indirect_dma source(%dma_start3A_269 : memref<128x128xf32, #tpu.memory_space<vmem>>) target(%dma_start3A_275 : memref<10240x128xf32, #tpu.memory_space<vmem_shared>>) offsets(%dma_start3A_272 : memref<128xi32, #tpu.memory_space<vmem>>) semaphore(%run_scoped3A_265 : memref<!tpu.dma_semaphore, #tpu.memory_space<semaphore_mem>>) {add = true}
        %dma_wait3A_276 = arith.constant 0 : i32
        %dma_wait3A_277 = arith.constant 0 : i32
        %dma_wait3A_278 = tpu.memref_slice %arg8[%rem3A_244, %dma_wait3A_276, %dma_wait3A_277] : memref<2x128x128xf32, #tpu.memory_space<vmem>> -> memref<1x128x128xf32, #tpu.memory_space<vmem>>
        %dma_wait3A_279 = tpu.memref_squeeze %dma_wait3A_278 : memref<1x128x128xf32, #tpu.memory_space<vmem>> -> memref<128x128xf32, #tpu.memory_space<vmem>>
        %dma_wait3A_280 = arith.constant 0 : i32
        %dma_wait3A_281 = tpu.memref_slice %arg7[%run_scoped3A_264, %scan3A_243, %dma_wait3A_280] : memref<2x20x128xi32, #tpu.memory_space<vmem>> -> memref<1x1x128xi32, #tpu.memory_space<vmem>>
        %dma_wait3A_282 = tpu.memref_squeeze %dma_wait3A_281 : memref<1x1x128xi32, #tpu.memory_space<vmem>> -> memref<128xi32, #tpu.memory_space<vmem>>
        %dma_wait3A_283 = arith.constant 0 : i32
        %dma_wait3A_284 = arith.constant 0 : i32
        %dma_wait3A_285 = tpu.memref_slice %arg9[%dma_wait3A_283, %dma_wait3A_284] : memref<10240x128xf32, #tpu.memory_space<vmem_shared>> -> memref<10240x128xf32, #tpu.memory_space<vmem_shared>>
        tpu.wait_indirect_dma semaphore(%run_scoped3A_265 : memref<!tpu.dma_semaphore, #tpu.memory_space<semaphore_mem>>) src(%dma_wait3A_279 : memref<128x128xf32, #tpu.memory_space<vmem>>) dst(%dma_wait3A_285 : memref<10240x128xf32, #tpu.memory_space<vmem_shared>>)
        tpu.yield
      }) : () -> ()
    }
    %scan3A_177 = arith.constant 20 : i32
    %run_scoped3A_178 = arith.constant 6 : i32
    %run_scoped3A_179 = arith.constant 0 : i32
    "tpu.region"() ({
      %run_scoped3A_243 = tpu.sem_alloc : memref<!tpu.dma_semaphore, #tpu.memory_space<semaphore_mem>>
      %dma_start3A_244 = arith.constant 0 : i32
      %dma_start3A_245 = arith.constant 0 : i32
      %dma_start3A_246 = tpu.memref_slice %arg7[%run_scoped3A_179, %dma_start3A_244, %dma_start3A_245] : memref<2x20x128xi32, #tpu.memory_space<vmem>> -> memref<1x20x128xi32, #tpu.memory_space<vmem>>
      %dma_start3A_247 = tpu.memref_squeeze %dma_start3A_246 : memref<1x20x128xi32, #tpu.memory_space<vmem>> -> memref<20x128xi32, #tpu.memory_space<vmem>>
      %dma_start3A_248 = arith.constant 0 : i32
      %dma_start3A_249 = arith.constant 0 : i32
      %dma_start3A_250 = tpu.memref_slice %arg3[%arg1, %run_scoped3A_178, %dma_start3A_248, %dma_start3A_249] : memref<16x8x20x128xi32, #tpu.memory_space<hbm>> -> memref<1x1x20x128xi32, #tpu.memory_space<hbm>>
      %dma_start3A_251 = tpu.memref_squeeze %dma_start3A_250 : memref<1x1x20x128xi32, #tpu.memory_space<hbm>> -> memref<20x128xi32, #tpu.memory_space<hbm>>
      %dma_start3A_252 = arith.constant 0 : i32
      %dma_start3A_253 = arith.constant 0 : i32
      %dma_start3A_254 = tpu.memref_slice %arg7[%run_scoped3A_179, %dma_start3A_252, %dma_start3A_253] : memref<2x20x128xi32, #tpu.memory_space<vmem>> -> memref<1x20x128xi32, #tpu.memory_space<vmem>>
      %dma_start3A_255 = tpu.memref_squeeze %dma_start3A_254 : memref<1x20x128xi32, #tpu.memory_space<vmem>> -> memref<20x128xi32, #tpu.memory_space<vmem>>
      %dma_start3A_256 = arith.constant 0 : i32
      %dma_start3A_257 = arith.constant 0 : i32
      %dma_start3A_258 = tpu.memref_slice %arg3[%arg1, %run_scoped3A_178, %dma_start3A_256, %dma_start3A_257] : memref<16x8x20x128xi32, #tpu.memory_space<hbm>> -> memref<1x1x20x128xi32, #tpu.memory_space<hbm>>
      %dma_start3A_259 = tpu.memref_squeeze %dma_start3A_258 : memref<1x1x20x128xi32, #tpu.memory_space<hbm>> -> memref<20x128xi32, #tpu.memory_space<hbm>>
      tpu.enqueue_dma source(%dma_start3A_259 : memref<20x128xi32, #tpu.memory_space<hbm>>) target(%dma_start3A_255 : memref<20x128xi32, #tpu.memory_space<vmem>>) target_semaphore(%run_scoped3A_243 : memref<!tpu.dma_semaphore, #tpu.memory_space<semaphore_mem>>)
      %dma_wait3A = arith.constant 0 : i32
      %dma_wait3A_260 = arith.constant 0 : i32
      %dma_wait3A_261 = tpu.memref_slice %arg7[%run_scoped3A_179, %dma_wait3A, %dma_wait3A_260] : memref<2x20x128xi32, #tpu.memory_space<vmem>> -> memref<1x20x128xi32, #tpu.memory_space<vmem>>
      %dma_wait3A_262 = tpu.memref_squeeze %dma_wait3A_261 : memref<1x20x128xi32, #tpu.memory_space<vmem>> -> memref<20x128xi32, #tpu.memory_space<vmem>>
      %dma_wait3A_263 = arith.constant 0 : i32
      %dma_wait3A_264 = arith.constant 0 : i32
      %dma_wait3A_265 = tpu.memref_slice %arg3[%arg1, %run_scoped3A_178, %dma_wait3A_263, %dma_wait3A_264] : memref<16x8x20x128xi32, #tpu.memory_space<hbm>> -> memref<1x1x20x128xi32, #tpu.memory_space<hbm>>
      %dma_wait3A_266 = tpu.memref_squeeze %dma_wait3A_265 : memref<1x1x20x128xi32, #tpu.memory_space<hbm>> -> memref<20x128xi32, #tpu.memory_space<hbm>>
      %dma_wait3A_267 = arith.constant 0 : i32
      %dma_wait3A_268 = arith.constant 0 : i32
      %dma_wait3A_269 = tpu.memref_slice %arg7[%run_scoped3A_179, %dma_wait3A_267, %dma_wait3A_268] : memref<2x20x128xi32, #tpu.memory_space<vmem>> -> memref<1x20x128xi32, #tpu.memory_space<vmem>>
      %dma_wait3A_270 = tpu.memref_squeeze %dma_wait3A_269 : memref<1x20x128xi32, #tpu.memory_space<vmem>> -> memref<20x128xi32, #tpu.memory_space<vmem>>
      %dma_wait3A_271 = arith.constant 0 : i32
      %dma_wait3A_272 = arith.constant 0 : i32
      %dma_wait3A_273 = tpu.memref_slice %arg3[%arg1, %run_scoped3A_178, %dma_wait3A_271, %dma_wait3A_272] : memref<16x8x20x128xi32, #tpu.memory_space<hbm>> -> memref<1x1x20x128xi32, #tpu.memory_space<hbm>>
      %dma_wait3A_274 = tpu.memref_squeeze %dma_wait3A_273 : memref<1x1x20x128xi32, #tpu.memory_space<hbm>> -> memref<20x128xi32, #tpu.memory_space<hbm>>
      tpu.wait_dma2 semaphore(%run_scoped3A_243 : memref<!tpu.dma_semaphore, #tpu.memory_space<semaphore_mem>>) src(%dma_wait3A_274 : memref<20x128xi32, #tpu.memory_space<hbm>>) dst(%dma_wait3A_270 : memref<20x128xi32, #tpu.memory_space<vmem>>)
      tpu.yield
    }) : () -> ()
    %run_scoped3A_180 = arith.constant 6 : i32
    %run_scoped3A_181 = arith.constant 1 : i32
    "tpu.region"() ({
      %run_scoped3A_243 = tpu.sem_alloc : memref<!tpu.dma_semaphore, #tpu.memory_space<semaphore_mem>>
      %dma_start3A_244 = arith.constant 0 : i32
      %dma_start3A_245 = arith.constant 0 : i32
      %dma_start3A_246 = tpu.memref_slice %arg7[%run_scoped3A_181, %dma_start3A_244, %dma_start3A_245] : memref<2x20x128xi32, #tpu.memory_space<vmem>> -> memref<1x20x128xi32, #tpu.memory_space<vmem>>
      %dma_start3A_247 = tpu.memref_squeeze %dma_start3A_246 : memref<1x20x128xi32, #tpu.memory_space<vmem>> -> memref<20x128xi32, #tpu.memory_space<vmem>>
      %dma_start3A_248 = arith.constant 0 : i32
      %dma_start3A_249 = arith.constant 0 : i32
      %dma_start3A_250 = tpu.memref_slice %arg4[%arg1, %run_scoped3A_180, %dma_start3A_248, %dma_start3A_249] : memref<16x8x20x128xi32, #tpu.memory_space<hbm>> -> memref<1x1x20x128xi32, #tpu.memory_space<hbm>>
      %dma_start3A_251 = tpu.memref_squeeze %dma_start3A_250 : memref<1x1x20x128xi32, #tpu.memory_space<hbm>> -> memref<20x128xi32, #tpu.memory_space<hbm>>
      %dma_start3A_252 = arith.constant 0 : i32
      %dma_start3A_253 = arith.constant 0 : i32
      %dma_start3A_254 = tpu.memref_slice %arg7[%run_scoped3A_181, %dma_start3A_252, %dma_start3A_253] : memref<2x20x128xi32, #tpu.memory_space<vmem>> -> memref<1x20x128xi32, #tpu.memory_space<vmem>>
      %dma_start3A_255 = tpu.memref_squeeze %dma_start3A_254 : memref<1x20x128xi32, #tpu.memory_space<vmem>> -> memref<20x128xi32, #tpu.memory_space<vmem>>
      %dma_start3A_256 = arith.constant 0 : i32
      %dma_start3A_257 = arith.constant 0 : i32
      %dma_start3A_258 = tpu.memref_slice %arg4[%arg1, %run_scoped3A_180, %dma_start3A_256, %dma_start3A_257] : memref<16x8x20x128xi32, #tpu.memory_space<hbm>> -> memref<1x1x20x128xi32, #tpu.memory_space<hbm>>
      %dma_start3A_259 = tpu.memref_squeeze %dma_start3A_258 : memref<1x1x20x128xi32, #tpu.memory_space<hbm>> -> memref<20x128xi32, #tpu.memory_space<hbm>>
      tpu.enqueue_dma source(%dma_start3A_259 : memref<20x128xi32, #tpu.memory_space<hbm>>) target(%dma_start3A_255 : memref<20x128xi32, #tpu.memory_space<vmem>>) target_semaphore(%run_scoped3A_243 : memref<!tpu.dma_semaphore, #tpu.memory_space<semaphore_mem>>)
      %dma_wait3A = arith.constant 0 : i32
      %dma_wait3A_260 = arith.constant 0 : i32
      %dma_wait3A_261 = tpu.memref_slice %arg7[%run_scoped3A_181, %dma_wait3A, %dma_wait3A_260] : memref<2x20x128xi32, #tpu.memory_space<vmem>> -> memref<1x20x128xi32, #tpu.memory_space<vmem>>
      %dma_wait3A_262 = tpu.memref_squeeze %dma_wait3A_261 : memref<1x20x128xi32, #tpu.memory_space<vmem>> -> memref<20x128xi32, #tpu.memory_space<vmem>>
      %dma_wait3A_263 = arith.constant 0 : i32
      %dma_wait3A_264 = arith.constant 0 : i32
      %dma_wait3A_265 = tpu.memref_slice %arg4[%arg1, %run_scoped3A_180, %dma_wait3A_263, %dma_wait3A_264] : memref<16x8x20x128xi32, #tpu.memory_space<hbm>> -> memref<1x1x20x128xi32, #tpu.memory_space<hbm>>
      %dma_wait3A_266 = tpu.memref_squeeze %dma_wait3A_265 : memref<1x1x20x128xi32, #tpu.memory_space<hbm>> -> memref<20x128xi32, #tpu.memory_space<hbm>>
      %dma_wait3A_267 = arith.constant 0 : i32
      %dma_wait3A_268 = arith.constant 0 : i32
      %dma_wait3A_269 = tpu.memref_slice %arg7[%run_scoped3A_181, %dma_wait3A_267, %dma_wait3A_268] : memref<2x20x128xi32, #tpu.memory_space<vmem>> -> memref<1x20x128xi32, #tpu.memory_space<vmem>>
      %dma_wait3A_270 = tpu.memref_squeeze %dma_wait3A_269 : memref<1x20x128xi32, #tpu.memory_space<vmem>> -> memref<20x128xi32, #tpu.memory_space<vmem>>
      %dma_wait3A_271 = arith.constant 0 : i32
      %dma_wait3A_272 = arith.constant 0 : i32
      %dma_wait3A_273 = tpu.memref_slice %arg4[%arg1, %run_scoped3A_180, %dma_wait3A_271, %dma_wait3A_272] : memref<16x8x20x128xi32, #tpu.memory_space<hbm>> -> memref<1x1x20x128xi32, #tpu.memory_space<hbm>>
      %dma_wait3A_274 = tpu.memref_squeeze %dma_wait3A_273 : memref<1x1x20x128xi32, #tpu.memory_space<hbm>> -> memref<20x128xi32, #tpu.memory_space<hbm>>
      tpu.wait_dma2 semaphore(%run_scoped3A_243 : memref<!tpu.dma_semaphore, #tpu.memory_space<semaphore_mem>>) src(%dma_wait3A_274 : memref<20x128xi32, #tpu.memory_space<hbm>>) dst(%dma_wait3A_270 : memref<20x128xi32, #tpu.memory_space<vmem>>)
      tpu.yield
    }) : () -> ()
    %dma_start3A_182 = arith.constant 0 : i32
    %dma_start3A_183 = arith.constant 0 : i32
    %dma_start3A_184 = arith.constant 0 : i32
    %dma_start3A_185 = arith.constant 0 : i32
    %dma_start3A_186 = arith.constant 0 : i32
    %dma_start3A_187 = arith.constant 0 : i32
    %dma_start3A_188 = tpu.memref_slice %arg8[%dma_start3A_184, %dma_start3A_186, %dma_start3A_187] : memref<2x128x128xf32, #tpu.memory_space<vmem>> -> memref<1x128x128xf32, #tpu.memory_space<vmem>>
    %dma_start3A_189 = tpu.memref_squeeze %dma_start3A_188 : memref<1x128x128xf32, #tpu.memory_space<vmem>> -> memref<128x128xf32, #tpu.memory_space<vmem>>
    %dma_start3A_190 = arith.constant 0 : i32
    %dma_start3A_191 = tpu.memref_slice %arg7[%dma_start3A_182, %dma_start3A_183, %dma_start3A_190] : memref<2x20x128xi32, #tpu.memory_space<vmem>> -> memref<1x1x128xi32, #tpu.memory_space<vmem>>
    %dma_start3A_192 = tpu.memref_squeeze %dma_start3A_191 : memref<1x1x128xi32, #tpu.memory_space<vmem>> -> memref<128xi32, #tpu.memory_space<vmem>>
    %dma_start3A_193 = arith.constant 0 : i32
    %dma_start3A_194 = arith.constant 0 : i32
    %dma_start3A_195 = tpu.memref_slice %arg2[%arg0, %dma_start3A_193, %dma_start3A_194] : memref<2x10000x128xf32, #tpu.memory_space<hbm>> -> memref<1x10000x128xf32, #tpu.memory_space<hbm>>
    %dma_start3A_196 = tpu.memref_squeeze %dma_start3A_195 : memref<1x10000x128xf32, #tpu.memory_space<hbm>> -> memref<10000x128xf32, #tpu.memory_space<hbm>>
    %dma_start3A_197 = arith.constant 0 : i32
    %dma_start3A_198 = arith.constant 0 : i32
    %dma_start3A_199 = tpu.memref_slice %dma_start3A_196[%dma_start3A_197, %dma_start3A_198] : memref<10000x128xf32, #tpu.memory_space<hbm>> -> memref<10000x128xf32, #tpu.memory_space<hbm>>
    %dma_start3A_200 = tpu.memref_slice %arg10[%dma_start3A_185] : memref<2x!tpu.dma_semaphore, #tpu.memory_space<semaphore_mem>> -> memref<1x!tpu.dma_semaphore, #tpu.memory_space<semaphore_mem>>
    %dma_start3A_201 = tpu.memref_squeeze %dma_start3A_200 : memref<1x!tpu.dma_semaphore, #tpu.memory_space<semaphore_mem>> -> memref<!tpu.dma_semaphore, #tpu.memory_space<semaphore_mem>>
    tpu.enqueue_indirect_dma source(%dma_start3A_199 : memref<10000x128xf32, #tpu.memory_space<hbm>>) target(%dma_start3A_189 : memref<128x128xf32, #tpu.memory_space<vmem>>) offsets(%dma_start3A_192 : memref<128xi32, #tpu.memory_space<vmem>>) semaphore(%dma_start3A_201 : memref<!tpu.dma_semaphore, #tpu.memory_space<semaphore_mem>>)
    %scan3A_202 = arith.constant 0 : i32
    %scan3A_203 = arith.constant 0 : i32
    %scan3A_204 = arith.constant 20 : i32
    %scan3A_205 = arith.addi %scan3A_203, %scan3A_204 : i32
    %scan3A_206 = arith.constant 1 : i32
    scf.for %scan3A_243 = %scan3A_203 to %scan3A_205 step %scan3A_206  : i32 {
      %rem3A = arith.constant 2 : i32
      %rem3A_244 = arith.remsi %scan3A_243, %rem3A : i32
      %dma_wait3A = arith.constant 0 : i32
      %dma_wait3A_245 = arith.constant 0 : i32
      %dma_wait3A_246 = arith.constant 0 : i32
      %dma_wait3A_247 = tpu.memref_slice %arg8[%rem3A_244, %dma_wait3A_245, %dma_wait3A_246] : memref<2x128x128xf32, #tpu.memory_space<vmem>> -> memref<1x128x128xf32, #tpu.memory_space<vmem>>
      %dma_wait3A_248 = tpu.memref_squeeze %dma_wait3A_247 : memref<1x128x128xf32, #tpu.memory_space<vmem>> -> memref<128x128xf32, #tpu.memory_space<vmem>>
      %dma_wait3A_249 = arith.constant 0 : i32
      %dma_wait3A_250 = tpu.memref_slice %arg7[%dma_wait3A, %scan3A_243, %dma_wait3A_249] : memref<2x20x128xi32, #tpu.memory_space<vmem>> -> memref<1x1x128xi32, #tpu.memory_space<vmem>>
      %dma_wait3A_251 = tpu.memref_squeeze %dma_wait3A_250 : memref<1x1x128xi32, #tpu.memory_space<vmem>> -> memref<128xi32, #tpu.memory_space<vmem>>
      %dma_wait3A_252 = arith.constant 0 : i32
      %dma_wait3A_253 = arith.constant 0 : i32
      %dma_wait3A_254 = tpu.memref_slice %arg2[%arg0, %dma_wait3A_252, %dma_wait3A_253] : memref<2x10000x128xf32, #tpu.memory_space<hbm>> -> memref<1x10000x128xf32, #tpu.memory_space<hbm>>
      %dma_wait3A_255 = tpu.memref_squeeze %dma_wait3A_254 : memref<1x10000x128xf32, #tpu.memory_space<hbm>> -> memref<10000x128xf32, #tpu.memory_space<hbm>>
      %dma_wait3A_256 = arith.constant 0 : i32
      %dma_wait3A_257 = arith.constant 0 : i32
      %dma_wait3A_258 = tpu.memref_slice %dma_wait3A_255[%dma_wait3A_256, %dma_wait3A_257] : memref<10000x128xf32, #tpu.memory_space<hbm>> -> memref<10000x128xf32, #tpu.memory_space<hbm>>
      %dma_wait3A_259 = tpu.memref_slice %arg10[%rem3A_244] : memref<2x!tpu.dma_semaphore, #tpu.memory_space<semaphore_mem>> -> memref<1x!tpu.dma_semaphore, #tpu.memory_space<semaphore_mem>>
      %dma_wait3A_260 = tpu.memref_squeeze %dma_wait3A_259 : memref<1x!tpu.dma_semaphore, #tpu.memory_space<semaphore_mem>> -> memref<!tpu.dma_semaphore, #tpu.memory_space<semaphore_mem>>
      tpu.wait_indirect_dma semaphore(%dma_wait3A_260 : memref<!tpu.dma_semaphore, #tpu.memory_space<semaphore_mem>>) src(%dma_wait3A_258 : memref<10000x128xf32, #tpu.memory_space<hbm>>) dst(%dma_wait3A_248 : memref<128x128xf32, #tpu.memory_space<vmem>>)
      %add3A = arith.constant 1 : i32
      %add3A_261 = arith.addi %scan3A_243, %add3A : i32
      %lt3A = arith.constant 20 : i32
      %lt3A_262 = arith.cmpi slt, %add3A_261, %lt3A : i32
      %convert_element_type3A = arith.extui %lt3A_262 : i1 to i32
      %cond3A = arith.constant 0 : i32
      %cond3A_263 = arith.cmpi ne, %convert_element_type3A, %cond3A : i32
      scf.if %cond3A_263 {
        %add3A_265 = arith.constant 1 : i32
        %add3A_266 = arith.addi %scan3A_243, %add3A_265 : i32
        %sub3A = arith.constant 1 : i32
        %sub3A_267 = arith.subi %sub3A, %rem3A_244 : i32
        %sub3A_268 = arith.constant 1 : i32
        %sub3A_269 = arith.subi %sub3A_268, %rem3A_244 : i32
        %dma_start3A_270 = arith.constant 0 : i32
        %dma_start3A_271 = arith.constant 0 : i32
        %dma_start3A_272 = arith.constant 0 : i32
        %dma_start3A_273 = tpu.memref_slice %arg8[%sub3A_267, %dma_start3A_271, %dma_start3A_272] : memref<2x128x128xf32, #tpu.memory_space<vmem>> -> memref<1x128x128xf32, #tpu.memory_space<vmem>>
        %dma_start3A_274 = tpu.memref_squeeze %dma_start3A_273 : memref<1x128x128xf32, #tpu.memory_space<vmem>> -> memref<128x128xf32, #tpu.memory_space<vmem>>
        %dma_start3A_275 = arith.constant 0 : i32
        %dma_start3A_276 = tpu.memref_slice %arg7[%dma_start3A_270, %add3A_266, %dma_start3A_275] : memref<2x20x128xi32, #tpu.memory_space<vmem>> -> memref<1x1x128xi32, #tpu.memory_space<vmem>>
        %dma_start3A_277 = tpu.memref_squeeze %dma_start3A_276 : memref<1x1x128xi32, #tpu.memory_space<vmem>> -> memref<128xi32, #tpu.memory_space<vmem>>
        %dma_start3A_278 = arith.constant 0 : i32
        %dma_start3A_279 = arith.constant 0 : i32
        %dma_start3A_280 = tpu.memref_slice %arg2[%arg0, %dma_start3A_278, %dma_start3A_279] : memref<2x10000x128xf32, #tpu.memory_space<hbm>> -> memref<1x10000x128xf32, #tpu.memory_space<hbm>>
        %dma_start3A_281 = tpu.memref_squeeze %dma_start3A_280 : memref<1x10000x128xf32, #tpu.memory_space<hbm>> -> memref<10000x128xf32, #tpu.memory_space<hbm>>
        %dma_start3A_282 = arith.constant 0 : i32
        %dma_start3A_283 = arith.constant 0 : i32
        %dma_start3A_284 = tpu.memref_slice %dma_start3A_281[%dma_start3A_282, %dma_start3A_283] : memref<10000x128xf32, #tpu.memory_space<hbm>> -> memref<10000x128xf32, #tpu.memory_space<hbm>>
        %dma_start3A_285 = tpu.memref_slice %arg10[%sub3A_269] : memref<2x!tpu.dma_semaphore, #tpu.memory_space<semaphore_mem>> -> memref<1x!tpu.dma_semaphore, #tpu.memory_space<semaphore_mem>>
        %dma_start3A_286 = tpu.memref_squeeze %dma_start3A_285 : memref<1x!tpu.dma_semaphore, #tpu.memory_space<semaphore_mem>> -> memref<!tpu.dma_semaphore, #tpu.memory_space<semaphore_mem>>
        tpu.enqueue_indirect_dma source(%dma_start3A_284 : memref<10000x128xf32, #tpu.memory_space<hbm>>) target(%dma_start3A_274 : memref<128x128xf32, #tpu.memory_space<vmem>>) offsets(%dma_start3A_277 : memref<128xi32, #tpu.memory_space<vmem>>) semaphore(%dma_start3A_286 : memref<!tpu.dma_semaphore, #tpu.memory_space<semaphore_mem>>)
      } else {
      }
      %run_scoped3A_264 = arith.constant 1 : i32
      "tpu.region"() ({
        %run_scoped3A_265 = tpu.sem_alloc : memref<!tpu.dma_semaphore, #tpu.memory_space<semaphore_mem>>
        %dma_start3A_266 = arith.constant 0 : i32
        %dma_start3A_267 = arith.constant 0 : i32
        %dma_start3A_268 = tpu.memref_slice %arg8[%rem3A_244, %dma_start3A_266, %dma_start3A_267] : memref<2x128x128xf32, #tpu.memory_space<vmem>> -> memref<1x128x128xf32, #tpu.memory_space<vmem>>
        %dma_start3A_269 = tpu.memref_squeeze %dma_start3A_268 : memref<1x128x128xf32, #tpu.memory_space<vmem>> -> memref<128x128xf32, #tpu.memory_space<vmem>>
        %dma_start3A_270 = arith.constant 0 : i32
        %dma_start3A_271 = tpu.memref_slice %arg7[%run_scoped3A_264, %scan3A_243, %dma_start3A_270] : memref<2x20x128xi32, #tpu.memory_space<vmem>> -> memref<1x1x128xi32, #tpu.memory_space<vmem>>
        %dma_start3A_272 = tpu.memref_squeeze %dma_start3A_271 : memref<1x1x128xi32, #tpu.memory_space<vmem>> -> memref<128xi32, #tpu.memory_space<vmem>>
        %dma_start3A_273 = arith.constant 0 : i32
        %dma_start3A_274 = arith.constant 0 : i32
        %dma_start3A_275 = tpu.memref_slice %arg9[%dma_start3A_273, %dma_start3A_274] : memref<10240x128xf32, #tpu.memory_space<vmem_shared>> -> memref<10240x128xf32, #tpu.memory_space<vmem_shared>>
        tpu.enqueue_indirect_dma source(%dma_start3A_269 : memref<128x128xf32, #tpu.memory_space<vmem>>) target(%dma_start3A_275 : memref<10240x128xf32, #tpu.memory_space<vmem_shared>>) offsets(%dma_start3A_272 : memref<128xi32, #tpu.memory_space<vmem>>) semaphore(%run_scoped3A_265 : memref<!tpu.dma_semaphore, #tpu.memory_space<semaphore_mem>>) {add = true}
        %dma_wait3A_276 = arith.constant 0 : i32
        %dma_wait3A_277 = arith.constant 0 : i32
        %dma_wait3A_278 = tpu.memref_slice %arg8[%rem3A_244, %dma_wait3A_276, %dma_wait3A_277] : memref<2x128x128xf32, #tpu.memory_space<vmem>> -> memref<1x128x128xf32, #tpu.memory_space<vmem>>
        %dma_wait3A_279 = tpu.memref_squeeze %dma_wait3A_278 : memref<1x128x128xf32, #tpu.memory_space<vmem>> -> memref<128x128xf32, #tpu.memory_space<vmem>>
        %dma_wait3A_280 = arith.constant 0 : i32
        %dma_wait3A_281 = tpu.memref_slice %arg7[%run_scoped3A_264, %scan3A_243, %dma_wait3A_280] : memref<2x20x128xi32, #tpu.memory_space<vmem>> -> memref<1x1x128xi32, #tpu.memory_space<vmem>>
        %dma_wait3A_282 = tpu.memref_squeeze %dma_wait3A_281 : memref<1x1x128xi32, #tpu.memory_space<vmem>> -> memref<128xi32, #tpu.memory_space<vmem>>
        %dma_wait3A_283 = arith.constant 0 : i32
        %dma_wait3A_284 = arith.constant 0 : i32
        %dma_wait3A_285 = tpu.memref_slice %arg9[%dma_wait3A_283, %dma_wait3A_284] : memref<10240x128xf32, #tpu.memory_space<vmem_shared>> -> memref<10240x128xf32, #tpu.memory_space<vmem_shared>>
        tpu.wait_indirect_dma semaphore(%run_scoped3A_265 : memref<!tpu.dma_semaphore, #tpu.memory_space<semaphore_mem>>) src(%dma_wait3A_279 : memref<128x128xf32, #tpu.memory_space<vmem>>) dst(%dma_wait3A_285 : memref<10240x128xf32, #tpu.memory_space<vmem_shared>>)
        tpu.yield
      }) : () -> ()
    }
    %scan3A_207 = arith.constant 20 : i32
    %run_scoped3A_208 = arith.constant 7 : i32
    %run_scoped3A_209 = arith.constant 0 : i32
    "tpu.region"() ({
      %run_scoped3A_243 = tpu.sem_alloc : memref<!tpu.dma_semaphore, #tpu.memory_space<semaphore_mem>>
      %dma_start3A_244 = arith.constant 0 : i32
      %dma_start3A_245 = arith.constant 0 : i32
      %dma_start3A_246 = tpu.memref_slice %arg7[%run_scoped3A_209, %dma_start3A_244, %dma_start3A_245] : memref<2x20x128xi32, #tpu.memory_space<vmem>> -> memref<1x20x128xi32, #tpu.memory_space<vmem>>
      %dma_start3A_247 = tpu.memref_squeeze %dma_start3A_246 : memref<1x20x128xi32, #tpu.memory_space<vmem>> -> memref<20x128xi32, #tpu.memory_space<vmem>>
      %dma_start3A_248 = arith.constant 0 : i32
      %dma_start3A_249 = arith.constant 0 : i32
      %dma_start3A_250 = tpu.memref_slice %arg3[%arg1, %run_scoped3A_208, %dma_start3A_248, %dma_start3A_249] : memref<16x8x20x128xi32, #tpu.memory_space<hbm>> -> memref<1x1x20x128xi32, #tpu.memory_space<hbm>>
      %dma_start3A_251 = tpu.memref_squeeze %dma_start3A_250 : memref<1x1x20x128xi32, #tpu.memory_space<hbm>> -> memref<20x128xi32, #tpu.memory_space<hbm>>
      %dma_start3A_252 = arith.constant 0 : i32
      %dma_start3A_253 = arith.constant 0 : i32
      %dma_start3A_254 = tpu.memref_slice %arg7[%run_scoped3A_209, %dma_start3A_252, %dma_start3A_253] : memref<2x20x128xi32, #tpu.memory_space<vmem>> -> memref<1x20x128xi32, #tpu.memory_space<vmem>>
      %dma_start3A_255 = tpu.memref_squeeze %dma_start3A_254 : memref<1x20x128xi32, #tpu.memory_space<vmem>> -> memref<20x128xi32, #tpu.memory_space<vmem>>
      %dma_start3A_256 = arith.constant 0 : i32
      %dma_start3A_257 = arith.constant 0 : i32
      %dma_start3A_258 = tpu.memref_slice %arg3[%arg1, %run_scoped3A_208, %dma_start3A_256, %dma_start3A_257] : memref<16x8x20x128xi32, #tpu.memory_space<hbm>> -> memref<1x1x20x128xi32, #tpu.memory_space<hbm>>
      %dma_start3A_259 = tpu.memref_squeeze %dma_start3A_258 : memref<1x1x20x128xi32, #tpu.memory_space<hbm>> -> memref<20x128xi32, #tpu.memory_space<hbm>>
      tpu.enqueue_dma source(%dma_start3A_259 : memref<20x128xi32, #tpu.memory_space<hbm>>) target(%dma_start3A_255 : memref<20x128xi32, #tpu.memory_space<vmem>>) target_semaphore(%run_scoped3A_243 : memref<!tpu.dma_semaphore, #tpu.memory_space<semaphore_mem>>)
      %dma_wait3A = arith.constant 0 : i32
      %dma_wait3A_260 = arith.constant 0 : i32
      %dma_wait3A_261 = tpu.memref_slice %arg7[%run_scoped3A_209, %dma_wait3A, %dma_wait3A_260] : memref<2x20x128xi32, #tpu.memory_space<vmem>> -> memref<1x20x128xi32, #tpu.memory_space<vmem>>
      %dma_wait3A_262 = tpu.memref_squeeze %dma_wait3A_261 : memref<1x20x128xi32, #tpu.memory_space<vmem>> -> memref<20x128xi32, #tpu.memory_space<vmem>>
      %dma_wait3A_263 = arith.constant 0 : i32
      %dma_wait3A_264 = arith.constant 0 : i32
      %dma_wait3A_265 = tpu.memref_slice %arg3[%arg1, %run_scoped3A_208, %dma_wait3A_263, %dma_wait3A_264] : memref<16x8x20x128xi32, #tpu.memory_space<hbm>> -> memref<1x1x20x128xi32, #tpu.memory_space<hbm>>
      %dma_wait3A_266 = tpu.memref_squeeze %dma_wait3A_265 : memref<1x1x20x128xi32, #tpu.memory_space<hbm>> -> memref<20x128xi32, #tpu.memory_space<hbm>>
      %dma_wait3A_267 = arith.constant 0 : i32
      %dma_wait3A_268 = arith.constant 0 : i32
      %dma_wait3A_269 = tpu.memref_slice %arg7[%run_scoped3A_209, %dma_wait3A_267, %dma_wait3A_268] : memref<2x20x128xi32, #tpu.memory_space<vmem>> -> memref<1x20x128xi32, #tpu.memory_space<vmem>>
      %dma_wait3A_270 = tpu.memref_squeeze %dma_wait3A_269 : memref<1x20x128xi32, #tpu.memory_space<vmem>> -> memref<20x128xi32, #tpu.memory_space<vmem>>
      %dma_wait3A_271 = arith.constant 0 : i32
      %dma_wait3A_272 = arith.constant 0 : i32
      %dma_wait3A_273 = tpu.memref_slice %arg3[%arg1, %run_scoped3A_208, %dma_wait3A_271, %dma_wait3A_272] : memref<16x8x20x128xi32, #tpu.memory_space<hbm>> -> memref<1x1x20x128xi32, #tpu.memory_space<hbm>>
      %dma_wait3A_274 = tpu.memref_squeeze %dma_wait3A_273 : memref<1x1x20x128xi32, #tpu.memory_space<hbm>> -> memref<20x128xi32, #tpu.memory_space<hbm>>
      tpu.wait_dma2 semaphore(%run_scoped3A_243 : memref<!tpu.dma_semaphore, #tpu.memory_space<semaphore_mem>>) src(%dma_wait3A_274 : memref<20x128xi32, #tpu.memory_space<hbm>>) dst(%dma_wait3A_270 : memref<20x128xi32, #tpu.memory_space<vmem>>)
      tpu.yield
    }) : () -> ()
    %run_scoped3A_210 = arith.constant 7 : i32
    %run_scoped3A_211 = arith.constant 1 : i32
    "tpu.region"() ({
      %run_scoped3A_243 = tpu.sem_alloc : memref<!tpu.dma_semaphore, #tpu.memory_space<semaphore_mem>>
      %dma_start3A_244 = arith.constant 0 : i32
      %dma_start3A_245 = arith.constant 0 : i32
      %dma_start3A_246 = tpu.memref_slice %arg7[%run_scoped3A_211, %dma_start3A_244, %dma_start3A_245] : memref<2x20x128xi32, #tpu.memory_space<vmem>> -> memref<1x20x128xi32, #tpu.memory_space<vmem>>
      %dma_start3A_247 = tpu.memref_squeeze %dma_start3A_246 : memref<1x20x128xi32, #tpu.memory_space<vmem>> -> memref<20x128xi32, #tpu.memory_space<vmem>>
      %dma_start3A_248 = arith.constant 0 : i32
      %dma_start3A_249 = arith.constant 0 : i32
      %dma_start3A_250 = tpu.memref_slice %arg4[%arg1, %run_scoped3A_210, %dma_start3A_248, %dma_start3A_249] : memref<16x8x20x128xi32, #tpu.memory_space<hbm>> -> memref<1x1x20x128xi32, #tpu.memory_space<hbm>>
      %dma_start3A_251 = tpu.memref_squeeze %dma_start3A_250 : memref<1x1x20x128xi32, #tpu.memory_space<hbm>> -> memref<20x128xi32, #tpu.memory_space<hbm>>
      %dma_start3A_252 = arith.constant 0 : i32
      %dma_start3A_253 = arith.constant 0 : i32
      %dma_start3A_254 = tpu.memref_slice %arg7[%run_scoped3A_211, %dma_start3A_252, %dma_start3A_253] : memref<2x20x128xi32, #tpu.memory_space<vmem>> -> memref<1x20x128xi32, #tpu.memory_space<vmem>>
      %dma_start3A_255 = tpu.memref_squeeze %dma_start3A_254 : memref<1x20x128xi32, #tpu.memory_space<vmem>> -> memref<20x128xi32, #tpu.memory_space<vmem>>
      %dma_start3A_256 = arith.constant 0 : i32
      %dma_start3A_257 = arith.constant 0 : i32
      %dma_start3A_258 = tpu.memref_slice %arg4[%arg1, %run_scoped3A_210, %dma_start3A_256, %dma_start3A_257] : memref<16x8x20x128xi32, #tpu.memory_space<hbm>> -> memref<1x1x20x128xi32, #tpu.memory_space<hbm>>
      %dma_start3A_259 = tpu.memref_squeeze %dma_start3A_258 : memref<1x1x20x128xi32, #tpu.memory_space<hbm>> -> memref<20x128xi32, #tpu.memory_space<hbm>>
      tpu.enqueue_dma source(%dma_start3A_259 : memref<20x128xi32, #tpu.memory_space<hbm>>) target(%dma_start3A_255 : memref<20x128xi32, #tpu.memory_space<vmem>>) target_semaphore(%run_scoped3A_243 : memref<!tpu.dma_semaphore, #tpu.memory_space<semaphore_mem>>)
      %dma_wait3A = arith.constant 0 : i32
      %dma_wait3A_260 = arith.constant 0 : i32
      %dma_wait3A_261 = tpu.memref_slice %arg7[%run_scoped3A_211, %dma_wait3A, %dma_wait3A_260] : memref<2x20x128xi32, #tpu.memory_space<vmem>> -> memref<1x20x128xi32, #tpu.memory_space<vmem>>
      %dma_wait3A_262 = tpu.memref_squeeze %dma_wait3A_261 : memref<1x20x128xi32, #tpu.memory_space<vmem>> -> memref<20x128xi32, #tpu.memory_space<vmem>>
      %dma_wait3A_263 = arith.constant 0 : i32
      %dma_wait3A_264 = arith.constant 0 : i32
      %dma_wait3A_265 = tpu.memref_slice %arg4[%arg1, %run_scoped3A_210, %dma_wait3A_263, %dma_wait3A_264] : memref<16x8x20x128xi32, #tpu.memory_space<hbm>> -> memref<1x1x20x128xi32, #tpu.memory_space<hbm>>
      %dma_wait3A_266 = tpu.memref_squeeze %dma_wait3A_265 : memref<1x1x20x128xi32, #tpu.memory_space<hbm>> -> memref<20x128xi32, #tpu.memory_space<hbm>>
      %dma_wait3A_267 = arith.constant 0 : i32
      %dma_wait3A_268 = arith.constant 0 : i32
      %dma_wait3A_269 = tpu.memref_slice %arg7[%run_scoped3A_211, %dma_wait3A_267, %dma_wait3A_268] : memref<2x20x128xi32, #tpu.memory_space<vmem>> -> memref<1x20x128xi32, #tpu.memory_space<vmem>>
      %dma_wait3A_270 = tpu.memref_squeeze %dma_wait3A_269 : memref<1x20x128xi32, #tpu.memory_space<vmem>> -> memref<20x128xi32, #tpu.memory_space<vmem>>
      %dma_wait3A_271 = arith.constant 0 : i32
      %dma_wait3A_272 = arith.constant 0 : i32
      %dma_wait3A_273 = tpu.memref_slice %arg4[%arg1, %run_scoped3A_210, %dma_wait3A_271, %dma_wait3A_272] : memref<16x8x20x128xi32, #tpu.memory_space<hbm>> -> memref<1x1x20x128xi32, #tpu.memory_space<hbm>>
      %dma_wait3A_274 = tpu.memref_squeeze %dma_wait3A_273 : memref<1x1x20x128xi32, #tpu.memory_space<hbm>> -> memref<20x128xi32, #tpu.memory_space<hbm>>
      tpu.wait_dma2 semaphore(%run_scoped3A_243 : memref<!tpu.dma_semaphore, #tpu.memory_space<semaphore_mem>>) src(%dma_wait3A_274 : memref<20x128xi32, #tpu.memory_space<hbm>>) dst(%dma_wait3A_270 : memref<20x128xi32, #tpu.memory_space<vmem>>)
      tpu.yield
    }) : () -> ()
    %dma_start3A_212 = arith.constant 0 : i32
    %dma_start3A_213 = arith.constant 0 : i32
    %dma_start3A_214 = arith.constant 0 : i32
    %dma_start3A_215 = arith.constant 0 : i32
    %dma_start3A_216 = arith.constant 0 : i32
    %dma_start3A_217 = arith.constant 0 : i32
    %dma_start3A_218 = tpu.memref_slice %arg8[%dma_start3A_214, %dma_start3A_216, %dma_start3A_217] : memref<2x128x128xf32, #tpu.memory_space<vmem>> -> memref<1x128x128xf32, #tpu.memory_space<vmem>>
    %dma_start3A_219 = tpu.memref_squeeze %dma_start3A_218 : memref<1x128x128xf32, #tpu.memory_space<vmem>> -> memref<128x128xf32, #tpu.memory_space<vmem>>
    %dma_start3A_220 = arith.constant 0 : i32
    %dma_start3A_221 = tpu.memref_slice %arg7[%dma_start3A_212, %dma_start3A_213, %dma_start3A_220] : memref<2x20x128xi32, #tpu.memory_space<vmem>> -> memref<1x1x128xi32, #tpu.memory_space<vmem>>
    %dma_start3A_222 = tpu.memref_squeeze %dma_start3A_221 : memref<1x1x128xi32, #tpu.memory_space<vmem>> -> memref<128xi32, #tpu.memory_space<vmem>>
    %dma_start3A_223 = arith.constant 0 : i32
    %dma_start3A_224 = arith.constant 0 : i32
    %dma_start3A_225 = tpu.memref_slice %arg2[%arg0, %dma_start3A_223, %dma_start3A_224] : memref<2x10000x128xf32, #tpu.memory_space<hbm>> -> memref<1x10000x128xf32, #tpu.memory_space<hbm>>
    %dma_start3A_226 = tpu.memref_squeeze %dma_start3A_225 : memref<1x10000x128xf32, #tpu.memory_space<hbm>> -> memref<10000x128xf32, #tpu.memory_space<hbm>>
    %dma_start3A_227 = arith.constant 0 : i32
    %dma_start3A_228 = arith.constant 0 : i32
    %dma_start3A_229 = tpu.memref_slice %dma_start3A_226[%dma_start3A_227, %dma_start3A_228] : memref<10000x128xf32, #tpu.memory_space<hbm>> -> memref<10000x128xf32, #tpu.memory_space<hbm>>
    %dma_start3A_230 = tpu.memref_slice %arg10[%dma_start3A_215] : memref<2x!tpu.dma_semaphore, #tpu.memory_space<semaphore_mem>> -> memref<1x!tpu.dma_semaphore, #tpu.memory_space<semaphore_mem>>
    %dma_start3A_231 = tpu.memref_squeeze %dma_start3A_230 : memref<1x!tpu.dma_semaphore, #tpu.memory_space<semaphore_mem>> -> memref<!tpu.dma_semaphore, #tpu.memory_space<semaphore_mem>>
    tpu.enqueue_indirect_dma source(%dma_start3A_229 : memref<10000x128xf32, #tpu.memory_space<hbm>>) target(%dma_start3A_219 : memref<128x128xf32, #tpu.memory_space<vmem>>) offsets(%dma_start3A_222 : memref<128xi32, #tpu.memory_space<vmem>>) semaphore(%dma_start3A_231 : memref<!tpu.dma_semaphore, #tpu.memory_space<semaphore_mem>>)
    %scan3A_232 = arith.constant 0 : i32
    %scan3A_233 = arith.constant 0 : i32
    %scan3A_234 = arith.constant 20 : i32
    %scan3A_235 = arith.addi %scan3A_233, %scan3A_234 : i32
    %scan3A_236 = arith.constant 1 : i32
    scf.for %scan3A_243 = %scan3A_233 to %scan3A_235 step %scan3A_236  : i32 {
      %rem3A = arith.constant 2 : i32
      %rem3A_244 = arith.remsi %scan3A_243, %rem3A : i32
      %dma_wait3A = arith.constant 0 : i32
      %dma_wait3A_245 = arith.constant 0 : i32
      %dma_wait3A_246 = arith.constant 0 : i32
      %dma_wait3A_247 = tpu.memref_slice %arg8[%rem3A_244, %dma_wait3A_245, %dma_wait3A_246] : memref<2x128x128xf32, #tpu.memory_space<vmem>> -> memref<1x128x128xf32, #tpu.memory_space<vmem>>
      %dma_wait3A_248 = tpu.memref_squeeze %dma_wait3A_247 : memref<1x128x128xf32, #tpu.memory_space<vmem>> -> memref<128x128xf32, #tpu.memory_space<vmem>>
      %dma_wait3A_249 = arith.constant 0 : i32
      %dma_wait3A_250 = tpu.memref_slice %arg7[%dma_wait3A, %scan3A_243, %dma_wait3A_249] : memref<2x20x128xi32, #tpu.memory_space<vmem>> -> memref<1x1x128xi32, #tpu.memory_space<vmem>>
      %dma_wait3A_251 = tpu.memref_squeeze %dma_wait3A_250 : memref<1x1x128xi32, #tpu.memory_space<vmem>> -> memref<128xi32, #tpu.memory_space<vmem>>
      %dma_wait3A_252 = arith.constant 0 : i32
      %dma_wait3A_253 = arith.constant 0 : i32
      %dma_wait3A_254 = tpu.memref_slice %arg2[%arg0, %dma_wait3A_252, %dma_wait3A_253] : memref<2x10000x128xf32, #tpu.memory_space<hbm>> -> memref<1x10000x128xf32, #tpu.memory_space<hbm>>
      %dma_wait3A_255 = tpu.memref_squeeze %dma_wait3A_254 : memref<1x10000x128xf32, #tpu.memory_space<hbm>> -> memref<10000x128xf32, #tpu.memory_space<hbm>>
      %dma_wait3A_256 = arith.constant 0 : i32
      %dma_wait3A_257 = arith.constant 0 : i32
      %dma_wait3A_258 = tpu.memref_slice %dma_wait3A_255[%dma_wait3A_256, %dma_wait3A_257] : memref<10000x128xf32, #tpu.memory_space<hbm>> -> memref<10000x128xf32, #tpu.memory_space<hbm>>
      %dma_wait3A_259 = tpu.memref_slice %arg10[%rem3A_244] : memref<2x!tpu.dma_semaphore, #tpu.memory_space<semaphore_mem>> -> memref<1x!tpu.dma_semaphore, #tpu.memory_space<semaphore_mem>>
      %dma_wait3A_260 = tpu.memref_squeeze %dma_wait3A_259 : memref<1x!tpu.dma_semaphore, #tpu.memory_space<semaphore_mem>> -> memref<!tpu.dma_semaphore, #tpu.memory_space<semaphore_mem>>
      tpu.wait_indirect_dma semaphore(%dma_wait3A_260 : memref<!tpu.dma_semaphore, #tpu.memory_space<semaphore_mem>>) src(%dma_wait3A_258 : memref<10000x128xf32, #tpu.memory_space<hbm>>) dst(%dma_wait3A_248 : memref<128x128xf32, #tpu.memory_space<vmem>>)
      %add3A = arith.constant 1 : i32
      %add3A_261 = arith.addi %scan3A_243, %add3A : i32
      %lt3A = arith.constant 20 : i32
      %lt3A_262 = arith.cmpi slt, %add3A_261, %lt3A : i32
      %convert_element_type3A = arith.extui %lt3A_262 : i1 to i32
      %cond3A = arith.constant 0 : i32
      %cond3A_263 = arith.cmpi ne, %convert_element_type3A, %cond3A : i32
      scf.if %cond3A_263 {
        %add3A_265 = arith.constant 1 : i32
        %add3A_266 = arith.addi %scan3A_243, %add3A_265 : i32
        %sub3A = arith.constant 1 : i32
        %sub3A_267 = arith.subi %sub3A, %rem3A_244 : i32
        %sub3A_268 = arith.constant 1 : i32
        %sub3A_269 = arith.subi %sub3A_268, %rem3A_244 : i32
        %dma_start3A_270 = arith.constant 0 : i32
        %dma_start3A_271 = arith.constant 0 : i32
        %dma_start3A_272 = arith.constant 0 : i32
        %dma_start3A_273 = tpu.memref_slice %arg8[%sub3A_267, %dma_start3A_271, %dma_start3A_272] : memref<2x128x128xf32, #tpu.memory_space<vmem>> -> memref<1x128x128xf32, #tpu.memory_space<vmem>>
        %dma_start3A_274 = tpu.memref_squeeze %dma_start3A_273 : memref<1x128x128xf32, #tpu.memory_space<vmem>> -> memref<128x128xf32, #tpu.memory_space<vmem>>
        %dma_start3A_275 = arith.constant 0 : i32
        %dma_start3A_276 = tpu.memref_slice %arg7[%dma_start3A_270, %add3A_266, %dma_start3A_275] : memref<2x20x128xi32, #tpu.memory_space<vmem>> -> memref<1x1x128xi32, #tpu.memory_space<vmem>>
        %dma_start3A_277 = tpu.memref_squeeze %dma_start3A_276 : memref<1x1x128xi32, #tpu.memory_space<vmem>> -> memref<128xi32, #tpu.memory_space<vmem>>
        %dma_start3A_278 = arith.constant 0 : i32
        %dma_start3A_279 = arith.constant 0 : i32
        %dma_start3A_280 = tpu.memref_slice %arg2[%arg0, %dma_start3A_278, %dma_start3A_279] : memref<2x10000x128xf32, #tpu.memory_space<hbm>> -> memref<1x10000x128xf32, #tpu.memory_space<hbm>>
        %dma_start3A_281 = tpu.memref_squeeze %dma_start3A_280 : memref<1x10000x128xf32, #tpu.memory_space<hbm>> -> memref<10000x128xf32, #tpu.memory_space<hbm>>
        %dma_start3A_282 = arith.constant 0 : i32
        %dma_start3A_283 = arith.constant 0 : i32
        %dma_start3A_284 = tpu.memref_slice %dma_start3A_281[%dma_start3A_282, %dma_start3A_283] : memref<10000x128xf32, #tpu.memory_space<hbm>> -> memref<10000x128xf32, #tpu.memory_space<hbm>>
        %dma_start3A_285 = tpu.memref_slice %arg10[%sub3A_269] : memref<2x!tpu.dma_semaphore, #tpu.memory_space<semaphore_mem>> -> memref<1x!tpu.dma_semaphore, #tpu.memory_space<semaphore_mem>>
        %dma_start3A_286 = tpu.memref_squeeze %dma_start3A_285 : memref<1x!tpu.dma_semaphore, #tpu.memory_space<semaphore_mem>> -> memref<!tpu.dma_semaphore, #tpu.memory_space<semaphore_mem>>
        tpu.enqueue_indirect_dma source(%dma_start3A_284 : memref<10000x128xf32, #tpu.memory_space<hbm>>) target(%dma_start3A_274 : memref<128x128xf32, #tpu.memory_space<vmem>>) offsets(%dma_start3A_277 : memref<128xi32, #tpu.memory_space<vmem>>) semaphore(%dma_start3A_286 : memref<!tpu.dma_semaphore, #tpu.memory_space<semaphore_mem>>)
      } else {
      }
      %run_scoped3A_264 = arith.constant 1 : i32
      "tpu.region"() ({
        %run_scoped3A_265 = tpu.sem_alloc : memref<!tpu.dma_semaphore, #tpu.memory_space<semaphore_mem>>
        %dma_start3A_266 = arith.constant 0 : i32
        %dma_start3A_267 = arith.constant 0 : i32
        %dma_start3A_268 = tpu.memref_slice %arg8[%rem3A_244, %dma_start3A_266, %dma_start3A_267] : memref<2x128x128xf32, #tpu.memory_space<vmem>> -> memref<1x128x128xf32, #tpu.memory_space<vmem>>
        %dma_start3A_269 = tpu.memref_squeeze %dma_start3A_268 : memref<1x128x128xf32, #tpu.memory_space<vmem>> -> memref<128x128xf32, #tpu.memory_space<vmem>>
        %dma_start3A_270 = arith.constant 0 : i32
        %dma_start3A_271 = tpu.memref_slice %arg7[%run_scoped3A_264, %scan3A_243, %dma_start3A_270] : memref<2x20x128xi32, #tpu.memory_space<vmem>> -> memref<1x1x128xi32, #tpu.memory_space<vmem>>
        %dma_start3A_272 = tpu.memref_squeeze %dma_start3A_271 : memref<1x1x128xi32, #tpu.memory_space<vmem>> -> memref<128xi32, #tpu.memory_space<vmem>>
        %dma_start3A_273 = arith.constant 0 : i32
        %dma_start3A_274 = arith.constant 0 : i32
        %dma_start3A_275 = tpu.memref_slice %arg9[%dma_start3A_273, %dma_start3A_274] : memref<10240x128xf32, #tpu.memory_space<vmem_shared>> -> memref<10240x128xf32, #tpu.memory_space<vmem_shared>>
        tpu.enqueue_indirect_dma source(%dma_start3A_269 : memref<128x128xf32, #tpu.memory_space<vmem>>) target(%dma_start3A_275 : memref<10240x128xf32, #tpu.memory_space<vmem_shared>>) offsets(%dma_start3A_272 : memref<128xi32, #tpu.memory_space<vmem>>) semaphore(%run_scoped3A_265 : memref<!tpu.dma_semaphore, #tpu.memory_space<semaphore_mem>>) {add = true}
        %dma_wait3A_276 = arith.constant 0 : i32
        %dma_wait3A_277 = arith.constant 0 : i32
        %dma_wait3A_278 = tpu.memref_slice %arg8[%rem3A_244, %dma_wait3A_276, %dma_wait3A_277] : memref<2x128x128xf32, #tpu.memory_space<vmem>> -> memref<1x128x128xf32, #tpu.memory_space<vmem>>
        %dma_wait3A_279 = tpu.memref_squeeze %dma_wait3A_278 : memref<1x128x128xf32, #tpu.memory_space<vmem>> -> memref<128x128xf32, #tpu.memory_space<vmem>>
        %dma_wait3A_280 = arith.constant 0 : i32
        %dma_wait3A_281 = tpu.memref_slice %arg7[%run_scoped3A_264, %scan3A_243, %dma_wait3A_280] : memref<2x20x128xi32, #tpu.memory_space<vmem>> -> memref<1x1x128xi32, #tpu.memory_space<vmem>>
        %dma_wait3A_282 = tpu.memref_squeeze %dma_wait3A_281 : memref<1x1x128xi32, #tpu.memory_space<vmem>> -> memref<128xi32, #tpu.memory_space<vmem>>
        %dma_wait3A_283 = arith.constant 0 : i32
        %dma_wait3A_284 = arith.constant 0 : i32
        %dma_wait3A_285 = tpu.memref_slice %arg9[%dma_wait3A_283, %dma_wait3A_284] : memref<10240x128xf32, #tpu.memory_space<vmem_shared>> -> memref<10240x128xf32, #tpu.memory_space<vmem_shared>>
        tpu.wait_indirect_dma semaphore(%run_scoped3A_265 : memref<!tpu.dma_semaphore, #tpu.memory_space<semaphore_mem>>) src(%dma_wait3A_279 : memref<128x128xf32, #tpu.memory_space<vmem>>) dst(%dma_wait3A_285 : memref<10240x128xf32, #tpu.memory_space<vmem_shared>>)
        tpu.yield
      }) : () -> ()
    }
    %scan3A_237 = arith.constant 20 : i32
    %barrier3A_238 = arith.constant 0 : index
    tpu.barrier barrier_id(%barrier3A_238)
    %mul3A_239 = arith.constant 640 : i32
    %mul3A_240 = arith.muli %arg1, %mul3A_239 : i32
    %mul3A_241 = arith.constant 640 : i32
    %mul3A_242 = arith.muli %arg1, %mul3A_241 : i32
    "tpu.region"() ({
      %run_scoped3A_243 = tpu.sem_alloc : memref<!tpu.dma_semaphore, #tpu.memory_space<semaphore_mem>>
      %dma_start3A_244 = arith.constant 0 : i32
      %dma_start3A_245 = arith.constant 0 : i32
      %dma_start3A_246 = tpu.memref_slice %arg6[%arg0, %dma_start3A_244, %dma_start3A_245] : memref<2x10240x128xf32, #tpu.memory_space<hbm>> -> memref<1x10240x128xf32, #tpu.memory_space<hbm>>
      %dma_start3A_247 = tpu.memref_squeeze %dma_start3A_246 : memref<1x10240x128xf32, #tpu.memory_space<hbm>> -> memref<10240x128xf32, #tpu.memory_space<hbm>>
      %dma_start3A_248 = arith.constant 0 : i32
      %dma_start3A_249 = tpu.memref_slice %dma_start3A_247[%mul3A_242, %dma_start3A_248] : memref<10240x128xf32, #tpu.memory_space<hbm>> -> memref<640x128xf32, #tpu.memory_space<hbm>>
      %dma_start3A_250 = arith.constant 0 : i32
      %dma_start3A_251 = tpu.memref_slice %arg9[%mul3A_240, %dma_start3A_250] : memref<10240x128xf32, #tpu.memory_space<vmem_shared>> -> memref<640x128xf32, #tpu.memory_space<vmem_shared>>
      tpu.enqueue_dma source(%dma_start3A_251 : memref<640x128xf32, #tpu.memory_space<vmem_shared>>) target(%dma_start3A_249 : memref<640x128xf32, #tpu.memory_space<hbm>>) target_semaphore(%run_scoped3A_243 : memref<!tpu.dma_semaphore, #tpu.memory_space<semaphore_mem>>)
      %dma_wait3A = arith.constant 0 : i32
      %dma_wait3A_252 = arith.constant 0 : i32
      %dma_wait3A_253 = tpu.memref_slice %arg6[%arg0, %dma_wait3A, %dma_wait3A_252] : memref<2x10240x128xf32, #tpu.memory_space<hbm>> -> memref<1x10240x128xf32, #tpu.memory_space<hbm>>
      %dma_wait3A_254 = tpu.memref_squeeze %dma_wait3A_253 : memref<1x10240x128xf32, #tpu.memory_space<hbm>> -> memref<10240x128xf32, #tpu.memory_space<hbm>>
      %dma_wait3A_255 = arith.constant 0 : i32
      %dma_wait3A_256 = tpu.memref_slice %dma_wait3A_254[%mul3A_242, %dma_wait3A_255] : memref<10240x128xf32, #tpu.memory_space<hbm>> -> memref<640x128xf32, #tpu.memory_space<hbm>>
      %dma_wait3A_257 = arith.constant 0 : i32
      %dma_wait3A_258 = tpu.memref_slice %arg9[%mul3A_240, %dma_wait3A_257] : memref<10240x128xf32, #tpu.memory_space<vmem_shared>> -> memref<640x128xf32, #tpu.memory_space<vmem_shared>>
      tpu.wait_dma2 semaphore(%run_scoped3A_243 : memref<!tpu.dma_semaphore, #tpu.memory_space<semaphore_mem>>) src(%dma_wait3A_258 : memref<640x128xf32, #tpu.memory_space<vmem_shared>>) dst(%dma_wait3A_256 : memref<640x128xf32, #tpu.memory_space<hbm>>)
      tpu.yield
    }) : () -> ()
    return
  }
}

module attributes {stable_mosaic.version = 14 : i64} {
  func.func @_tc_layer0_body(%arg0: i32, %arg1: memref<1000x128xf32, #tpu.memory_space<vmem>>, %arg2: memref<2x1000x128xf32, #tpu.memory_space<vmem>>, %arg3: memref<128x256xf32, #tpu.memory_space<vmem>>, %arg4: memref<128x256xf32, #tpu.memory_space<vmem>>, %arg5: memref<2x1000x128xf32, #tpu.memory_space<vmem>>) attributes {dimension_semantics = [#tpu.dimension_semantics<arbitrary>], iteration_bounds = array<i64: 10>, scalar_prefetch = 0 : i64, scratch_operands = 0 : i64, tpu.core_type = #tpu.core_type<tc>, window_params = [{transform_indices = @transform_0, window_bounds = array<i64: 1000, 128>}, {transform_indices = @transform_1, window_bounds = array<i64: 2, 1000, 128>}, {pipeline_mode = #tpu.pipeline_mode<synchronous>, transform_indices = @transform_2, window_bounds = array<i64: 128, 256>}, {pipeline_mode = #tpu.pipeline_mode<synchronous>, transform_indices = @transform_3, window_bounds = array<i64: 128, 256>}, {transform_indices = @transform_4, window_bounds = array<i64: 2, 1000, 128>}]} {
    %get3A = arith.constant 0 : index
    %get3A_0 = arith.constant 0 : index
    %get3A_1 = arith.constant 0 : index
    %get3A_2 = vector.load %arg2[%get3A, %get3A_0, %get3A_1] : memref<2x1000x128xf32, #tpu.memory_space<vmem>>, vector<1x1000x128xf32>
    %get3A_3 = vector.shape_cast %get3A_2 : vector<1x1000x128xf32> to vector<1000x128xf32>
    %get3A_4 = arith.constant 1 : index
    %get3A_5 = arith.constant 0 : index
    %get3A_6 = arith.constant 0 : index
    %get3A_7 = vector.load %arg2[%get3A_4, %get3A_5, %get3A_6] : memref<2x1000x128xf32, #tpu.memory_space<vmem>>, vector<1x1000x128xf32>
    %get3A_8 = vector.shape_cast %get3A_7 : vector<1x1000x128xf32> to vector<1000x128xf32>
    %add3A = arith.addf %get3A_3, %get3A_8 : vector<1000x128xf32>
    %get3A_9 = arith.constant 0 : index
    %get3A_10 = arith.constant 0 : index
    %get3A_11 = vector.load %arg3[%get3A_9, %get3A_10] : memref<128x256xf32, #tpu.memory_space<vmem>>, vector<128x256xf32>
    %dot_general3A = arith.constant dense<0.000000e+00> : vector<1000x256xf32>
    %dot_general3A_12 = tpu.matmul %add3A, %get3A_11, %dot_general3A {dimension_numbers = #tpu.dot_dimension_numbers<[1], [0], [0], [1], [0, 0, 1, 1], [], []>, transpose_lhs_hint = false} : vector<1000x128xf32>, vector<128x256xf32>, vector<1000x256xf32> -> vector<1000x256xf32>
    %get3A_13 = arith.constant 0 : index
    %get3A_14 = arith.constant 0 : index
    %get3A_15 = vector.load %arg1[%get3A_13, %get3A_14] : memref<1000x128xf32, #tpu.memory_space<vmem>>, vector<1000x128xf32>
    %get3A_16 = arith.constant 0 : index
    %get3A_17 = arith.constant 0 : index
    %get3A_18 = vector.load %arg4[%get3A_16, %get3A_17] : memref<128x256xf32, #tpu.memory_space<vmem>>, vector<128x256xf32>
    %dot_general3A_19 = arith.constant dense<0.000000e+00> : vector<1000x256xf32>
    %dot_general3A_20 = tpu.matmul %get3A_15, %get3A_18, %dot_general3A_19 {dimension_numbers = #tpu.dot_dimension_numbers<[1], [0], [0], [1], [0, 0, 1, 1], [], []>, transpose_lhs_hint = false} : vector<1000x128xf32>, vector<128x256xf32>, vector<1000x256xf32> -> vector<1000x256xf32>
    %add3A_21 = arith.addf %dot_general3A_12, %dot_general3A_20 : vector<1000x256xf32>
    %max3A = arith.constant 0.000000e+00 : f32
    %max3A_22 = vector.broadcast %max3A : f32 to vector<1000x256xf32>
    %max3A_23 = arith.maximumf %add3A_21, %max3A_22 : vector<1000x256xf32>
    %slice3A = vector.extract_strided_slice %max3A_23 {offsets = [0, 0], sizes = [1000, 128], strides = [1, 1]} : vector<1000x256xf32> to vector<1000x128xf32>
    %swap3A = arith.constant 0 : index
    %swap3A_24 = arith.constant 0 : index
    %swap3A_25 = arith.constant 0 : index
    %swap3A_26 = vector.load %arg5[%swap3A, %swap3A_24, %swap3A_25] : memref<2x1000x128xf32, #tpu.memory_space<vmem>>, vector<1x1000x128xf32>
    %swap3A_27 = vector.shape_cast %swap3A_26 : vector<1x1000x128xf32> to vector<1000x128xf32>
    %swap3A_28 = vector.shape_cast %slice3A : vector<1000x128xf32> to vector<1x1000x128xf32>
    tpu.vector_store %arg5[%swap3A, %swap3A_24, %swap3A_25], %swap3A_28 {strides = array<i32>} : memref<2x1000x128xf32, #tpu.memory_space<vmem>>, vector<1x1000x128xf32>,
    %slice3A_29 = vector.extract_strided_slice %max3A_23 {offsets = [0, 128], sizes = [1000, 128], strides = [1, 1]} : vector<1000x256xf32> to vector<1000x128xf32>
    %swap3A_30 = arith.constant 1 : index
    %swap3A_31 = arith.constant 0 : index
    %swap3A_32 = arith.constant 0 : index
    %swap3A_33 = vector.load %arg5[%swap3A_30, %swap3A_31, %swap3A_32] : memref<2x1000x128xf32, #tpu.memory_space<vmem>>, vector<1x1000x128xf32>
    %swap3A_34 = vector.shape_cast %swap3A_33 : vector<1x1000x128xf32> to vector<1000x128xf32>
    %swap3A_35 = vector.shape_cast %slice3A_29 : vector<1000x128xf32> to vector<1x1000x128xf32>
    tpu.vector_store %arg5[%swap3A_30, %swap3A_31, %swap3A_32], %swap3A_35 {strides = array<i32>} : memref<2x1000x128xf32, #tpu.memory_space<vmem>>, vector<1x1000x128xf32>,
    return
  }
  func.func @transform_0(%arg0: i32) -> (i32, i32) {
    %c0_i32 = arith.constant 0 : i32
    %c0_i32_0 = arith.constant 0 : i32
    return %arg0, %c0_i32 : i32, i32
  }
  func.func @transform_1(%arg0: i32) -> (i32, i32, i32) {
    %c0_i32 = arith.constant 0 : i32
    %c0_i32_0 = arith.constant 0 : i32
    %c0_i32_1 = arith.constant 0 : i32
    return %c0_i32, %arg0, %c0_i32_0 : i32, i32, i32
  }
  func.func @transform_2(%arg0: i32) -> (i32, i32) {
    %c0_i32 = arith.constant 0 : i32
    %c0_i32_0 = arith.constant 0 : i32
    %c0_i32_1 = arith.constant 0 : i32
    return %c0_i32, %c0_i32_0 : i32, i32
  }
  func.func @transform_3(%arg0: i32) -> (i32, i32) {
    %c0_i32 = arith.constant 0 : i32
    %c0_i32_0 = arith.constant 0 : i32
    %c0_i32_1 = arith.constant 0 : i32
    return %c0_i32, %c0_i32_0 : i32, i32
  }
  func.func @transform_4(%arg0: i32) -> (i32, i32, i32) {
    %c0_i32 = arith.constant 0 : i32
    %c0_i32_0 = arith.constant 0 : i32
    %c0_i32_1 = arith.constant 0 : i32
    return %c0_i32, %arg0, %c0_i32_0 : i32, i32, i32
  }
}

module attributes {stable_mosaic.version = 14 : i64} {
  func.func @_tc_layer1_body(%arg0: i32, %arg1: memref<2x1000x128xf32, #tpu.memory_space<vmem>>, %arg2: memref<2x1000x128xf32, #tpu.memory_space<vmem>>, %arg3: memref<2x128x256xf32, #tpu.memory_space<vmem>>, %arg4: memref<2x128x256xf32, #tpu.memory_space<vmem>>, %arg5: memref<256x32xf32, #tpu.memory_space<vmem>>, %arg6: memref<2x1000x128xf32, #tpu.memory_space<vmem>>, %arg7: memref<1000x128xf32, #tpu.memory_space<vmem>>) attributes {dimension_semantics = [#tpu.dimension_semantics<arbitrary>], iteration_bounds = array<i64: 10>, scalar_prefetch = 0 : i64, scratch_operands = 0 : i64, tpu.core_type = #tpu.core_type<tc>, window_params = [{transform_indices = @transform_0, window_bounds = array<i64: 2, 1000, 128>}, {transform_indices = @transform_1, window_bounds = array<i64: 2, 1000, 128>}, {pipeline_mode = #tpu.pipeline_mode<synchronous>, transform_indices = @transform_2, window_bounds = array<i64: 2, 128, 256>}, {pipeline_mode = #tpu.pipeline_mode<synchronous>, transform_indices = @transform_3, window_bounds = array<i64: 2, 128, 256>}, {pipeline_mode = #tpu.pipeline_mode<synchronous>, transform_indices = @transform_4, window_bounds = array<i64: 256, 32>}, {transform_indices = @transform_5, window_bounds = array<i64: 2, 1000, 128>}, {transform_indices = @transform_6, window_bounds = array<i64: 1000, 128>}]} {
    %get3A = arith.constant 0 : index
    %get3A_0 = arith.constant 0 : index
    %get3A_1 = arith.constant 0 : index
    %get3A_2 = vector.load %arg2[%get3A, %get3A_0, %get3A_1] : memref<2x1000x128xf32, #tpu.memory_space<vmem>>, vector<1x1000x128xf32>
    %get3A_3 = vector.shape_cast %get3A_2 : vector<1x1000x128xf32> to vector<1000x128xf32>
    %get3A_4 = arith.constant 0 : index
    %get3A_5 = arith.constant 0 : index
    %get3A_6 = arith.constant 0 : index
    %get3A_7 = vector.load %arg3[%get3A_4, %get3A_5, %get3A_6] : memref<2x128x256xf32, #tpu.memory_space<vmem>>, vector<1x128x256xf32>
    %get3A_8 = vector.shape_cast %get3A_7 : vector<1x128x256xf32> to vector<128x256xf32>
    %dot_general3A = arith.constant dense<0.000000e+00> : vector<1000x256xf32>
    %dot_general3A_9 = tpu.matmul %get3A_3, %get3A_8, %dot_general3A {dimension_numbers = #tpu.dot_dimension_numbers<[1], [0], [0], [1], [0, 0, 1, 1], [], []>, transpose_lhs_hint = false} : vector<1000x128xf32>, vector<128x256xf32>, vector<1000x256xf32> -> vector<1000x256xf32>
    %get3A_10 = arith.constant 1 : index
    %get3A_11 = arith.constant 0 : index
    %get3A_12 = arith.constant 0 : index
    %get3A_13 = vector.load %arg2[%get3A_10, %get3A_11, %get3A_12] : memref<2x1000x128xf32, #tpu.memory_space<vmem>>, vector<1x1000x128xf32>
    %get3A_14 = vector.shape_cast %get3A_13 : vector<1x1000x128xf32> to vector<1000x128xf32>
    %get3A_15 = arith.constant 1 : index
    %get3A_16 = arith.constant 0 : index
    %get3A_17 = arith.constant 0 : index
    %get3A_18 = vector.load %arg3[%get3A_15, %get3A_16, %get3A_17] : memref<2x128x256xf32, #tpu.memory_space<vmem>>, vector<1x128x256xf32>
    %get3A_19 = vector.shape_cast %get3A_18 : vector<1x128x256xf32> to vector<128x256xf32>
    %dot_general3A_20 = arith.constant dense<0.000000e+00> : vector<1000x256xf32>
    %dot_general3A_21 = tpu.matmul %get3A_14, %get3A_19, %dot_general3A_20 {dimension_numbers = #tpu.dot_dimension_numbers<[1], [0], [0], [1], [0, 0, 1, 1], [], []>, transpose_lhs_hint = false} : vector<1000x128xf32>, vector<128x256xf32>, vector<1000x256xf32> -> vector<1000x256xf32>
    %add3A = arith.addf %dot_general3A_9, %dot_general3A_21 : vector<1000x256xf32>
    %get3A_22 = arith.constant 0 : index
    %get3A_23 = arith.constant 0 : index
    %get3A_24 = arith.constant 0 : index
    %get3A_25 = vector.load %arg1[%get3A_22, %get3A_23, %get3A_24] : memref<2x1000x128xf32, #tpu.memory_space<vmem>>, vector<1x1000x128xf32>
    %get3A_26 = vector.shape_cast %get3A_25 : vector<1x1000x128xf32> to vector<1000x128xf32>
    %get3A_27 = arith.constant 0 : index
    %get3A_28 = arith.constant 0 : index
    %get3A_29 = arith.constant 0 : index
    %get3A_30 = vector.load %arg4[%get3A_27, %get3A_28, %get3A_29] : memref<2x128x256xf32, #tpu.memory_space<vmem>>, vector<1x128x256xf32>
    %get3A_31 = vector.shape_cast %get3A_30 : vector<1x128x256xf32> to vector<128x256xf32>
    %dot_general3A_32 = arith.constant dense<0.000000e+00> : vector<1000x256xf32>
    %dot_general3A_33 = tpu.matmul %get3A_26, %get3A_31, %dot_general3A_32 {dimension_numbers = #tpu.dot_dimension_numbers<[1], [0], [0], [1], [0, 0, 1, 1], [], []>, transpose_lhs_hint = false} : vector<1000x128xf32>, vector<128x256xf32>, vector<1000x256xf32> -> vector<1000x256xf32>
    %add3A_34 = arith.addf %add3A, %dot_general3A_33 : vector<1000x256xf32>
    %get3A_35 = arith.constant 1 : index
    %get3A_36 = arith.constant 0 : index
    %get3A_37 = arith.constant 0 : index
    %get3A_38 = vector.load %arg1[%get3A_35, %get3A_36, %get3A_37] : memref<2x1000x128xf32, #tpu.memory_space<vmem>>, vector<1x1000x128xf32>
    %get3A_39 = vector.shape_cast %get3A_38 : vector<1x1000x128xf32> to vector<1000x128xf32>
    %get3A_40 = arith.constant 1 : index
    %get3A_41 = arith.constant 0 : index
    %get3A_42 = arith.constant 0 : index
    %get3A_43 = vector.load %arg4[%get3A_40, %get3A_41, %get3A_42] : memref<2x128x256xf32, #tpu.memory_space<vmem>>, vector<1x128x256xf32>
    %get3A_44 = vector.shape_cast %get3A_43 : vector<1x128x256xf32> to vector<128x256xf32>
    %dot_general3A_45 = arith.constant dense<0.000000e+00> : vector<1000x256xf32>
    %dot_general3A_46 = tpu.matmul %get3A_39, %get3A_44, %dot_general3A_45 {dimension_numbers = #tpu.dot_dimension_numbers<[1], [0], [0], [1], [0, 0, 1, 1], [], []>, transpose_lhs_hint = false} : vector<1000x128xf32>, vector<128x256xf32>, vector<1000x256xf32> -> vector<1000x256xf32>
    %add3A_47 = arith.addf %add3A_34, %dot_general3A_46 : vector<1000x256xf32>
    %max3A = arith.constant 0.000000e+00 : f32
    %max3A_48 = vector.broadcast %max3A : f32 to vector<1000x256xf32>
    %max3A_49 = arith.maximumf %add3A_47, %max3A_48 : vector<1000x256xf32>
    %slice3A = vector.extract_strided_slice %max3A_49 {offsets = [0, 0], sizes = [1000, 128], strides = [1, 1]} : vector<1000x256xf32> to vector<1000x128xf32>
    %swap3A = arith.constant 0 : index
    %swap3A_50 = arith.constant 0 : index
    %swap3A_51 = arith.constant 0 : index
    %swap3A_52 = vector.load %arg6[%swap3A, %swap3A_50, %swap3A_51] : memref<2x1000x128xf32, #tpu.memory_space<vmem>>, vector<1x1000x128xf32>
    %swap3A_53 = vector.shape_cast %swap3A_52 : vector<1x1000x128xf32> to vector<1000x128xf32>
    %swap3A_54 = vector.shape_cast %slice3A : vector<1000x128xf32> to vector<1x1000x128xf32>
    tpu.vector_store %arg6[%swap3A, %swap3A_50, %swap3A_51], %swap3A_54 {strides = array<i32>} : memref<2x1000x128xf32, #tpu.memory_space<vmem>>, vector<1x1000x128xf32>,
    %slice3A_55 = vector.extract_strided_slice %max3A_49 {offsets = [0, 128], sizes = [1000, 128], strides = [1, 1]} : vector<1000x256xf32> to vector<1000x128xf32>
    %swap3A_56 = arith.constant 1 : index
    %swap3A_57 = arith.constant 0 : index
    %swap3A_58 = arith.constant 0 : index
    %swap3A_59 = vector.load %arg6[%swap3A_56, %swap3A_57, %swap3A_58] : memref<2x1000x128xf32, #tpu.memory_space<vmem>>, vector<1x1000x128xf32>
    %swap3A_60 = vector.shape_cast %swap3A_59 : vector<1x1000x128xf32> to vector<1000x128xf32>
    %swap3A_61 = vector.shape_cast %slice3A_55 : vector<1000x128xf32> to vector<1x1000x128xf32>
    tpu.vector_store %arg6[%swap3A_56, %swap3A_57, %swap3A_58], %swap3A_61 {strides = array<i32>} : memref<2x1000x128xf32, #tpu.memory_space<vmem>>, vector<1x1000x128xf32>,
    %get3A_62 = arith.constant 0 : index
    %get3A_63 = arith.constant 0 : index
    %get3A_64 = vector.load %arg5[%get3A_62, %get3A_63] : memref<256x32xf32, #tpu.memory_space<vmem>>, vector<256x32xf32>
    %dot_general3A_65 = arith.constant dense<0.000000e+00> : vector<1000x32xf32>
    %dot_general3A_66 = tpu.matmul %max3A_49, %get3A_64, %dot_general3A_65 {dimension_numbers = #tpu.dot_dimension_numbers<[1], [0], [0], [1], [0, 0, 1, 1], [], []>, transpose_lhs_hint = false} : vector<1000x256xf32>, vector<256x32xf32>, vector<1000x32xf32> -> vector<1000x32xf32>
    %jit3A = arith.constant 0 : i32
    %convert_element_type3A = arith.sitofp %jit3A : i32 to f32
    %pad3A = vector.broadcast %convert_element_type3A : f32 to vector<1000x96xf32>
    %pad3A_67 = tpu.concatenate %dot_general3A_66, %pad3A in 1 : vector<1000x32xf32>, vector<1000x96xf32> -> vector<1000x128xf32>
    %swap3A_68 = arith.constant 0 : index
    %swap3A_69 = arith.constant 0 : index
    %swap3A_70 = vector.load %arg7[%swap3A_68, %swap3A_69] : memref<1000x128xf32, #tpu.memory_space<vmem>>, vector<1000x128xf32>
    tpu.vector_store %arg7[%swap3A_68, %swap3A_69], %pad3A_67 {strides = array<i32>} : memref<1000x128xf32, #tpu.memory_space<vmem>>, vector<1000x128xf32>,
    return
  }
  func.func @transform_0(%arg0: i32) -> (i32, i32, i32) {
    %c0_i32 = arith.constant 0 : i32
    %c0_i32_0 = arith.constant 0 : i32
    %c0_i32_1 = arith.constant 0 : i32
    return %c0_i32, %arg0, %c0_i32_0 : i32, i32, i32
  }
  func.func @transform_1(%arg0: i32) -> (i32, i32, i32) {
    %c0_i32 = arith.constant 0 : i32
    %c0_i32_0 = arith.constant 0 : i32
    %c0_i32_1 = arith.constant 0 : i32
    return %c0_i32, %arg0, %c0_i32_0 : i32, i32, i32
  }
  func.func @transform_2(%arg0: i32) -> (i32, i32, i32) {
    %c0_i32 = arith.constant 0 : i32
    %c0_i32_0 = arith.constant 0 : i32
    %c0_i32_1 = arith.constant 0 : i32
    %c0_i32_2 = arith.constant 0 : i32
    return %c0_i32, %c0_i32_0, %c0_i32_1 : i32, i32, i32
  }
  func.func @transform_3(%arg0: i32) -> (i32, i32, i32) {
    %c0_i32 = arith.constant 0 : i32
    %c0_i32_0 = arith.constant 0 : i32
    %c0_i32_1 = arith.constant 0 : i32
    %c0_i32_2 = arith.constant 0 : i32
    return %c0_i32, %c0_i32_0, %c0_i32_1 : i32, i32, i32
  }
  func.func @transform_4(%arg0: i32) -> (i32, i32) {
    %c0_i32 = arith.constant 0 : i32
    %c0_i32_0 = arith.constant 0 : i32
    %c0_i32_1 = arith.constant 0 : i32
    return %c0_i32, %c0_i32_0 : i32, i32
  }
  func.func @transform_5(%arg0: i32) -> (i32, i32, i32) {
    %c0_i32 = arith.constant 0 : i32
    %c0_i32_0 = arith.constant 0 : i32
    %c0_i32_1 = arith.constant 0 : i32
    return %c0_i32, %arg0, %c0_i32_0 : i32, i32, i32
  }
  func.func @transform_6(%arg0: i32) -> (i32, i32) {
    %c0_i32 = arith.constant 0 : i32
    %c0_i32_0 = arith.constant 0 : i32
    return %arg0, %c0_i32 : i32, i32
  }
}

module attributes {stable_mosaic.version = 14 : i64} {
  func.func @_tc_final_body(%arg0: i32, %arg1: memref<2x1000x128xf32, #tpu.memory_space<vmem>>, %arg2: memref<2x1000x32xf32, #tpu.memory_space<vmem>>, %arg3: memref<2x128x32xf32, #tpu.memory_space<vmem>>, %arg4: memref<1x1x1000xi32, #tpu.memory_space<vmem>>, %arg5: memref<32x16xf32, #tpu.memory_space<vmem>>, %arg6: memref<1x16xf32, #tpu.memory_space<vmem>>, %arg7: memref<16x1xf32, #tpu.memory_space<vmem>>, %arg8: memref<1x1xf32, #tpu.memory_space<vmem>>, %arg9: memref<64x1xf32, #tpu.memory_space<vmem>>, %arg10: memref<64x32xf32, #tpu.memory_space<vmem>>) attributes {dimension_semantics = [#tpu.dimension_semantics<arbitrary>], iteration_bounds = array<i64: 10>, scalar_prefetch = 0 : i64, scratch_operands = 1 : i64, tpu.core_type = #tpu.core_type<tc>, window_params = [{transform_indices = @transform_0, window_bounds = array<i64: 2, 1000, 128>}, {transform_indices = @transform_1, window_bounds = array<i64: 2, 1000, 32>}, {pipeline_mode = #tpu.pipeline_mode<synchronous>, transform_indices = @transform_2, window_bounds = array<i64: 2, 128, 32>}, {transform_indices = @transform_3, window_bounds = array<i64: 1, 1, 1000>}, {pipeline_mode = #tpu.pipeline_mode<synchronous>, transform_indices = @transform_4, window_bounds = array<i64: 32, 16>}, {pipeline_mode = #tpu.pipeline_mode<synchronous>, transform_indices = @transform_5, window_bounds = array<i64: 1, 16>}, {pipeline_mode = #tpu.pipeline_mode<synchronous>, transform_indices = @transform_6, window_bounds = array<i64: 16, 1>}, {pipeline_mode = #tpu.pipeline_mode<synchronous>, transform_indices = @transform_7, window_bounds = array<i64: 1, 1>}, {pipeline_mode = #tpu.pipeline_mode<synchronous>, transform_indices = @transform_8, window_bounds = array<i64: 64, 1>}]} {
    %eq3A = arith.constant 0 : i32
    %eq3A_0 = arith.cmpi eq, %arg0, %eq3A : i32
    %convert_element_type3A = arith.extui %eq3A_0 : i1 to i32
    %cond3A = arith.constant 0 : i32
    %cond3A_1 = arith.cmpi ne, %convert_element_type3A, %cond3A : i32
    scf.if %cond3A_1 {
      %broadcast_in_dim3A = arith.constant 0.000000e+00 : f32
      %broadcast_in_dim3A_60 = vector.broadcast %broadcast_in_dim3A : f32 to vector<64x32xf32>
      %swap3A_61 = arith.constant 0 : index
      %swap3A_62 = arith.constant 0 : index
      %swap3A_63 = vector.load %arg10[%swap3A_61, %swap3A_62] : memref<64x32xf32, #tpu.memory_space<vmem>>, vector<64x32xf32>
      tpu.vector_store %arg10[%swap3A_61, %swap3A_62], %broadcast_in_dim3A_60 {strides = array<i32>} : memref<64x32xf32, #tpu.memory_space<vmem>>, vector<64x32xf32>,
    } else {
    }
    %get3A = arith.constant 0 : index
    %get3A_2 = arith.constant 0 : index
    %get3A_3 = arith.constant 0 : index
    %get3A_4 = vector.load %arg2[%get3A, %get3A_2, %get3A_3] : memref<2x1000x32xf32, #tpu.memory_space<vmem>>, vector<1x1000x32xf32>
    %get3A_5 = vector.shape_cast %get3A_4 : vector<1x1000x32xf32> to vector<1000x32xf32>
    %get3A_6 = arith.constant 1 : index
    %get3A_7 = arith.constant 0 : index
    %get3A_8 = arith.constant 0 : index
    %get3A_9 = vector.load %arg2[%get3A_6, %get3A_7, %get3A_8] : memref<2x1000x32xf32, #tpu.memory_space<vmem>>, vector<1x1000x32xf32>
    %get3A_10 = vector.shape_cast %get3A_9 : vector<1x1000x32xf32> to vector<1000x32xf32>
    %add3A = arith.addf %get3A_5, %get3A_10 : vector<1000x32xf32>
    %get3A_11 = arith.constant 0 : index
    %get3A_12 = arith.constant 0 : index
    %get3A_13 = arith.constant 0 : index
    %get3A_14 = vector.load %arg1[%get3A_11, %get3A_12, %get3A_13] : memref<2x1000x128xf32, #tpu.memory_space<vmem>>, vector<1x1000x128xf32>
    %get3A_15 = vector.shape_cast %get3A_14 : vector<1x1000x128xf32> to vector<1000x128xf32>
    %get3A_16 = arith.constant 0 : index
    %get3A_17 = arith.constant 0 : index
    %get3A_18 = arith.constant 0 : index
    %get3A_19 = vector.load %arg3[%get3A_16, %get3A_17, %get3A_18] : memref<2x128x32xf32, #tpu.memory_space<vmem>>, vector<1x128x32xf32>
    %get3A_20 = vector.shape_cast %get3A_19 : vector<1x128x32xf32> to vector<128x32xf32>
    %dot_general3A = arith.constant dense<0.000000e+00> : vector<1000x32xf32>
    %dot_general3A_21 = tpu.matmul %get3A_15, %get3A_20, %dot_general3A {dimension_numbers = #tpu.dot_dimension_numbers<[1], [0], [0], [1], [0, 0, 1, 1], [], []>, transpose_lhs_hint = false} : vector<1000x128xf32>, vector<128x32xf32>, vector<1000x32xf32> -> vector<1000x32xf32>
    %add3A_22 = arith.addf %add3A, %dot_general3A_21 : vector<1000x32xf32>
    %get3A_23 = arith.constant 1 : index
    %get3A_24 = arith.constant 0 : index
    %get3A_25 = arith.constant 0 : index
    %get3A_26 = vector.load %arg1[%get3A_23, %get3A_24, %get3A_25] : memref<2x1000x128xf32, #tpu.memory_space<vmem>>, vector<1x1000x128xf32>
    %get3A_27 = vector.shape_cast %get3A_26 : vector<1x1000x128xf32> to vector<1000x128xf32>
    %get3A_28 = arith.constant 1 : index
    %get3A_29 = arith.constant 0 : index
    %get3A_30 = arith.constant 0 : index
    %get3A_31 = vector.load %arg3[%get3A_28, %get3A_29, %get3A_30] : memref<2x128x32xf32, #tpu.memory_space<vmem>>, vector<1x128x32xf32>
    %get3A_32 = vector.shape_cast %get3A_31 : vector<1x128x32xf32> to vector<128x32xf32>
    %dot_general3A_33 = arith.constant dense<0.000000e+00> : vector<1000x32xf32>
    %dot_general3A_34 = tpu.matmul %get3A_27, %get3A_32, %dot_general3A_33 {dimension_numbers = #tpu.dot_dimension_numbers<[1], [0], [0], [1], [0, 0, 1, 1], [], []>, transpose_lhs_hint = false} : vector<1000x128xf32>, vector<128x32xf32>, vector<1000x32xf32> -> vector<1000x32xf32>
    %add3A_35 = arith.addf %add3A_22, %dot_general3A_34 : vector<1000x32xf32>
    %max3A = arith.constant 0.000000e+00 : f32
    %max3A_36 = vector.broadcast %max3A : f32 to vector<1000x32xf32>
    %max3A_37 = arith.maximumf %add3A_35, %max3A_36 : vector<1000x32xf32>
    %get3A_38 = arith.constant 0 : index
    %get3A_39 = arith.constant 0 : index
    %get3A_40 = arith.constant 0 : index
    %get3A_41 = vector.load %arg4[%get3A_38, %get3A_39, %get3A_40] : memref<1x1x1000xi32, #tpu.memory_space<vmem>>, vector<1x1x1000xi32>
    %get3A_42 = vector.shape_cast %get3A_41 : vector<1x1x1000xi32> to vector<1x1000xi32>
    %iota3A = tpu.iota {dimensions = array<i32: 0>} : vector<64x1000xi32>
    %eq3A_43 = vector.broadcast %get3A_42 : vector<1x1000xi32> to vector<64x1000xi32>
    %eq3A_44 = arith.cmpi eq, %iota3A, %eq3A_43 : vector<64x1000xi32>
    %convert_element_type3A_45 = arith.extui %eq3A_44 : vector<64x1000xi1> to vector<64x1000xi32>
    %convert_element_type3A_46 = arith.sitofp %convert_element_type3A_45 : vector<64x1000xi32> to vector<64x1000xf32>
    %get3A_47 = arith.constant 0 : index
    %get3A_48 = arith.constant 0 : index
    %get3A_49 = vector.load %arg10[%get3A_47, %get3A_48] : memref<64x32xf32, #tpu.memory_space<vmem>>, vector<64x32xf32>
    %dot_general3A_50 = arith.constant dense<0.000000e+00> : vector<64x32xf32>
    %dot_general3A_51 = tpu.matmul %convert_element_type3A_46, %max3A_37, %dot_general3A_50 {dimension_numbers = #tpu.dot_dimension_numbers<[1], [0], [0], [1], [0, 0, 1, 1], [], []>, transpose_lhs_hint = false} : vector<64x1000xf32>, vector<1000x32xf32>, vector<64x32xf32> -> vector<64x32xf32>
    %add3A_52 = arith.addf %get3A_49, %dot_general3A_51 : vector<64x32xf32>
    %swap3A = arith.constant 0 : index
    %swap3A_53 = arith.constant 0 : index
    %swap3A_54 = vector.load %arg10[%swap3A, %swap3A_53] : memref<64x32xf32, #tpu.memory_space<vmem>>, vector<64x32xf32>
    tpu.vector_store %arg10[%swap3A, %swap3A_53], %add3A_52 {strides = array<i32>} : memref<64x32xf32, #tpu.memory_space<vmem>>, vector<64x32xf32>,
    %eq3A_55 = arith.constant 9 : i32
    %eq3A_56 = arith.cmpi eq, %arg0, %eq3A_55 : i32
    %convert_element_type3A_57 = arith.extui %eq3A_56 : i1 to i32
    %cond3A_58 = arith.constant 0 : i32
    %cond3A_59 = arith.cmpi ne, %convert_element_type3A_57, %cond3A_58 : i32
    scf.if %cond3A_59 {
      %get3A_60 = arith.constant 0 : index
      %get3A_61 = arith.constant 0 : index
      %get3A_62 = vector.load %arg10[%get3A_60, %get3A_61] : memref<64x32xf32, #tpu.memory_space<vmem>>, vector<64x32xf32>
      %get3A_63 = arith.constant 0 : index
      %get3A_64 = arith.constant 0 : index
      %get3A_65 = vector.load %arg5[%get3A_63, %get3A_64] : memref<32x16xf32, #tpu.memory_space<vmem>>, vector<32x16xf32>
      %dot_general3A_66 = arith.constant dense<0.000000e+00> : vector<64x16xf32>
      %dot_general3A_67 = tpu.matmul %get3A_62, %get3A_65, %dot_general3A_66 {dimension_numbers = #tpu.dot_dimension_numbers<[1], [0], [0], [1], [0, 0, 1, 1], [], []>, transpose_lhs_hint = false} : vector<64x32xf32>, vector<32x16xf32>, vector<64x16xf32> -> vector<64x16xf32>
      %get3A_68 = arith.constant 0 : index
      %get3A_69 = arith.constant 0 : index
      %get3A_70 = vector.load %arg6[%get3A_68, %get3A_69] : memref<1x16xf32, #tpu.memory_space<vmem>>, vector<1x16xf32>
      %add3A_71 = vector.broadcast %get3A_70 : vector<1x16xf32> to vector<64x16xf32>
      %add3A_72 = arith.addf %dot_general3A_67, %add3A_71 : vector<64x16xf32>
      %max3A_73 = arith.constant 0.000000e+00 : f32
      %max3A_74 = vector.broadcast %max3A_73 : f32 to vector<64x16xf32>
      %max3A_75 = arith.maximumf %add3A_72, %max3A_74 : vector<64x16xf32>
      %get3A_76 = arith.constant 0 : index
      %get3A_77 = arith.constant 0 : index
      %get3A_78 = vector.load %arg7[%get3A_76, %get3A_77] : memref<16x1xf32, #tpu.memory_space<vmem>>, vector<16x1xf32>
      %dot_general3A_79 = arith.constant dense<0.000000e+00> : vector<64x1xf32>
      %dot_general3A_80 = tpu.matmul %max3A_75, %get3A_78, %dot_general3A_79 {dimension_numbers = #tpu.dot_dimension_numbers<[1], [0], [0], [1], [0, 0, 1, 1], [], []>, transpose_lhs_hint = false} : vector<64x16xf32>, vector<16x1xf32>, vector<64x1xf32> -> vector<64x1xf32>
      %get3A_81 = arith.constant 0 : index
      %get3A_82 = arith.constant 0 : index
      %get3A_83 = vector.load %arg8[%get3A_81, %get3A_82] : memref<1x1xf32, #tpu.memory_space<vmem>>, vector<1x1xf32>
      %add3A_84 = vector.broadcast %get3A_83 : vector<1x1xf32> to vector<64x1xf32>
      %add3A_85 = arith.addf %dot_general3A_80, %add3A_84 : vector<64x1xf32>
      %swap3A_86 = arith.constant 0 : index
      %swap3A_87 = arith.constant 0 : index
      %swap3A_88 = vector.load %arg9[%swap3A_86, %swap3A_87] : memref<64x1xf32, #tpu.memory_space<vmem>>, vector<64x1xf32>
      tpu.vector_store %arg9[%swap3A_86, %swap3A_87], %add3A_85 {strides = array<i32>} : memref<64x1xf32, #tpu.memory_space<vmem>>, vector<64x1xf32>,
    } else {
    }
    return
  }
  func.func @transform_0(%arg0: i32) -> (i32, i32, i32) {
    %c0_i32 = arith.constant 0 : i32
    %c0_i32_0 = arith.constant 0 : i32
    %c0_i32_1 = arith.constant 0 : i32
    return %c0_i32, %arg0, %c0_i32_0 : i32, i32, i32
  }
  func.func @transform_1(%arg0: i32) -> (i32, i32, i32) {
    %c0_i32 = arith.constant 0 : i32
    %c0_i32_0 = arith.constant 0 : i32
    %c0_i32_1 = arith.constant 0 : i32
    return %c0_i32, %arg0, %c0_i32_0 : i32, i32, i32
  }
  func.func @transform_2(%arg0: i32) -> (i32, i32, i32) {
    %c0_i32 = arith.constant 0 : i32
    %c0_i32_0 = arith.constant 0 : i32
    %c0_i32_1 = arith.constant 0 : i32
    %c0_i32_2 = arith.constant 0 : i32
    return %c0_i32, %c0_i32_0, %c0_i32_1 : i32, i32, i32
  }
  func.func @transform_3(%arg0: i32) -> (i32, i32, i32) {
    %c0_i32 = arith.constant 0 : i32
    %c0_i32_0 = arith.constant 0 : i32
    %c0_i32_1 = arith.constant 0 : i32
    return %arg0, %c0_i32, %c0_i32_0 : i32, i32, i32
  }
  func.func @transform_4(%arg0: i32) -> (i32, i32) {
    %c0_i32 = arith.constant 0 : i32
    %c0_i32_0 = arith.constant 0 : i32
    %c0_i32_1 = arith.constant 0 : i32
    return %c0_i32, %c0_i32_0 : i32, i32
  }
  func.func @transform_5(%arg0: i32) -> (i32, i32) {
    %c0_i32 = arith.constant 0 : i32
    %c0_i32_0 = arith.constant 0 : i32
    %c0_i32_1 = arith.constant 0 : i32
    return %c0_i32, %c0_i32_0 : i32, i32
  }
  func.func @transform_6(%arg0: i32) -> (i32, i32) {
    %c0_i32 = arith.constant 0 : i32
    %c0_i32_0 = arith.constant 0 : i32
    %c0_i32_1 = arith.constant 0 : i32
    return %c0_i32, %c0_i32_0 : i32, i32
  }
  func.func @transform_7(%arg0: i32) -> (i32, i32) {
    %c0_i32 = arith.constant 0 : i32
    %c0_i32_0 = arith.constant 0 : i32
    %c0_i32_1 = arith.constant 0 : i32
    return %c0_i32, %c0_i32_0 : i32, i32
  }
  func.func @transform_8(%arg0: i32) -> (i32, i32) {
    %c0_i32 = arith.constant 0 : i32
    %c0_i32_0 = arith.constant 0 : i32
    %c0_i32_1 = arith.constant 0 : i32
    return %c0_i32, %c0_i32_0 : i32, i32
  }
}

</mosaic_0001>

<sc_bundles>
// kernel: kernel.11.cloned.1.call-start
scs
__scs_entry_jumppad:
0x0: {  	(pc) =	sbr.rel $0x88, $3  }
0x1: {  	(tag) =	ssettag $0x0;
	lr =	simm.s32 $0x1  }
0x2: {  	[smem:$0x3F94] =	sst lr;
	_ =	strace $0xD0000000  }
0x3: {  	_ = 	snop  }
0x4: {  	_ = 	snop  }
0x5: {  	_ = 	snop  }
0x6: {  	_ = 	snop  }
0x7: {  	_ = 	snop  }
__scs_overlays_trampoline_lowered:
0x8: {  	[smem:$0x3FA3] =	sst s0  }
0x9: {  	[smem:$0x3FA4] =	sst s1  }
0xa: {  	[smem:$0x3FA5] =	sst s2  }
0xb: {  	[smem:$0x3FA6] =	sst s3  }
0xc: {  	[smem:$0x3FA7] =	sst s4  }
0xd: {  	[smem:$0x3FA8] =	sst s5  }
0xe: {  	[smem:$0x3FA9] =	sst s6  }
0xf: {  	[smem:$0x3FAA] =	sst s7  }
0x10: {  	[smem:$0x3FAB] =	sst s8  }
0x11: {  	[smem:$0x3FAC] =	sst s9;
	s0 =	simm.s32 @!p0 $0x0  }
0x12: {  	s1 =	sld [smem:$0x3F92];
	s0 =	simm.s32 @p0 $0x1  }
0x13: {  	[smem:$0x3FAD] =	sst s0;
	s0 =	simm.s32 @!p1 $0x0  }
0x14: {  	s2 =	sld [smem:$0x3F91];
	s0 =	simm.s32 @p1 $0x1  }
0x15: {  	[smem:$0x3FAE] =	sst s0;
	s0 =	simm.s32 @!p2 $0x0  }
0x16: {  	s3 =	sld [smem:$0x3FDB];
	s0 =	simm.s32 @p2 $0x1  }
0x17: {  	s4 =	simm.s32 $0x1BF5;
	[smem:$0x3FB0] =	sst s0  }
0x18: {  	s0 =	sld [smem:$0x3F93];
	_ =	swait.ge [sflag:s4], $0x0  }
0x19: {  	s7 =	sld [smem:$0x3F94]  }
0x1a: {  	s8 =	sadd.s32 $0xFFFFE003, lr  }
0x1b: {  	s9 =	sadd.s32 $0xFFFFFEF7, lr;
	s5 =	simm.s32 $0xFFFFFFFF;
	p2 =	slt.u32 s8, $0xFFFFF086  }
0x1c: {  	p1 =	slt.u32 s9, $0xF7A;
	s5 =	simm.s32 @!p2 $0x0  }
0x1d: {  	s5 =	simm.s32 @p1 $0x1;
	p0 =	seq.s32 s7, s2  }
0x1e: {  	s7 =	smul.u32 @!p0 $0xF7A, s2;
	p2 =	seq.s32 @!p0 s5, $0x0  }
0x1f: {  	s9 =	smul.u32 $0xF7A, s1;
	s8 =	simm.s32 @!p0 $0x1BF5;
	p2 =	por !p2, p0  }
0x20: {  	[sflag:s8] =	ssyncset.s32 @!p0 $0xFFFFF086;
	s6 =	sadd.s32 @!p0 s3, s7;
	s7 =	simm.s32 @!p0 $0x108  }
0x21: {  	s3 =	sadd.s32 s3, s9;
	s6 =	sadd.s32 @!p0 $0x88, s6;
	s7 =	simm.s32 @p2 $0x1082  }
0x22: {  	[simem:s7], [sflag:s8] =	dma.local @!p0 [hbm:s6], $0xF7A  }
0x23: {  	s9 =	sor.u32 $0xD0000000, s2;
	s6 =	simm.s32 $0x108;
	_ =	swait.ge @!p0 [sflag:s8], $0x0  }
0x24: {  	s3 =	sadd.s32 $0x88, s3;
	s6 =	simm.s32 @!p1 $0x1082;
	[sflag:s4] =	ssyncset.s32 $0xFFFFF086  }
0x25: {  	[simem:s6], [sflag:s4] =	dma.local [hbm:s3], $0xF7A  }
0x26: {  	[smem:$0x3F94] =	sst s1;
	(tag) =	ssettag s2;
	_ =	strace s9  }
0x27: {  	s1 =	sld [smem:$0x3FA4]  }
0x28: {  	s2 =	sld [smem:$0x3FA5]  }
0x29: {  	s4 =	sld [smem:$0x3FA7]  }
0x2a: {  	p0 =	seq.s32 s5, $0x0;
	s5 =	sld [smem:$0x3FA8]  }
0x2b: {  	s6 =	sld [smem:$0x3FA9]  }
0x2c: {  	s7 =	sld [smem:$0x3FAA]  }
0x2d: {  	s3 =	simm.s32 $0x108;
	s8 =	sld [smem:$0x3FAB]  }
0x2e: {  	s3 =	simm.s32 @!p0 $0x1082;
	s9 =	sld [smem:$0x3FAC]  }
0x2f: {  	lr =	sadd.s32 s0, s3;
	s0 =	sld [smem:$0x3FA3]  }
0x30: {  	s3 =	sld [smem:$0x3FA6]  }
0x31: {  	[smem:$0x3FAF] =	sst s10  }
0x32: {  	s10 =	sld [smem:$0x3FAD];
	_ =	sdelay $0x3  }
0x33: {  	p0 =	seq.s32 s10, $0x1;
	s10 =	sld [smem:$0x3FAF];
	_ =	sdelay $0x3  }
0x34: {  	[smem:$0x3FAF] =	sst s10  }
0x35: {  	s10 =	sld [smem:$0x3FAE];
	_ =	sdelay $0x3  }
0x36: {  	p1 =	seq.s32 s10, $0x1;
	s10 =	sld [smem:$0x3FAF];
	_ =	sdelay $0x3  }
0x37: {  	[smem:$0x3FAF] =	sst s10  }
0x38: {  	s10 =	sld [smem:$0x3FB0]  }
0x39: {  	_ = 	snop;
	(pc) =	sbr.ind lr, $3  }
0x3a: {  	_ = 	snop  }
0x3b: {  	_ = 	snop  }
0x3c: {  	p2 =	seq.s32 s10, $0x1;
	s10 =	sld [smem:$0x3FAF]  }
0x3d: {  	_ =	shalt  }
0x3e: {  	_ =	shalt  }
0x3f: {  	_ =	shalt  }
0x40: {  	_ =	shalt  }
0x41: {  	_ =	shalt  }
0x42: {  	_ =	shalt  }
0x43: {  	_ =	shalt  }
0x44: {  	_ =	shalt  }
0x45: {  	_ =	shalt  }
0x46: {  	_ =	shalt  }
0x47: {  	_ =	shalt  }
0x48: {  	_ =	shalt  }
0x49: {  	_ =	shalt  }
0x4a: {  	_ =	shalt  }
0x4b: {  	_ =	shalt  }
0x4c: {  	_ =	shalt  }
0x4d: {  	_ =	shalt  }
0x4e: {  	_ =	shalt  }
0x4f: {  	_ =	shalt  }
0x50: {  	_ =	shalt  }
0x51: {  	_ =	shalt  }
0x52: {  	_ =	shalt  }
0x53: {  	_ =	shalt  }
0x54: {  	_ =	shalt  }
0x55: {  	_ =	shalt  }
0x56: {  	_ =	shalt  }
0x57: {  	_ =	shalt  }
0x58: {  	_ =	shalt  }
0x59: {  	_ =	shalt  }
0x5a: {  	_ =	shalt  }
0x5b: {  	_ =	shalt  }
0x5c: {  	_ =	shalt  }
0x5d: {  	_ =	shalt  }
0x5e: {  	_ =	shalt  }
0x5f: {  	_ =	shalt  }
0x60: {  	_ =	shalt  }
0x61: {  	_ =	shalt  }
0x62: {  	_ =	shalt  }
0x63: {  	_ =	shalt  }
0x64: {  	_ =	shalt  }
0x65: {  	_ =	shalt  }
0x66: {  	_ =	shalt  }
0x67: {  	_ =	shalt  }
0x68: {  	_ =	shalt  }
0x69: {  	_ =	shalt  }
0x6a: {  	_ =	shalt  }
0x6b: {  	_ =	shalt  }
0x6c: {  	_ =	shalt  }
0x6d: {  	_ =	shalt  }
0x6e: {  	_ =	shalt  }
0x6f: {  	_ =	shalt  }
0x70: {  	_ =	shalt  }
0x71: {  	_ =	shalt  }
0x72: {  	_ =	shalt  }
0x73: {  	_ =	shalt  }
0x74: {  	_ =	shalt  }
0x75: {  	_ =	shalt  }
0x76: {  	_ =	shalt  }
0x77: {  	_ =	shalt  }
0x78: {  	_ =	shalt  }
0x79: {  	_ =	shalt  }
0x7a: {  	_ =	shalt  }
0x7b: {  	_ =	shalt  }
0x7c: {  	_ =	shalt  }
0x7d: {  	_ =	shalt  }
0x7e: {  	_ =	shalt  }
0x7f: {  	_ =	shalt  }
0x80: {  	_ =	shalt  }
0x81: {  	_ =	shalt  }
0x82: {  	_ =	shalt  }
0x83: {  	_ =	shalt  }
0x84: {  	_ =	shalt  }
0x85: {  	_ =	shalt  }
0x86: {  	_ =	shalt  }
0x87: {  	_ =	shalt  }
.Lfunc_end0:
.L_simem_size_0:
called_computation.1_lowered:
.L_overlay_start_0:
0x88: {  	s2 =	sld [smem:$0x3FD9]  }
0x89: {  	s3 =	sld [smem:$0x3FFE];
	_ =	sdelay $0x1  }
0x8a: {  	s1 =	srdreg.scid  }
0x8b: {  	s0 =	sand.u32 $0x1, s1  }
0x8c: {  	s16 =	sshll.u32 s0, $0xA;
	s2 =	sadd.s32 s3, s2  }
0x8d: {  	s2 =	sadd.s32 s2, s16  }
0x8e: {  	[smem:$0x3FBB] =	sst s2  }
0x8f: {  	_ = 	snop  }
0x90: {  	(tm) =	ssettm $0x1  }
0x91: {  	s17 =	sld [smem:$0x3FFB];
	_ =	sdelay $0x3  }
0x92: {  	_ =	strace s17  }
0x93: {  	s2 =	sld [smem:$0x3FFC];
	_ =	sdelay $0x3  }
0x94: {  	_ =	strace s2  }
0x95: {  	s2 =	sld [smem:$0x3FFD];
	_ =	sdelay $0x3  }
0x96: {  	_ =	strace s2  }
0x97: {  	_ =	strace $0x8FFFFFFF  }
0x98: {  	s18 =	sld [smem:$0x3FDB];
	_ =	sdelay $0x1  }
0x99: {  	s19 =	simm.s32 $_scs_section_size  }
0x9a: {  	s4 =	simm.s32 $_size__tile_overlayer_lowered;
	s5 =	simm.s32 $_tile_overlayer_lowered  }
0x9b: {  	s22 =	simm.s32 $0x1BFF;
	s21 =	sshll.u32 s5, $0x1;
	s2 =	sadd.s32 s19, s18  }
0x9c: {  	s6 =	simm.s32 $0x0;
	s20 =	sshll.u32 s4, $0x1;
	s4 =	sadd.s32 s21, s2  }
0x9d: {  	[timem:s6], [sflag:s22] =	dma.local [hbm:s4], s20  }
0x9e: {  	_ =	swait.ge [sflag:s22], s20  }
0x9f: {  	s3 =	ssub.s32 $0x0, s20;
	[sflag:s22] =	ssyncset.done $0x0  }
0xa0: {  	[sflag:s22] =	ssyncadd.s32 s3;
	_ =	sdelay $0x1  }
0xa1: {  	s23 =	simm.s32 $0x1B8B  }
0xa2: {  	_ =	swait.ge [sflag:s23], $0x1  }
0xa3: {  	[sflag:s23] =	ssyncset.done $0x0  }
0xa4: {  	s25 =	simm.s32 $0x1B8E;
	s24 =	sld [smem:$0x3FFE];
	[sflag:s23] =	ssyncadd.s32 $0xFFFFFFFF  }
0xa5: {  	s26 =	simm.s32 $execute0_lowered;
	[smem:$0x3FD2] =	sst s25  }
0xa6: {  	s4 =	sshll.u32 s26, $0x1;
	_ =	strace $0x80000049;
	[dreg:$0x1] =	wrdreg $0xFFFFFFFF  }
0xa7: {  	s28 =	simm.s32 $_size_execute0_lowered;
	s2 =	sadd.s32 s2, s4;
	[dreg:$0x0] =	wrdreg $0x0  }
0xa8: {  	s4 =	sshll.u32 s28, $0x1;
	[dreg:$0x2] =	wrdreg s2  }
0xa9: {  	[dreg:$0x3] =	wrdreg s4  }
0xaa: {  	[dreg:$0x4] =	wrdreg $0xC0  }
0xab: {  	_ =	task [dreg:s6], $0x5FFFF  }
0xac: {  	[dreg:$0x1] =	wrdreg $0xFFFFFFFF  }
0xad: {  	[dreg:$0x0] =	wrdreg $0x60  }
0xae: {  	[dreg:$0x2] =	wrdreg s24  }
0xaf: {  	[dreg:$0x3] =	wrdreg $0x98000  }
0xb0: {  	[dreg:$0x4] =	wrdreg $0x9  }
0xb1: {  	_ =	task.clear_ibuf [dreg:s6], $0x5FFFF;
	_ =	strace $0x90000049  }
0xb2: {  	s29 =	simm.s32 $0x9;
	_ =	strace $0x8000004B  }
0xb3: {  	_ =	swait.ge [sflag:s29], $0x1  }
0xb4: {  	[sflag:s29] =	ssyncadd.s32 $0xFFFFFFFF  }
0xb5: {  	_ =	strace $0x9000004B  }
0xb6: {  	_ =	sfence  }
0xb7: {  	s30 =	sld [smem:$0x0];
	_ =	sdelay $0x2  }
0xb8: {  	s31 =	sshll.u32 s1, $0xD;
	s1 =	sshrl.u32 s1, $0x2  }
0xb9: {  	s3 =	sand.u32 $0x4000, s31;
	s1 =	sadd.s32 s1, s30  }
0xba: {  	s0 =	sor.u32 s3, s0;
	s1 =	sshll.u32 s1, $0x11  }
0xbb: {  	s0 =	sor.u32 s1, s0  }
0xbc: {  	s0 =	sadd.s32 $0x8F2B, s0  }
0xbd: {  	[sflag:s0] =	ssyncadd.remote.s32 $0x1  }
0xbe: {  	_ =	sfence.sel $0xFFFF  }
0xbf: {  	[dreg:$0x0] =	wrdreg $0xFFFFFFFF;
	(pc) =	sbr.abs _section_cstart, $3  }
0xc0: {  	[dreg:$0x1] =	wrdreg $0xFFFFFFFF  }
0xc1: {  	_ =	task.clear_ibuf [dreg:s6], $0x2FFFF;
	_ =	strace $0x9FFFFFFF  }
0xc2: {  	(tm) =	ssettm $0x7FFFFFFF  }
0xc3: {  	_ =	shalt  }
tec
execute0_lowered:
.L_overlay_start_1:
0x0: {  	(tag) =	ssettag $0x1  }
0x1: {  	s0 =	rddreg [dreg:$0x0]  }
0x2: {  	s1 =	rddreg [dreg:$0x1]  }
0x3: {  	s3 =	srdreg.scid;
	s2 =	simm.s32 $0x0;
	s10 =	stileid.u32  }
0x4: {  	s28 =	simm.s32 $0x80;
	s29 =	simm.s32 $0x1800;
	s7 =	smul.u32 $0x6000, s10  }
0x5: {  	s30 =	simm.s32 $0x2;
	s31 =	simm.s32 $0x1580;
	s20 =	smul.u32 $0x50000, s10  }
0x6: {  	s3 =	sand.u32 $0x1, s3;
	[smem:$0x7FF] =	sst s2;
	s24 =	smul.u32 $0x2800, s10  }
0x7: {  	s6 =	sadd.s32 $0x6D000, s0;
	s19 =	sadd.s32 $0x79000, s0;
	s4 =	smul.u32 $0x27100, s3  }
0x8: {  	s26 =	sshll.u32 s10, $0x6;
	s5 =	smul.u32 $0x28000, s3;
	s3 =	ssub.s32 $0x2, s3  }
0x9: {  	s8 =	sshrl.u32 s3, $0x1;
	s7 =	sshrl.u32 s7, $0x3;
	s25 =	sshrl.u32 s20, $0x2  }
0xa: {  	s5 =	sadd.s32 s5, s0;
	s3 =	ssub.s32 s3, s8;
	s14 =	sadd.s32 s6, s7  }
0xb: {  	s15 =	sadd.s32 s19, s7;
	s16 =	sor.u32 $0x180, s7;
	s17 =	sor.u32 $0x300, s7  }
0xc: {  	s11 =	sadd.s32 $0x480, s7;
	s13 =	sadd.s32 $0x600, s7;
	[dreg:$0x3] =	wrdreg s14  }
0xd: {  	s4 =	sadd.s32 s4, s0;
	[dreg:$0x4] =	wrdreg s15;
	s9 =	sadd.s32 s6, s16  }
0xe: {  	s8 =	sadd.s32 s19, s16;
	s18 =	sadd.s32 s6, s17;
	[dreg:$0x5] =	wrdreg s9  }
0xf: {  	s21 =	sadd.s32 s19, s17;
	s22 =	sadd.s32 s6, s11;
	[dreg:$0x6] =	wrdreg s8  }
0x10: {  	s23 =	sadd.s32 s19, s11;
	s12 =	sadd.s32 s6, s13;
	[dreg:$0x7] =	wrdreg s18  }
0x11: {  	s13 =	sadd.s32 s19, s13;
	s15 =	sadd.s32 $0x780, s7;
	[dreg:$0x8] =	wrdreg s21  }
0x12: {  	s17 =	sadd.s32 $0x900, s7;
	s7 =	sadd.s32 $0xA80, s7;
	[dreg:$0x9] =	wrdreg s22  }
0x13: {  	s5 =	sadd.s32 $0x85000, s5;
	[dreg:$0xa] =	wrdreg s23;
	s14 =	sadd.s32 s6, s15  }
0x14: {  	s15 =	sadd.s32 s19, s15;
	s16 =	sadd.s32 s6, s17;
	s17 =	sadd.s32 s19, s17  }
0x15: {  	s18 =	sadd.s32 s6, s7;
	s19 =	sadd.s32 s19, s7;
	s20 =	sadd.s32 s24, s5  }
0x16: {  	s21 =	sadd.s32 $0x1A800, s0;
	s22 =	sadd.s32 s25, s1;
	s23 =	sor.u32 $0x1C03, s26  }
0x17: {  	s24 =	sadd.s32 $0x1D000, s4;
	s25 =	smax.u32 s3, $0x1;
	s26 =	simm.s32 $0x3  }
0x18: {  	s0 =	simm.s32 $0x5800;
	s3 =	simm.s32 $0x0;
	_ =	strace $0x8000004A  }
.LBB2_1:
0x19: {  	s4 =	sshrl.u32 s22, $0x3  }
0x1a: {  	[spmem:s4], [sflag:s23] =	dma.local [hbm:s21], $0x2800  }
0x1b: {  	_ =	swait.ge [sflag:s26], $0x2800  }
0x1c: {  	[sflag:s26] =	ssyncset.done $0x0  }
0x1d: {  	[sflag:s26] =	ssyncadd.s32 $0xFFFFD800  }
0x1e: {  	[bflag:$0x0] =	sbarrier.arrive $0xFFFF  }
0x1f: {  	s5 =	rddreg [dreg:$0x3]  }
0x20: {  	[tilespmem:s2], [sflag:$0x3] =	stream.linear.gather [hbm4b:s5+s2], $0xA00, $0x38;
	[tilespmem:$0x1D800] =	vst v63  }
0x21: {  	_ =	swait.ge [sflag:s26], $0xA00  }
0x22: {  	[sflag:s26] =	ssyncset.done $0x0  }
0x23: {  	s5 =	simm.s32 $0xC00;
	s6 =	rddreg [dreg:$0x4];
	[sflag:s26] =	ssyncadd.s32 $0xFFFFF600  }
0x24: {  	[tilespmem:s5], [sflag:$0x3] =	stream.linear.gather [hbm4b:s6+s2], $0xA00, $0x38;
	[tilespmem:$0x1D800] =	vst v63  }
0x25: {  	_ =	swait.ge [sflag:s26], $0xA00  }
0x26: {  	s10 =	sand.u32 $0x1, s2;
	[sflag:s26] =	ssyncset.done $0x0  }
0x27: {  	s7 =	sadd.s32 $0x1, s10;
	[sflag:s26] =	ssyncadd.s32 $0xFFFFF600  }
0x28: {  	[tilespmem:s29], [sflag:$0x1] =	stream.indirect.gather [hbm4b:s24+s28], $0x80, s2, s28, $0xb8;
	[tilespmem:$0x1D800] =	vst v63  }
0x29: {  	s11 =	simm.s32 $0x80;
	s8 =	sxor.u32 $0x1, s10;
	_ =	swait.ge [sflag:s7], $0x4000  }
0x2a: {  	s9 =	sshll.u32 s8, $0xE;
	s8 =	sadd.s32 $0x1, s8;
	[sflag:s7] =	ssyncset.done $0x0  }
0x2b: {  	s9 =	sor.u32 $0x1800, s9;
	s6 =	sshll.u32 s10, $0xE;
	[sflag:s7] =	ssyncadd.s32 $0xFFFFC000  }
0x2c: {  	[tilespmem:s9], [sflag:s8] =	stream.indirect.gather [hbm4b:s24+s28], $0x80, s11, s28, $0xb8;
	[tilespmem:$0x1D800] =	vst v63  }
0x2d: {  	s6 =	sor.u32 $0x1800, s6  }
0x2e: {  	[spmem:s1] =	stream.indirect.scatter.add.f32 [tilespmem:s6], [sflag:$0x3], $0x80, s5, s28, $0xb8;
	[tilespmem:$0x1D800] =	vst v63  }
0x2f: {  	s7 =	simm.s32 $0x2;
	_ =	swait.ge [sflag:s26], $0x4000  }
0x30: {  	s6 =	simm.s32 $0x1;
	s5 =	simm.s32 $0xC80;
	[sflag:s26] =	ssyncset.done $0x0  }
.LBB2_2:
0x31: {  	s8 =	sand.u32 $0x1, s6  }
0x32: {  	[sflag:s26] =	ssyncadd.s32 $0xFFFFC000;
	s6 =	smov.u32 s7;
	s9 =	sadd.s32 $0x1, s7  }
0x33: {  	s10 =	sshll.u32 s8, $0xE;
	s11 =	sadd.s32 $0x1, s8;
	s8 =	sxor.u32 $0x1, s8  }
0x34: {  	p0 =	sne.s32 s7, $0x12;
	_ =	swait.ge [sflag:s11], $0x4000;
	s7 =	sshll.u32 s8, $0xE  }
0x35: {  	[sflag:s11] =	ssyncset.done $0x0;
	s7 =	sor.u32 $0x1800, s7  }
0x36: {  	s8 =	sadd.s32 $0x1, s8;
	[sflag:s11] =	ssyncadd.s32 $0xFFFFC000;
	s11 =	sadd.s32 $0xFFFFF480, s5  }
0x37: {  	[tilespmem:s7], [sflag:s8] =	stream.indirect.gather [hbm4b:s24+s28], $0x80, s11, s28, $0xb8;
	[tilespmem:$0x1D800] =	vst v63  }
.Ltmp0:
0x38: {  	_ = 	snop;
	(pc) =	sbr.rel @p0 .LBB2_2-.Ltmp0, $4  }
0x39: {  	s7 =	sor.u32 $0x1800, s10  }
0x3a: {  	[spmem:s1] =	stream.indirect.scatter.add.f32 [tilespmem:s7], [sflag:$0x3], $0x80, s5, s28, $0xb8;
	[tilespmem:$0x1D800] =	vst v63  }
0x3b: {  	_ =	swait.ge [sflag:s26], $0x4000  }
0x3c: {  	s5 =	sadd.s32 $0x80, s5;
	s7 =	smov.u32 s9;
	[sflag:s26] =	ssyncset.done $0x0  }
0x3d: {  	s6 =	sand.u32 $0x1, s6  }
0x3e: {  	[sflag:s26] =	ssyncadd.s32 $0xFFFFC000;
	s7 =	sadd.s32 $0x1, s6  }
0x3f: {  	s11 =	sadd.s32 $0xFFFFF480, s5;
	s8 =	sxor.u32 $0x1, s6;
	_ =	swait.ge [sflag:s7], $0x4000  }
0x40: {  	s6 =	sshll.u32 s6, $0xE;
	s9 =	sshll.u32 s8, $0xE;
	[sflag:s7] =	ssyncset.done $0x0  }
0x41: {  	s8 =	sadd.s32 $0x1, s8;
	s9 =	sor.u32 $0x1800, s9;
	[sflag:s7] =	ssyncadd.s32 $0xFFFFC000  }
0x42: {  	[tilespmem:s9], [sflag:s8] =	stream.indirect.gather [hbm4b:s24+s28], $0x80, s11, s28, $0xb8;
	[tilespmem:$0x1D800] =	vst v63  }
0x43: {  	s6 =	sor.u32 $0x1800, s6  }
0x44: {  	[spmem:s1] =	stream.indirect.scatter.add.f32 [tilespmem:s6], [sflag:$0x3], $0x80, s5, s28, $0xb8;
	[tilespmem:$0x1D800] =	vst v63  }
0x45: {  	_ =	swait.ge [sflag:s26], $0x4000  }
0x46: {  	[sflag:s26] =	ssyncset.done $0x0  }
0x47: {  	[sflag:s26] =	ssyncadd.s32 $0xFFFFC000  }
0x48: {  	_ =	swait.ge [sflag:s30], $0x4000  }
0x49: {  	[sflag:s30] =	ssyncset.done $0x0  }
0x4a: {  	[sflag:s30] =	ssyncadd.s32 $0xFFFFC000  }
0x4b: {  	[spmem:s1] =	stream.indirect.scatter.add.f32 [tilespmem:s0], [sflag:$0x3], $0x80, s31, s28, $0xb8;
	[tilespmem:$0x1D800] =	vst v63  }
0x4c: {  	_ =	swait.ge [sflag:s26], $0x4000  }
0x4d: {  	[sflag:s26] =	ssyncset.done $0x0  }
0x4e: {  	s8 =	simm.s32 $0x0;
	s9 =	rddreg [dreg:$0x5];
	[sflag:s26] =	ssyncadd.s32 $0xFFFFC000  }
0x4f: {  	[tilespmem:s8], [sflag:$0x3] =	stream.linear.gather [hbm4b:s9+s8], $0xA00, $0x38;
	[tilespmem:$0x1D800] =	vst v63  }
0x50: {  	_ =	swait.ge [sflag:s26], $0xA00  }
0x51: {  	[sflag:s26] =	ssyncset.done $0x0  }
0x52: {  	s6 =	simm.s32 $0xC00;
	s10 =	rddreg [dreg:$0x6];
	[sflag:s26] =	ssyncadd.s32 $0xFFFFF600  }
0x53: {  	[tilespmem:s6], [sflag:$0x3] =	stream.linear.gather [hbm4b:s10+s8], $0xA00, $0x38;
	[tilespmem:$0x1D800] =	vst v63  }
0x54: {  	_ =	swait.ge [sflag:s26], $0xA00  }
0x55: {  	s5 =	sand.u32 $0x1, s8;
	[sflag:s26] =	ssyncset.done $0x0  }
0x56: {  	s11 =	sadd.s32 $0x1, s5;
	[sflag:s26] =	ssyncadd.s32 $0xFFFFF600  }
0x57: {  	[tilespmem:s29], [sflag:$0x1] =	stream.indirect.gather [hbm4b:s24+s28], $0x80, s8, s28, $0xb8;
	[tilespmem:$0x1D800] =	vst v63  }
0x58: {  	s8 =	sxor.u32 $0x1, s5;
	s5 =	sshll.u32 s5, $0xE;
	_ =	swait.ge [sflag:s11], $0x4000  }
0x59: {  	s10 =	sshll.u32 s8, $0xE;
	s8 =	sadd.s32 $0x1, s8;
	[sflag:s11] =	ssyncset.done $0x0  }
0x5a: {  	s9 =	sor.u32 $0x1800, s10;
	[sflag:s11] =	ssyncadd.s32 $0xFFFFC000;
	s11 =	simm.s32 $0x80  }
0x5b: {  	[tilespmem:s9], [sflag:s8] =	stream.indirect.gather [hbm4b:s24+s28], $0x80, s11, s28, $0xb8;
	[tilespmem:$0x1D800] =	vst v63  }
0x5c: {  	s5 =	sor.u32 $0x1800, s5  }
0x5d: {  	[spmem:s1] =	stream.indirect.scatter.add.f32 [tilespmem:s5], [sflag:$0x3], $0x80, s6, s28, $0xb8;
	[tilespmem:$0x1D800] =	vst v63  }
0x5e: {  	s7 =	simm.s32 $0x2;
	_ =	swait.ge [sflag:s26], $0x4000  }
0x5f: {  	s6 =	simm.s32 $0x1;
	s5 =	simm.s32 $0xC80;
	[sflag:s26] =	ssyncset.done $0x0  }
.LBB2_4:
0x60: {  	s8 =	sand.u32 $0x1, s6  }
0x61: {  	[sflag:s26] =	ssyncadd.s32 $0xFFFFC000;
	s6 =	smov.u32 s7;
	s9 =	sadd.s32 $0x1, s7  }
0x62: {  	s10 =	sshll.u32 s8, $0xE;
	s11 =	sadd.s32 $0x1, s8;
	s8 =	sxor.u32 $0x1, s8  }
0x63: {  	p0 =	sne.s32 s7, $0x12;
	_ =	swait.ge [sflag:s11], $0x4000;
	s7 =	sshll.u32 s8, $0xE  }
0x64: {  	[sflag:s11] =	ssyncset.done $0x0;
	s7 =	sor.u32 $0x1800, s7  }
0x65: {  	s8 =	sadd.s32 $0x1, s8;
	[sflag:s11] =	ssyncadd.s32 $0xFFFFC000;
	s11 =	sadd.s32 $0xFFFFF480, s5  }
0x66: {  	[tilespmem:s7], [sflag:s8] =	stream.indirect.gather [hbm4b:s24+s28], $0x80, s11, s28, $0xb8;
	[tilespmem:$0x1D800] =	vst v63  }
.Ltmp1:
0x67: {  	_ = 	snop;
	(pc) =	sbr.rel @p0 .LBB2_4-.Ltmp1, $4  }
0x68: {  	s7 =	sor.u32 $0x1800, s10  }
0x69: {  	[spmem:s1] =	stream.indirect.scatter.add.f32 [tilespmem:s7], [sflag:$0x3], $0x80, s5, s28, $0xb8;
	[tilespmem:$0x1D800] =	vst v63  }
0x6a: {  	_ =	swait.ge [sflag:s26], $0x4000  }
0x6b: {  	s5 =	sadd.s32 $0x80, s5;
	s7 =	smov.u32 s9;
	[sflag:s26] =	ssyncset.done $0x0  }
0x6c: {  	s6 =	sand.u32 $0x1, s6  }
0x6d: {  	[sflag:s26] =	ssyncadd.s32 $0xFFFFC000;
	s7 =	sadd.s32 $0x1, s6  }
0x6e: {  	s11 =	sadd.s32 $0xFFFFF480, s5;
	s8 =	sxor.u32 $0x1, s6;
	_ =	swait.ge [sflag:s7], $0x4000  }
0x6f: {  	s6 =	sshll.u32 s6, $0xE;
	s9 =	sshll.u32 s8, $0xE;
	[sflag:s7] =	ssyncset.done $0x0  }
0x70: {  	s8 =	sadd.s32 $0x1, s8;
	s9 =	sor.u32 $0x1800, s9;
	[sflag:s7] =	ssyncadd.s32 $0xFFFFC000  }
0x71: {  	[tilespmem:s9], [sflag:s8] =	stream.indirect.gather [hbm4b:s24+s28], $0x80, s11, s28, $0xb8;
	[tilespmem:$0x1D800] =	vst v63  }
0x72: {  	s6 =	sor.u32 $0x1800, s6  }
0x73: {  	[spmem:s1] =	stream.indirect.scatter.add.f32 [tilespmem:s6], [sflag:$0x3], $0x80, s5, s28, $0xb8;
	[tilespmem:$0x1D800] =	vst v63  }
0x74: {  	_ =	swait.ge [sflag:s26], $0x4000  }
0x75: {  	[sflag:s26] =	ssyncset.done $0x0  }
0x76: {  	[sflag:s26] =	ssyncadd.s32 $0xFFFFC000  }
0x77: {  	_ =	swait.ge [sflag:s30], $0x4000  }
0x78: {  	[sflag:s30] =	ssyncset.done $0x0  }
0x79: {  	[sflag:s30] =	ssyncadd.s32 $0xFFFFC000  }
0x7a: {  	[spmem:s1] =	stream.indirect.scatter.add.f32 [tilespmem:s0], [sflag:$0x3], $0x80, s31, s28, $0xb8;
	[tilespmem:$0x1D800] =	vst v63  }
0x7b: {  	_ =	swait.ge [sflag:s26], $0x4000  }
0x7c: {  	[sflag:s26] =	ssyncset.done $0x0  }
0x7d: {  	s8 =	simm.s32 $0x0;
	s9 =	rddreg [dreg:$0x7];
	[sflag:s26] =	ssyncadd.s32 $0xFFFFC000  }
0x7e: {  	[tilespmem:s8], [sflag:$0x3] =	stream.linear.gather [hbm4b:s9+s8], $0xA00, $0x38;
	[tilespmem:$0x1D800] =	vst v63  }
0x7f: {  	_ =	swait.ge [sflag:s26], $0xA00  }
0x80: {  	[sflag:s26] =	ssyncset.done $0x0  }
0x81: {  	s6 =	simm.s32 $0xC00;
	s10 =	rddreg [dreg:$0x8];
	[sflag:s26] =	ssyncadd.s32 $0xFFFFF600  }
0x82: {  	[tilespmem:s6], [sflag:$0x3] =	stream.linear.gather [hbm4b:s10+s8], $0xA00, $0x38;
	[tilespmem:$0x1D800] =	vst v63  }
0x83: {  	_ =	swait.ge [sflag:s26], $0xA00  }
0x84: {  	s5 =	sand.u32 $0x1, s8;
	[sflag:s26] =	ssyncset.done $0x0  }
0x85: {  	s11 =	sadd.s32 $0x1, s5;
	[sflag:s26] =	ssyncadd.s32 $0xFFFFF600  }
0x86: {  	[tilespmem:s29], [sflag:$0x1] =	stream.indirect.gather [hbm4b:s24+s28], $0x80, s8, s28, $0xb8;
	[tilespmem:$0x1D800] =	vst v63  }
0x87: {  	s8 =	sxor.u32 $0x1, s5;
	s5 =	sshll.u32 s5, $0xE;
	_ =	swait.ge [sflag:s11], $0x4000  }
0x88: {  	s10 =	sshll.u32 s8, $0xE;
	s8 =	sadd.s32 $0x1, s8;
	[sflag:s11] =	ssyncset.done $0x0  }
0x89: {  	s9 =	sor.u32 $0x1800, s10;
	[sflag:s11] =	ssyncadd.s32 $0xFFFFC000;
	s11 =	simm.s32 $0x80  }
0x8a: {  	[tilespmem:s9], [sflag:s8] =	stream.indirect.gather [hbm4b:s24+s28], $0x80, s11, s28, $0xb8;
	[tilespmem:$0x1D800] =	vst v63  }
0x8b: {  	s5 =	sor.u32 $0x1800, s5  }
0x8c: {  	[spmem:s1] =	stream.indirect.scatter.add.f32 [tilespmem:s5], [sflag:$0x3], $0x80, s6, s28, $0xb8;
	[tilespmem:$0x1D800] =	vst v63  }
0x8d: {  	s7 =	simm.s32 $0x2;
	_ =	swait.ge [sflag:s26], $0x4000  }
0x8e: {  	s6 =	simm.s32 $0x1;
	s5 =	simm.s32 $0xC80;
	[sflag:s26] =	ssyncset.done $0x0  }
.LBB2_6:
0x8f: {  	s8 =	sand.u32 $0x1, s6  }
0x90: {  	[sflag:s26] =	ssyncadd.s32 $0xFFFFC000;
	s6 =	smov.u32 s7;
	s9 =	sadd.s32 $0x1, s7  }
0x91: {  	s10 =	sshll.u32 s8, $0xE;
	s11 =	sadd.s32 $0x1, s8;
	s8 =	sxor.u32 $0x1, s8  }
0x92: {  	p0 =	sne.s32 s7, $0x12;
	_ =	swait.ge [sflag:s11], $0x4000;
	s7 =	sshll.u32 s8, $0xE  }
0x93: {  	[sflag:s11] =	ssyncset.done $0x0;
	s7 =	sor.u32 $0x1800, s7  }
0x94: {  	s8 =	sadd.s32 $0x1, s8;
	[sflag:s11] =	ssyncadd.s32 $0xFFFFC000;
	s11 =	sadd.s32 $0xFFFFF480, s5  }
0x95: {  	[tilespmem:s7], [sflag:s8] =	stream.indirect.gather [hbm4b:s24+s28], $0x80, s11, s28, $0xb8;
	[tilespmem:$0x1D800] =	vst v63  }
.Ltmp2:
0x96: {  	_ = 	snop;
	(pc) =	sbr.rel @p0 .LBB2_6-.Ltmp2, $4  }
0x97: {  	s7 =	sor.u32 $0x1800, s10  }
0x98: {  	[spmem:s1] =	stream.indirect.scatter.add.f32 [tilespmem:s7], [sflag:$0x3], $0x80, s5, s28, $0xb8;
	[tilespmem:$0x1D800] =	vst v63  }
0x99: {  	_ =	swait.ge [sflag:s26], $0x4000  }
0x9a: {  	s5 =	sadd.s32 $0x80, s5;
	s7 =	smov.u32 s9;
	[sflag:s26] =	ssyncset.done $0x0  }
0x9b: {  	s6 =	sand.u32 $0x1, s6  }
0x9c: {  	[sflag:s26] =	ssyncadd.s32 $0xFFFFC000;
	s7 =	sadd.s32 $0x1, s6  }
0x9d: {  	s11 =	sadd.s32 $0xFFFFF480, s5;
	s8 =	sxor.u32 $0x1, s6;
	_ =	swait.ge [sflag:s7], $0x4000  }
0x9e: {  	s6 =	sshll.u32 s6, $0xE;
	s9 =	sshll.u32 s8, $0xE;
	[sflag:s7] =	ssyncset.done $0x0  }
0x9f: {  	s8 =	sadd.s32 $0x1, s8;
	s9 =	sor.u32 $0x1800, s9;
	[sflag:s7] =	ssyncadd.s32 $0xFFFFC000  }
0xa0: {  	[tilespmem:s9], [sflag:s8] =	stream.indirect.gather [hbm4b:s24+s28], $0x80, s11, s28, $0xb8;
	[tilespmem:$0x1D800] =	vst v63  }
0xa1: {  	s6 =	sor.u32 $0x1800, s6  }
0xa2: {  	[spmem:s1] =	stream.indirect.scatter.add.f32 [tilespmem:s6], [sflag:$0x3], $0x80, s5, s28, $0xb8;
	[tilespmem:$0x1D800] =	vst v63  }
0xa3: {  	_ =	swait.ge [sflag:s26], $0x4000  }
0xa4: {  	[sflag:s26] =	ssyncset.done $0x0  }
0xa5: {  	[sflag:s26] =	ssyncadd.s32 $0xFFFFC000  }
0xa6: {  	_ =	swait.ge [sflag:s30], $0x4000  }
0xa7: {  	[sflag:s30] =	ssyncset.done $0x0  }
0xa8: {  	[sflag:s30] =	ssyncadd.s32 $0xFFFFC000  }
0xa9: {  	[spmem:s1] =	stream.indirect.scatter.add.f32 [tilespmem:s0], [sflag:$0x3], $0x80, s31, s28, $0xb8;
	[tilespmem:$0x1D800] =	vst v63  }
0xaa: {  	_ =	swait.ge [sflag:s26], $0x4000  }
0xab: {  	[sflag:s26] =	ssyncset.done $0x0  }
0xac: {  	s8 =	simm.s32 $0x0;
	s9 =	rddreg [dreg:$0x9];
	[sflag:s26] =	ssyncadd.s32 $0xFFFFC000  }
0xad: {  	[tilespmem:s8], [sflag:$0x3] =	stream.linear.gather [hbm4b:s9+s8], $0xA00, $0x38;
	[tilespmem:$0x1D800] =	vst v63  }
0xae: {  	_ =	swait.ge [sflag:s26], $0xA00  }
0xaf: {  	[sflag:s26] =	ssyncset.done $0x0  }
0xb0: {  	s6 =	simm.s32 $0xC00;
	s10 =	rddreg [dreg:$0xa];
	[sflag:s26] =	ssyncadd.s32 $0xFFFFF600  }
0xb1: {  	[tilespmem:s6], [sflag:$0x3] =	stream.linear.gather [hbm4b:s10+s8], $0xA00, $0x38;
	[tilespmem:$0x1D800] =	vst v63  }
0xb2: {  	_ =	swait.ge [sflag:s26], $0xA00  }
0xb3: {  	s5 =	sand.u32 $0x1, s8;
	[sflag:s26] =	ssyncset.done $0x0  }
0xb4: {  	s11 =	sadd.s32 $0x1, s5;
	[sflag:s26] =	ssyncadd.s32 $0xFFFFF600  }
0xb5: {  	[tilespmem:s29], [sflag:$0x1] =	stream.indirect.gather [hbm4b:s24+s28], $0x80, s8, s28, $0xb8;
	[tilespmem:$0x1D800] =	vst v63  }
0xb6: {  	s8 =	sxor.u32 $0x1, s5;
	s5 =	sshll.u32 s5, $0xE;
	_ =	swait.ge [sflag:s11], $0x4000  }
0xb7: {  	s10 =	sshll.u32 s8, $0xE;
	s8 =	sadd.s32 $0x1, s8;
	[sflag:s11] =	ssyncset.done $0x0  }
0xb8: {  	s9 =	sor.u32 $0x1800, s10;
	[sflag:s11] =	ssyncadd.s32 $0xFFFFC000;
	s11 =	simm.s32 $0x80  }
0xb9: {  	[tilespmem:s9], [sflag:s8] =	stream.indirect.gather [hbm4b:s24+s28], $0x80, s11, s28, $0xb8;
	[tilespmem:$0x1D800] =	vst v63  }
0xba: {  	s5 =	sor.u32 $0x1800, s5  }
0xbb: {  	[spmem:s1] =	stream.indirect.scatter.add.f32 [tilespmem:s5], [sflag:$0x3], $0x80, s6, s28, $0xb8;
	[tilespmem:$0x1D800] =	vst v63  }
0xbc: {  	s7 =	simm.s32 $0x2;
	_ =	swait.ge [sflag:s26], $0x4000  }
0xbd: {  	s6 =	simm.s32 $0x1;
	s5 =	simm.s32 $0xC80;
	[sflag:s26] =	ssyncset.done $0x0  }
.LBB2_8:
0xbe: {  	s8 =	sand.u32 $0x1, s6  }
0xbf: {  	[sflag:s26] =	ssyncadd.s32 $0xFFFFC000;
	s6 =	smov.u32 s7;
	s9 =	sadd.s32 $0x1, s7  }
0xc0: {  	s10 =	sshll.u32 s8, $0xE;
	s11 =	sadd.s32 $0x1, s8;
	s8 =	sxor.u32 $0x1, s8  }
0xc1: {  	p0 =	sne.s32 s7, $0x12;
	_ =	swait.ge [sflag:s11], $0x4000;
	s7 =	sshll.u32 s8, $0xE  }
0xc2: {  	[sflag:s11] =	ssyncset.done $0x0;
	s7 =	sor.u32 $0x1800, s7  }
0xc3: {  	s8 =	sadd.s32 $0x1, s8;
	[sflag:s11] =	ssyncadd.s32 $0xFFFFC000;
	s11 =	sadd.s32 $0xFFFFF480, s5  }
0xc4: {  	[tilespmem:s7], [sflag:s8] =	stream.indirect.gather [hbm4b:s24+s28], $0x80, s11, s28, $0xb8;
	[tilespmem:$0x1D800] =	vst v63  }
.Ltmp3:
0xc5: {  	_ = 	snop;
	(pc) =	sbr.rel @p0 .LBB2_8-.Ltmp3, $4  }
0xc6: {  	s7 =	sor.u32 $0x1800, s10  }
0xc7: {  	[spmem:s1] =	stream.indirect.scatter.add.f32 [tilespmem:s7], [sflag:$0x3], $0x80, s5, s28, $0xb8;
	[tilespmem:$0x1D800] =	vst v63  }
0xc8: {  	_ =	swait.ge [sflag:s26], $0x4000  }
0xc9: {  	s5 =	sadd.s32 $0x80, s5;
	s7 =	smov.u32 s9;
	[sflag:s26] =	ssyncset.done $0x0  }
0xca: {  	s6 =	sand.u32 $0x1, s6  }
0xcb: {  	[sflag:s26] =	ssyncadd.s32 $0xFFFFC000;
	s7 =	sadd.s32 $0x1, s6  }
0xcc: {  	s11 =	sadd.s32 $0xFFFFF480, s5;
	s8 =	sxor.u32 $0x1, s6;
	_ =	swait.ge [sflag:s7], $0x4000  }
0xcd: {  	s6 =	sshll.u32 s6, $0xE;
	s9 =	sshll.u32 s8, $0xE;
	[sflag:s7] =	ssyncset.done $0x0  }
0xce: {  	s8 =	sadd.s32 $0x1, s8;
	s9 =	sor.u32 $0x1800, s9;
	[sflag:s7] =	ssyncadd.s32 $0xFFFFC000  }
0xcf: {  	[tilespmem:s9], [sflag:s8] =	stream.indirect.gather [hbm4b:s24+s28], $0x80, s11, s28, $0xb8;
	[tilespmem:$0x1D800] =	vst v63  }
0xd0: {  	s6 =	sor.u32 $0x1800, s6  }
0xd1: {  	[spmem:s1] =	stream.indirect.scatter.add.f32 [tilespmem:s6], [sflag:$0x3], $0x80, s5, s28, $0xb8;
	[tilespmem:$0x1D800] =	vst v63  }
0xd2: {  	_ =	swait.ge [sflag:s26], $0x4000  }
0xd3: {  	[sflag:s26] =	ssyncset.done $0x0  }
0xd4: {  	[sflag:s26] =	ssyncadd.s32 $0xFFFFC000  }
0xd5: {  	_ =	swait.ge [sflag:s30], $0x4000  }
0xd6: {  	[sflag:s30] =	ssyncset.done $0x0  }
0xd7: {  	[sflag:s30] =	ssyncadd.s32 $0xFFFFC000  }
0xd8: {  	[spmem:s1] =	stream.indirect.scatter.add.f32 [tilespmem:s0], [sflag:$0x3], $0x80, s31, s28, $0xb8;
	[tilespmem:$0x1D800] =	vst v63  }
0xd9: {  	_ =	swait.ge [sflag:s26], $0x4000  }
0xda: {  	[sflag:s26] =	ssyncset.done $0x0  }
0xdb: {  	s10 =	simm.s32 $0x0;
	[sflag:s26] =	ssyncadd.s32 $0xFFFFC000  }
0xdc: {  	[tilespmem:s10], [sflag:$0x3] =	stream.linear.gather [hbm4b:s12+s10], $0xA00, $0x38;
	[tilespmem:$0x1D800] =	vst v63  }
0xdd: {  	_ =	swait.ge [sflag:s26], $0xA00  }
0xde: {  	[sflag:s26] =	ssyncset.done $0x0  }
0xdf: {  	s6 =	simm.s32 $0xC00;
	[sflag:s26] =	ssyncadd.s32 $0xFFFFF600  }
0xe0: {  	[tilespmem:s6], [sflag:$0x3] =	stream.linear.gather [hbm4b:s13+s10], $0xA00, $0x38;
	[tilespmem:$0x1D800] =	vst v63  }
0xe1: {  	_ =	swait.ge [sflag:s26], $0xA00  }
0xe2: {  	s5 =	sand.u32 $0x1, s10;
	[sflag:s26] =	ssyncset.done $0x0  }
0xe3: {  	s11 =	sadd.s32 $0x1, s5;
	[sflag:s26] =	ssyncadd.s32 $0xFFFFF600  }
0xe4: {  	[tilespmem:s29], [sflag:$0x1] =	stream.indirect.gather [hbm4b:s24+s28], $0x80, s10, s28, $0xb8;
	[tilespmem:$0x1D800] =	vst v63  }
0xe5: {  	s8 =	sxor.u32 $0x1, s5;
	s5 =	sshll.u32 s5, $0xE;
	_ =	swait.ge [sflag:s11], $0x4000  }
0xe6: {  	s10 =	sshll.u32 s8, $0xE;
	s8 =	sadd.s32 $0x1, s8;
	[sflag:s11] =	ssyncset.done $0x0  }
0xe7: {  	s9 =	sor.u32 $0x1800, s10;
	[sflag:s11] =	ssyncadd.s32 $0xFFFFC000;
	s11 =	simm.s32 $0x80  }
0xe8: {  	[tilespmem:s9], [sflag:s8] =	stream.indirect.gather [hbm4b:s24+s28], $0x80, s11, s28, $0xb8;
	[tilespmem:$0x1D800] =	vst v63  }
0xe9: {  	s5 =	sor.u32 $0x1800, s5  }
0xea: {  	[spmem:s1] =	stream.indirect.scatter.add.f32 [tilespmem:s5], [sflag:$0x3], $0x80, s6, s28, $0xb8;
	[tilespmem:$0x1D800] =	vst v63  }
0xeb: {  	s7 =	simm.s32 $0x2;
	_ =	swait.ge [sflag:s26], $0x4000  }
0xec: {  	s6 =	simm.s32 $0x1;
	s5 =	simm.s32 $0xC80;
	[sflag:s26] =	ssyncset.done $0x0  }
.LBB2_10:
0xed: {  	s8 =	sand.u32 $0x1, s6  }
0xee: {  	[sflag:s26] =	ssyncadd.s32 $0xFFFFC000;
	s6 =	smov.u32 s7;
	s9 =	sadd.s32 $0x1, s7  }
0xef: {  	s10 =	sshll.u32 s8, $0xE;
	s11 =	sadd.s32 $0x1, s8;
	s8 =	sxor.u32 $0x1, s8  }
0xf0: {  	p0 =	sne.s32 s7, $0x12;
	_ =	swait.ge [sflag:s11], $0x4000;
	s7 =	sshll.u32 s8, $0xE  }
0xf1: {  	[sflag:s11] =	ssyncset.done $0x0;
	s7 =	sor.u32 $0x1800, s7  }
0xf2: {  	s8 =	sadd.s32 $0x1, s8;
	[sflag:s11] =	ssyncadd.s32 $0xFFFFC000;
	s11 =	sadd.s32 $0xFFFFF480, s5  }
0xf3: {  	[tilespmem:s7], [sflag:s8] =	stream.indirect.gather [hbm4b:s24+s28], $0x80, s11, s28, $0xb8;
	[tilespmem:$0x1D800] =	vst v63  }
.Ltmp4:
0xf4: {  	_ = 	snop;
	(pc) =	sbr.rel @p0 .LBB2_10-.Ltmp4, $4  }
0xf5: {  	s7 =	sor.u32 $0x1800, s10  }
0xf6: {  	[spmem:s1] =	stream.indirect.scatter.add.f32 [tilespmem:s7], [sflag:$0x3], $0x80, s5, s28, $0xb8;
	[tilespmem:$0x1D800] =	vst v63  }
0xf7: {  	_ =	swait.ge [sflag:s26], $0x4000  }
0xf8: {  	s5 =	sadd.s32 $0x80, s5;
	s7 =	smov.u32 s9;
	[sflag:s26] =	ssyncset.done $0x0  }
0xf9: {  	s6 =	sand.u32 $0x1, s6  }
0xfa: {  	[sflag:s26] =	ssyncadd.s32 $0xFFFFC000;
	s7 =	sadd.s32 $0x1, s6  }
0xfb: {  	s11 =	sadd.s32 $0xFFFFF480, s5;
	s8 =	sxor.u32 $0x1, s6;
	_ =	swait.ge [sflag:s7], $0x4000  }
0xfc: {  	s6 =	sshll.u32 s6, $0xE;
	s9 =	sshll.u32 s8, $0xE;
	[sflag:s7] =	ssyncset.done $0x0  }
0xfd: {  	s8 =	sadd.s32 $0x1, s8;
	s9 =	sor.u32 $0x1800, s9;
	[sflag:s7] =	ssyncadd.s32 $0xFFFFC000  }
0xfe: {  	[tilespmem:s9], [sflag:s8] =	stream.indirect.gather [hbm4b:s24+s28], $0x80, s11, s28, $0xb8;
	[tilespmem:$0x1D800] =	vst v63  }
0xff: {  	s6 =	sor.u32 $0x1800, s6  }
0x100: {  	[spmem:s1] =	stream.indirect.scatter.add.f32 [tilespmem:s6], [sflag:$0x3], $0x80, s5, s28, $0xb8;
	[tilespmem:$0x1D800] =	vst v63  }
0x101: {  	_ =	swait.ge [sflag:s26], $0x4000  }
0x102: {  	[sflag:s26] =	ssyncset.done $0x0  }
0x103: {  	[sflag:s26] =	ssyncadd.s32 $0xFFFFC000  }
0x104: {  	_ =	swait.ge [sflag:s30], $0x4000  }
0x105: {  	[sflag:s30] =	ssyncset.done $0x0  }
0x106: {  	[sflag:s30] =	ssyncadd.s32 $0xFFFFC000  }
0x107: {  	[spmem:s1] =	stream.indirect.scatter.add.f32 [tilespmem:s0], [sflag:$0x3], $0x80, s31, s28, $0xb8;
	[tilespmem:$0x1D800] =	vst v63  }
0x108: {  	_ =	swait.ge [sflag:s26], $0x4000  }
0x109: {  	[sflag:s26] =	ssyncset.done $0x0  }
0x10a: {  	s10 =	simm.s32 $0x0;
	[sflag:s26] =	ssyncadd.s32 $0xFFFFC000  }
0x10b: {  	[tilespmem:s10], [sflag:$0x3] =	stream.linear.gather [hbm4b:s14+s10], $0xA00, $0x38;
	[tilespmem:$0x1D800] =	vst v63  }
0x10c: {  	_ =	swait.ge [sflag:s26], $0xA00  }
0x10d: {  	[sflag:s26] =	ssyncset.done $0x0  }
0x10e: {  	s6 =	simm.s32 $0xC00;
	[sflag:s26] =	ssyncadd.s32 $0xFFFFF600  }
0x10f: {  	[tilespmem:s6], [sflag:$0x3] =	stream.linear.gather [hbm4b:s15+s10], $0xA00, $0x38;
	[tilespmem:$0x1D800] =	vst v63  }
0x110: {  	_ =	swait.ge [sflag:s26], $0xA00  }
0x111: {  	s5 =	sand.u32 $0x1, s10;
	[sflag:s26] =	ssyncset.done $0x0  }
0x112: {  	s11 =	sadd.s32 $0x1, s5;
	[sflag:s26] =	ssyncadd.s32 $0xFFFFF600  }
0x113: {  	[tilespmem:s29], [sflag:$0x1] =	stream.indirect.gather [hbm4b:s24+s28], $0x80, s10, s28, $0xb8;
	[tilespmem:$0x1D800] =	vst v63  }
0x114: {  	s8 =	sxor.u32 $0x1, s5;
	s5 =	sshll.u32 s5, $0xE;
	_ =	swait.ge [sflag:s11], $0x4000  }
0x115: {  	s10 =	sshll.u32 s8, $0xE;
	s8 =	sadd.s32 $0x1, s8;
	[sflag:s11] =	ssyncset.done $0x0  }
0x116: {  	s9 =	sor.u32 $0x1800, s10;
	[sflag:s11] =	ssyncadd.s32 $0xFFFFC000;
	s11 =	simm.s32 $0x80  }
0x117: {  	[tilespmem:s9], [sflag:s8] =	stream.indirect.gather [hbm4b:s24+s28], $0x80, s11, s28, $0xb8;
	[tilespmem:$0x1D800] =	vst v63  }
0x118: {  	s5 =	sor.u32 $0x1800, s5  }
0x119: {  	[spmem:s1] =	stream.indirect.scatter.add.f32 [tilespmem:s5], [sflag:$0x3], $0x80, s6, s28, $0xb8;
	[tilespmem:$0x1D800] =	vst v63  }
0x11a: {  	s7 =	simm.s32 $0x2;
	_ =	swait.ge [sflag:s26], $0x4000  }
0x11b: {  	s6 =	simm.s32 $0x1;
	s5 =	simm.s32 $0xC80;
	[sflag:s26] =	ssyncset.done $0x0  }
.LBB2_12:
0x11c: {  	s8 =	sand.u32 $0x1, s6  }
0x11d: {  	[sflag:s26] =	ssyncadd.s32 $0xFFFFC000;
	s6 =	smov.u32 s7;
	s9 =	sadd.s32 $0x1, s7  }
0x11e: {  	s10 =	sshll.u32 s8, $0xE;
	s11 =	sadd.s32 $0x1, s8;
	s8 =	sxor.u32 $0x1, s8  }
0x11f: {  	p0 =	sne.s32 s7, $0x12;
	_ =	swait.ge [sflag:s11], $0x4000;
	s7 =	sshll.u32 s8, $0xE  }
0x120: {  	[sflag:s11] =	ssyncset.done $0x0;
	s7 =	sor.u32 $0x1800, s7  }
0x121: {  	s8 =	sadd.s32 $0x1, s8;
	[sflag:s11] =	ssyncadd.s32 $0xFFFFC000;
	s11 =	sadd.s32 $0xFFFFF480, s5  }
0x122: {  	[tilespmem:s7], [sflag:s8] =	stream.indirect.gather [hbm4b:s24+s28], $0x80, s11, s28, $0xb8;
	[tilespmem:$0x1D800] =	vst v63  }
.Ltmp5:
0x123: {  	_ = 	snop;
	(pc) =	sbr.rel @p0 .LBB2_12-.Ltmp5, $4  }
0x124: {  	s7 =	sor.u32 $0x1800, s10  }
0x125: {  	[spmem:s1] =	stream.indirect.scatter.add.f32 [tilespmem:s7], [sflag:$0x3], $0x80, s5, s28, $0xb8;
	[tilespmem:$0x1D800] =	vst v63  }
0x126: {  	_ =	swait.ge [sflag:s26], $0x4000  }
0x127: {  	s5 =	sadd.s32 $0x80, s5;
	s7 =	smov.u32 s9;
	[sflag:s26] =	ssyncset.done $0x0  }
0x128: {  	s6 =	sand.u32 $0x1, s6  }
0x129: {  	[sflag:s26] =	ssyncadd.s32 $0xFFFFC000;
	s7 =	sadd.s32 $0x1, s6  }
0x12a: {  	s11 =	sadd.s32 $0xFFFFF480, s5;
	s8 =	sxor.u32 $0x1, s6;
	_ =	swait.ge [sflag:s7], $0x4000  }
0x12b: {  	s6 =	sshll.u32 s6, $0xE;
	s9 =	sshll.u32 s8, $0xE;
	[sflag:s7] =	ssyncset.done $0x0  }
0x12c: {  	s8 =	sadd.s32 $0x1, s8;
	s9 =	sor.u32 $0x1800, s9;
	[sflag:s7] =	ssyncadd.s32 $0xFFFFC000  }
0x12d: {  	[tilespmem:s9], [sflag:s8] =	stream.indirect.gather [hbm4b:s24+s28], $0x80, s11, s28, $0xb8;
	[tilespmem:$0x1D800] =	vst v63  }
0x12e: {  	s6 =	sor.u32 $0x1800, s6  }
0x12f: {  	[spmem:s1] =	stream.indirect.scatter.add.f32 [tilespmem:s6], [sflag:$0x3], $0x80, s5, s28, $0xb8;
	[tilespmem:$0x1D800] =	vst v63  }
0x130: {  	_ =	swait.ge [sflag:s26], $0x4000  }
0x131: {  	[sflag:s26] =	ssyncset.done $0x0  }
0x132: {  	[sflag:s26] =	ssyncadd.s32 $0xFFFFC000  }
0x133: {  	_ =	swait.ge [sflag:s30], $0x4000  }
0x134: {  	[sflag:s30] =	ssyncset.done $0x0  }
0x135: {  	[sflag:s30] =	ssyncadd.s32 $0xFFFFC000  }
0x136: {  	[spmem:s1] =	stream.indirect.scatter.add.f32 [tilespmem:s0], [sflag:$0x3], $0x80, s31, s28, $0xb8;
	[tilespmem:$0x1D800] =	vst v63  }
0x137: {  	_ =	swait.ge [sflag:s26], $0x4000  }
0x138: {  	[sflag:s26] =	ssyncset.done $0x0  }
0x139: {  	s10 =	simm.s32 $0x0;
	[sflag:s26] =	ssyncadd.s32 $0xFFFFC000  }
0x13a: {  	[tilespmem:s10], [sflag:$0x3] =	stream.linear.gather [hbm4b:s16+s10], $0xA00, $0x38;
	[tilespmem:$0x1D800] =	vst v63  }
0x13b: {  	_ =	swait.ge [sflag:s26], $0xA00  }
0x13c: {  	[sflag:s26] =	ssyncset.done $0x0  }
0x13d: {  	s6 =	simm.s32 $0xC00;
	[sflag:s26] =	ssyncadd.s32 $0xFFFFF600  }
0x13e: {  	[tilespmem:s6], [sflag:$0x3] =	stream.linear.gather [hbm4b:s17+s10], $0xA00, $0x38;
	[tilespmem:$0x1D800] =	vst v63  }
0x13f: {  	_ =	swait.ge [sflag:s26], $0xA00  }
0x140: {  	s5 =	sand.u32 $0x1, s10;
	[sflag:s26] =	ssyncset.done $0x0  }
0x141: {  	s11 =	sadd.s32 $0x1, s5;
	[sflag:s26] =	ssyncadd.s32 $0xFFFFF600  }
0x142: {  	[tilespmem:s29], [sflag:$0x1] =	stream.indirect.gather [hbm4b:s24+s28], $0x80, s10, s28, $0xb8;
	[tilespmem:$0x1D800] =	vst v63  }
0x143: {  	s8 =	sxor.u32 $0x1, s5;
	s5 =	sshll.u32 s5, $0xE;
	_ =	swait.ge [sflag:s11], $0x4000  }
0x144: {  	s10 =	sshll.u32 s8, $0xE;
	s8 =	sadd.s32 $0x1, s8;
	[sflag:s11] =	ssyncset.done $0x0  }
0x145: {  	s9 =	sor.u32 $0x1800, s10;
	[sflag:s11] =	ssyncadd.s32 $0xFFFFC000;
	s11 =	simm.s32 $0x80  }
0x146: {  	[tilespmem:s9], [sflag:s8] =	stream.indirect.gather [hbm4b:s24+s28], $0x80, s11, s28, $0xb8;
	[tilespmem:$0x1D800] =	vst v63  }
0x147: {  	s5 =	sor.u32 $0x1800, s5  }
0x148: {  	[spmem:s1] =	stream.indirect.scatter.add.f32 [tilespmem:s5], [sflag:$0x3], $0x80, s6, s28, $0xb8;
	[tilespmem:$0x1D800] =	vst v63  }
0x149: {  	s7 =	simm.s32 $0x2;
	_ =	swait.ge [sflag:s26], $0x4000  }
0x14a: {  	s6 =	simm.s32 $0x1;
	s5 =	simm.s32 $0xC80;
	[sflag:s26] =	ssyncset.done $0x0  }
.LBB2_14:
0x14b: {  	s8 =	sand.u32 $0x1, s6  }
0x14c: {  	[sflag:s26] =	ssyncadd.s32 $0xFFFFC000;
	s6 =	smov.u32 s7;
	s9 =	sadd.s32 $0x1, s7  }
0x14d: {  	s10 =	sshll.u32 s8, $0xE;
	s11 =	sadd.s32 $0x1, s8;
	s8 =	sxor.u32 $0x1, s8  }
0x14e: {  	p0 =	sne.s32 s7, $0x12;
	_ =	swait.ge [sflag:s11], $0x4000;
	s7 =	sshll.u32 s8, $0xE  }
0x14f: {  	[sflag:s11] =	ssyncset.done $0x0;
	s7 =	sor.u32 $0x1800, s7  }
0x150: {  	s8 =	sadd.s32 $0x1, s8;
	[sflag:s11] =	ssyncadd.s32 $0xFFFFC000;
	s11 =	sadd.s32 $0xFFFFF480, s5  }
0x151: {  	[tilespmem:s7], [sflag:s8] =	stream.indirect.gather [hbm4b:s24+s28], $0x80, s11, s28, $0xb8;
	[tilespmem:$0x1D800] =	vst v63  }
.Ltmp6:
0x152: {  	_ = 	snop;
	(pc) =	sbr.rel @p0 .LBB2_14-.Ltmp6, $4  }
0x153: {  	s7 =	sor.u32 $0x1800, s10  }
0x154: {  	[spmem:s1] =	stream.indirect.scatter.add.f32 [tilespmem:s7], [sflag:$0x3], $0x80, s5, s28, $0xb8;
	[tilespmem:$0x1D800] =	vst v63  }
0x155: {  	_ =	swait.ge [sflag:s26], $0x4000  }
0x156: {  	s5 =	sadd.s32 $0x80, s5;
	s7 =	smov.u32 s9;
	[sflag:s26] =	ssyncset.done $0x0  }
0x157: {  	s6 =	sand.u32 $0x1, s6  }
0x158: {  	[sflag:s26] =	ssyncadd.s32 $0xFFFFC000;
	s7 =	sadd.s32 $0x1, s6  }
0x159: {  	s11 =	sadd.s32 $0xFFFFF480, s5;
	s8 =	sxor.u32 $0x1, s6;
	_ =	swait.ge [sflag:s7], $0x4000  }
0x15a: {  	s6 =	sshll.u32 s6, $0xE;
	s9 =	sshll.u32 s8, $0xE;
	[sflag:s7] =	ssyncset.done $0x0  }
0x15b: {  	s8 =	sadd.s32 $0x1, s8;
	s9 =	sor.u32 $0x1800, s9;
	[sflag:s7] =	ssyncadd.s32 $0xFFFFC000  }
0x15c: {  	[tilespmem:s9], [sflag:s8] =	stream.indirect.gather [hbm4b:s24+s28], $0x80, s11, s28, $0xb8;
	[tilespmem:$0x1D800] =	vst v63  }
0x15d: {  	s6 =	sor.u32 $0x1800, s6  }
0x15e: {  	[spmem:s1] =	stream.indirect.scatter.add.f32 [tilespmem:s6], [sflag:$0x3], $0x80, s5, s28, $0xb8;
	[tilespmem:$0x1D800] =	vst v63  }
0x15f: {  	_ =	swait.ge [sflag:s26], $0x4000  }
0x160: {  	[sflag:s26] =	ssyncset.done $0x0  }
0x161: {  	[sflag:s26] =	ssyncadd.s32 $0xFFFFC000  }
0x162: {  	_ =	swait.ge [sflag:s30], $0x4000  }
0x163: {  	[sflag:s30] =	ssyncset.done $0x0  }
0x164: {  	[sflag:s30] =	ssyncadd.s32 $0xFFFFC000  }
0x165: {  	[spmem:s1] =	stream.indirect.scatter.add.f32 [tilespmem:s0], [sflag:$0x3], $0x80, s31, s28, $0xb8;
	[tilespmem:$0x1D800] =	vst v63  }
0x166: {  	_ =	swait.ge [sflag:s26], $0x4000  }
0x167: {  	[sflag:s26] =	ssyncset.done $0x0  }
0x168: {  	s10 =	simm.s32 $0x0;
	[sflag:s26] =	ssyncadd.s32 $0xFFFFC000  }
0x169: {  	[tilespmem:s10], [sflag:$0x3] =	stream.linear.gather [hbm4b:s18+s10], $0xA00, $0x38;
	[tilespmem:$0x1D800] =	vst v63  }
0x16a: {  	_ =	swait.ge [sflag:s26], $0xA00  }
0x16b: {  	[sflag:s26] =	ssyncset.done $0x0  }
0x16c: {  	s6 =	simm.s32 $0xC00;
	[sflag:s26] =	ssyncadd.s32 $0xFFFFF600  }
0x16d: {  	[tilespmem:s6], [sflag:$0x3] =	stream.linear.gather [hbm4b:s19+s10], $0xA00, $0x38;
	[tilespmem:$0x1D800] =	vst v63  }
0x16e: {  	_ =	swait.ge [sflag:s26], $0xA00  }
0x16f: {  	s5 =	sand.u32 $0x1, s10;
	[sflag:s26] =	ssyncset.done $0x0  }
0x170: {  	s11 =	sadd.s32 $0x1, s5;
	[sflag:s26] =	ssyncadd.s32 $0xFFFFF600  }
0x171: {  	[tilespmem:s29], [sflag:$0x1] =	stream.indirect.gather [hbm4b:s24+s28], $0x80, s10, s28, $0xb8;
	[tilespmem:$0x1D800] =	vst v63  }
0x172: {  	s8 =	sxor.u32 $0x1, s5;
	s5 =	sshll.u32 s5, $0xE;
	_ =	swait.ge [sflag:s11], $0x4000  }
0x173: {  	s10 =	sshll.u32 s8, $0xE;
	s8 =	sadd.s32 $0x1, s8;
	[sflag:s11] =	ssyncset.done $0x0  }
0x174: {  	s9 =	sor.u32 $0x1800, s10;
	[sflag:s11] =	ssyncadd.s32 $0xFFFFC000;
	s11 =	simm.s32 $0x80  }
0x175: {  	[tilespmem:s9], [sflag:s8] =	stream.indirect.gather [hbm4b:s24+s28], $0x80, s11, s28, $0xb8;
	[tilespmem:$0x1D800] =	vst v63  }
0x176: {  	s5 =	sor.u32 $0x1800, s5  }
0x177: {  	[spmem:s1] =	stream.indirect.scatter.add.f32 [tilespmem:s5], [sflag:$0x3], $0x80, s6, s28, $0xb8;
	[tilespmem:$0x1D800] =	vst v63  }
0x178: {  	s7 =	simm.s32 $0x2;
	_ =	swait.ge [sflag:s26], $0x4000  }
0x179: {  	s6 =	simm.s32 $0x1;
	s5 =	simm.s32 $0xC80;
	[sflag:s26] =	ssyncset.done $0x0  }
.LBB2_16:
0x17a: {  	s8 =	sand.u32 $0x1, s6  }
0x17b: {  	[sflag:s26] =	ssyncadd.s32 $0xFFFFC000;
	s6 =	smov.u32 s7;
	s9 =	sadd.s32 $0x1, s7  }
0x17c: {  	s10 =	sshll.u32 s8, $0xE;
	s11 =	sadd.s32 $0x1, s8;
	s8 =	sxor.u32 $0x1, s8  }
0x17d: {  	p0 =	sne.s32 s7, $0x12;
	_ =	swait.ge [sflag:s11], $0x4000;
	s7 =	sshll.u32 s8, $0xE  }
0x17e: {  	[sflag:s11] =	ssyncset.done $0x0;
	s7 =	sor.u32 $0x1800, s7  }
0x17f: {  	s8 =	sadd.s32 $0x1, s8;
	[sflag:s11] =	ssyncadd.s32 $0xFFFFC000;
	s11 =	sadd.s32 $0xFFFFF480, s5  }
0x180: {  	[tilespmem:s7], [sflag:s8] =	stream.indirect.gather [hbm4b:s24+s28], $0x80, s11, s28, $0xb8;
	[tilespmem:$0x1D800] =	vst v63  }
.Ltmp7:
0x181: {  	_ = 	snop;
	(pc) =	sbr.rel @p0 .LBB2_16-.Ltmp7, $4  }
0x182: {  	s7 =	sor.u32 $0x1800, s10  }
0x183: {  	[spmem:s1] =	stream.indirect.scatter.add.f32 [tilespmem:s7], [sflag:$0x3], $0x80, s5, s28, $0xb8;
	[tilespmem:$0x1D800] =	vst v63  }
0x184: {  	_ =	swait.ge [sflag:s26], $0x4000  }
0x185: {  	s5 =	sadd.s32 $0x80, s5;
	s7 =	smov.u32 s9;
	[sflag:s26] =	ssyncset.done $0x0  }
0x186: {  	s6 =	sand.u32 $0x1, s6  }
0x187: {  	[sflag:s26] =	ssyncadd.s32 $0xFFFFC000;
	s7 =	sadd.s32 $0x1, s6  }
0x188: {  	s11 =	sadd.s32 $0xFFFFF480, s5;
	s8 =	sxor.u32 $0x1, s6;
	_ =	swait.ge [sflag:s7], $0x4000  }
0x189: {  	s6 =	sshll.u32 s6, $0xE;
	s9 =	sshll.u32 s8, $0xE;
	[sflag:s7] =	ssyncset.done $0x0  }
0x18a: {  	s8 =	sadd.s32 $0x1, s8;
	s9 =	sor.u32 $0x1800, s9;
	[sflag:s7] =	ssyncadd.s32 $0xFFFFC000  }
0x18b: {  	[tilespmem:s9], [sflag:s8] =	stream.indirect.gather [hbm4b:s24+s28], $0x80, s11, s28, $0xb8;
	[tilespmem:$0x1D800] =	vst v63  }
0x18c: {  	s6 =	sor.u32 $0x1800, s6  }
0x18d: {  	[spmem:s1] =	stream.indirect.scatter.add.f32 [tilespmem:s6], [sflag:$0x3], $0x80, s5, s28, $0xb8;
	[tilespmem:$0x1D800] =	vst v63  }
0x18e: {  	_ =	swait.ge [sflag:s26], $0x4000  }
0x18f: {  	[sflag:s26] =	ssyncset.done $0x0  }
0x190: {  	[sflag:s26] =	ssyncadd.s32 $0xFFFFC000  }
0x191: {  	_ =	swait.ge [sflag:s30], $0x4000  }
0x192: {  	[sflag:s30] =	ssyncset.done $0x0  }
0x193: {  	[sflag:s30] =	ssyncadd.s32 $0xFFFFC000  }
0x194: {  	[spmem:s1] =	stream.indirect.scatter.add.f32 [tilespmem:s0], [sflag:$0x3], $0x80, s31, s28, $0xb8;
	[tilespmem:$0x1D800] =	vst v63  }
0x195: {  	_ =	swait.ge [sflag:s26], $0x4000  }
0x196: {  	s3 =	sadd.s32 $0x1, s3;
	[sflag:s26] =	ssyncset.done $0x0  }
0x197: {  	p0 =	sne.s32 s3, s25;
	[sflag:s26] =	ssyncadd.s32 $0xFFFFC000  }
.Ltmp8:
0x198: {  	[bflag:$0x0] =	sbarrier.arrive $0xFFFF;
	(pc) =	sbr.rel @p0 .LBB2_1-.Ltmp8, $4  }
0x199: {  	[hbm:s20], [sflag:s23] =	dma.local [spmem:s4], $0x2800  }
0x19a: {  	_ =	swait.ge [sflag:s26], $0x2800  }
0x19b: {  	[sflag:s26] =	ssyncset.done $0x0  }
0x19c: {  	[sflag:s26] =	ssyncadd.s32 $0xFFFFD800  }
0x19d: {  	_ =	sfence.sel $0x180000  }
0x19e: {  	[bflag:$0x0] =	sbarrier.arrive $0xFFFF  }
0x19f: {  	_ =	strace $0x9000004A  }
0x1a0: {  	s0 =	stileid.u32;
	[bflag:$0x2] =	sbarrier.arrive $0xFFFF  }
0x1a1: {  	p0 =	sne.s32 s0, $0x0;
	s0 =	rddreg [dreg:$0x2]  }
0x1a2: {  	s0 =	sadd.s32 @!p0 $0x100000, s0  }
0x1a3: {  	[sflag:s0] =	ssyncadd.tile.s32 @!p0 $0x1;
	_ =	shalt  }
.Lfunc_end2:
_tile_overlayer_lowered:
.L_overlay_start_2:
0x1a4: {  	(tag) =	ssettag $0x2  }
0x1a5: {  	s0 =	rddreg [dreg:$0x0];
	s2 =	stileid.u32  }
0x1a6: {  	s1 =	rddreg [dreg:$0x1];
	p0 =	sne.s32 s2, $0x0  }
0x1a7: {  	s3 =	rddreg [dreg:$0x2];
	[bflag:$0x3] =	sbarrier.arrive $0xFFFF;
	s2 =	simm.s32 @!p0 $0x1C03  }
0x1a8: {  	[timem:s3], [sflag:s2] =	dma.local @!p0 [hbm:s0], s1  }
0x1a9: {  	s0 =	simm.s32 @!p0 $0x3  }
0x1aa: {  	_ =	swait.ge @!p0 [sflag:s0], s1  }
0x1ab: {  	s1 =	ssub.s32 @!p0 $0x0, s1;
	[sflag:s0] =	ssyncset.done @!p0 $0x0  }
0x1ac: {  	[sflag:s0] =	ssyncadd.s32 @!p0 s1  }
0x1ad: {  	[bflag:$0x3] =	sbarrier.arrive $0xFFFF  }
0x1ae: {  	_ =	shalt  }

// kernel: kernel.14.cloned.1.call-start
scs
__scs_entry_jumppad:
0x0: {  	(pc) =	sbr.rel $0x88, $3  }
0x1: {  	(tag) =	ssettag $0x0;
	lr =	simm.s32 $0x1  }
0x2: {  	[smem:$0x3F94] =	sst lr;
	_ =	strace $0xD0000000  }
0x3: {  	_ = 	snop  }
0x4: {  	_ = 	snop  }
0x5: {  	_ = 	snop  }
0x6: {  	_ = 	snop  }
0x7: {  	_ = 	snop  }
__scs_overlays_trampoline_lowered:
0x8: {  	[smem:$0x3FA3] =	sst s0  }
0x9: {  	[smem:$0x3FA4] =	sst s1  }
0xa: {  	[smem:$0x3FA5] =	sst s2  }
0xb: {  	[smem:$0x3FA6] =	sst s3  }
0xc: {  	[smem:$0x3FA7] =	sst s4  }
0xd: {  	[smem:$0x3FA8] =	sst s5  }
0xe: {  	[smem:$0x3FA9] =	sst s6  }
0xf: {  	[smem:$0x3FAA] =	sst s7  }
0x10: {  	[smem:$0x3FAB] =	sst s8  }
0x11: {  	[smem:$0x3FAC] =	sst s9;
	s0 =	simm.s32 @!p0 $0x0  }
0x12: {  	s1 =	sld [smem:$0x3F92];
	s0 =	simm.s32 @p0 $0x1  }
0x13: {  	[smem:$0x3FAD] =	sst s0;
	s0 =	simm.s32 @!p1 $0x0  }
0x14: {  	s2 =	sld [smem:$0x3F91];
	s0 =	simm.s32 @p1 $0x1  }
0x15: {  	[smem:$0x3FAE] =	sst s0;
	s0 =	simm.s32 @!p2 $0x0  }
0x16: {  	s3 =	sld [smem:$0x3FDB];
	s0 =	simm.s32 @p2 $0x1  }
0x17: {  	s4 =	simm.s32 $0x1BF5;
	[smem:$0x3FB0] =	sst s0  }
0x18: {  	s0 =	sld [smem:$0x3F93];
	_ =	swait.ge [sflag:s4], $0x0  }
0x19: {  	s7 =	sld [smem:$0x3F94]  }
0x1a: {  	s8 =	sadd.s32 $0xFFFFE003, lr  }
0x1b: {  	s9 =	sadd.s32 $0xFFFFFEF7, lr;
	s5 =	simm.s32 $0xFFFFFFFF;
	p2 =	slt.u32 s8, $0xFFFFF086  }
0x1c: {  	p1 =	slt.u32 s9, $0xF7A;
	s5 =	simm.s32 @!p2 $0x0  }
0x1d: {  	s5 =	simm.s32 @p1 $0x1;
	p0 =	seq.s32 s7, s2  }
0x1e: {  	s7 =	smul.u32 @!p0 $0xF7A, s2;
	p2 =	seq.s32 @!p0 s5, $0x0  }
0x1f: {  	s9 =	smul.u32 $0xF7A, s1;
	s8 =	simm.s32 @!p0 $0x1BF5;
	p2 =	por !p2, p0  }
0x20: {  	[sflag:s8] =	ssyncset.s32 @!p0 $0xFFFFF086;
	s6 =	sadd.s32 @!p0 s3, s7;
	s7 =	simm.s32 @!p0 $0x108  }
0x21: {  	s3 =	sadd.s32 s3, s9;
	s6 =	sadd.s32 @!p0 $0x88, s6;
	s7 =	simm.s32 @p2 $0x1082  }
0x22: {  	[simem:s7], [sflag:s8] =	dma.local @!p0 [hbm:s6], $0xF7A  }
0x23: {  	s9 =	sor.u32 $0xD0000000, s2;
	s6 =	simm.s32 $0x108;
	_ =	swait.ge @!p0 [sflag:s8], $0x0  }
0x24: {  	s3 =	sadd.s32 $0x88, s3;
	s6 =	simm.s32 @!p1 $0x1082;
	[sflag:s4] =	ssyncset.s32 $0xFFFFF086  }
0x25: {  	[simem:s6], [sflag:s4] =	dma.local [hbm:s3], $0xF7A  }
0x26: {  	[smem:$0x3F94] =	sst s1;
	(tag) =	ssettag s2;
	_ =	strace s9  }
0x27: {  	s1 =	sld [smem:$0x3FA4]  }
0x28: {  	s2 =	sld [smem:$0x3FA5]  }
0x29: {  	s4 =	sld [smem:$0x3FA7]  }
0x2a: {  	p0 =	seq.s32 s5, $0x0;
	s5 =	sld [smem:$0x3FA8]  }
0x2b: {  	s6 =	sld [smem:$0x3FA9]  }
0x2c: {  	s7 =	sld [smem:$0x3FAA]  }
0x2d: {  	s3 =	simm.s32 $0x108;
	s8 =	sld [smem:$0x3FAB]  }
0x2e: {  	s3 =	simm.s32 @!p0 $0x1082;
	s9 =	sld [smem:$0x3FAC]  }
0x2f: {  	lr =	sadd.s32 s0, s3;
	s0 =	sld [smem:$0x3FA3]  }
0x30: {  	s3 =	sld [smem:$0x3FA6]  }
0x31: {  	[smem:$0x3FAF] =	sst s10  }
0x32: {  	s10 =	sld [smem:$0x3FAD];
	_ =	sdelay $0x3  }
0x33: {  	p0 =	seq.s32 s10, $0x1;
	s10 =	sld [smem:$0x3FAF];
	_ =	sdelay $0x3  }
0x34: {  	[smem:$0x3FAF] =	sst s10  }
0x35: {  	s10 =	sld [smem:$0x3FAE];
	_ =	sdelay $0x3  }
0x36: {  	p1 =	seq.s32 s10, $0x1;
	s10 =	sld [smem:$0x3FAF];
	_ =	sdelay $0x3  }
0x37: {  	[smem:$0x3FAF] =	sst s10  }
0x38: {  	s10 =	sld [smem:$0x3FB0]  }
0x39: {  	_ = 	snop;
	(pc) =	sbr.ind lr, $3  }
0x3a: {  	_ = 	snop  }
0x3b: {  	_ = 	snop  }
0x3c: {  	p2 =	seq.s32 s10, $0x1;
	s10 =	sld [smem:$0x3FAF]  }
0x3d: {  	_ =	shalt  }
0x3e: {  	_ =	shalt  }
0x3f: {  	_ =	shalt  }
0x40: {  	_ =	shalt  }
0x41: {  	_ =	shalt  }
0x42: {  	_ =	shalt  }
0x43: {  	_ =	shalt  }
0x44: {  	_ =	shalt  }
0x45: {  	_ =	shalt  }
0x46: {  	_ =	shalt  }
0x47: {  	_ =	shalt  }
0x48: {  	_ =	shalt  }
0x49: {  	_ =	shalt  }
0x4a: {  	_ =	shalt  }
0x4b: {  	_ =	shalt  }
0x4c: {  	_ =	shalt  }
0x4d: {  	_ =	shalt  }
0x4e: {  	_ =	shalt  }
0x4f: {  	_ =	shalt  }
0x50: {  	_ =	shalt  }
0x51: {  	_ =	shalt  }
0x52: {  	_ =	shalt  }
0x53: {  	_ =	shalt  }
0x54: {  	_ =	shalt  }
0x55: {  	_ =	shalt  }
0x56: {  	_ =	shalt  }
0x57: {  	_ =	shalt  }
0x58: {  	_ =	shalt  }
0x59: {  	_ =	shalt  }
0x5a: {  	_ =	shalt  }
0x5b: {  	_ =	shalt  }
0x5c: {  	_ =	shalt  }
0x5d: {  	_ =	shalt  }
0x5e: {  	_ =	shalt  }
0x5f: {  	_ =	shalt  }
0x60: {  	_ =	shalt  }
0x61: {  	_ =	shalt  }
0x62: {  	_ =	shalt  }
0x63: {  	_ =	shalt  }
0x64: {  	_ =	shalt  }
0x65: {  	_ =	shalt  }
0x66: {  	_ =	shalt  }
0x67: {  	_ =	shalt  }
0x68: {  	_ =	shalt  }
0x69: {  	_ =	shalt  }
0x6a: {  	_ =	shalt  }
0x6b: {  	_ =	shalt  }
0x6c: {  	_ =	shalt  }
0x6d: {  	_ =	shalt  }
0x6e: {  	_ =	shalt  }
0x6f: {  	_ =	shalt  }
0x70: {  	_ =	shalt  }
0x71: {  	_ =	shalt  }
0x72: {  	_ =	shalt  }
0x73: {  	_ =	shalt  }
0x74: {  	_ =	shalt  }
0x75: {  	_ =	shalt  }
0x76: {  	_ =	shalt  }
0x77: {  	_ =	shalt  }
0x78: {  	_ =	shalt  }
0x79: {  	_ =	shalt  }
0x7a: {  	_ =	shalt  }
0x7b: {  	_ =	shalt  }
0x7c: {  	_ =	shalt  }
0x7d: {  	_ =	shalt  }
0x7e: {  	_ =	shalt  }
0x7f: {  	_ =	shalt  }
0x80: {  	_ =	shalt  }
0x81: {  	_ =	shalt  }
0x82: {  	_ =	shalt  }
0x83: {  	_ =	shalt  }
0x84: {  	_ =	shalt  }
0x85: {  	_ =	shalt  }
0x86: {  	_ =	shalt  }
0x87: {  	_ =	shalt  }
.Lfunc_end0:
.L_simem_size_0:
called_computation.2_lowered:
.L_overlay_start_0:
0x88: {  	s2 =	sld [smem:$0x3FD9]  }
0x89: {  	s3 =	sld [smem:$0x3FFE];
	_ =	sdelay $0x1  }
0x8a: {  	s1 =	srdreg.scid  }
0x8b: {  	s0 =	sand.u32 $0x1, s1  }
0x8c: {  	s16 =	sshll.u32 s0, $0xA;
	s2 =	sadd.s32 s3, s2  }
0x8d: {  	s2 =	sadd.s32 s2, s16  }
0x8e: {  	[smem:$0x3FBB] =	sst s2  }
0x8f: {  	_ = 	snop  }
0x90: {  	(tm) =	ssettm $0x1  }
0x91: {  	s17 =	sld [smem:$0x3FFB];
	_ =	sdelay $0x3  }
0x92: {  	_ =	strace s17  }
0x93: {  	s2 =	sld [smem:$0x3FFC];
	_ =	sdelay $0x3  }
0x94: {  	_ =	strace s2  }
0x95: {  	s2 =	sld [smem:$0x3FFD];
	_ =	sdelay $0x3  }
0x96: {  	_ =	strace s2  }
0x97: {  	_ =	strace $0x8FFFFFFF  }
0x98: {  	s18 =	sld [smem:$0x3FDB];
	_ =	sdelay $0x1  }
0x99: {  	s19 =	simm.s32 $_scs_section_size  }
0x9a: {  	s4 =	simm.s32 $_size__tile_overlayer_lowered;
	s5 =	simm.s32 $_tile_overlayer_lowered  }
0x9b: {  	s22 =	simm.s32 $0x1BFF;
	s21 =	sshll.u32 s5, $0x1;
	s2 =	sadd.s32 s19, s18  }
0x9c: {  	s6 =	simm.s32 $0x0;
	s20 =	sshll.u32 s4, $0x1;
	s4 =	sadd.s32 s21, s2  }
0x9d: {  	[timem:s6], [sflag:s22] =	dma.local [hbm:s4], s20  }
0x9e: {  	_ =	swait.ge [sflag:s22], s20  }
0x9f: {  	s3 =	ssub.s32 $0x0, s20;
	[sflag:s22] =	ssyncset.done $0x0  }
0xa0: {  	[sflag:s22] =	ssyncadd.s32 s3;
	_ =	sdelay $0x1  }
0xa1: {  	s23 =	simm.s32 $0x1B8B  }
0xa2: {  	_ =	swait.ge [sflag:s23], $0x1  }
0xa3: {  	[sflag:s23] =	ssyncset.done $0x0  }
0xa4: {  	s25 =	simm.s32 $0x1B8E;
	s24 =	sld [smem:$0x3FFE];
	[sflag:s23] =	ssyncadd.s32 $0xFFFFFFFF  }
0xa5: {  	s26 =	simm.s32 $execute0_lowered;
	[smem:$0x3FD2] =	sst s25  }
0xa6: {  	s4 =	sshll.u32 s26, $0x1;
	_ =	strace $0x8000004C;
	[dreg:$0x1] =	wrdreg $0xFFFFFFFF  }
0xa7: {  	s28 =	simm.s32 $_size_execute0_lowered;
	s2 =	sadd.s32 s2, s4;
	[dreg:$0x0] =	wrdreg $0x0  }
0xa8: {  	s4 =	sshll.u32 s28, $0x1;
	[dreg:$0x2] =	wrdreg s2  }
0xa9: {  	[dreg:$0x3] =	wrdreg s4  }
0xaa: {  	[dreg:$0x4] =	wrdreg $0xC0  }
0xab: {  	_ =	task [dreg:s6], $0x5FFFF  }
0xac: {  	[dreg:$0x1] =	wrdreg $0xFFFFFFFF  }
0xad: {  	[dreg:$0x0] =	wrdreg $0x60  }
0xae: {  	[dreg:$0x2] =	wrdreg s24  }
0xaf: {  	[dreg:$0x3] =	wrdreg $0x98000  }
0xb0: {  	[dreg:$0x4] =	wrdreg $0x9  }
0xb1: {  	_ =	task.clear_ibuf [dreg:s6], $0x5FFFF;
	_ =	strace $0x9000004C  }
0xb2: {  	s29 =	simm.s32 $0x9;
	_ =	strace $0x8000004E  }
0xb3: {  	_ =	swait.ge [sflag:s29], $0x1  }
0xb4: {  	[sflag:s29] =	ssyncadd.s32 $0xFFFFFFFF  }
0xb5: {  	_ =	strace $0x9000004E  }
0xb6: {  	_ =	sfence  }
0xb7: {  	s30 =	sld [smem:$0x0];
	_ =	sdelay $0x2  }
0xb8: {  	s31 =	sshll.u32 s1, $0xD;
	s1 =	sshrl.u32 s1, $0x2  }
0xb9: {  	s3 =	sand.u32 $0x4000, s31;
	s1 =	sadd.s32 s1, s30  }
0xba: {  	s0 =	sor.u32 s3, s0;
	s1 =	sshll.u32 s1, $0x11  }
0xbb: {  	s0 =	sor.u32 s1, s0  }
0xbc: {  	s0 =	sadd.s32 $0x8F2B, s0  }
0xbd: {  	[sflag:s0] =	ssyncadd.remote.s32 $0x1  }
0xbe: {  	_ =	sfence.sel $0xFFFF  }
0xbf: {  	[dreg:$0x0] =	wrdreg $0xFFFFFFFF;
	(pc) =	sbr.abs _section_cstart, $3  }
0xc0: {  	[dreg:$0x1] =	wrdreg $0xFFFFFFFF  }
0xc1: {  	_ =	task.clear_ibuf [dreg:s6], $0x2FFFF;
	_ =	strace $0x9FFFFFFF  }
0xc2: {  	(tm) =	ssettm $0x7FFFFFFF  }
0xc3: {  	_ =	shalt  }
tec
execute0_lowered:
.L_overlay_start_1:
0x0: {  	(tag) =	ssettag $0x1  }
0x1: {  	s6 =	rddreg [dreg:$0x0]  }
0x2: {  	s1 =	rddreg [dreg:$0x1];
	s2 =	simm.s32 $0x0;
	s3 =	srdreg.scid  }
0x3: {  	s20 =	simm.s32 $0x2;
	s21 =	simm.s32 $0x1580;
	s5 =	sand.u32 $0x1, s3  }
0x4: {  	s22 =	simm.s32 $0x5800;
	s3 =	stileid.u32;
	s7 =	smul.u32 $0x28000, s5  }
0x5: {  	[smem:$0x7FF] =	sst s2;
	s4 =	sadd.s32 $0x1D000, s6;
	s8 =	smul.u32 $0x50000, s3  }
0x6: {  	s13 =	sadd.s32 $0x2800, s6;
	s14 =	sadd.s32 $0xE800, s6;
	s9 =	smul.u32 $0x30000, s5  }
0x7: {  	_ =	strace $0x8000004D;
	s10 =	ssub.s32 $0x2, s5;
	s11 =	smul.u32 $0x3000, s3  }
0x8: {  	s5 =	sadd.s32 $0x1A800, s6;
	s30 =	sshll.u32 s3, $0x6;
	s26 =	sshrl.u32 s10, $0x1  }
0x9: {  	s24 =	smul.u32 $0x2800, s3;
	s15 =	sadd.s32 s7, s6;
	s16 =	ssub.s32 s10, s26  }
0xa: {  	s28 =	sshrl.u32 s8, $0x2;
	s29 =	sadd.s32 s11, s9;
	s6 =	sor.u32 $0x1C03, s30  }
0xb: {  	s17 =	sadd.s32 s28, s1;
	s12 =	sshrl.u32 s29, $0x3;
	s23 =	sadd.s32 $0x44200, s15  }
0xc: {  	s15 =	smax.u32 s16, $0x1;
	s7 =	sadd.s32 s13, s12;
	s31 =	sor.u32 $0x180, s12  }
0xd: {  	s8 =	sadd.s32 s14, s12;
	s18 =	sadd.s32 $0x300, s12;
	s19 =	sadd.s32 $0x480, s12  }
0xe: {  	s16 =	sshrl.u32 s17, $0x3;
	s17 =	simm.s32 $0x3;
	s23 =	sadd.s32 s24, s23  }
0xf: {  	s24 =	simm.s32 $0x0;
	s9 =	sadd.s32 s13, s31;
	s10 =	sadd.s32 s14, s31  }
0x10: {  	s11 =	sadd.s32 s13, s18;
	s12 =	sadd.s32 s14, s18;
	s13 =	sadd.s32 s13, s19  }
0x11: {  	s14 =	sadd.s32 s14, s19;
	s18 =	simm.s32 $0x80;
	s19 =	simm.s32 $0x1800  }
.LBB2_1:
0x12: {  	[spmem:s16], [sflag:s6] =	dma.local [hbm:s5], $0x2800  }
0x13: {  	_ =	swait.ge [sflag:s17], $0x2800  }
0x14: {  	[sflag:s17] =	ssyncset.done $0x0  }
0x15: {  	[sflag:s17] =	ssyncadd.s32 $0xFFFFD800  }
0x16: {  	[bflag:$0x0] =	sbarrier.arrive $0xFFFF  }
0x17: {  	[tilespmem:s2], [sflag:$0x3] =	stream.linear.gather [hbm4b:s7+s2], $0xA00, $0x38;
	[tilespmem:$0x1D800] =	vst v63  }
0x18: {  	_ =	swait.ge [sflag:s17], $0xA00  }
0x19: {  	[sflag:s17] =	ssyncset.done $0x0  }
0x1a: {  	s25 =	simm.s32 $0xC00;
	[sflag:s17] =	ssyncadd.s32 $0xFFFFF600  }
0x1b: {  	[tilespmem:s25], [sflag:$0x3] =	stream.linear.gather [hbm4b:s8+s2], $0xA00, $0x38;
	[tilespmem:$0x1D800] =	vst v63  }
0x1c: {  	_ =	swait.ge [sflag:s17], $0xA00  }
0x1d: {  	s26 =	sand.u32 $0x1, s2;
	[sflag:s17] =	ssyncset.done $0x0  }
0x1e: {  	s28 =	sadd.s32 $0x1, s26;
	[sflag:s17] =	ssyncadd.s32 $0xFFFFF600  }
0x1f: {  	[tilespmem:s19], [sflag:$0x1] =	stream.indirect.gather [hbm4b:s4+s18], $0x80, s2, s18, $0xb8;
	[tilespmem:$0x1D800] =	vst v63  }
0x20: {  	s29 =	sxor.u32 $0x1, s26;
	s26 =	sshll.u32 s26, $0xE;
	_ =	swait.ge [sflag:s28], $0x4000  }
0x21: {  	s30 =	sshll.u32 s29, $0xE;
	s29 =	sadd.s32 $0x1, s29;
	[sflag:s28] =	ssyncset.done $0x0  }
0x22: {  	s30 =	sor.u32 $0x1800, s30;
	[sflag:s28] =	ssyncadd.s32 $0xFFFFC000;
	s28 =	simm.s32 $0x80  }
0x23: {  	[tilespmem:s30], [sflag:s29] =	stream.indirect.gather [hbm4b:s4+s18], $0x80, s28, s18, $0xb8;
	[tilespmem:$0x1D800] =	vst v63  }
0x24: {  	s26 =	sor.u32 $0x1800, s26  }
0x25: {  	[spmem:s1] =	stream.indirect.scatter.add.f32 [tilespmem:s26], [sflag:$0x3], $0x80, s25, s18, $0xb8;
	[tilespmem:$0x1D800] =	vst v63  }
0x26: {  	s28 =	simm.s32 $0x2;
	_ =	swait.ge [sflag:s17], $0x4000  }
0x27: {  	s26 =	simm.s32 $0x1;
	s25 =	simm.s32 $0xC80;
	[sflag:s17] =	ssyncset.done $0x0  }
.LBB2_2:
0x28: {  	s29 =	sand.u32 $0x1, s26  }
0x29: {  	[sflag:s17] =	ssyncadd.s32 $0xFFFFC000;
	s26 =	smov.u32 s28;
	s30 =	sadd.s32 $0x1, s28  }
0x2a: {  	s31 =	sshll.u32 s29, $0xE;
	s0 =	sadd.s32 $0x1, s29;
	s29 =	sxor.u32 $0x1, s29  }
0x2b: {  	p0 =	sne.s32 s28, $0x12;
	_ =	swait.ge [sflag:s0], $0x4000;
	s28 =	sshll.u32 s29, $0xE  }
0x2c: {  	[sflag:s0] =	ssyncset.done $0x0;
	s28 =	sor.u32 $0x1800, s28  }
0x2d: {  	s29 =	sadd.s32 $0x1, s29;
	[sflag:s0] =	ssyncadd.s32 $0xFFFFC000;
	s0 =	sadd.s32 $0xFFFFF480, s25  }
0x2e: {  	[tilespmem:s28], [sflag:s29] =	stream.indirect.gather [hbm4b:s4+s18], $0x80, s0, s18, $0xb8;
	[tilespmem:$0x1D800] =	vst v63  }
.Ltmp0:
0x2f: {  	_ = 	snop;
	(pc) =	sbr.rel @p0 .LBB2_2-.Ltmp0, $4  }
0x30: {  	s0 =	sor.u32 $0x1800, s31  }
0x31: {  	[spmem:s1] =	stream.indirect.scatter.add.f32 [tilespmem:s0], [sflag:$0x3], $0x80, s25, s18, $0xb8;
	[tilespmem:$0x1D800] =	vst v63  }
0x32: {  	_ =	swait.ge [sflag:s17], $0x4000  }
0x33: {  	s28 =	smov.u32 s30;
	s25 =	sadd.s32 $0x80, s25;
	[sflag:s17] =	ssyncset.done $0x0  }
0x34: {  	s0 =	sand.u32 $0x1, s26  }
0x35: {  	[sflag:s17] =	ssyncadd.s32 $0xFFFFC000;
	s26 =	sadd.s32 $0x1, s0  }
0x36: {  	s31 =	sadd.s32 $0xFFFFF480, s25;
	s28 =	sxor.u32 $0x1, s0;
	_ =	swait.ge [sflag:s26], $0x4000  }
0x37: {  	s0 =	sshll.u32 s0, $0xE;
	s29 =	sshll.u32 s28, $0xE;
	[sflag:s26] =	ssyncset.done $0x0  }
0x38: {  	s28 =	sadd.s32 $0x1, s28;
	s29 =	sor.u32 $0x1800, s29;
	[sflag:s26] =	ssyncadd.s32 $0xFFFFC000  }
0x39: {  	[tilespmem:s29], [sflag:s28] =	stream.indirect.gather [hbm4b:s4+s18], $0x80, s31, s18, $0xb8;
	[tilespmem:$0x1D800] =	vst v63  }
0x3a: {  	s0 =	sor.u32 $0x1800, s0  }
0x3b: {  	[spmem:s1] =	stream.indirect.scatter.add.f32 [tilespmem:s0], [sflag:$0x3], $0x80, s25, s18, $0xb8;
	[tilespmem:$0x1D800] =	vst v63  }
0x3c: {  	_ =	swait.ge [sflag:s17], $0x4000  }
0x3d: {  	[sflag:s17] =	ssyncset.done $0x0  }
0x3e: {  	[sflag:s17] =	ssyncadd.s32 $0xFFFFC000  }
0x3f: {  	_ =	swait.ge [sflag:s20], $0x4000  }
0x40: {  	[sflag:s20] =	ssyncset.done $0x0  }
0x41: {  	[sflag:s20] =	ssyncadd.s32 $0xFFFFC000  }
0x42: {  	[spmem:s1] =	stream.indirect.scatter.add.f32 [tilespmem:s22], [sflag:$0x3], $0x80, s21, s18, $0xb8;
	[tilespmem:$0x1D800] =	vst v63  }
0x43: {  	_ =	swait.ge [sflag:s17], $0x4000  }
0x44: {  	[sflag:s17] =	ssyncset.done $0x0  }
0x45: {  	s30 =	simm.s32 $0x0;
	[sflag:s17] =	ssyncadd.s32 $0xFFFFC000  }
0x46: {  	[tilespmem:s30], [sflag:$0x3] =	stream.linear.gather [hbm4b:s9+s30], $0xA00, $0x38;
	[tilespmem:$0x1D800] =	vst v63  }
0x47: {  	_ =	swait.ge [sflag:s17], $0xA00  }
0x48: {  	[sflag:s17] =	ssyncset.done $0x0  }
0x49: {  	s25 =	simm.s32 $0xC00;
	[sflag:s17] =	ssyncadd.s32 $0xFFFFF600  }
0x4a: {  	[tilespmem:s25], [sflag:$0x3] =	stream.linear.gather [hbm4b:s10+s30], $0xA00, $0x38;
	[tilespmem:$0x1D800] =	vst v63  }
0x4b: {  	_ =	swait.ge [sflag:s17], $0xA00  }
0x4c: {  	s0 =	sand.u32 $0x1, s30;
	[sflag:s17] =	ssyncset.done $0x0  }
0x4d: {  	s31 =	sadd.s32 $0x1, s0;
	[sflag:s17] =	ssyncadd.s32 $0xFFFFF600  }
0x4e: {  	[tilespmem:s19], [sflag:$0x1] =	stream.indirect.gather [hbm4b:s4+s18], $0x80, s30, s18, $0xb8;
	[tilespmem:$0x1D800] =	vst v63  }
0x4f: {  	s28 =	sxor.u32 $0x1, s0;
	s0 =	sshll.u32 s0, $0xE;
	_ =	swait.ge [sflag:s31], $0x4000  }
0x50: {  	s30 =	sshll.u32 s28, $0xE;
	s28 =	sadd.s32 $0x1, s28;
	[sflag:s31] =	ssyncset.done $0x0  }
0x51: {  	s29 =	sor.u32 $0x1800, s30;
	[sflag:s31] =	ssyncadd.s32 $0xFFFFC000;
	s31 =	simm.s32 $0x80  }
0x52: {  	[tilespmem:s29], [sflag:s28] =	stream.indirect.gather [hbm4b:s4+s18], $0x80, s31, s18, $0xb8;
	[tilespmem:$0x1D800] =	vst v63  }
0x53: {  	s0 =	sor.u32 $0x1800, s0  }
0x54: {  	[spmem:s1] =	stream.indirect.scatter.add.f32 [tilespmem:s0], [sflag:$0x3], $0x80, s25, s18, $0xb8;
	[tilespmem:$0x1D800] =	vst v63  }
0x55: {  	s26 =	simm.s32 $0x1;
	_ =	swait.ge [sflag:s17], $0x4000  }
0x56: {  	s28 =	simm.s32 $0x2;
	s25 =	simm.s32 $0xC80;
	[sflag:s17] =	ssyncset.done $0x0  }
.LBB2_4:
0x57: {  	s0 =	sand.u32 $0x1, s26  }
0x58: {  	[sflag:s17] =	ssyncadd.s32 $0xFFFFC000;
	s26 =	smov.u32 s28;
	s29 =	sadd.s32 $0x1, s28  }
0x59: {  	s30 =	sshll.u32 s0, $0xE;
	s31 =	sadd.s32 $0x1, s0;
	s0 =	sxor.u32 $0x1, s0  }
0x5a: {  	p0 =	sne.s32 s28, $0x12;
	_ =	swait.ge [sflag:s31], $0x4000;
	s28 =	sshll.u32 s0, $0xE  }
0x5b: {  	[sflag:s31] =	ssyncset.done $0x0;
	s28 =	sor.u32 $0x1800, s28  }
0x5c: {  	s0 =	sadd.s32 $0x1, s0;
	[sflag:s31] =	ssyncadd.s32 $0xFFFFC000;
	s31 =	sadd.s32 $0xFFFFF480, s25  }
0x5d: {  	[tilespmem:s28], [sflag:s0] =	stream.indirect.gather [hbm4b:s4+s18], $0x80, s31, s18, $0xb8;
	[tilespmem:$0x1D800] =	vst v63  }
.Ltmp1:
0x5e: {  	_ = 	snop;
	(pc) =	sbr.rel @p0 .LBB2_4-.Ltmp1, $4  }
0x5f: {  	s0 =	sor.u32 $0x1800, s30  }
0x60: {  	[spmem:s1] =	stream.indirect.scatter.add.f32 [tilespmem:s0], [sflag:$0x3], $0x80, s25, s18, $0xb8;
	[tilespmem:$0x1D800] =	vst v63  }
0x61: {  	_ =	swait.ge [sflag:s17], $0x4000  }
0x62: {  	s28 =	smov.u32 s29;
	s25 =	sadd.s32 $0x80, s25;
	[sflag:s17] =	ssyncset.done $0x0  }
0x63: {  	s0 =	sand.u32 $0x1, s26  }
0x64: {  	[sflag:s17] =	ssyncadd.s32 $0xFFFFC000;
	s26 =	sadd.s32 $0x1, s0  }
0x65: {  	s31 =	sadd.s32 $0xFFFFF480, s25;
	s28 =	sxor.u32 $0x1, s0;
	_ =	swait.ge [sflag:s26], $0x4000  }
0x66: {  	s0 =	sshll.u32 s0, $0xE;
	s29 =	sshll.u32 s28, $0xE;
	[sflag:s26] =	ssyncset.done $0x0  }
0x67: {  	s28 =	sadd.s32 $0x1, s28;
	s29 =	sor.u32 $0x1800, s29;
	[sflag:s26] =	ssyncadd.s32 $0xFFFFC000  }
0x68: {  	[tilespmem:s29], [sflag:s28] =	stream.indirect.gather [hbm4b:s4+s18], $0x80, s31, s18, $0xb8;
	[tilespmem:$0x1D800] =	vst v63  }
0x69: {  	s0 =	sor.u32 $0x1800, s0  }
0x6a: {  	[spmem:s1] =	stream.indirect.scatter.add.f32 [tilespmem:s0], [sflag:$0x3], $0x80, s25, s18, $0xb8;
	[tilespmem:$0x1D800] =	vst v63  }
0x6b: {  	_ =	swait.ge [sflag:s17], $0x4000  }
0x6c: {  	[sflag:s17] =	ssyncset.done $0x0  }
0x6d: {  	[sflag:s17] =	ssyncadd.s32 $0xFFFFC000  }
0x6e: {  	_ =	swait.ge [sflag:s20], $0x4000  }
0x6f: {  	[sflag:s20] =	ssyncset.done $0x0  }
0x70: {  	[sflag:s20] =	ssyncadd.s32 $0xFFFFC000  }
0x71: {  	[spmem:s1] =	stream.indirect.scatter.add.f32 [tilespmem:s22], [sflag:$0x3], $0x80, s21, s18, $0xb8;
	[tilespmem:$0x1D800] =	vst v63  }
0x72: {  	_ =	swait.ge [sflag:s17], $0x4000  }
0x73: {  	[sflag:s17] =	ssyncset.done $0x0  }
0x74: {  	s30 =	simm.s32 $0x0;
	[sflag:s17] =	ssyncadd.s32 $0xFFFFC000  }
0x75: {  	[tilespmem:s30], [sflag:$0x3] =	stream.linear.gather [hbm4b:s11+s30], $0xA00, $0x38;
	[tilespmem:$0x1D800] =	vst v63  }
0x76: {  	_ =	swait.ge [sflag:s17], $0xA00  }
0x77: {  	[sflag:s17] =	ssyncset.done $0x0  }
0x78: {  	s25 =	simm.s32 $0xC00;
	[sflag:s17] =	ssyncadd.s32 $0xFFFFF600  }
0x79: {  	[tilespmem:s25], [sflag:$0x3] =	stream.linear.gather [hbm4b:s12+s30], $0xA00, $0x38;
	[tilespmem:$0x1D800] =	vst v63  }
0x7a: {  	_ =	swait.ge [sflag:s17], $0xA00  }
0x7b: {  	s0 =	sand.u32 $0x1, s30;
	[sflag:s17] =	ssyncset.done $0x0  }
0x7c: {  	s31 =	sadd.s32 $0x1, s0;
	[sflag:s17] =	ssyncadd.s32 $0xFFFFF600  }
0x7d: {  	[tilespmem:s19], [sflag:$0x1] =	stream.indirect.gather [hbm4b:s4+s18], $0x80, s30, s18, $0xb8;
	[tilespmem:$0x1D800] =	vst v63  }
0x7e: {  	s28 =	sxor.u32 $0x1, s0;
	s0 =	sshll.u32 s0, $0xE;
	_ =	swait.ge [sflag:s31], $0x4000  }
0x7f: {  	s30 =	sshll.u32 s28, $0xE;
	s28 =	sadd.s32 $0x1, s28;
	[sflag:s31] =	ssyncset.done $0x0  }
0x80: {  	s29 =	sor.u32 $0x1800, s30;
	[sflag:s31] =	ssyncadd.s32 $0xFFFFC000;
	s31 =	simm.s32 $0x80  }
0x81: {  	[tilespmem:s29], [sflag:s28] =	stream.indirect.gather [hbm4b:s4+s18], $0x80, s31, s18, $0xb8;
	[tilespmem:$0x1D800] =	vst v63  }
0x82: {  	s0 =	sor.u32 $0x1800, s0  }
0x83: {  	[spmem:s1] =	stream.indirect.scatter.add.f32 [tilespmem:s0], [sflag:$0x3], $0x80, s25, s18, $0xb8;
	[tilespmem:$0x1D800] =	vst v63  }
0x84: {  	s26 =	simm.s32 $0x1;
	_ =	swait.ge [sflag:s17], $0x4000  }
0x85: {  	s28 =	simm.s32 $0x2;
	s25 =	simm.s32 $0xC80;
	[sflag:s17] =	ssyncset.done $0x0  }
.LBB2_6:
0x86: {  	s0 =	sand.u32 $0x1, s26  }
0x87: {  	[sflag:s17] =	ssyncadd.s32 $0xFFFFC000;
	s26 =	smov.u32 s28;
	s29 =	sadd.s32 $0x1, s28  }
0x88: {  	s30 =	sshll.u32 s0, $0xE;
	s31 =	sadd.s32 $0x1, s0;
	s0 =	sxor.u32 $0x1, s0  }
0x89: {  	p0 =	sne.s32 s28, $0x12;
	_ =	swait.ge [sflag:s31], $0x4000;
	s28 =	sshll.u32 s0, $0xE  }
0x8a: {  	[sflag:s31] =	ssyncset.done $0x0;
	s28 =	sor.u32 $0x1800, s28  }
0x8b: {  	s0 =	sadd.s32 $0x1, s0;
	[sflag:s31] =	ssyncadd.s32 $0xFFFFC000;
	s31 =	sadd.s32 $0xFFFFF480, s25  }
0x8c: {  	[tilespmem:s28], [sflag:s0] =	stream.indirect.gather [hbm4b:s4+s18], $0x80, s31, s18, $0xb8;
	[tilespmem:$0x1D800] =	vst v63  }
.Ltmp2:
0x8d: {  	_ = 	snop;
	(pc) =	sbr.rel @p0 .LBB2_6-.Ltmp2, $4  }
0x8e: {  	s0 =	sor.u32 $0x1800, s30  }
0x8f: {  	[spmem:s1] =	stream.indirect.scatter.add.f32 [tilespmem:s0], [sflag:$0x3], $0x80, s25, s18, $0xb8;
	[tilespmem:$0x1D800] =	vst v63  }
0x90: {  	_ =	swait.ge [sflag:s17], $0x4000  }
0x91: {  	s28 =	smov.u32 s29;
	s25 =	sadd.s32 $0x80, s25;
	[sflag:s17] =	ssyncset.done $0x0  }
0x92: {  	s0 =	sand.u32 $0x1, s26  }
0x93: {  	[sflag:s17] =	ssyncadd.s32 $0xFFFFC000;
	s26 =	sadd.s32 $0x1, s0  }
0x94: {  	s31 =	sadd.s32 $0xFFFFF480, s25;
	s28 =	sxor.u32 $0x1, s0;
	_ =	swait.ge [sflag:s26], $0x4000  }
0x95: {  	s0 =	sshll.u32 s0, $0xE;
	s29 =	sshll.u32 s28, $0xE;
	[sflag:s26] =	ssyncset.done $0x0  }
0x96: {  	s28 =	sadd.s32 $0x1, s28;
	s29 =	sor.u32 $0x1800, s29;
	[sflag:s26] =	ssyncadd.s32 $0xFFFFC000  }
0x97: {  	[tilespmem:s29], [sflag:s28] =	stream.indirect.gather [hbm4b:s4+s18], $0x80, s31, s18, $0xb8;
	[tilespmem:$0x1D800] =	vst v63  }
0x98: {  	s0 =	sor.u32 $0x1800, s0  }
0x99: {  	[spmem:s1] =	stream.indirect.scatter.add.f32 [tilespmem:s0], [sflag:$0x3], $0x80, s25, s18, $0xb8;
	[tilespmem:$0x1D800] =	vst v63  }
0x9a: {  	_ =	swait.ge [sflag:s17], $0x4000  }
0x9b: {  	[sflag:s17] =	ssyncset.done $0x0  }
0x9c: {  	[sflag:s17] =	ssyncadd.s32 $0xFFFFC000  }
0x9d: {  	_ =	swait.ge [sflag:s20], $0x4000  }
0x9e: {  	[sflag:s20] =	ssyncset.done $0x0  }
0x9f: {  	[sflag:s20] =	ssyncadd.s32 $0xFFFFC000  }
0xa0: {  	[spmem:s1] =	stream.indirect.scatter.add.f32 [tilespmem:s22], [sflag:$0x3], $0x80, s21, s18, $0xb8;
	[tilespmem:$0x1D800] =	vst v63  }
0xa1: {  	_ =	swait.ge [sflag:s17], $0x4000  }
0xa2: {  	[sflag:s17] =	ssyncset.done $0x0  }
0xa3: {  	s30 =	simm.s32 $0x0;
	[sflag:s17] =	ssyncadd.s32 $0xFFFFC000  }
0xa4: {  	[tilespmem:s30], [sflag:$0x3] =	stream.linear.gather [hbm4b:s13+s30], $0xA00, $0x38;
	[tilespmem:$0x1D800] =	vst v63  }
0xa5: {  	_ =	swait.ge [sflag:s17], $0xA00  }
0xa6: {  	[sflag:s17] =	ssyncset.done $0x0  }
0xa7: {  	s25 =	simm.s32 $0xC00;
	[sflag:s17] =	ssyncadd.s32 $0xFFFFF600  }
0xa8: {  	[tilespmem:s25], [sflag:$0x3] =	stream.linear.gather [hbm4b:s14+s30], $0xA00, $0x38;
	[tilespmem:$0x1D800] =	vst v63  }
0xa9: {  	_ =	swait.ge [sflag:s17], $0xA00  }
0xaa: {  	s0 =	sand.u32 $0x1, s30;
	[sflag:s17] =	ssyncset.done $0x0  }
0xab: {  	s31 =	sadd.s32 $0x1, s0;
	[sflag:s17] =	ssyncadd.s32 $0xFFFFF600  }
0xac: {  	[tilespmem:s19], [sflag:$0x1] =	stream.indirect.gather [hbm4b:s4+s18], $0x80, s30, s18, $0xb8;
	[tilespmem:$0x1D800] =	vst v63  }
0xad: {  	s28 =	sxor.u32 $0x1, s0;
	s0 =	sshll.u32 s0, $0xE;
	_ =	swait.ge [sflag:s31], $0x4000  }
0xae: {  	s30 =	sshll.u32 s28, $0xE;
	s28 =	sadd.s32 $0x1, s28;
	[sflag:s31] =	ssyncset.done $0x0  }
0xaf: {  	s29 =	sor.u32 $0x1800, s30;
	[sflag:s31] =	ssyncadd.s32 $0xFFFFC000;
	s31 =	simm.s32 $0x80  }
0xb0: {  	[tilespmem:s29], [sflag:s28] =	stream.indirect.gather [hbm4b:s4+s18], $0x80, s31, s18, $0xb8;
	[tilespmem:$0x1D800] =	vst v63  }
0xb1: {  	s0 =	sor.u32 $0x1800, s0  }
0xb2: {  	[spmem:s1] =	stream.indirect.scatter.add.f32 [tilespmem:s0], [sflag:$0x3], $0x80, s25, s18, $0xb8;
	[tilespmem:$0x1D800] =	vst v63  }
0xb3: {  	s26 =	simm.s32 $0x1;
	_ =	swait.ge [sflag:s17], $0x4000  }
0xb4: {  	s28 =	simm.s32 $0x2;
	s25 =	simm.s32 $0xC80;
	[sflag:s17] =	ssyncset.done $0x0  }
.LBB2_8:
0xb5: {  	s0 =	sand.u32 $0x1, s26  }
0xb6: {  	[sflag:s17] =	ssyncadd.s32 $0xFFFFC000;
	s26 =	smov.u32 s28;
	s29 =	sadd.s32 $0x1, s28  }
0xb7: {  	s30 =	sshll.u32 s0, $0xE;
	s31 =	sadd.s32 $0x1, s0;
	s0 =	sxor.u32 $0x1, s0  }
0xb8: {  	p0 =	sne.s32 s28, $0x12;
	_ =	swait.ge [sflag:s31], $0x4000;
	s28 =	sshll.u32 s0, $0xE  }
0xb9: {  	[sflag:s31] =	ssyncset.done $0x0;
	s28 =	sor.u32 $0x1800, s28  }
0xba: {  	s0 =	sadd.s32 $0x1, s0;
	[sflag:s31] =	ssyncadd.s32 $0xFFFFC000;
	s31 =	sadd.s32 $0xFFFFF480, s25  }
0xbb: {  	[tilespmem:s28], [sflag:s0] =	stream.indirect.gather [hbm4b:s4+s18], $0x80, s31, s18, $0xb8;
	[tilespmem:$0x1D800] =	vst v63  }
.Ltmp3:
0xbc: {  	_ = 	snop;
	(pc) =	sbr.rel @p0 .LBB2_8-.Ltmp3, $4  }
0xbd: {  	s0 =	sor.u32 $0x1800, s30  }
0xbe: {  	[spmem:s1] =	stream.indirect.scatter.add.f32 [tilespmem:s0], [sflag:$0x3], $0x80, s25, s18, $0xb8;
	[tilespmem:$0x1D800] =	vst v63  }
0xbf: {  	_ =	swait.ge [sflag:s17], $0x4000  }
0xc0: {  	s28 =	smov.u32 s29;
	s25 =	sadd.s32 $0x80, s25;
	[sflag:s17] =	ssyncset.done $0x0  }
0xc1: {  	s0 =	sand.u32 $0x1, s26  }
0xc2: {  	[sflag:s17] =	ssyncadd.s32 $0xFFFFC000;
	s26 =	sadd.s32 $0x1, s0  }
0xc3: {  	s31 =	sadd.s32 $0xFFFFF480, s25;
	s28 =	sxor.u32 $0x1, s0;
	_ =	swait.ge [sflag:s26], $0x4000  }
0xc4: {  	s0 =	sshll.u32 s0, $0xE;
	s29 =	sshll.u32 s28, $0xE;
	[sflag:s26] =	ssyncset.done $0x0  }
0xc5: {  	s28 =	sadd.s32 $0x1, s28;
	s29 =	sor.u32 $0x1800, s29;
	[sflag:s26] =	ssyncadd.s32 $0xFFFFC000  }
0xc6: {  	[tilespmem:s29], [sflag:s28] =	stream.indirect.gather [hbm4b:s4+s18], $0x80, s31, s18, $0xb8;
	[tilespmem:$0x1D800] =	vst v63  }
0xc7: {  	s0 =	sor.u32 $0x1800, s0  }
0xc8: {  	[spmem:s1] =	stream.indirect.scatter.add.f32 [tilespmem:s0], [sflag:$0x3], $0x80, s25, s18, $0xb8;
	[tilespmem:$0x1D800] =	vst v63  }
0xc9: {  	_ =	swait.ge [sflag:s17], $0x4000  }
0xca: {  	[sflag:s17] =	ssyncset.done $0x0  }
0xcb: {  	[sflag:s17] =	ssyncadd.s32 $0xFFFFC000  }
0xcc: {  	_ =	swait.ge [sflag:s20], $0x4000  }
0xcd: {  	[sflag:s20] =	ssyncset.done $0x0  }
0xce: {  	[sflag:s20] =	ssyncadd.s32 $0xFFFFC000  }
0xcf: {  	[spmem:s1] =	stream.indirect.scatter.add.f32 [tilespmem:s22], [sflag:$0x3], $0x80, s21, s18, $0xb8;
	[tilespmem:$0x1D800] =	vst v63  }
0xd0: {  	_ =	swait.ge [sflag:s17], $0x4000  }
0xd1: {  	s24 =	sadd.s32 $0x1, s24;
	[sflag:s17] =	ssyncset.done $0x0  }
0xd2: {  	p0 =	sne.s32 s24, s15;
	[sflag:s17] =	ssyncadd.s32 $0xFFFFC000  }
.Ltmp4:
0xd3: {  	[bflag:$0x0] =	sbarrier.arrive $0xFFFF;
	(pc) =	sbr.rel @p0 .LBB2_1-.Ltmp4, $4  }
0xd4: {  	[hbm:s23], [sflag:s6] =	dma.local [spmem:s16], $0x2800  }
0xd5: {  	_ =	swait.ge [sflag:s17], $0x2800  }
0xd6: {  	[sflag:s17] =	ssyncset.done $0x0  }
0xd7: {  	[sflag:s17] =	ssyncadd.s32 $0xFFFFD800  }
0xd8: {  	_ =	sfence.sel $0x180000  }
0xd9: {  	[bflag:$0x0] =	sbarrier.arrive $0xFFFF  }
0xda: {  	_ =	strace $0x9000004D  }
0xdb: {  	[bflag:$0x2] =	sbarrier.arrive $0xFFFF  }
0xdc: {  	p0 =	sne.s32 s3, $0x0;
	s0 =	rddreg [dreg:$0x2]  }
0xdd: {  	s0 =	sadd.s32 @!p0 $0x100000, s0  }
0xde: {  	[sflag:s0] =	ssyncadd.tile.s32 @!p0 $0x1;
	_ =	shalt  }
.Lfunc_end2:
_tile_overlayer_lowered:
.L_overlay_start_2:
0xdf: {  	(tag) =	ssettag $0x2  }
0xe0: {  	s0 =	rddreg [dreg:$0x0];
	s2 =	stileid.u32  }
0xe1: {  	s1 =	rddreg [dreg:$0x1];
	p0 =	sne.s32 s2, $0x0  }
0xe2: {  	s3 =	rddreg [dreg:$0x2];
	[bflag:$0x3] =	sbarrier.arrive $0xFFFF;
	s2 =	simm.s32 @!p0 $0x1C03  }
0xe3: {  	[timem:s3], [sflag:s2] =	dma.local @!p0 [hbm:s0], s1  }
0xe4: {  	s0 =	simm.s32 @!p0 $0x3  }
0xe5: {  	_ =	swait.ge @!p0 [sflag:s0], s1  }
0xe6: {  	s1 =	ssub.s32 @!p0 $0x0, s1;
	[sflag:s0] =	ssyncset.done @!p0 $0x0  }
0xe7: {  	[sflag:s0] =	ssyncadd.s32 @!p0 s1  }
0xe8: {  	[bflag:$0x3] =	sbarrier.arrive $0xFFFF  }
0xe9: {  	_ =	shalt  }

// kernel: kernel.8.cloned.1.call-start
scs
__scs_entry_jumppad:
0x0: {  	(pc) =	sbr.rel $0x88, $3  }
0x1: {  	(tag) =	ssettag $0x0;
	lr =	simm.s32 $0x1  }
0x2: {  	[smem:$0x3F94] =	sst lr;
	_ =	strace $0xD0000000  }
0x3: {  	_ = 	snop  }
0x4: {  	_ = 	snop  }
0x5: {  	_ = 	snop  }
0x6: {  	_ = 	snop  }
0x7: {  	_ = 	snop  }
__scs_overlays_trampoline_lowered:
0x8: {  	[smem:$0x3FA3] =	sst s0  }
0x9: {  	[smem:$0x3FA4] =	sst s1  }
0xa: {  	[smem:$0x3FA5] =	sst s2  }
0xb: {  	[smem:$0x3FA6] =	sst s3  }
0xc: {  	[smem:$0x3FA7] =	sst s4  }
0xd: {  	[smem:$0x3FA8] =	sst s5  }
0xe: {  	[smem:$0x3FA9] =	sst s6  }
0xf: {  	[smem:$0x3FAA] =	sst s7  }
0x10: {  	[smem:$0x3FAB] =	sst s8  }
0x11: {  	[smem:$0x3FAC] =	sst s9;
	s0 =	simm.s32 @!p0 $0x0  }
0x12: {  	s1 =	sld [smem:$0x3F92];
	s0 =	simm.s32 @p0 $0x1  }
0x13: {  	[smem:$0x3FAD] =	sst s0;
	s0 =	simm.s32 @!p1 $0x0  }
0x14: {  	s2 =	sld [smem:$0x3F91];
	s0 =	simm.s32 @p1 $0x1  }
0x15: {  	[smem:$0x3FAE] =	sst s0;
	s0 =	simm.s32 @!p2 $0x0  }
0x16: {  	s3 =	sld [smem:$0x3FDB];
	s0 =	simm.s32 @p2 $0x1  }
0x17: {  	s4 =	simm.s32 $0x1BF5;
	[smem:$0x3FB0] =	sst s0  }
0x18: {  	s0 =	sld [smem:$0x3F93];
	_ =	swait.ge [sflag:s4], $0x0  }
0x19: {  	s7 =	sld [smem:$0x3F94]  }
0x1a: {  	s8 =	sadd.s32 $0xFFFFE003, lr  }
0x1b: {  	s9 =	sadd.s32 $0xFFFFFEF7, lr;
	s5 =	simm.s32 $0xFFFFFFFF;
	p2 =	slt.u32 s8, $0xFFFFF086  }
0x1c: {  	p1 =	slt.u32 s9, $0xF7A;
	s5 =	simm.s32 @!p2 $0x0  }
0x1d: {  	s5 =	simm.s32 @p1 $0x1;
	p0 =	seq.s32 s7, s2  }
0x1e: {  	s7 =	smul.u32 @!p0 $0xF7A, s2;
	p2 =	seq.s32 @!p0 s5, $0x0  }
0x1f: {  	s9 =	smul.u32 $0xF7A, s1;
	s8 =	simm.s32 @!p0 $0x1BF5;
	p2 =	por !p2, p0  }
0x20: {  	[sflag:s8] =	ssyncset.s32 @!p0 $0xFFFFF086;
	s6 =	sadd.s32 @!p0 s3, s7;
	s7 =	simm.s32 @!p0 $0x108  }
0x21: {  	s3 =	sadd.s32 s3, s9;
	s6 =	sadd.s32 @!p0 $0x88, s6;
	s7 =	simm.s32 @p2 $0x1082  }
0x22: {  	[simem:s7], [sflag:s8] =	dma.local @!p0 [hbm:s6], $0xF7A  }
0x23: {  	s9 =	sor.u32 $0xD0000000, s2;
	s6 =	simm.s32 $0x108;
	_ =	swait.ge @!p0 [sflag:s8], $0x0  }
0x24: {  	s3 =	sadd.s32 $0x88, s3;
	s6 =	simm.s32 @!p1 $0x1082;
	[sflag:s4] =	ssyncset.s32 $0xFFFFF086  }
0x25: {  	[simem:s6], [sflag:s4] =	dma.local [hbm:s3], $0xF7A  }
0x26: {  	[smem:$0x3F94] =	sst s1;
	(tag) =	ssettag s2;
	_ =	strace s9  }
0x27: {  	s1 =	sld [smem:$0x3FA4]  }
0x28: {  	s2 =	sld [smem:$0x3FA5]  }
0x29: {  	s4 =	sld [smem:$0x3FA7]  }
0x2a: {  	p0 =	seq.s32 s5, $0x0;
	s5 =	sld [smem:$0x3FA8]  }
0x2b: {  	s6 =	sld [smem:$0x3FA9]  }
0x2c: {  	s7 =	sld [smem:$0x3FAA]  }
0x2d: {  	s3 =	simm.s32 $0x108;
	s8 =	sld [smem:$0x3FAB]  }
0x2e: {  	s3 =	simm.s32 @!p0 $0x1082;
	s9 =	sld [smem:$0x3FAC]  }
0x2f: {  	lr =	sadd.s32 s0, s3;
	s0 =	sld [smem:$0x3FA3]  }
0x30: {  	s3 =	sld [smem:$0x3FA6]  }
0x31: {  	[smem:$0x3FAF] =	sst s10  }
0x32: {  	s10 =	sld [smem:$0x3FAD];
	_ =	sdelay $0x3  }
0x33: {  	p0 =	seq.s32 s10, $0x1;
	s10 =	sld [smem:$0x3FAF];
	_ =	sdelay $0x3  }
0x34: {  	[smem:$0x3FAF] =	sst s10  }
0x35: {  	s10 =	sld [smem:$0x3FAE];
	_ =	sdelay $0x3  }
0x36: {  	p1 =	seq.s32 s10, $0x1;
	s10 =	sld [smem:$0x3FAF];
	_ =	sdelay $0x3  }
0x37: {  	[smem:$0x3FAF] =	sst s10  }
0x38: {  	s10 =	sld [smem:$0x3FB0]  }
0x39: {  	_ = 	snop;
	(pc) =	sbr.ind lr, $3  }
0x3a: {  	_ = 	snop  }
0x3b: {  	_ = 	snop  }
0x3c: {  	p2 =	seq.s32 s10, $0x1;
	s10 =	sld [smem:$0x3FAF]  }
0x3d: {  	_ =	shalt  }
0x3e: {  	_ =	shalt  }
0x3f: {  	_ =	shalt  }
0x40: {  	_ =	shalt  }
0x41: {  	_ =	shalt  }
0x42: {  	_ =	shalt  }
0x43: {  	_ =	shalt  }
0x44: {  	_ =	shalt  }
0x45: {  	_ =	shalt  }
0x46: {  	_ =	shalt  }
0x47: {  	_ =	shalt  }
0x48: {  	_ =	shalt  }
0x49: {  	_ =	shalt  }
0x4a: {  	_ =	shalt  }
0x4b: {  	_ =	shalt  }
0x4c: {  	_ =	shalt  }
0x4d: {  	_ =	shalt  }
0x4e: {  	_ =	shalt  }
0x4f: {  	_ =	shalt  }
0x50: {  	_ =	shalt  }
0x51: {  	_ =	shalt  }
0x52: {  	_ =	shalt  }
0x53: {  	_ =	shalt  }
0x54: {  	_ =	shalt  }
0x55: {  	_ =	shalt  }
0x56: {  	_ =	shalt  }
0x57: {  	_ =	shalt  }
0x58: {  	_ =	shalt  }
0x59: {  	_ =	shalt  }
0x5a: {  	_ =	shalt  }
0x5b: {  	_ =	shalt  }
0x5c: {  	_ =	shalt  }
0x5d: {  	_ =	shalt  }
0x5e: {  	_ =	shalt  }
0x5f: {  	_ =	shalt  }
0x60: {  	_ =	shalt  }
0x61: {  	_ =	shalt  }
0x62: {  	_ =	shalt  }
0x63: {  	_ =	shalt  }
0x64: {  	_ =	shalt  }
0x65: {  	_ =	shalt  }
0x66: {  	_ =	shalt  }
0x67: {  	_ =	shalt  }
0x68: {  	_ =	shalt  }
0x69: {  	_ =	shalt  }
0x6a: {  	_ =	shalt  }
0x6b: {  	_ =	shalt  }
0x6c: {  	_ =	shalt  }
0x6d: {  	_ =	shalt  }
0x6e: {  	_ =	shalt  }
0x6f: {  	_ =	shalt  }
0x70: {  	_ =	shalt  }
0x71: {  	_ =	shalt  }
0x72: {  	_ =	shalt  }
0x73: {  	_ =	shalt  }
0x74: {  	_ =	shalt  }
0x75: {  	_ =	shalt  }
0x76: {  	_ =	shalt  }
0x77: {  	_ =	shalt  }
0x78: {  	_ =	shalt  }
0x79: {  	_ =	shalt  }
0x7a: {  	_ =	shalt  }
0x7b: {  	_ =	shalt  }
0x7c: {  	_ =	shalt  }
0x7d: {  	_ =	shalt  }
0x7e: {  	_ =	shalt  }
0x7f: {  	_ =	shalt  }
0x80: {  	_ =	shalt  }
0x81: {  	_ =	shalt  }
0x82: {  	_ =	shalt  }
0x83: {  	_ =	shalt  }
0x84: {  	_ =	shalt  }
0x85: {  	_ =	shalt  }
0x86: {  	_ =	shalt  }
0x87: {  	_ =	shalt  }
.Lfunc_end0:
.L_simem_size_0:
called_computation_lowered:
.L_overlay_start_0:
0x88: {  	s2 =	sld [smem:$0x3FD9]  }
0x89: {  	s3 =	sld [smem:$0x3FFE];
	_ =	sdelay $0x1  }
0x8a: {  	s1 =	srdreg.scid  }
0x8b: {  	s0 =	sand.u32 $0x1, s1  }
0x8c: {  	s17 =	sshll.u32 s0, $0xA;
	s2 =	sadd.s32 s3, s2  }
0x8d: {  	s2 =	sadd.s32 s2, s17  }
0x8e: {  	[smem:$0x3FBB] =	sst s2  }
0x8f: {  	_ = 	snop  }
0x90: {  	s2 =	sld [smem:$0x3FC9];
	(tm) =	ssettm $0x1  }
0x91: {  	s18 =	sld [smem:$0x3FFB];
	_ =	sdelay $0x3  }
0x92: {  	_ =	strace s18  }
0x93: {  	s3 =	sld [smem:$0x3FFC];
	_ =	sdelay $0x3  }
0x94: {  	_ =	strace s3  }
0x95: {  	s3 =	sld [smem:$0x3FFD];
	_ =	sdelay $0x3  }
0x96: {  	_ =	strace s3  }
0x97: {  	_ =	strace $0x8FFFFFFF  }
0x98: {  	s19 =	sld [smem:$0x3FDB];
	_ =	sdelay $0x1  }
0x99: {  	s4 =	simm.s32 $_scs_section_size  }
0x9a: {  	s5 =	simm.s32 $_size__tile_overlayer_lowered;
	s6 =	simm.s32 $_tile_overlayer_lowered  }
0x9b: {  	s22 =	simm.s32 $0x1BFF;
	s21 =	sshll.u32 s6, $0x1;
	s3 =	sadd.s32 s4, s19  }
0x9c: {  	s7 =	simm.s32 $0x0;
	s20 =	sshll.u32 s5, $0x1;
	s5 =	sadd.s32 s21, s3  }
0x9d: {  	[timem:s7], [sflag:s22] =	dma.local [hbm:s5], s20  }
0x9e: {  	_ =	swait.ge [sflag:s22], s20  }
0x9f: {  	s4 =	ssub.s32 $0x0, s20;
	[sflag:s22] =	ssyncset.done $0x0  }
0xa0: {  	[sflag:s22] =	ssyncadd.s32 s4;
	_ =	sdelay $0x1  }
0xa1: {  	s23 =	simm.s32 $0x1B8B  }
0xa2: {  	_ =	swait.ge [sflag:s23], $0x1  }
0xa3: {  	[sflag:s23] =	ssyncset.done $0x0  }
0xa4: {  	s25 =	simm.s32 $0x1B8E;
	s24 =	sld [smem:$0x3FFE];
	[sflag:s23] =	ssyncadd.s32 $0xFFFFFFFF  }
0xa5: {  	s26 =	simm.s32 $execute0_lowered;
	[smem:$0x3FD2] =	sst s25  }
0xa6: {  	s5 =	sshll.u32 s26, $0x1;
	_ =	strace $0x80000046;
	[dreg:$0x1] =	wrdreg $0xFFFFFFFF  }
0xa7: {  	s28 =	simm.s32 $_size_execute0_lowered;
	s3 =	sadd.s32 s3, s5;
	[dreg:$0x0] =	wrdreg $0x0  }
0xa8: {  	s5 =	sshll.u32 s28, $0x1;
	[dreg:$0x2] =	wrdreg s3  }
0xa9: {  	[dreg:$0x3] =	wrdreg s5  }
0xaa: {  	[dreg:$0x4] =	wrdreg $0xC0  }
0xab: {  	_ =	task [dreg:s7], $0x5FFFF  }
0xac: {  	[dreg:$0x1] =	wrdreg $0xFFFFFFFF  }
0xad: {  	[dreg:$0x0] =	wrdreg $0x60  }
0xae: {  	[dreg:$0x2] =	wrdreg s2  }
0xaf: {  	[dreg:$0x3] =	wrdreg s24  }
0xb0: {  	[dreg:$0x4] =	wrdreg $0x98000  }
0xb1: {  	[dreg:$0x5] =	wrdreg $0x9  }
0xb2: {  	_ =	task.clear_ibuf [dreg:s7], $0x6FFFF;
	_ =	strace $0x90000046  }
0xb3: {  	s29 =	simm.s32 $0x9;
	_ =	strace $0x80000048  }
0xb4: {  	_ =	swait.ge [sflag:s29], $0x1  }
0xb5: {  	[sflag:s29] =	ssyncadd.s32 $0xFFFFFFFF  }
0xb6: {  	_ =	strace $0x90000048  }
0xb7: {  	_ =	sfence  }
0xb8: {  	s30 =	sld [smem:$0x0];
	_ =	sdelay $0x2  }
0xb9: {  	s31 =	sshll.u32 s1, $0xD;
	s1 =	sshrl.u32 s1, $0x2  }
0xba: {  	s3 =	sand.u32 $0x4000, s31;
	s1 =	sadd.s32 s1, s30  }
0xbb: {  	s0 =	sor.u32 s3, s0;
	s1 =	sshll.u32 s1, $0x11  }
0xbc: {  	s0 =	sor.u32 s1, s0  }
0xbd: {  	s0 =	sadd.s32 $0x8F2B, s0  }
0xbe: {  	[sflag:s0] =	ssyncadd.remote.s32 $0x1  }
0xbf: {  	_ =	sfence.sel $0xFFFF  }
0xc0: {  	[dreg:$0x0] =	wrdreg $0xFFFFFFFF;
	(pc) =	sbr.abs _section_cstart, $3  }
0xc1: {  	[dreg:$0x1] =	wrdreg $0xFFFFFFFF  }
0xc2: {  	_ =	task.clear_ibuf [dreg:s7], $0x2FFFF;
	_ =	strace $0x9FFFFFFF  }
0xc3: {  	(tm) =	ssettm $0x7FFFFFFF  }
tec
execute0_lowered:
.L_overlay_start_1:
0x0: {  	(tag) =	ssettag $0x1  }
0x1: {  	s1 =	rddreg [dreg:$0x0]  }
0x2: {  	s6 =	rddreg [dreg:$0x1]  }
0x3: {  	s2 =	rddreg [dreg:$0x2];
	s3 =	srdreg.scid  }
0x4: {  	s4 =	simm.s32 $0x0;
	s20 =	simm.s32 $0x2;
	s5 =	sand.u32 $0x1, s3  }
0x5: {  	s21 =	simm.s32 $0x1580;
	s3 =	stileid.u32;
	s7 =	smul.u32 $0x28000, s5  }
0x6: {  	s22 =	simm.s32 $0x5800;
	[smem:$0x7FF] =	sst s4;
	s8 =	smul.u32 $0x50000, s3  }
0x7: {  	s13 =	sadd.s32 $0x2800, s6;
	s14 =	sadd.s32 $0xE800, s6;
	s9 =	smul.u32 $0x30000, s5  }
0x8: {  	_ =	strace $0x80000047;
	s10 =	ssub.s32 $0x2, s5;
	s11 =	smul.u32 $0x3000, s3  }
0x9: {  	s5 =	sadd.s32 $0x1A800, s6;
	s30 =	sshll.u32 s3, $0x6;
	s26 =	sshrl.u32 s10, $0x1  }
0xa: {  	s24 =	smul.u32 $0x2800, s3;
	s15 =	sadd.s32 s7, s6;
	s16 =	ssub.s32 s10, s26  }
0xb: {  	s28 =	sshrl.u32 s8, $0x2;
	s29 =	sadd.s32 s11, s9;
	s6 =	sor.u32 $0x1C03, s30  }
0xc: {  	s17 =	sadd.s32 s28, s2;
	s12 =	sshrl.u32 s29, $0x3;
	s23 =	sadd.s32 $0x1D000, s15  }
0xd: {  	s15 =	smax.u32 s16, $0x1;
	s7 =	sadd.s32 s13, s12;
	s31 =	sor.u32 $0x180, s12  }
0xe: {  	s8 =	sadd.s32 s14, s12;
	s18 =	sadd.s32 $0x300, s12;
	s19 =	sadd.s32 $0x480, s12  }
0xf: {  	s16 =	sshrl.u32 s17, $0x3;
	s17 =	simm.s32 $0x3;
	s23 =	sadd.s32 s24, s23  }
0x10: {  	s24 =	simm.s32 $0x0;
	s9 =	sadd.s32 s13, s31;
	s10 =	sadd.s32 s14, s31  }
0x11: {  	s11 =	sadd.s32 s13, s18;
	s12 =	sadd.s32 s14, s18;
	s13 =	sadd.s32 s13, s19  }
0x12: {  	s14 =	sadd.s32 s14, s19;
	s18 =	simm.s32 $0x80;
	s19 =	simm.s32 $0x1800  }
.LBB2_1:
0x13: {  	[spmem:s16], [sflag:s6] =	dma.local [hbm:s5], $0x2800  }
0x14: {  	_ =	swait.ge [sflag:s17], $0x2800  }
0x15: {  	[sflag:s17] =	ssyncset.done $0x0  }
0x16: {  	[sflag:s17] =	ssyncadd.s32 $0xFFFFD800  }
0x17: {  	[bflag:$0x0] =	sbarrier.arrive $0xFFFF  }
0x18: {  	[tilespmem:s4], [sflag:$0x3] =	stream.linear.gather [hbm4b:s7+s4], $0xA00, $0x38;
	[tilespmem:$0x1D800] =	vst v63  }
0x19: {  	_ =	swait.ge [sflag:s17], $0xA00  }
0x1a: {  	[sflag:s17] =	ssyncset.done $0x0  }
0x1b: {  	s25 =	simm.s32 $0xC00;
	[sflag:s17] =	ssyncadd.s32 $0xFFFFF600  }
0x1c: {  	[tilespmem:s25], [sflag:$0x3] =	stream.linear.gather [hbm4b:s8+s4], $0xA00, $0x38;
	[tilespmem:$0x1D800] =	vst v63  }
0x1d: {  	_ =	swait.ge [sflag:s17], $0xA00  }
0x1e: {  	s26 =	sand.u32 $0x1, s4;
	[sflag:s17] =	ssyncset.done $0x0  }
0x1f: {  	s28 =	sadd.s32 $0x1, s26;
	[sflag:s17] =	ssyncadd.s32 $0xFFFFF600  }
0x20: {  	[tilespmem:s19], [sflag:$0x1] =	stream.indirect.gather [hbm4b:s1+s18], $0x80, s4, s18, $0xb8;
	[tilespmem:$0x1D800] =	vst v63  }
0x21: {  	s29 =	sxor.u32 $0x1, s26;
	s26 =	sshll.u32 s26, $0xE;
	_ =	swait.ge [sflag:s28], $0x4000  }
0x22: {  	s30 =	sshll.u32 s29, $0xE;
	s29 =	sadd.s32 $0x1, s29;
	[sflag:s28] =	ssyncset.done $0x0  }
0x23: {  	s30 =	sor.u32 $0x1800, s30;
	[sflag:s28] =	ssyncadd.s32 $0xFFFFC000;
	s28 =	simm.s32 $0x80  }
0x24: {  	[tilespmem:s30], [sflag:s29] =	stream.indirect.gather [hbm4b:s1+s18], $0x80, s28, s18, $0xb8;
	[tilespmem:$0x1D800] =	vst v63  }
0x25: {  	s26 =	sor.u32 $0x1800, s26  }
0x26: {  	[spmem:s2] =	stream.indirect.scatter.add.f32 [tilespmem:s26], [sflag:$0x3], $0x80, s25, s18, $0xb8;
	[tilespmem:$0x1D800] =	vst v63  }
0x27: {  	s28 =	simm.s32 $0x2;
	_ =	swait.ge [sflag:s17], $0x4000  }
0x28: {  	s26 =	simm.s32 $0x1;
	s25 =	simm.s32 $0xC80;
	[sflag:s17] =	ssyncset.done $0x0  }
.LBB2_2:
0x29: {  	s29 =	sand.u32 $0x1, s26  }
0x2a: {  	[sflag:s17] =	ssyncadd.s32 $0xFFFFC000;
	s26 =	smov.u32 s28;
	s30 =	sadd.s32 $0x1, s28  }
0x2b: {  	s31 =	sshll.u32 s29, $0xE;
	s0 =	sadd.s32 $0x1, s29;
	s29 =	sxor.u32 $0x1, s29  }
0x2c: {  	p0 =	sne.s32 s28, $0x12;
	_ =	swait.ge [sflag:s0], $0x4000;
	s28 =	sshll.u32 s29, $0xE  }
0x2d: {  	[sflag:s0] =	ssyncset.done $0x0;
	s28 =	sor.u32 $0x1800, s28  }
0x2e: {  	s29 =	sadd.s32 $0x1, s29;
	[sflag:s0] =	ssyncadd.s32 $0xFFFFC000;
	s0 =	sadd.s32 $0xFFFFF480, s25  }
0x2f: {  	[tilespmem:s28], [sflag:s29] =	stream.indirect.gather [hbm4b:s1+s18], $0x80, s0, s18, $0xb8;
	[tilespmem:$0x1D800] =	vst v63  }
.Ltmp0:
0x30: {  	_ = 	snop;
	(pc) =	sbr.rel @p0 .LBB2_2-.Ltmp0, $4  }
0x31: {  	s0 =	sor.u32 $0x1800, s31  }
0x32: {  	[spmem:s2] =	stream.indirect.scatter.add.f32 [tilespmem:s0], [sflag:$0x3], $0x80, s25, s18, $0xb8;
	[tilespmem:$0x1D800] =	vst v63  }
0x33: {  	_ =	swait.ge [sflag:s17], $0x4000  }
0x34: {  	s28 =	smov.u32 s30;
	s25 =	sadd.s32 $0x80, s25;
	[sflag:s17] =	ssyncset.done $0x0  }
0x35: {  	s0 =	sand.u32 $0x1, s26  }
0x36: {  	[sflag:s17] =	ssyncadd.s32 $0xFFFFC000;
	s26 =	sadd.s32 $0x1, s0  }
0x37: {  	s31 =	sadd.s32 $0xFFFFF480, s25;
	s28 =	sxor.u32 $0x1, s0;
	_ =	swait.ge [sflag:s26], $0x4000  }
0x38: {  	s0 =	sshll.u32 s0, $0xE;
	s29 =	sshll.u32 s28, $0xE;
	[sflag:s26] =	ssyncset.done $0x0  }
0x39: {  	s28 =	sadd.s32 $0x1, s28;
	s29 =	sor.u32 $0x1800, s29;
	[sflag:s26] =	ssyncadd.s32 $0xFFFFC000  }
0x3a: {  	[tilespmem:s29], [sflag:s28] =	stream.indirect.gather [hbm4b:s1+s18], $0x80, s31, s18, $0xb8;
	[tilespmem:$0x1D800] =	vst v63  }
0x3b: {  	s0 =	sor.u32 $0x1800, s0  }
0x3c: {  	[spmem:s2] =	stream.indirect.scatter.add.f32 [tilespmem:s0], [sflag:$0x3], $0x80, s25, s18, $0xb8;
	[tilespmem:$0x1D800] =	vst v63  }
0x3d: {  	_ =	swait.ge [sflag:s17], $0x4000  }
0x3e: {  	[sflag:s17] =	ssyncset.done $0x0  }
0x3f: {  	[sflag:s17] =	ssyncadd.s32 $0xFFFFC000  }
0x40: {  	_ =	swait.ge [sflag:s20], $0x4000  }
0x41: {  	[sflag:s20] =	ssyncset.done $0x0  }
0x42: {  	[sflag:s20] =	ssyncadd.s32 $0xFFFFC000  }
0x43: {  	[spmem:s2] =	stream.indirect.scatter.add.f32 [tilespmem:s22], [sflag:$0x3], $0x80, s21, s18, $0xb8;
	[tilespmem:$0x1D800] =	vst v63  }
0x44: {  	_ =	swait.ge [sflag:s17], $0x4000  }
0x45: {  	[sflag:s17] =	ssyncset.done $0x0  }
0x46: {  	s30 =	simm.s32 $0x0;
	[sflag:s17] =	ssyncadd.s32 $0xFFFFC000  }
0x47: {  	[tilespmem:s30], [sflag:$0x3] =	stream.linear.gather [hbm4b:s9+s30], $0xA00, $0x38;
	[tilespmem:$0x1D800] =	vst v63  }
0x48: {  	_ =	swait.ge [sflag:s17], $0xA00  }
0x49: {  	[sflag:s17] =	ssyncset.done $0x0  }
0x4a: {  	s25 =	simm.s32 $0xC00;
	[sflag:s17] =	ssyncadd.s32 $0xFFFFF600  }
0x4b: {  	[tilespmem:s25], [sflag:$0x3] =	stream.linear.gather [hbm4b:s10+s30], $0xA00, $0x38;
	[tilespmem:$0x1D800] =	vst v63  }
0x4c: {  	_ =	swait.ge [sflag:s17], $0xA00  }
0x4d: {  	s0 =	sand.u32 $0x1, s30;
	[sflag:s17] =	ssyncset.done $0x0  }
0x4e: {  	s31 =	sadd.s32 $0x1, s0;
	[sflag:s17] =	ssyncadd.s32 $0xFFFFF600  }
0x4f: {  	[tilespmem:s19], [sflag:$0x1] =	stream.indirect.gather [hbm4b:s1+s18], $0x80, s30, s18, $0xb8;
	[tilespmem:$0x1D800] =	vst v63  }
0x50: {  	s28 =	sxor.u32 $0x1, s0;
	s0 =	sshll.u32 s0, $0xE;
	_ =	swait.ge [sflag:s31], $0x4000  }
0x51: {  	s30 =	sshll.u32 s28, $0xE;
	s28 =	sadd.s32 $0x1, s28;
	[sflag:s31] =	ssyncset.done $0x0  }
0x52: {  	s29 =	sor.u32 $0x1800, s30;
	[sflag:s31] =	ssyncadd.s32 $0xFFFFC000;
	s31 =	simm.s32 $0x80  }
0x53: {  	[tilespmem:s29], [sflag:s28] =	stream.indirect.gather [hbm4b:s1+s18], $0x80, s31, s18, $0xb8;
	[tilespmem:$0x1D800] =	vst v63  }
0x54: {  	s0 =	sor.u32 $0x1800, s0  }
0x55: {  	[spmem:s2] =	stream.indirect.scatter.add.f32 [tilespmem:s0], [sflag:$0x3], $0x80, s25, s18, $0xb8;
	[tilespmem:$0x1D800] =	vst v63  }
0x56: {  	s26 =	simm.s32 $0x1;
	_ =	swait.ge [sflag:s17], $0x4000  }
0x57: {  	s28 =	simm.s32 $0x2;
	s25 =	simm.s32 $0xC80;
	[sflag:s17] =	ssyncset.done $0x0  }
.LBB2_4:
0x58: {  	s0 =	sand.u32 $0x1, s26  }
0x59: {  	[sflag:s17] =	ssyncadd.s32 $0xFFFFC000;
	s26 =	smov.u32 s28;
	s29 =	sadd.s32 $0x1, s28  }
0x5a: {  	s30 =	sshll.u32 s0, $0xE;
	s31 =	sadd.s32 $0x1, s0;
	s0 =	sxor.u32 $0x1, s0  }
0x5b: {  	p0 =	sne.s32 s28, $0x12;
	_ =	swait.ge [sflag:s31], $0x4000;
	s28 =	sshll.u32 s0, $0xE  }
0x5c: {  	[sflag:s31] =	ssyncset.done $0x0;
	s28 =	sor.u32 $0x1800, s28  }
0x5d: {  	s0 =	sadd.s32 $0x1, s0;
	[sflag:s31] =	ssyncadd.s32 $0xFFFFC000;
	s31 =	sadd.s32 $0xFFFFF480, s25  }
0x5e: {  	[tilespmem:s28], [sflag:s0] =	stream.indirect.gather [hbm4b:s1+s18], $0x80, s31, s18, $0xb8;
	[tilespmem:$0x1D800] =	vst v63  }
.Ltmp1:
0x5f: {  	_ = 	snop;
	(pc) =	sbr.rel @p0 .LBB2_4-.Ltmp1, $4  }
0x60: {  	s0 =	sor.u32 $0x1800, s30  }
0x61: {  	[spmem:s2] =	stream.indirect.scatter.add.f32 [tilespmem:s0], [sflag:$0x3], $0x80, s25, s18, $0xb8;
	[tilespmem:$0x1D800] =	vst v63  }
0x62: {  	_ =	swait.ge [sflag:s17], $0x4000  }
0x63: {  	s28 =	smov.u32 s29;
	s25 =	sadd.s32 $0x80, s25;
	[sflag:s17] =	ssyncset.done $0x0  }
0x64: {  	s0 =	sand.u32 $0x1, s26  }
0x65: {  	[sflag:s17] =	ssyncadd.s32 $0xFFFFC000;
	s26 =	sadd.s32 $0x1, s0  }
0x66: {  	s31 =	sadd.s32 $0xFFFFF480, s25;
	s28 =	sxor.u32 $0x1, s0;
	_ =	swait.ge [sflag:s26], $0x4000  }
0x67: {  	s0 =	sshll.u32 s0, $0xE;
	s29 =	sshll.u32 s28, $0xE;
	[sflag:s26] =	ssyncset.done $0x0  }
0x68: {  	s28 =	sadd.s32 $0x1, s28;
	s29 =	sor.u32 $0x1800, s29;
	[sflag:s26] =	ssyncadd.s32 $0xFFFFC000  }
0x69: {  	[tilespmem:s29], [sflag:s28] =	stream.indirect.gather [hbm4b:s1+s18], $0x80, s31, s18, $0xb8;
	[tilespmem:$0x1D800] =	vst v63  }
0x6a: {  	s0 =	sor.u32 $0x1800, s0  }
0x6b: {  	[spmem:s2] =	stream.indirect.scatter.add.f32 [tilespmem:s0], [sflag:$0x3], $0x80, s25, s18, $0xb8;
	[tilespmem:$0x1D800] =	vst v63  }
0x6c: {  	_ =	swait.ge [sflag:s17], $0x4000  }
0x6d: {  	[sflag:s17] =	ssyncset.done $0x0  }
0x6e: {  	[sflag:s17] =	ssyncadd.s32 $0xFFFFC000  }
0x6f: {  	_ =	swait.ge [sflag:s20], $0x4000  }
0x70: {  	[sflag:s20] =	ssyncset.done $0x0  }
0x71: {  	[sflag:s20] =	ssyncadd.s32 $0xFFFFC000  }
0x72: {  	[spmem:s2] =	stream.indirect.scatter.add.f32 [tilespmem:s22], [sflag:$0x3], $0x80, s21, s18, $0xb8;
	[tilespmem:$0x1D800] =	vst v63  }
0x73: {  	_ =	swait.ge [sflag:s17], $0x4000  }
0x74: {  	[sflag:s17] =	ssyncset.done $0x0  }
0x75: {  	s30 =	simm.s32 $0x0;
	[sflag:s17] =	ssyncadd.s32 $0xFFFFC000  }
0x76: {  	[tilespmem:s30], [sflag:$0x3] =	stream.linear.gather [hbm4b:s11+s30], $0xA00, $0x38;
	[tilespmem:$0x1D800] =	vst v63  }
0x77: {  	_ =	swait.ge [sflag:s17], $0xA00  }
0x78: {  	[sflag:s17] =	ssyncset.done $0x0  }
0x79: {  	s25 =	simm.s32 $0xC00;
	[sflag:s17] =	ssyncadd.s32 $0xFFFFF600  }
0x7a: {  	[tilespmem:s25], [sflag:$0x3] =	stream.linear.gather [hbm4b:s12+s30], $0xA00, $0x38;
	[tilespmem:$0x1D800] =	vst v63  }
0x7b: {  	_ =	swait.ge [sflag:s17], $0xA00  }
0x7c: {  	s0 =	sand.u32 $0x1, s30;
	[sflag:s17] =	ssyncset.done $0x0  }
0x7d: {  	s31 =	sadd.s32 $0x1, s0;
	[sflag:s17] =	ssyncadd.s32 $0xFFFFF600  }
0x7e: {  	[tilespmem:s19], [sflag:$0x1] =	stream.indirect.gather [hbm4b:s1+s18], $0x80, s30, s18, $0xb8;
	[tilespmem:$0x1D800] =	vst v63  }
0x7f: {  	s28 =	sxor.u32 $0x1, s0;
	s0 =	sshll.u32 s0, $0xE;
	_ =	swait.ge [sflag:s31], $0x4000  }
0x80: {  	s30 =	sshll.u32 s28, $0xE;
	s28 =	sadd.s32 $0x1, s28;
	[sflag:s31] =	ssyncset.done $0x0  }
0x81: {  	s29 =	sor.u32 $0x1800, s30;
	[sflag:s31] =	ssyncadd.s32 $0xFFFFC000;
	s31 =	simm.s32 $0x80  }
0x82: {  	[tilespmem:s29], [sflag:s28] =	stream.indirect.gather [hbm4b:s1+s18], $0x80, s31, s18, $0xb8;
	[tilespmem:$0x1D800] =	vst v63  }
0x83: {  	s0 =	sor.u32 $0x1800, s0  }
0x84: {  	[spmem:s2] =	stream.indirect.scatter.add.f32 [tilespmem:s0], [sflag:$0x3], $0x80, s25, s18, $0xb8;
	[tilespmem:$0x1D800] =	vst v63  }
0x85: {  	s26 =	simm.s32 $0x1;
	_ =	swait.ge [sflag:s17], $0x4000  }
0x86: {  	s28 =	simm.s32 $0x2;
	s25 =	simm.s32 $0xC80;
	[sflag:s17] =	ssyncset.done $0x0  }
.LBB2_6:
0x87: {  	s0 =	sand.u32 $0x1, s26  }
0x88: {  	[sflag:s17] =	ssyncadd.s32 $0xFFFFC000;
	s26 =	smov.u32 s28;
	s29 =	sadd.s32 $0x1, s28  }
0x89: {  	s30 =	sshll.u32 s0, $0xE;
	s31 =	sadd.s32 $0x1, s0;
	s0 =	sxor.u32 $0x1, s0  }
0x8a: {  	p0 =	sne.s32 s28, $0x12;
	_ =	swait.ge [sflag:s31], $0x4000;
	s28 =	sshll.u32 s0, $0xE  }
0x8b: {  	[sflag:s31] =	ssyncset.done $0x0;
	s28 =	sor.u32 $0x1800, s28  }
0x8c: {  	s0 =	sadd.s32 $0x1, s0;
	[sflag:s31] =	ssyncadd.s32 $0xFFFFC000;
	s31 =	sadd.s32 $0xFFFFF480, s25  }
0x8d: {  	[tilespmem:s28], [sflag:s0] =	stream.indirect.gather [hbm4b:s1+s18], $0x80, s31, s18, $0xb8;
	[tilespmem:$0x1D800] =	vst v63  }
.Ltmp2:
0x8e: {  	_ = 	snop;
	(pc) =	sbr.rel @p0 .LBB2_6-.Ltmp2, $4  }
0x8f: {  	s0 =	sor.u32 $0x1800, s30  }
0x90: {  	[spmem:s2] =	stream.indirect.scatter.add.f32 [tilespmem:s0], [sflag:$0x3], $0x80, s25, s18, $0xb8;
	[tilespmem:$0x1D800] =	vst v63  }
0x91: {  	_ =	swait.ge [sflag:s17], $0x4000  }
0x92: {  	s28 =	smov.u32 s29;
	s25 =	sadd.s32 $0x80, s25;
	[sflag:s17] =	ssyncset.done $0x0  }
0x93: {  	s0 =	sand.u32 $0x1, s26  }
0x94: {  	[sflag:s17] =	ssyncadd.s32 $0xFFFFC000;
	s26 =	sadd.s32 $0x1, s0  }
0x95: {  	s31 =	sadd.s32 $0xFFFFF480, s25;
	s28 =	sxor.u32 $0x1, s0;
	_ =	swait.ge [sflag:s26], $0x4000  }
0x96: {  	s0 =	sshll.u32 s0, $0xE;
	s29 =	sshll.u32 s28, $0xE;
	[sflag:s26] =	ssyncset.done $0x0  }
0x97: {  	s28 =	sadd.s32 $0x1, s28;
	s29 =	sor.u32 $0x1800, s29;
	[sflag:s26] =	ssyncadd.s32 $0xFFFFC000  }
0x98: {  	[tilespmem:s29], [sflag:s28] =	stream.indirect.gather [hbm4b:s1+s18], $0x80, s31, s18, $0xb8;
	[tilespmem:$0x1D800] =	vst v63  }
0x99: {  	s0 =	sor.u32 $0x1800, s0  }
0x9a: {  	[spmem:s2] =	stream.indirect.scatter.add.f32 [tilespmem:s0], [sflag:$0x3], $0x80, s25, s18, $0xb8;
	[tilespmem:$0x1D800] =	vst v63  }
0x9b: {  	_ =	swait.ge [sflag:s17], $0x4000  }
0x9c: {  	[sflag:s17] =	ssyncset.done $0x0  }
0x9d: {  	[sflag:s17] =	ssyncadd.s32 $0xFFFFC000  }
0x9e: {  	_ =	swait.ge [sflag:s20], $0x4000  }
0x9f: {  	[sflag:s20] =	ssyncset.done $0x0  }
0xa0: {  	[sflag:s20] =	ssyncadd.s32 $0xFFFFC000  }
0xa1: {  	[spmem:s2] =	stream.indirect.scatter.add.f32 [tilespmem:s22], [sflag:$0x3], $0x80, s21, s18, $0xb8;
	[tilespmem:$0x1D800] =	vst v63  }
0xa2: {  	_ =	swait.ge [sflag:s17], $0x4000  }
0xa3: {  	[sflag:s17] =	ssyncset.done $0x0  }
0xa4: {  	s30 =	simm.s32 $0x0;
	[sflag:s17] =	ssyncadd.s32 $0xFFFFC000  }
0xa5: {  	[tilespmem:s30], [sflag:$0x3] =	stream.linear.gather [hbm4b:s13+s30], $0xA00, $0x38;
	[tilespmem:$0x1D800] =	vst v63  }
0xa6: {  	_ =	swait.ge [sflag:s17], $0xA00  }
0xa7: {  	[sflag:s17] =	ssyncset.done $0x0  }
0xa8: {  	s25 =	simm.s32 $0xC00;
	[sflag:s17] =	ssyncadd.s32 $0xFFFFF600  }
0xa9: {  	[tilespmem:s25], [sflag:$0x3] =	stream.linear.gather [hbm4b:s14+s30], $0xA00, $0x38;
	[tilespmem:$0x1D800] =	vst v63  }
0xaa: {  	_ =	swait.ge [sflag:s17], $0xA00  }
0xab: {  	s0 =	sand.u32 $0x1, s30;
	[sflag:s17] =	ssyncset.done $0x0  }
0xac: {  	s31 =	sadd.s32 $0x1, s0;
	[sflag:s17] =	ssyncadd.s32 $0xFFFFF600  }
0xad: {  	[tilespmem:s19], [sflag:$0x1] =	stream.indirect.gather [hbm4b:s1+s18], $0x80, s30, s18, $0xb8;
	[tilespmem:$0x1D800] =	vst v63  }
0xae: {  	s28 =	sxor.u32 $0x1, s0;
	s0 =	sshll.u32 s0, $0xE;
	_ =	swait.ge [sflag:s31], $0x4000  }
0xaf: {  	s30 =	sshll.u32 s28, $0xE;
	s28 =	sadd.s32 $0x1, s28;
	[sflag:s31] =	ssyncset.done $0x0  }
0xb0: {  	s29 =	sor.u32 $0x1800, s30;
	[sflag:s31] =	ssyncadd.s32 $0xFFFFC000;
	s31 =	simm.s32 $0x80  }
0xb1: {  	[tilespmem:s29], [sflag:s28] =	stream.indirect.gather [hbm4b:s1+s18], $0x80, s31, s18, $0xb8;
	[tilespmem:$0x1D800] =	vst v63  }
0xb2: {  	s0 =	sor.u32 $0x1800, s0  }
0xb3: {  	[spmem:s2] =	stream.indirect.scatter.add.f32 [tilespmem:s0], [sflag:$0x3], $0x80, s25, s18, $0xb8;
	[tilespmem:$0x1D800] =	vst v63  }
0xb4: {  	s26 =	simm.s32 $0x1;
	_ =	swait.ge [sflag:s17], $0x4000  }
0xb5: {  	s28 =	simm.s32 $0x2;
	s25 =	simm.s32 $0xC80;
	[sflag:s17] =	ssyncset.done $0x0  }
.LBB2_8:
0xb6: {  	s0 =	sand.u32 $0x1, s26  }
0xb7: {  	[sflag:s17] =	ssyncadd.s32 $0xFFFFC000;
	s26 =	smov.u32 s28;
	s29 =	sadd.s32 $0x1, s28  }
0xb8: {  	s30 =	sshll.u32 s0, $0xE;
	s31 =	sadd.s32 $0x1, s0;
	s0 =	sxor.u32 $0x1, s0  }
0xb9: {  	p0 =	sne.s32 s28, $0x12;
	_ =	swait.ge [sflag:s31], $0x4000;
	s28 =	sshll.u32 s0, $0xE  }
0xba: {  	[sflag:s31] =	ssyncset.done $0x0;
	s28 =	sor.u32 $0x1800, s28  }
0xbb: {  	s0 =	sadd.s32 $0x1, s0;
	[sflag:s31] =	ssyncadd.s32 $0xFFFFC000;
	s31 =	sadd.s32 $0xFFFFF480, s25  }
0xbc: {  	[tilespmem:s28], [sflag:s0] =	stream.indirect.gather [hbm4b:s1+s18], $0x80, s31, s18, $0xb8;
	[tilespmem:$0x1D800] =	vst v63  }
.Ltmp3:
0xbd: {  	_ = 	snop;
	(pc) =	sbr.rel @p0 .LBB2_8-.Ltmp3, $4  }
0xbe: {  	s0 =	sor.u32 $0x1800, s30  }
0xbf: {  	[spmem:s2] =	stream.indirect.scatter.add.f32 [tilespmem:s0], [sflag:$0x3], $0x80, s25, s18, $0xb8;
	[tilespmem:$0x1D800] =	vst v63  }
0xc0: {  	_ =	swait.ge [sflag:s17], $0x4000  }
0xc1: {  	s28 =	smov.u32 s29;
	s25 =	sadd.s32 $0x80, s25;
	[sflag:s17] =	ssyncset.done $0x0  }
0xc2: {  	s0 =	sand.u32 $0x1, s26  }
0xc3: {  	[sflag:s17] =	ssyncadd.s32 $0xFFFFC000;
	s26 =	sadd.s32 $0x1, s0  }
0xc4: {  	s31 =	sadd.s32 $0xFFFFF480, s25;
	s28 =	sxor.u32 $0x1, s0;
	_ =	swait.ge [sflag:s26], $0x4000  }
0xc5: {  	s0 =	sshll.u32 s0, $0xE;
	s29 =	sshll.u32 s28, $0xE;
	[sflag:s26] =	ssyncset.done $0x0  }
0xc6: {  	s28 =	sadd.s32 $0x1, s28;
	s29 =	sor.u32 $0x1800, s29;
	[sflag:s26] =	ssyncadd.s32 $0xFFFFC000  }
0xc7: {  	[tilespmem:s29], [sflag:s28] =	stream.indirect.gather [hbm4b:s1+s18], $0x80, s31, s18, $0xb8;
	[tilespmem:$0x1D800] =	vst v63  }
0xc8: {  	s0 =	sor.u32 $0x1800, s0  }
0xc9: {  	[spmem:s2] =	stream.indirect.scatter.add.f32 [tilespmem:s0], [sflag:$0x3], $0x80, s25, s18, $0xb8;
	[tilespmem:$0x1D800] =	vst v63  }
0xca: {  	_ =	swait.ge [sflag:s17], $0x4000  }
0xcb: {  	[sflag:s17] =	ssyncset.done $0x0  }
0xcc: {  	[sflag:s17] =	ssyncadd.s32 $0xFFFFC000  }
0xcd: {  	_ =	swait.ge [sflag:s20], $0x4000  }
0xce: {  	[sflag:s20] =	ssyncset.done $0x0  }
0xcf: {  	[sflag:s20] =	ssyncadd.s32 $0xFFFFC000  }
0xd0: {  	[spmem:s2] =	stream.indirect.scatter.add.f32 [tilespmem:s22], [sflag:$0x3], $0x80, s21, s18, $0xb8;
	[tilespmem:$0x1D800] =	vst v63  }
0xd1: {  	_ =	swait.ge [sflag:s17], $0x4000  }
0xd2: {  	s24 =	sadd.s32 $0x1, s24;
	[sflag:s17] =	ssyncset.done $0x0  }
0xd3: {  	p0 =	sne.s32 s24, s15;
	[sflag:s17] =	ssyncadd.s32 $0xFFFFC000  }
.Ltmp4:
0xd4: {  	[bflag:$0x0] =	sbarrier.arrive $0xFFFF;
	(pc) =	sbr.rel @p0 .LBB2_1-.Ltmp4, $4  }
0xd5: {  	[hbm:s23], [sflag:s6] =	dma.local [spmem:s16], $0x2800  }
0xd6: {  	_ =	swait.ge [sflag:s17], $0x2800  }
0xd7: {  	[sflag:s17] =	ssyncset.done $0x0  }
0xd8: {  	[sflag:s17] =	ssyncadd.s32 $0xFFFFD800  }
0xd9: {  	_ =	sfence.sel $0x180000  }
0xda: {  	[bflag:$0x0] =	sbarrier.arrive $0xFFFF  }
0xdb: {  	_ =	strace $0x90000047  }
0xdc: {  	[bflag:$0x2] =	sbarrier.arrive $0xFFFF  }
0xdd: {  	p0 =	sne.s32 s3, $0x0;
	s0 =	rddreg [dreg:$0x3]  }
0xde: {  	s0 =	sadd.s32 @!p0 $0x100000, s0  }
0xdf: {  	[sflag:s0] =	ssyncadd.tile.s32 @!p0 $0x1;
	_ =	shalt  }
.Lfunc_end2:
_tile_overlayer_lowered:
.L_overlay_start_2:
0xe0: {  	(tag) =	ssettag $0x2  }
0xe1: {  	s0 =	rddreg [dreg:$0x0];
	s2 =	stileid.u32  }
0xe2: {  	s1 =	rddreg [dreg:$0x1];
	p0 =	sne.s32 s2, $0x0  }
0xe3: {  	s3 =	rddreg [dreg:$0x2];
	[bflag:$0x3] =	sbarrier.arrive $0xFFFF;
	s2 =	simm.s32 @!p0 $0x1C03  }
0xe4: {  	[timem:s3], [sflag:s2] =	dma.local @!p0 [hbm:s0], s1  }
0xe5: {  	s0 =	simm.s32 @!p0 $0x3  }
0xe6: {  	_ =	swait.ge @!p0 [sflag:s0], s1  }
0xe7: {  	s1 =	ssub.s32 @!p0 $0x0, s1;
	[sflag:s0] =	ssyncset.done @!p0 $0x0  }
0xe8: {  	[sflag:s0] =	ssyncadd.s32 @!p0 s1  }
0xe9: {  	[bflag:$0x3] =	sbarrier.arrive $0xFFFF  }
0xea: {  	_ =	shalt  }

</sc_bundles>
